<compile_context>
chip_gen: v7x
topology: tpu7x:2x2x1
jax: 0.10.2.dev20260603
libtpu: 0.0.44.dev20260713+nightly
codegen_flags: <defaults>
</compile_context>

<pallas_src>
import functools

import jax
import jax.numpy as jnp
from jax import lax
from jax.experimental import pallas as pl
from jax.experimental.pallas import tpu as pltpu
from jax.experimental.pallas import tpu_sc as plsc

_NC = 2
_NS = 16
_NW = _NC * _NS
_C = 120
_NB = 3
_NI = 6


def _sc_mesh():
    return plsc.VectorSubcoreMesh(core_axis_name="c", subcore_axis_name="s")


def _make_deg_kernel(Ep, Np):
    ept = Ep // _NW
    nv = ept // 16

    @functools.partial(
        pl.kernel,
        mesh=_sc_mesh(),
        compiler_params=pltpu.CompilerParams(needs_layout_passes=False),
        out_type=jax.ShapeDtypeStruct((_NW * Np,), jnp.float32),
        scratch_types=[
            pltpu.VMEM((ept,), jnp.int32),
            pltpu.VMEM((Np,), jnp.float32),
            pltpu.SemaphoreType.DMA,
        ],
    )
    def deg_kernel(dst_hbm, out_hbm, didx, hist, sem):
        cid = lax.axis_index("c")
        sid = lax.axis_index("s")
        wid = cid * _NS + sid
        pltpu.async_copy(dst_hbm.at[pl.ds(wid * ept, ept)], didx, sem).wait()
        zeros = jnp.zeros((16,), jnp.float32)

        def zbody(i, _):
            hist[pl.ds(i * 16, 16)] = zeros
            return 0

        lax.fori_loop(0, Np // 16, zbody, 0)

        def body(j, _):
            v = didx[pl.ds(j * 16, 16)]
            cnt, m = plsc.scan_count(v)
            plsc.addupdate_scatter(hist, [v], cnt.astype(jnp.float32), mask=m)
            return 0

        lax.fori_loop(0, nv, body, 0)
        pltpu.sync_copy(hist, out_hbm.at[pl.ds(wid * Np, Np)])

    return deg_kernel


def _make_agg_kernel(Ep, Np, H):
    ept = Ep // _NW
    nch = ept // _C
    rpt = Np // _NS

    @functools.partial(
        pl.kernel,
        mesh=_sc_mesh(),
        out_type=jax.ShapeDtypeStruct((_NC, Np, H), jnp.float32),
        scratch_types=[
            pltpu.VMEM((_NI, _C), jnp.int32),
            pltpu.VMEM((_NI, _C), jnp.int32),
            pltpu.VMEM((_NB, _C, H), jnp.float32),
            pltpu.VMEM_SHARED((Np, H), jnp.float32),
            [pltpu.SemaphoreType.DMA] * _NI,
            [pltpu.SemaphoreType.DMA] * _NI,
            [pltpu.SemaphoreType.DMA] * _NB,
        ],
    )
    def agg_kernel(u_hbm, src_hbm, dst_hbm, zeros_hbm, out_hbm,
                   sidx, didx, rows, acc, isems, dsems, gsems):
        cid = lax.axis_index("c")
        sid = lax.axis_index("s")
        wid = cid * _NS + sid
        row0 = sid * rpt

        ebase = wid * ept

        def load_idx(ci, slot):
            pltpu.async_copy(src_hbm.at[pl.ds(ebase + ci * _C, _C)],
                             sidx.at[slot], isems[slot])
            pltpu.async_copy(dst_hbm.at[pl.ds(ebase + ci * _C, _C)],
                             didx.at[slot], dsems[slot])

        def wait_sidx(ci, slot):
            pltpu.make_async_copy(src_hbm.at[pl.ds(ebase + ci * _C, _C)],
                                  sidx.at[slot], isems[slot]).wait()

        def wait_didx(ci, slot):
            pltpu.make_async_copy(dst_hbm.at[pl.ds(ebase + ci * _C, _C)],
                                  didx.at[slot], dsems[slot]).wait()

        def fire_gather(slot, gb):
            pltpu.async_copy(u_hbm.at[sidx.at[slot]], rows.at[gb], gsems[gb])

        def wait_gather(slot, gb):
            pltpu.make_async_copy(u_hbm.at[sidx.at[slot]], rows.at[gb],
                                  gsems[gb]).wait()

        for k in range(_NI - 1):
            load_idx(k, k)
        pltpu.sync_copy(zeros_hbm, acc.at[pl.ds(row0, rpt)])
        plsc.subcore_barrier()
        for k in range(_NB - 1):
            wait_sidx(k, k)
            fire_gather(k, k % _NB)

        def grp(g, _):
            for k in range(_NI):
                ci = g * _NI + k

                @pl.when(ci + _NI - 1 < nch)
                def _():
                    load_idx(ci + _NI - 1, (k + _NI - 1) % _NI)

                @pl.when(ci + _NB - 1 < nch)
                def _():
                    wait_sidx(ci + _NB - 1, (k + _NB - 1) % _NI)
                    fire_gather((k + _NB - 1) % _NI, (k + _NB - 1) % _NB)
                wait_gather(k % _NI, k % _NB)
                wait_didx(ci, k % _NI)
                pltpu.sync_copy(rows.at[k % _NB], acc.at[didx.at[k % _NI]],
                                add=True)
            return 0

        lax.fori_loop(0, nch // _NI, grp, 0)
        plsc.subcore_barrier()
        pltpu.sync_copy(acc.at[pl.ds(row0, rpt)], out_hbm.at[cid, pl.ds(row0, rpt)])

    return agg_kernel


def _tc1_body(x_ref, w_ref, hists_ref, ones_ref, u_ref, s_ref, dinv_ref):
    deg = lax.dot_general(hists_ref[...], ones_ref[...],
                          (((0,), (0,)), ((), ())),
                          preferred_element_type=jnp.float32) + 1.0
    dinv = lax.rsqrt(deg)
    h = jnp.dot(x_ref[...], w_ref[...], preferred_element_type=jnp.float32)
    u = h * dinv
    u_ref[...] = u
    s_ref[...] = u * dinv
    dinv_ref[...] = dinv


def _tc2_body(aggp_ref, s_ref, dinv_ref, b_ref, w_ref, u_ref, s2_ref):
    dinv = dinv_ref[...]
    z = dinv * (aggp_ref[0] + aggp_ref[1]) + s_ref[...] + b_ref[...]
    r = jnp.maximum(z, 0.0)
    h = jnp.dot(r, w_ref[...], preferred_element_type=jnp.float32)
    u = h * dinv
    u_ref[...] = u
    s2_ref[...] = u * dinv


def _tc3_body(n_real, aggp_ref, s_ref, dinv_ref, b_ref, wfc_ref, bfc_ref, out_ref):
    z = dinv_ref[...] * (aggp_ref[0] + aggp_ref[1]) + s_ref[...] + b_ref[...]
    r = jnp.maximum(z, 0.0)
    rows = lax.broadcasted_iota(jnp.int32, r.shape, 0)
    r = jnp.where(rows < n_real, r, 0.0)
    g = jnp.sum(r, axis=0, keepdims=True) * (1.0 / n_real)
    out_ref[...] = jnp.dot(g, wfc_ref[...],
                           preferred_element_type=jnp.float32) + bfc_ref[...]


def kernel(x, edge_index, W1, b1, W2, b2, Wfc, bfc):
    N, D = x.shape
    H = W1.shape[1]
    O = Wfc.shape[1]
    E = edge_index.shape[1]

    Np = ((N + 1 + 127) // 128) * 128
    blk = _NW * _C * _NB
    Ep = ((E + blk - 1) // blk) * blk
    rpt = Np // _NS
    nch = Ep // (_NW * _C)

    npad = Ep - E
    pad_src = N + (jnp.arange(npad, dtype=jnp.int32) % (Np - N))
    pad_dst = N + (jnp.arange(npad, dtype=jnp.int32) % (Np - N))
    src = jnp.concatenate([edge_index[0], pad_src])
    dst = jnp.concatenate([edge_index[1], pad_dst])
    x_pad = jnp.zeros((Np, D), dtype=jnp.float32).at[:N].set(x)
    ones32 = jnp.ones((_NW, 1), dtype=jnp.float32)
    zerosH = jnp.zeros((rpt, H), dtype=jnp.float32)

    hists = _make_deg_kernel(Ep, Np)(dst).reshape(_NW, Np)

    tc1 = pl.pallas_call(
        _tc1_body,
        out_shape=(jax.ShapeDtypeStruct((Np, H), jnp.float32),
                   jax.ShapeDtypeStruct((Np, H), jnp.float32),
                   jax.ShapeDtypeStruct((Np, 1), jnp.float32)),
    )
    u1, s1, dinv = tc1(x_pad, W1, hists, ones32)

    agg = _make_agg_kernel(Ep, Np, H)
    agg1 = agg(u1, src, dst, zerosH)

    tc2 = pl.pallas_call(
        _tc2_body,
        out_shape=(jax.ShapeDtypeStruct((Np, H), jnp.float32),
                   jax.ShapeDtypeStruct((Np, H), jnp.float32)),
    )
    u2, s2 = tc2(agg1, s1, dinv, b1.reshape(1, H), W2)

    agg2 = agg(u2, src, dst, zerosH)

    tc3 = pl.pallas_call(
        functools.partial(_tc3_body, N),
        out_shape=jax.ShapeDtypeStruct((1, O), jnp.float32),
    )
    out = tc3(agg2, s2, dinv, b2.reshape(1, H), Wfc, bfc.reshape(1, O))
    return out.reshape(O)

# --- scband reference (transcript-rebuilt; emitter-appended) ---
"""Pipeline reference for scband-gnnmodel-67697274520407 (READ-ONLY COPY).

The authoritative reference and input builder live on the scoring server;
editing this copy changes nothing except your own understanding.
"""

import jax, jax.numpy as jnp
import numpy as np


def _gcn_conv(x, edge_index, W, b):
    # Faithful GCNConv: add self-loops, symmetric normalization, scatter-add aggregation.
    N = x.shape[0]
    loops = jnp.arange(N, dtype=edge_index.dtype)
    src = jnp.concatenate([edge_index[0], loops])
    dst = jnp.concatenate([edge_index[1], loops])
    deg = jnp.zeros((N,), dtype=x.dtype).at[dst].add(1.0)
    dinv = jax.lax.rsqrt(jnp.maximum(deg, 1.0))
    norm = dinv[src] * dinv[dst]
    h = x @ W
    msg = h[src] * norm[:, None]
    out = jnp.zeros((N, W.shape[1]), dtype=x.dtype).at[dst].add(msg)
    return out + b


def setup_inputs(seed: int = 0) -> dict:
    key = jax.random.key(seed)
    ks = jax.random.split(key, 8)
    N, E, D, H, O = 10000, 320000, 128, 128, 1
    x = jax.random.normal(ks[0], (N, D), dtype=jnp.float32)
    edge_index = jax.random.randint(ks[1], (2, E), 0, N, dtype=jnp.int32)
    W1 = jax.random.normal(ks[2], (D, H), dtype=jnp.float32) * 0.05
    b1 = jnp.zeros((H,), dtype=jnp.float32)
    W2 = jax.random.normal(ks[3], (H, H), dtype=jnp.float32) * 0.05
    b2 = jnp.zeros((H,), dtype=jnp.float32)
    Wfc = jax.random.normal(ks[4], (H, O), dtype=jnp.float32) * 0.05
    bfc = jnp.zeros((O,), dtype=jnp.float32)
    return {"x": x, "edge_index": edge_index, "W1": W1, "b1": b1, "W2": W2, "b2": b2, "Wfc": Wfc, "bfc": bfc}


def reference(x, edge_index, W1, b1, W2, b2, Wfc, bfc):
    h = _gcn_conv(x, edge_index, W1, b1)
    h = jax.nn.relu(h)
    h = _gcn_conv(h, edge_index, W2, b2)
    h = jax.nn.relu(h)
    g = jnp.mean(h, axis=0)
    return g @ Wfc + bfc

if __name__ == "__main__":
    import jax
    _d = setup_inputs()
    print(jax.jit(kernel)(*tuple(_d.values())))

</pallas_src>

<mosaic_0001>
#map = affine_map<(d0, d1) -> (0, 0)>
#map1 = affine_map<(d0, d1) -> (0)>
#map2 = affine_map<(d0, d1) -> (0, 0, 0)>
module attributes {stable_mosaic.version = 14 : i64} {
  func.func @agg_kernel(%arg0: i32, %arg1: i32, %arg2: memref<10112x128xf32, #tpu.memory_space<hbm>>, %arg3: memref<322560xi32, #tpu.memory_space<hbm>>, %arg4: memref<322560xi32, #tpu.memory_space<hbm>>, %arg5: memref<632x128xf32, #tpu.memory_space<hbm>>, %arg6: memref<2x10112x128xf32, #tpu.memory_space<hbm>>, %arg7: memref<6x120xi32, #tpu.memory_space<vmem>>, %arg8: memref<6x120xi32, #tpu.memory_space<vmem>>, %arg9: memref<3x120x128xf32, #tpu.memory_space<vmem>>, %arg10: memref<10112x128xf32, #tpu.memory_space<vmem_shared>>, %arg11: memref<!tpu.dma_semaphore, #tpu.memory_space<semaphore_mem>>, %arg12: memref<!tpu.dma_semaphore, #tpu.memory_space<semaphore_mem>>, %arg13: memref<!tpu.dma_semaphore, #tpu.memory_space<semaphore_mem>>, %arg14: memref<!tpu.dma_semaphore, #tpu.memory_space<semaphore_mem>>, %arg15: memref<!tpu.dma_semaphore, #tpu.memory_space<semaphore_mem>>, %arg16: memref<!tpu.dma_semaphore, #tpu.memory_space<semaphore_mem>>, %arg17: memref<!tpu.dma_semaphore, #tpu.memory_space<semaphore_mem>>, %arg18: memref<!tpu.dma_semaphore, #tpu.memory_space<semaphore_mem>>, %arg19: memref<!tpu.dma_semaphore, #tpu.memory_space<semaphore_mem>>, %arg20: memref<!tpu.dma_semaphore, #tpu.memory_space<semaphore_mem>>, %arg21: memref<!tpu.dma_semaphore, #tpu.memory_space<semaphore_mem>>, %arg22: memref<!tpu.dma_semaphore, #tpu.memory_space<semaphore_mem>>, %arg23: memref<!tpu.dma_semaphore, #tpu.memory_space<semaphore_mem>>, %arg24: memref<!tpu.dma_semaphore, #tpu.memory_space<semaphore_mem>>, %arg25: memref<!tpu.dma_semaphore, #tpu.memory_space<semaphore_mem>>) attributes {dimension_semantics = [#tpu.dimension_semantics<core_parallel>, #tpu.dimension_semantics<subcore_parallel>], iteration_bounds = array<i64: 2, 16>, scalar_prefetch = 0 : i64, scratch_operands = 19 : i64, tpu.core_type = #tpu.core_type<sc_vector_subcore>, window_params = [{transform_indices = #map}, {transform_indices = #map1}, {transform_indices = #map1}, {transform_indices = #map}, {transform_indices = #map2}]} {
    %mul3A = arith.constant 16 : i32
    %mul3A_0 = arith.muli %arg0, %mul3A : i32
    %add3A = arith.addi %mul3A_0, %arg1 : i32
    %mul3A_1 = arith.constant 632 : i32
    %mul3A_2 = arith.muli %arg1, %mul3A_1 : i32
    %mul3A_3 = arith.constant 10080 : i32
    %mul3A_4 = arith.muli %add3A, %mul3A_3 : i32
    %add3A_5 = arith.constant 0 : i32
    %add3A_6 = arith.addi %mul3A_4, %add3A_5 : i32
    %dma_start3A = arith.constant 0 : i32
    %dma_start3A_7 = arith.constant 0 : i32
    %dma_start3A_8 = tpu.memref_slice %arg7[%dma_start3A, %dma_start3A_7] : memref<6x120xi32, #tpu.memory_space<vmem>> -> memref<1x120xi32, #tpu.memory_space<vmem>>
    %dma_start3A_9 = tpu.memref_squeeze %dma_start3A_8 : memref<1x120xi32, #tpu.memory_space<vmem>> -> memref<120xi32, #tpu.memory_space<vmem>>
    %dma_start3A_10 = tpu.memref_slice %arg3[%add3A_6] : memref<322560xi32, #tpu.memory_space<hbm>> -> memref<120xi32, #tpu.memory_space<hbm>>
    %dma_start3A_11 = arith.constant 0 : i32
    %dma_start3A_12 = tpu.memref_slice %arg7[%dma_start3A, %dma_start3A_11] : memref<6x120xi32, #tpu.memory_space<vmem>> -> memref<1x120xi32, #tpu.memory_space<vmem>>
    %dma_start3A_13 = tpu.memref_squeeze %dma_start3A_12 : memref<1x120xi32, #tpu.memory_space<vmem>> -> memref<120xi32, #tpu.memory_space<vmem>>
    %dma_start3A_14 = tpu.memref_slice %arg3[%add3A_6] : memref<322560xi32, #tpu.memory_space<hbm>> -> memref<120xi32, #tpu.memory_space<hbm>>
    tpu.enqueue_dma source(%dma_start3A_14 : memref<120xi32, #tpu.memory_space<hbm>>) target(%dma_start3A_13 : memref<120xi32, #tpu.memory_space<vmem>>) target_semaphore(%arg11 : memref<!tpu.dma_semaphore, #tpu.memory_space<semaphore_mem>>)
    %add3A_15 = arith.constant 0 : i32
    %add3A_16 = arith.addi %mul3A_4, %add3A_15 : i32
    %dma_start3A_17 = arith.constant 0 : i32
    %dma_start3A_18 = arith.constant 0 : i32
    %dma_start3A_19 = tpu.memref_slice %arg8[%dma_start3A_17, %dma_start3A_18] : memref<6x120xi32, #tpu.memory_space<vmem>> -> memref<1x120xi32, #tpu.memory_space<vmem>>
    %dma_start3A_20 = tpu.memref_squeeze %dma_start3A_19 : memref<1x120xi32, #tpu.memory_space<vmem>> -> memref<120xi32, #tpu.memory_space<vmem>>
    %dma_start3A_21 = tpu.memref_slice %arg4[%add3A_16] : memref<322560xi32, #tpu.memory_space<hbm>> -> memref<120xi32, #tpu.memory_space<hbm>>
    %dma_start3A_22 = arith.constant 0 : i32
    %dma_start3A_23 = tpu.memref_slice %arg8[%dma_start3A_17, %dma_start3A_22] : memref<6x120xi32, #tpu.memory_space<vmem>> -> memref<1x120xi32, #tpu.memory_space<vmem>>
    %dma_start3A_24 = tpu.memref_squeeze %dma_start3A_23 : memref<1x120xi32, #tpu.memory_space<vmem>> -> memref<120xi32, #tpu.memory_space<vmem>>
    %dma_start3A_25 = tpu.memref_slice %arg4[%add3A_16] : memref<322560xi32, #tpu.memory_space<hbm>> -> memref<120xi32, #tpu.memory_space<hbm>>
    tpu.enqueue_dma source(%dma_start3A_25 : memref<120xi32, #tpu.memory_space<hbm>>) target(%dma_start3A_24 : memref<120xi32, #tpu.memory_space<vmem>>) target_semaphore(%arg17 : memref<!tpu.dma_semaphore, #tpu.memory_space<semaphore_mem>>)
    %add3A_26 = arith.constant 120 : i32
    %add3A_27 = arith.addi %mul3A_4, %add3A_26 : i32
    %dma_start3A_28 = arith.constant 1 : i32
    %dma_start3A_29 = arith.constant 0 : i32
    %dma_start3A_30 = tpu.memref_slice %arg7[%dma_start3A_28, %dma_start3A_29] : memref<6x120xi32, #tpu.memory_space<vmem>> -> memref<1x120xi32, #tpu.memory_space<vmem>>
    %dma_start3A_31 = tpu.memref_squeeze %dma_start3A_30 : memref<1x120xi32, #tpu.memory_space<vmem>> -> memref<120xi32, #tpu.memory_space<vmem>>
    %dma_start3A_32 = tpu.memref_slice %arg3[%add3A_27] : memref<322560xi32, #tpu.memory_space<hbm>> -> memref<120xi32, #tpu.memory_space<hbm>>
    %dma_start3A_33 = arith.constant 0 : i32
    %dma_start3A_34 = tpu.memref_slice %arg7[%dma_start3A_28, %dma_start3A_33] : memref<6x120xi32, #tpu.memory_space<vmem>> -> memref<1x120xi32, #tpu.memory_space<vmem>>
    %dma_start3A_35 = tpu.memref_squeeze %dma_start3A_34 : memref<1x120xi32, #tpu.memory_space<vmem>> -> memref<120xi32, #tpu.memory_space<vmem>>
    %dma_start3A_36 = tpu.memref_slice %arg3[%add3A_27] : memref<322560xi32, #tpu.memory_space<hbm>> -> memref<120xi32, #tpu.memory_space<hbm>>
    tpu.enqueue_dma source(%dma_start3A_36 : memref<120xi32, #tpu.memory_space<hbm>>) target(%dma_start3A_35 : memref<120xi32, #tpu.memory_space<vmem>>) target_semaphore(%arg12 : memref<!tpu.dma_semaphore, #tpu.memory_space<semaphore_mem>>)
    %add3A_37 = arith.constant 120 : i32
    %add3A_38 = arith.addi %mul3A_4, %add3A_37 : i32
    %dma_start3A_39 = arith.constant 1 : i32
    %dma_start3A_40 = arith.constant 0 : i32
    %dma_start3A_41 = tpu.memref_slice %arg8[%dma_start3A_39, %dma_start3A_40] : memref<6x120xi32, #tpu.memory_space<vmem>> -> memref<1x120xi32, #tpu.memory_space<vmem>>
    %dma_start3A_42 = tpu.memref_squeeze %dma_start3A_41 : memref<1x120xi32, #tpu.memory_space<vmem>> -> memref<120xi32, #tpu.memory_space<vmem>>
    %dma_start3A_43 = tpu.memref_slice %arg4[%add3A_38] : memref<322560xi32, #tpu.memory_space<hbm>> -> memref<120xi32, #tpu.memory_space<hbm>>
    %dma_start3A_44 = arith.constant 0 : i32
    %dma_start3A_45 = tpu.memref_slice %arg8[%dma_start3A_39, %dma_start3A_44] : memref<6x120xi32, #tpu.memory_space<vmem>> -> memref<1x120xi32, #tpu.memory_space<vmem>>
    %dma_start3A_46 = tpu.memref_squeeze %dma_start3A_45 : memref<1x120xi32, #tpu.memory_space<vmem>> -> memref<120xi32, #tpu.memory_space<vmem>>
    %dma_start3A_47 = tpu.memref_slice %arg4[%add3A_38] : memref<322560xi32, #tpu.memory_space<hbm>> -> memref<120xi32, #tpu.memory_space<hbm>>
    tpu.enqueue_dma source(%dma_start3A_47 : memref<120xi32, #tpu.memory_space<hbm>>) target(%dma_start3A_46 : memref<120xi32, #tpu.memory_space<vmem>>) target_semaphore(%arg18 : memref<!tpu.dma_semaphore, #tpu.memory_space<semaphore_mem>>)
    %add3A_48 = arith.constant 240 : i32
    %add3A_49 = arith.addi %mul3A_4, %add3A_48 : i32
    %dma_start3A_50 = arith.constant 2 : i32
    %dma_start3A_51 = arith.constant 0 : i32
    %dma_start3A_52 = tpu.memref_slice %arg7[%dma_start3A_50, %dma_start3A_51] : memref<6x120xi32, #tpu.memory_space<vmem>> -> memref<1x120xi32, #tpu.memory_space<vmem>>
    %dma_start3A_53 = tpu.memref_squeeze %dma_start3A_52 : memref<1x120xi32, #tpu.memory_space<vmem>> -> memref<120xi32, #tpu.memory_space<vmem>>
    %dma_start3A_54 = tpu.memref_slice %arg3[%add3A_49] : memref<322560xi32, #tpu.memory_space<hbm>> -> memref<120xi32, #tpu.memory_space<hbm>>
    %dma_start3A_55 = arith.constant 0 : i32
    %dma_start3A_56 = tpu.memref_slice %arg7[%dma_start3A_50, %dma_start3A_55] : memref<6x120xi32, #tpu.memory_space<vmem>> -> memref<1x120xi32, #tpu.memory_space<vmem>>
    %dma_start3A_57 = tpu.memref_squeeze %dma_start3A_56 : memref<1x120xi32, #tpu.memory_space<vmem>> -> memref<120xi32, #tpu.memory_space<vmem>>
    %dma_start3A_58 = tpu.memref_slice %arg3[%add3A_49] : memref<322560xi32, #tpu.memory_space<hbm>> -> memref<120xi32, #tpu.memory_space<hbm>>
    tpu.enqueue_dma source(%dma_start3A_58 : memref<120xi32, #tpu.memory_space<hbm>>) target(%dma_start3A_57 : memref<120xi32, #tpu.memory_space<vmem>>) target_semaphore(%arg13 : memref<!tpu.dma_semaphore, #tpu.memory_space<semaphore_mem>>)
    %add3A_59 = arith.constant 240 : i32
    %add3A_60 = arith.addi %mul3A_4, %add3A_59 : i32
    %dma_start3A_61 = arith.constant 2 : i32
    %dma_start3A_62 = arith.constant 0 : i32
    %dma_start3A_63 = tpu.memref_slice %arg8[%dma_start3A_61, %dma_start3A_62] : memref<6x120xi32, #tpu.memory_space<vmem>> -> memref<1x120xi32, #tpu.memory_space<vmem>>
    %dma_start3A_64 = tpu.memref_squeeze %dma_start3A_63 : memref<1x120xi32, #tpu.memory_space<vmem>> -> memref<120xi32, #tpu.memory_space<vmem>>
    %dma_start3A_65 = tpu.memref_slice %arg4[%add3A_60] : memref<322560xi32, #tpu.memory_space<hbm>> -> memref<120xi32, #tpu.memory_space<hbm>>
    %dma_start3A_66 = arith.constant 0 : i32
    %dma_start3A_67 = tpu.memref_slice %arg8[%dma_start3A_61, %dma_start3A_66] : memref<6x120xi32, #tpu.memory_space<vmem>> -> memref<1x120xi32, #tpu.memory_space<vmem>>
    %dma_start3A_68 = tpu.memref_squeeze %dma_start3A_67 : memref<1x120xi32, #tpu.memory_space<vmem>> -> memref<120xi32, #tpu.memory_space<vmem>>
    %dma_start3A_69 = tpu.memref_slice %arg4[%add3A_60] : memref<322560xi32, #tpu.memory_space<hbm>> -> memref<120xi32, #tpu.memory_space<hbm>>
    tpu.enqueue_dma source(%dma_start3A_69 : memref<120xi32, #tpu.memory_space<hbm>>) target(%dma_start3A_68 : memref<120xi32, #tpu.memory_space<vmem>>) target_semaphore(%arg19 : memref<!tpu.dma_semaphore, #tpu.memory_space<semaphore_mem>>)
    %add3A_70 = arith.constant 360 : i32
    %add3A_71 = arith.addi %mul3A_4, %add3A_70 : i32
    %dma_start3A_72 = arith.constant 3 : i32
    %dma_start3A_73 = arith.constant 0 : i32
    %dma_start3A_74 = tpu.memref_slice %arg7[%dma_start3A_72, %dma_start3A_73] : memref<6x120xi32, #tpu.memory_space<vmem>> -> memref<1x120xi32, #tpu.memory_space<vmem>>
    %dma_start3A_75 = tpu.memref_squeeze %dma_start3A_74 : memref<1x120xi32, #tpu.memory_space<vmem>> -> memref<120xi32, #tpu.memory_space<vmem>>
    %dma_start3A_76 = tpu.memref_slice %arg3[%add3A_71] : memref<322560xi32, #tpu.memory_space<hbm>> -> memref<120xi32, #tpu.memory_space<hbm>>
    %dma_start3A_77 = arith.constant 0 : i32
    %dma_start3A_78 = tpu.memref_slice %arg7[%dma_start3A_72, %dma_start3A_77] : memref<6x120xi32, #tpu.memory_space<vmem>> -> memref<1x120xi32, #tpu.memory_space<vmem>>
    %dma_start3A_79 = tpu.memref_squeeze %dma_start3A_78 : memref<1x120xi32, #tpu.memory_space<vmem>> -> memref<120xi32, #tpu.memory_space<vmem>>
    %dma_start3A_80 = tpu.memref_slice %arg3[%add3A_71] : memref<322560xi32, #tpu.memory_space<hbm>> -> memref<120xi32, #tpu.memory_space<hbm>>
    tpu.enqueue_dma source(%dma_start3A_80 : memref<120xi32, #tpu.memory_space<hbm>>) target(%dma_start3A_79 : memref<120xi32, #tpu.memory_space<vmem>>) target_semaphore(%arg14 : memref<!tpu.dma_semaphore, #tpu.memory_space<semaphore_mem>>)
    %add3A_81 = arith.constant 360 : i32
    %add3A_82 = arith.addi %mul3A_4, %add3A_81 : i32
    %dma_start3A_83 = arith.constant 3 : i32
    %dma_start3A_84 = arith.constant 0 : i32
    %dma_start3A_85 = tpu.memref_slice %arg8[%dma_start3A_83, %dma_start3A_84] : memref<6x120xi32, #tpu.memory_space<vmem>> -> memref<1x120xi32, #tpu.memory_space<vmem>>
    %dma_start3A_86 = tpu.memref_squeeze %dma_start3A_85 : memref<1x120xi32, #tpu.memory_space<vmem>> -> memref<120xi32, #tpu.memory_space<vmem>>
    %dma_start3A_87 = tpu.memref_slice %arg4[%add3A_82] : memref<322560xi32, #tpu.memory_space<hbm>> -> memref<120xi32, #tpu.memory_space<hbm>>
    %dma_start3A_88 = arith.constant 0 : i32
    %dma_start3A_89 = tpu.memref_slice %arg8[%dma_start3A_83, %dma_start3A_88] : memref<6x120xi32, #tpu.memory_space<vmem>> -> memref<1x120xi32, #tpu.memory_space<vmem>>
    %dma_start3A_90 = tpu.memref_squeeze %dma_start3A_89 : memref<1x120xi32, #tpu.memory_space<vmem>> -> memref<120xi32, #tpu.memory_space<vmem>>
    %dma_start3A_91 = tpu.memref_slice %arg4[%add3A_82] : memref<322560xi32, #tpu.memory_space<hbm>> -> memref<120xi32, #tpu.memory_space<hbm>>
    tpu.enqueue_dma source(%dma_start3A_91 : memref<120xi32, #tpu.memory_space<hbm>>) target(%dma_start3A_90 : memref<120xi32, #tpu.memory_space<vmem>>) target_semaphore(%arg20 : memref<!tpu.dma_semaphore, #tpu.memory_space<semaphore_mem>>)
    %add3A_92 = arith.constant 480 : i32
    %add3A_93 = arith.addi %mul3A_4, %add3A_92 : i32
    %dma_start3A_94 = arith.constant 4 : i32
    %dma_start3A_95 = arith.constant 0 : i32
    %dma_start3A_96 = tpu.memref_slice %arg7[%dma_start3A_94, %dma_start3A_95] : memref<6x120xi32, #tpu.memory_space<vmem>> -> memref<1x120xi32, #tpu.memory_space<vmem>>
    %dma_start3A_97 = tpu.memref_squeeze %dma_start3A_96 : memref<1x120xi32, #tpu.memory_space<vmem>> -> memref<120xi32, #tpu.memory_space<vmem>>
    %dma_start3A_98 = tpu.memref_slice %arg3[%add3A_93] : memref<322560xi32, #tpu.memory_space<hbm>> -> memref<120xi32, #tpu.memory_space<hbm>>
    %dma_start3A_99 = arith.constant 0 : i32
    %dma_start3A_100 = tpu.memref_slice %arg7[%dma_start3A_94, %dma_start3A_99] : memref<6x120xi32, #tpu.memory_space<vmem>> -> memref<1x120xi32, #tpu.memory_space<vmem>>
    %dma_start3A_101 = tpu.memref_squeeze %dma_start3A_100 : memref<1x120xi32, #tpu.memory_space<vmem>> -> memref<120xi32, #tpu.memory_space<vmem>>
    %dma_start3A_102 = tpu.memref_slice %arg3[%add3A_93] : memref<322560xi32, #tpu.memory_space<hbm>> -> memref<120xi32, #tpu.memory_space<hbm>>
    tpu.enqueue_dma source(%dma_start3A_102 : memref<120xi32, #tpu.memory_space<hbm>>) target(%dma_start3A_101 : memref<120xi32, #tpu.memory_space<vmem>>) target_semaphore(%arg15 : memref<!tpu.dma_semaphore, #tpu.memory_space<semaphore_mem>>)
    %add3A_103 = arith.constant 480 : i32
    %add3A_104 = arith.addi %mul3A_4, %add3A_103 : i32
    %dma_start3A_105 = arith.constant 4 : i32
    %dma_start3A_106 = arith.constant 0 : i32
    %dma_start3A_107 = tpu.memref_slice %arg8[%dma_start3A_105, %dma_start3A_106] : memref<6x120xi32, #tpu.memory_space<vmem>> -> memref<1x120xi32, #tpu.memory_space<vmem>>
    %dma_start3A_108 = tpu.memref_squeeze %dma_start3A_107 : memref<1x120xi32, #tpu.memory_space<vmem>> -> memref<120xi32, #tpu.memory_space<vmem>>
    %dma_start3A_109 = tpu.memref_slice %arg4[%add3A_104] : memref<322560xi32, #tpu.memory_space<hbm>> -> memref<120xi32, #tpu.memory_space<hbm>>
    %dma_start3A_110 = arith.constant 0 : i32
    %dma_start3A_111 = tpu.memref_slice %arg8[%dma_start3A_105, %dma_start3A_110] : memref<6x120xi32, #tpu.memory_space<vmem>> -> memref<1x120xi32, #tpu.memory_space<vmem>>
    %dma_start3A_112 = tpu.memref_squeeze %dma_start3A_111 : memref<1x120xi32, #tpu.memory_space<vmem>> -> memref<120xi32, #tpu.memory_space<vmem>>
    %dma_start3A_113 = tpu.memref_slice %arg4[%add3A_104] : memref<322560xi32, #tpu.memory_space<hbm>> -> memref<120xi32, #tpu.memory_space<hbm>>
    tpu.enqueue_dma source(%dma_start3A_113 : memref<120xi32, #tpu.memory_space<hbm>>) target(%dma_start3A_112 : memref<120xi32, #tpu.memory_space<vmem>>) target_semaphore(%arg21 : memref<!tpu.dma_semaphore, #tpu.memory_space<semaphore_mem>>)
    "tpu.region"() ({
      %run_scoped3A = tpu.sem_alloc : memref<!tpu.dma_semaphore, #tpu.memory_space<semaphore_mem>>
      %dma_start3A_166 = arith.constant 0 : i32
      %dma_start3A_167 = tpu.memref_slice %arg10[%mul3A_2, %dma_start3A_166] : memref<10112x128xf32, #tpu.memory_space<vmem_shared>> -> memref<632x128xf32, #tpu.memory_space<vmem_shared>>
      tpu.enqueue_dma source(%arg5 : memref<632x128xf32, #tpu.memory_space<hbm>>) target(%dma_start3A_167 : memref<632x128xf32, #tpu.memory_space<vmem_shared>>) target_semaphore(%run_scoped3A : memref<!tpu.dma_semaphore, #tpu.memory_space<semaphore_mem>>)
      %dma_wait3A_168 = arith.constant 0 : i32
      %dma_wait3A_169 = tpu.memref_slice %arg10[%mul3A_2, %dma_wait3A_168] : memref<10112x128xf32, #tpu.memory_space<vmem_shared>> -> memref<632x128xf32, #tpu.memory_space<vmem_shared>>
      tpu.wait_dma2 semaphore(%run_scoped3A : memref<!tpu.dma_semaphore, #tpu.memory_space<semaphore_mem>>) src(%arg5 : memref<632x128xf32, #tpu.memory_space<hbm>>) dst(%dma_wait3A_169 : memref<632x128xf32, #tpu.memory_space<vmem_shared>>)
      tpu.yield
    }) : () -> ()
    %barrier3A = arith.constant 0 : index
    tpu.barrier barrier_id(%barrier3A)
    %add3A_114 = arith.constant 0 : i32
    %add3A_115 = arith.addi %mul3A_4, %add3A_114 : i32
    %dma_wait3A = arith.constant 0 : i32
    %dma_wait3A_116 = arith.constant 0 : i32
    %dma_wait3A_117 = tpu.memref_slice %arg7[%dma_wait3A, %dma_wait3A_116] : memref<6x120xi32, #tpu.memory_space<vmem>> -> memref<1x120xi32, #tpu.memory_space<vmem>>
    %dma_wait3A_118 = tpu.memref_squeeze %dma_wait3A_117 : memref<1x120xi32, #tpu.memory_space<vmem>> -> memref<120xi32, #tpu.memory_space<vmem>>
    %dma_wait3A_119 = tpu.memref_slice %arg3[%add3A_115] : memref<322560xi32, #tpu.memory_space<hbm>> -> memref<120xi32, #tpu.memory_space<hbm>>
    %dma_wait3A_120 = arith.constant 0 : i32
    %dma_wait3A_121 = tpu.memref_slice %arg7[%dma_wait3A, %dma_wait3A_120] : memref<6x120xi32, #tpu.memory_space<vmem>> -> memref<1x120xi32, #tpu.memory_space<vmem>>
    %dma_wait3A_122 = tpu.memref_squeeze %dma_wait3A_121 : memref<1x120xi32, #tpu.memory_space<vmem>> -> memref<120xi32, #tpu.memory_space<vmem>>
    %dma_wait3A_123 = tpu.memref_slice %arg3[%add3A_115] : memref<322560xi32, #tpu.memory_space<hbm>> -> memref<120xi32, #tpu.memory_space<hbm>>
    tpu.wait_dma2 semaphore(%arg11 : memref<!tpu.dma_semaphore, #tpu.memory_space<semaphore_mem>>) src(%dma_wait3A_123 : memref<120xi32, #tpu.memory_space<hbm>>) dst(%dma_wait3A_122 : memref<120xi32, #tpu.memory_space<vmem>>)
    %dma_start3A_124 = arith.constant 0 : i32
    %dma_start3A_125 = arith.constant 0 : i32
    %dma_start3A_126 = arith.constant 0 : i32
    %dma_start3A_127 = arith.constant 0 : i32
    %dma_start3A_128 = tpu.memref_slice %arg9[%dma_start3A_125, %dma_start3A_126, %dma_start3A_127] : memref<3x120x128xf32, #tpu.memory_space<vmem>> -> memref<1x120x128xf32, #tpu.memory_space<vmem>>
    %dma_start3A_129 = tpu.memref_squeeze %dma_start3A_128 : memref<1x120x128xf32, #tpu.memory_space<vmem>> -> memref<120x128xf32, #tpu.memory_space<vmem>>
    %dma_start3A_130 = arith.constant 0 : i32
    %dma_start3A_131 = tpu.memref_slice %arg7[%dma_start3A_124, %dma_start3A_130] : memref<6x120xi32, #tpu.memory_space<vmem>> -> memref<1x120xi32, #tpu.memory_space<vmem>>
    %dma_start3A_132 = tpu.memref_squeeze %dma_start3A_131 : memref<1x120xi32, #tpu.memory_space<vmem>> -> memref<120xi32, #tpu.memory_space<vmem>>
    %dma_start3A_133 = arith.constant 0 : i32
    %dma_start3A_134 = arith.constant 0 : i32
    %dma_start3A_135 = tpu.memref_slice %arg2[%dma_start3A_133, %dma_start3A_134] : memref<10112x128xf32, #tpu.memory_space<hbm>> -> memref<10112x128xf32, #tpu.memory_space<hbm>>
    tpu.enqueue_indirect_dma source(%dma_start3A_135 : memref<10112x128xf32, #tpu.memory_space<hbm>>) target(%dma_start3A_129 : memref<120x128xf32, #tpu.memory_space<vmem>>) offsets(%dma_start3A_132 : memref<120xi32, #tpu.memory_space<vmem>>) semaphore(%arg23 : memref<!tpu.dma_semaphore, #tpu.memory_space<semaphore_mem>>)
    %add3A_136 = arith.constant 120 : i32
    %add3A_137 = arith.addi %mul3A_4, %add3A_136 : i32
    %dma_wait3A_138 = arith.constant 1 : i32
    %dma_wait3A_139 = arith.constant 0 : i32
    %dma_wait3A_140 = tpu.memref_slice %arg7[%dma_wait3A_138, %dma_wait3A_139] : memref<6x120xi32, #tpu.memory_space<vmem>> -> memref<1x120xi32, #tpu.memory_space<vmem>>
    %dma_wait3A_141 = tpu.memref_squeeze %dma_wait3A_140 : memref<1x120xi32, #tpu.memory_space<vmem>> -> memref<120xi32, #tpu.memory_space<vmem>>
    %dma_wait3A_142 = tpu.memref_slice %arg3[%add3A_137] : memref<322560xi32, #tpu.memory_space<hbm>> -> memref<120xi32, #tpu.memory_space<hbm>>
    %dma_wait3A_143 = arith.constant 0 : i32
    %dma_wait3A_144 = tpu.memref_slice %arg7[%dma_wait3A_138, %dma_wait3A_143] : memref<6x120xi32, #tpu.memory_space<vmem>> -> memref<1x120xi32, #tpu.memory_space<vmem>>
    %dma_wait3A_145 = tpu.memref_squeeze %dma_wait3A_144 : memref<1x120xi32, #tpu.memory_space<vmem>> -> memref<120xi32, #tpu.memory_space<vmem>>
    %dma_wait3A_146 = tpu.memref_slice %arg3[%add3A_137] : memref<322560xi32, #tpu.memory_space<hbm>> -> memref<120xi32, #tpu.memory_space<hbm>>
    tpu.wait_dma2 semaphore(%arg12 : memref<!tpu.dma_semaphore, #tpu.memory_space<semaphore_mem>>) src(%dma_wait3A_146 : memref<120xi32, #tpu.memory_space<hbm>>) dst(%dma_wait3A_145 : memref<120xi32, #tpu.memory_space<vmem>>)
    %dma_start3A_147 = arith.constant 1 : i32
    %dma_start3A_148 = arith.constant 1 : i32
    %dma_start3A_149 = arith.constant 0 : i32
    %dma_start3A_150 = arith.constant 0 : i32
    %dma_start3A_151 = tpu.memref_slice %arg9[%dma_start3A_148, %dma_start3A_149, %dma_start3A_150] : memref<3x120x128xf32, #tpu.memory_space<vmem>> -> memref<1x120x128xf32, #tpu.memory_space<vmem>>
    %dma_start3A_152 = tpu.memref_squeeze %dma_start3A_151 : memref<1x120x128xf32, #tpu.memory_space<vmem>> -> memref<120x128xf32, #tpu.memory_space<vmem>>
    %dma_start3A_153 = arith.constant 0 : i32
    %dma_start3A_154 = tpu.memref_slice %arg7[%dma_start3A_147, %dma_start3A_153] : memref<6x120xi32, #tpu.memory_space<vmem>> -> memref<1x120xi32, #tpu.memory_space<vmem>>
    %dma_start3A_155 = tpu.memref_squeeze %dma_start3A_154 : memref<1x120xi32, #tpu.memory_space<vmem>> -> memref<120xi32, #tpu.memory_space<vmem>>
    %dma_start3A_156 = arith.constant 0 : i32
    %dma_start3A_157 = arith.constant 0 : i32
    %dma_start3A_158 = tpu.memref_slice %arg2[%dma_start3A_156, %dma_start3A_157] : memref<10112x128xf32, #tpu.memory_space<hbm>> -> memref<10112x128xf32, #tpu.memory_space<hbm>>
    tpu.enqueue_indirect_dma source(%dma_start3A_158 : memref<10112x128xf32, #tpu.memory_space<hbm>>) target(%dma_start3A_152 : memref<120x128xf32, #tpu.memory_space<vmem>>) offsets(%dma_start3A_155 : memref<120xi32, #tpu.memory_space<vmem>>) semaphore(%arg24 : memref<!tpu.dma_semaphore, #tpu.memory_space<semaphore_mem>>)
    %scan3A = arith.constant 0 : i32
    %scan3A_159 = arith.constant 0 : i32
    %scan3A_160 = arith.constant 14 : i32
    %scan3A_161 = arith.addi %scan3A_159, %scan3A_160 : i32
    %scan3A_162 = arith.constant 1 : i32
    %scan3A_163 = scf.for %scan3A_166 = %scan3A_159 to %scan3A_161 step %scan3A_162 iter_args(%scan3A_167 = %scan3A) -> (i32)  : i32 {
      %mul3A_168 = arith.constant 6 : i32
      %mul3A_169 = arith.muli %scan3A_166, %mul3A_168 : i32
      %add3A_170 = arith.constant 0 : i32
      %add3A_171 = arith.addi %mul3A_169, %add3A_170 : i32
      %add3A_172 = arith.constant 6 : i32
      %add3A_173 = arith.addi %add3A_171, %add3A_172 : i32
      %sub3A = arith.constant 1 : i32
      %sub3A_174 = arith.subi %add3A_173, %sub3A : i32
      %lt3A = arith.constant 84 : i32
      %lt3A_175 = arith.cmpi slt, %sub3A_174, %lt3A : i32
      %convert_element_type3A = arith.extui %lt3A_175 : i1 to i32
      %cond3A = arith.constant 0 : i32
      %cond3A_176 = arith.cmpi ne, %convert_element_type3A, %cond3A : i32
      scf.if %cond3A_176 {
        %add3A_452 = arith.constant 6 : i32
        %add3A_453 = arith.addi %add3A_171, %add3A_452 : i32
        %sub3A_454 = arith.constant 1 : i32
        %sub3A_455 = arith.subi %add3A_453, %sub3A_454 : i32
        %mul3A_456 = arith.constant 120 : i32
        %mul3A_457 = arith.muli %sub3A_455, %mul3A_456 : i32
        %add3A_458 = arith.addi %mul3A_4, %mul3A_457 : i32
        %dma_start3A_459 = arith.constant 5 : i32
        %dma_start3A_460 = arith.constant 0 : i32
        %dma_start3A_461 = tpu.memref_slice %arg7[%dma_start3A_459, %dma_start3A_460] : memref<6x120xi32, #tpu.memory_space<vmem>> -> memref<1x120xi32, #tpu.memory_space<vmem>>
        %dma_start3A_462 = tpu.memref_squeeze %dma_start3A_461 : memref<1x120xi32, #tpu.memory_space<vmem>> -> memref<120xi32, #tpu.memory_space<vmem>>
        %dma_start3A_463 = tpu.memref_slice %arg3[%add3A_458] : memref<322560xi32, #tpu.memory_space<hbm>> -> memref<120xi32, #tpu.memory_space<hbm>>
        %dma_start3A_464 = arith.constant 0 : i32
        %dma_start3A_465 = tpu.memref_slice %arg7[%dma_start3A_459, %dma_start3A_464] : memref<6x120xi32, #tpu.memory_space<vmem>> -> memref<1x120xi32, #tpu.memory_space<vmem>>
        %dma_start3A_466 = tpu.memref_squeeze %dma_start3A_465 : memref<1x120xi32, #tpu.memory_space<vmem>> -> memref<120xi32, #tpu.memory_space<vmem>>
        %dma_start3A_467 = tpu.memref_slice %arg3[%add3A_458] : memref<322560xi32, #tpu.memory_space<hbm>> -> memref<120xi32, #tpu.memory_space<hbm>>
        tpu.enqueue_dma source(%dma_start3A_467 : memref<120xi32, #tpu.memory_space<hbm>>) target(%dma_start3A_466 : memref<120xi32, #tpu.memory_space<vmem>>) target_semaphore(%arg16 : memref<!tpu.dma_semaphore, #tpu.memory_space<semaphore_mem>>)
        %mul3A_468 = arith.constant 120 : i32
        %mul3A_469 = arith.muli %sub3A_455, %mul3A_468 : i32
        %add3A_470 = arith.addi %mul3A_4, %mul3A_469 : i32
        %dma_start3A_471 = arith.constant 5 : i32
        %dma_start3A_472 = arith.constant 0 : i32
        %dma_start3A_473 = tpu.memref_slice %arg8[%dma_start3A_471, %dma_start3A_472] : memref<6x120xi32, #tpu.memory_space<vmem>> -> memref<1x120xi32, #tpu.memory_space<vmem>>
        %dma_start3A_474 = tpu.memref_squeeze %dma_start3A_473 : memref<1x120xi32, #tpu.memory_space<vmem>> -> memref<120xi32, #tpu.memory_space<vmem>>
        %dma_start3A_475 = tpu.memref_slice %arg4[%add3A_470] : memref<322560xi32, #tpu.memory_space<hbm>> -> memref<120xi32, #tpu.memory_space<hbm>>
        %dma_start3A_476 = arith.constant 0 : i32
        %dma_start3A_477 = tpu.memref_slice %arg8[%dma_start3A_471, %dma_start3A_476] : memref<6x120xi32, #tpu.memory_space<vmem>> -> memref<1x120xi32, #tpu.memory_space<vmem>>
        %dma_start3A_478 = tpu.memref_squeeze %dma_start3A_477 : memref<1x120xi32, #tpu.memory_space<vmem>> -> memref<120xi32, #tpu.memory_space<vmem>>
        %dma_start3A_479 = tpu.memref_slice %arg4[%add3A_470] : memref<322560xi32, #tpu.memory_space<hbm>> -> memref<120xi32, #tpu.memory_space<hbm>>
        tpu.enqueue_dma source(%dma_start3A_479 : memref<120xi32, #tpu.memory_space<hbm>>) target(%dma_start3A_478 : memref<120xi32, #tpu.memory_space<vmem>>) target_semaphore(%arg22 : memref<!tpu.dma_semaphore, #tpu.memory_space<semaphore_mem>>)
      } else {
      }
      %add3A_177 = arith.constant 3 : i32
      %add3A_178 = arith.addi %add3A_171, %add3A_177 : i32
      %sub3A_179 = arith.constant 1 : i32
      %sub3A_180 = arith.subi %add3A_178, %sub3A_179 : i32
      %lt3A_181 = arith.constant 84 : i32
      %lt3A_182 = arith.cmpi slt, %sub3A_180, %lt3A_181 : i32
      %convert_element_type3A_183 = arith.extui %lt3A_182 : i1 to i32
      %cond3A_184 = arith.constant 0 : i32
      %cond3A_185 = arith.cmpi ne, %convert_element_type3A_183, %cond3A_184 : i32
      scf.if %cond3A_185 {
        %add3A_452 = arith.constant 3 : i32
        %add3A_453 = arith.addi %add3A_171, %add3A_452 : i32
        %sub3A_454 = arith.constant 1 : i32
        %sub3A_455 = arith.subi %add3A_453, %sub3A_454 : i32
        %mul3A_456 = arith.constant 120 : i32
        %mul3A_457 = arith.muli %sub3A_455, %mul3A_456 : i32
        %add3A_458 = arith.addi %mul3A_4, %mul3A_457 : i32
        %dma_wait3A_459 = arith.constant 2 : i32
        %dma_wait3A_460 = arith.constant 0 : i32
        %dma_wait3A_461 = tpu.memref_slice %arg7[%dma_wait3A_459, %dma_wait3A_460] : memref<6x120xi32, #tpu.memory_space<vmem>> -> memref<1x120xi32, #tpu.memory_space<vmem>>
        %dma_wait3A_462 = tpu.memref_squeeze %dma_wait3A_461 : memref<1x120xi32, #tpu.memory_space<vmem>> -> memref<120xi32, #tpu.memory_space<vmem>>
        %dma_wait3A_463 = tpu.memref_slice %arg3[%add3A_458] : memref<322560xi32, #tpu.memory_space<hbm>> -> memref<120xi32, #tpu.memory_space<hbm>>
        %dma_wait3A_464 = arith.constant 0 : i32
        %dma_wait3A_465 = tpu.memref_slice %arg7[%dma_wait3A_459, %dma_wait3A_464] : memref<6x120xi32, #tpu.memory_space<vmem>> -> memref<1x120xi32, #tpu.memory_space<vmem>>
        %dma_wait3A_466 = tpu.memref_squeeze %dma_wait3A_465 : memref<1x120xi32, #tpu.memory_space<vmem>> -> memref<120xi32, #tpu.memory_space<vmem>>
        %dma_wait3A_467 = tpu.memref_slice %arg3[%add3A_458] : memref<322560xi32, #tpu.memory_space<hbm>> -> memref<120xi32, #tpu.memory_space<hbm>>
        tpu.wait_dma2 semaphore(%arg13 : memref<!tpu.dma_semaphore, #tpu.memory_space<semaphore_mem>>) src(%dma_wait3A_467 : memref<120xi32, #tpu.memory_space<hbm>>) dst(%dma_wait3A_466 : memref<120xi32, #tpu.memory_space<vmem>>)
        %dma_start3A_468 = arith.constant 2 : i32
        %dma_start3A_469 = arith.constant 2 : i32
        %dma_start3A_470 = arith.constant 0 : i32
        %dma_start3A_471 = arith.constant 0 : i32
        %dma_start3A_472 = tpu.memref_slice %arg9[%dma_start3A_469, %dma_start3A_470, %dma_start3A_471] : memref<3x120x128xf32, #tpu.memory_space<vmem>> -> memref<1x120x128xf32, #tpu.memory_space<vmem>>
        %dma_start3A_473 = tpu.memref_squeeze %dma_start3A_472 : memref<1x120x128xf32, #tpu.memory_space<vmem>> -> memref<120x128xf32, #tpu.memory_space<vmem>>
        %dma_start3A_474 = arith.constant 0 : i32
        %dma_start3A_475 = tpu.memref_slice %arg7[%dma_start3A_468, %dma_start3A_474] : memref<6x120xi32, #tpu.memory_space<vmem>> -> memref<1x120xi32, #tpu.memory_space<vmem>>
        %dma_start3A_476 = tpu.memref_squeeze %dma_start3A_475 : memref<1x120xi32, #tpu.memory_space<vmem>> -> memref<120xi32, #tpu.memory_space<vmem>>
        %dma_start3A_477 = arith.constant 0 : i32
        %dma_start3A_478 = arith.constant 0 : i32
        %dma_start3A_479 = tpu.memref_slice %arg2[%dma_start3A_477, %dma_start3A_478] : memref<10112x128xf32, #tpu.memory_space<hbm>> -> memref<10112x128xf32, #tpu.memory_space<hbm>>
        tpu.enqueue_indirect_dma source(%dma_start3A_479 : memref<10112x128xf32, #tpu.memory_space<hbm>>) target(%dma_start3A_473 : memref<120x128xf32, #tpu.memory_space<vmem>>) offsets(%dma_start3A_476 : memref<120xi32, #tpu.memory_space<vmem>>) semaphore(%arg25 : memref<!tpu.dma_semaphore, #tpu.memory_space<semaphore_mem>>)
      } else {
      }
      %dma_wait3A_186 = arith.constant 0 : i32
      %dma_wait3A_187 = arith.constant 0 : i32
      %dma_wait3A_188 = arith.constant 0 : i32
      %dma_wait3A_189 = arith.constant 0 : i32
      %dma_wait3A_190 = tpu.memref_slice %arg9[%dma_wait3A_187, %dma_wait3A_188, %dma_wait3A_189] : memref<3x120x128xf32, #tpu.memory_space<vmem>> -> memref<1x120x128xf32, #tpu.memory_space<vmem>>
      %dma_wait3A_191 = tpu.memref_squeeze %dma_wait3A_190 : memref<1x120x128xf32, #tpu.memory_space<vmem>> -> memref<120x128xf32, #tpu.memory_space<vmem>>
      %dma_wait3A_192 = arith.constant 0 : i32
      %dma_wait3A_193 = tpu.memref_slice %arg7[%dma_wait3A_186, %dma_wait3A_192] : memref<6x120xi32, #tpu.memory_space<vmem>> -> memref<1x120xi32, #tpu.memory_space<vmem>>
      %dma_wait3A_194 = tpu.memref_squeeze %dma_wait3A_193 : memref<1x120xi32, #tpu.memory_space<vmem>> -> memref<120xi32, #tpu.memory_space<vmem>>
      %dma_wait3A_195 = arith.constant 0 : i32
      %dma_wait3A_196 = arith.constant 0 : i32
      %dma_wait3A_197 = tpu.memref_slice %arg2[%dma_wait3A_195, %dma_wait3A_196] : memref<10112x128xf32, #tpu.memory_space<hbm>> -> memref<10112x128xf32, #tpu.memory_space<hbm>>
      tpu.wait_indirect_dma semaphore(%arg23 : memref<!tpu.dma_semaphore, #tpu.memory_space<semaphore_mem>>) src(%dma_wait3A_197 : memref<10112x128xf32, #tpu.memory_space<hbm>>) dst(%dma_wait3A_191 : memref<120x128xf32, #tpu.memory_space<vmem>>)
      %mul3A_198 = arith.constant 120 : i32
      %mul3A_199 = arith.muli %add3A_171, %mul3A_198 : i32
      %add3A_200 = arith.addi %mul3A_4, %mul3A_199 : i32
      %dma_wait3A_201 = arith.constant 0 : i32
      %dma_wait3A_202 = arith.constant 0 : i32
      %dma_wait3A_203 = tpu.memref_slice %arg8[%dma_wait3A_201, %dma_wait3A_202] : memref<6x120xi32, #tpu.memory_space<vmem>> -> memref<1x120xi32, #tpu.memory_space<vmem>>
      %dma_wait3A_204 = tpu.memref_squeeze %dma_wait3A_203 : memref<1x120xi32, #tpu.memory_space<vmem>> -> memref<120xi32, #tpu.memory_space<vmem>>
      %dma_wait3A_205 = tpu.memref_slice %arg4[%add3A_200] : memref<322560xi32, #tpu.memory_space<hbm>> -> memref<120xi32, #tpu.memory_space<hbm>>
      %dma_wait3A_206 = arith.constant 0 : i32
      %dma_wait3A_207 = tpu.memref_slice %arg8[%dma_wait3A_201, %dma_wait3A_206] : memref<6x120xi32, #tpu.memory_space<vmem>> -> memref<1x120xi32, #tpu.memory_space<vmem>>
      %dma_wait3A_208 = tpu.memref_squeeze %dma_wait3A_207 : memref<1x120xi32, #tpu.memory_space<vmem>> -> memref<120xi32, #tpu.memory_space<vmem>>
      %dma_wait3A_209 = tpu.memref_slice %arg4[%add3A_200] : memref<322560xi32, #tpu.memory_space<hbm>> -> memref<120xi32, #tpu.memory_space<hbm>>
      tpu.wait_dma2 semaphore(%arg17 : memref<!tpu.dma_semaphore, #tpu.memory_space<semaphore_mem>>) src(%dma_wait3A_209 : memref<120xi32, #tpu.memory_space<hbm>>) dst(%dma_wait3A_208 : memref<120xi32, #tpu.memory_space<vmem>>)
      %run_scoped3A = arith.constant 0 : i32
      %run_scoped3A_210 = arith.constant 0 : i32
      "tpu.region"() ({
        %run_scoped3A_452 = tpu.sem_alloc : memref<!tpu.dma_semaphore, #tpu.memory_space<semaphore_mem>>
        %dma_start3A_453 = arith.constant 0 : i32
        %dma_start3A_454 = arith.constant 0 : i32
        %dma_start3A_455 = tpu.memref_slice %arg9[%run_scoped3A, %dma_start3A_453, %dma_start3A_454] : memref<3x120x128xf32, #tpu.memory_space<vmem>> -> memref<1x120x128xf32, #tpu.memory_space<vmem>>
        %dma_start3A_456 = tpu.memref_squeeze %dma_start3A_455 : memref<1x120x128xf32, #tpu.memory_space<vmem>> -> memref<120x128xf32, #tpu.memory_space<vmem>>
        %dma_start3A_457 = arith.constant 0 : i32
        %dma_start3A_458 = tpu.memref_slice %arg8[%run_scoped3A_210, %dma_start3A_457] : memref<6x120xi32, #tpu.memory_space<vmem>> -> memref<1x120xi32, #tpu.memory_space<vmem>>
        %dma_start3A_459 = tpu.memref_squeeze %dma_start3A_458 : memref<1x120xi32, #tpu.memory_space<vmem>> -> memref<120xi32, #tpu.memory_space<vmem>>
        %dma_start3A_460 = arith.constant 0 : i32
        %dma_start3A_461 = arith.constant 0 : i32
        %dma_start3A_462 = tpu.memref_slice %arg10[%dma_start3A_460, %dma_start3A_461] : memref<10112x128xf32, #tpu.memory_space<vmem_shared>> -> memref<10112x128xf32, #tpu.memory_space<vmem_shared>>
        tpu.enqueue_indirect_dma source(%dma_start3A_456 : memref<120x128xf32, #tpu.memory_space<vmem>>) target(%dma_start3A_462 : memref<10112x128xf32, #tpu.memory_space<vmem_shared>>) offsets(%dma_start3A_459 : memref<120xi32, #tpu.memory_space<vmem>>) semaphore(%run_scoped3A_452 : memref<!tpu.dma_semaphore, #tpu.memory_space<semaphore_mem>>) {add = true}
        %dma_wait3A_463 = arith.constant 0 : i32
        %dma_wait3A_464 = arith.constant 0 : i32
        %dma_wait3A_465 = tpu.memref_slice %arg9[%run_scoped3A, %dma_wait3A_463, %dma_wait3A_464] : memref<3x120x128xf32, #tpu.memory_space<vmem>> -> memref<1x120x128xf32, #tpu.memory_space<vmem>>
        %dma_wait3A_466 = tpu.memref_squeeze %dma_wait3A_465 : memref<1x120x128xf32, #tpu.memory_space<vmem>> -> memref<120x128xf32, #tpu.memory_space<vmem>>
        %dma_wait3A_467 = arith.constant 0 : i32
        %dma_wait3A_468 = tpu.memref_slice %arg8[%run_scoped3A_210, %dma_wait3A_467] : memref<6x120xi32, #tpu.memory_space<vmem>> -> memref<1x120xi32, #tpu.memory_space<vmem>>
        %dma_wait3A_469 = tpu.memref_squeeze %dma_wait3A_468 : memref<1x120xi32, #tpu.memory_space<vmem>> -> memref<120xi32, #tpu.memory_space<vmem>>
        %dma_wait3A_470 = arith.constant 0 : i32
        %dma_wait3A_471 = arith.constant 0 : i32
        %dma_wait3A_472 = tpu.memref_slice %arg10[%dma_wait3A_470, %dma_wait3A_471] : memref<10112x128xf32, #tpu.memory_space<vmem_shared>> -> memref<10112x128xf32, #tpu.memory_space<vmem_shared>>
        tpu.wait_indirect_dma semaphore(%run_scoped3A_452 : memref<!tpu.dma_semaphore, #tpu.memory_space<semaphore_mem>>) src(%dma_wait3A_466 : memref<120x128xf32, #tpu.memory_space<vmem>>) dst(%dma_wait3A_472 : memref<10112x128xf32, #tpu.memory_space<vmem_shared>>)
        tpu.yield
      }) : () -> ()
      %mul3A_211 = arith.constant 6 : i32
      %mul3A_212 = arith.muli %scan3A_166, %mul3A_211 : i32
      %add3A_213 = arith.constant 1 : i32
      %add3A_214 = arith.addi %mul3A_212, %add3A_213 : i32
      %add3A_215 = arith.constant 6 : i32
      %add3A_216 = arith.addi %add3A_214, %add3A_215 : i32
      %sub3A_217 = arith.constant 1 : i32
      %sub3A_218 = arith.subi %add3A_216, %sub3A_217 : i32
      %lt3A_219 = arith.constant 84 : i32
      %lt3A_220 = arith.cmpi slt, %sub3A_218, %lt3A_219 : i32
      %convert_element_type3A_221 = arith.extui %lt3A_220 : i1 to i32
      %cond3A_222 = arith.constant 0 : i32
      %cond3A_223 = arith.cmpi ne, %convert_element_type3A_221, %cond3A_222 : i32
      scf.if %cond3A_223 {
        %add3A_452 = arith.constant 6 : i32
        %add3A_453 = arith.addi %add3A_214, %add3A_452 : i32
        %sub3A_454 = arith.constant 1 : i32
        %sub3A_455 = arith.subi %add3A_453, %sub3A_454 : i32
        %mul3A_456 = arith.constant 120 : i32
        %mul3A_457 = arith.muli %sub3A_455, %mul3A_456 : i32
        %add3A_458 = arith.addi %mul3A_4, %mul3A_457 : i32
        %dma_start3A_459 = arith.constant 0 : i32
        %dma_start3A_460 = arith.constant 0 : i32
        %dma_start3A_461 = tpu.memref_slice %arg7[%dma_start3A_459, %dma_start3A_460] : memref<6x120xi32, #tpu.memory_space<vmem>> -> memref<1x120xi32, #tpu.memory_space<vmem>>
        %dma_start3A_462 = tpu.memref_squeeze %dma_start3A_461 : memref<1x120xi32, #tpu.memory_space<vmem>> -> memref<120xi32, #tpu.memory_space<vmem>>
        %dma_start3A_463 = tpu.memref_slice %arg3[%add3A_458] : memref<322560xi32, #tpu.memory_space<hbm>> -> memref<120xi32, #tpu.memory_space<hbm>>
        %dma_start3A_464 = arith.constant 0 : i32
        %dma_start3A_465 = tpu.memref_slice %arg7[%dma_start3A_459, %dma_start3A_464] : memref<6x120xi32, #tpu.memory_space<vmem>> -> memref<1x120xi32, #tpu.memory_space<vmem>>
        %dma_start3A_466 = tpu.memref_squeeze %dma_start3A_465 : memref<1x120xi32, #tpu.memory_space<vmem>> -> memref<120xi32, #tpu.memory_space<vmem>>
        %dma_start3A_467 = tpu.memref_slice %arg3[%add3A_458] : memref<322560xi32, #tpu.memory_space<hbm>> -> memref<120xi32, #tpu.memory_space<hbm>>
        tpu.enqueue_dma source(%dma_start3A_467 : memref<120xi32, #tpu.memory_space<hbm>>) target(%dma_start3A_466 : memref<120xi32, #tpu.memory_space<vmem>>) target_semaphore(%arg11 : memref<!tpu.dma_semaphore, #tpu.memory_space<semaphore_mem>>)
        %mul3A_468 = arith.constant 120 : i32
        %mul3A_469 = arith.muli %sub3A_455, %mul3A_468 : i32
        %add3A_470 = arith.addi %mul3A_4, %mul3A_469 : i32
        %dma_start3A_471 = arith.constant 0 : i32
        %dma_start3A_472 = arith.constant 0 : i32
        %dma_start3A_473 = tpu.memref_slice %arg8[%dma_start3A_471, %dma_start3A_472] : memref<6x120xi32, #tpu.memory_space<vmem>> -> memref<1x120xi32, #tpu.memory_space<vmem>>
        %dma_start3A_474 = tpu.memref_squeeze %dma_start3A_473 : memref<1x120xi32, #tpu.memory_space<vmem>> -> memref<120xi32, #tpu.memory_space<vmem>>
        %dma_start3A_475 = tpu.memref_slice %arg4[%add3A_470] : memref<322560xi32, #tpu.memory_space<hbm>> -> memref<120xi32, #tpu.memory_space<hbm>>
        %dma_start3A_476 = arith.constant 0 : i32
        %dma_start3A_477 = tpu.memref_slice %arg8[%dma_start3A_471, %dma_start3A_476] : memref<6x120xi32, #tpu.memory_space<vmem>> -> memref<1x120xi32, #tpu.memory_space<vmem>>
        %dma_start3A_478 = tpu.memref_squeeze %dma_start3A_477 : memref<1x120xi32, #tpu.memory_space<vmem>> -> memref<120xi32, #tpu.memory_space<vmem>>
        %dma_start3A_479 = tpu.memref_slice %arg4[%add3A_470] : memref<322560xi32, #tpu.memory_space<hbm>> -> memref<120xi32, #tpu.memory_space<hbm>>
        tpu.enqueue_dma source(%dma_start3A_479 : memref<120xi32, #tpu.memory_space<hbm>>) target(%dma_start3A_478 : memref<120xi32, #tpu.memory_space<vmem>>) target_semaphore(%arg17 : memref<!tpu.dma_semaphore, #tpu.memory_space<semaphore_mem>>)
      } else {
      }
      %add3A_224 = arith.constant 3 : i32
      %add3A_225 = arith.addi %add3A_214, %add3A_224 : i32
      %sub3A_226 = arith.constant 1 : i32
      %sub3A_227 = arith.subi %add3A_225, %sub3A_226 : i32
      %lt3A_228 = arith.constant 84 : i32
      %lt3A_229 = arith.cmpi slt, %sub3A_227, %lt3A_228 : i32
      %convert_element_type3A_230 = arith.extui %lt3A_229 : i1 to i32
      %cond3A_231 = arith.constant 0 : i32
      %cond3A_232 = arith.cmpi ne, %convert_element_type3A_230, %cond3A_231 : i32
      scf.if %cond3A_232 {
        %add3A_452 = arith.constant 3 : i32
        %add3A_453 = arith.addi %add3A_214, %add3A_452 : i32
        %sub3A_454 = arith.constant 1 : i32
        %sub3A_455 = arith.subi %add3A_453, %sub3A_454 : i32
        %mul3A_456 = arith.constant 120 : i32
        %mul3A_457 = arith.muli %sub3A_455, %mul3A_456 : i32
        %add3A_458 = arith.addi %mul3A_4, %mul3A_457 : i32
        %dma_wait3A_459 = arith.constant 3 : i32
        %dma_wait3A_460 = arith.constant 0 : i32
        %dma_wait3A_461 = tpu.memref_slice %arg7[%dma_wait3A_459, %dma_wait3A_460] : memref<6x120xi32, #tpu.memory_space<vmem>> -> memref<1x120xi32, #tpu.memory_space<vmem>>
        %dma_wait3A_462 = tpu.memref_squeeze %dma_wait3A_461 : memref<1x120xi32, #tpu.memory_space<vmem>> -> memref<120xi32, #tpu.memory_space<vmem>>
        %dma_wait3A_463 = tpu.memref_slice %arg3[%add3A_458] : memref<322560xi32, #tpu.memory_space<hbm>> -> memref<120xi32, #tpu.memory_space<hbm>>
        %dma_wait3A_464 = arith.constant 0 : i32
        %dma_wait3A_465 = tpu.memref_slice %arg7[%dma_wait3A_459, %dma_wait3A_464] : memref<6x120xi32, #tpu.memory_space<vmem>> -> memref<1x120xi32, #tpu.memory_space<vmem>>
        %dma_wait3A_466 = tpu.memref_squeeze %dma_wait3A_465 : memref<1x120xi32, #tpu.memory_space<vmem>> -> memref<120xi32, #tpu.memory_space<vmem>>
        %dma_wait3A_467 = tpu.memref_slice %arg3[%add3A_458] : memref<322560xi32, #tpu.memory_space<hbm>> -> memref<120xi32, #tpu.memory_space<hbm>>
        tpu.wait_dma2 semaphore(%arg14 : memref<!tpu.dma_semaphore, #tpu.memory_space<semaphore_mem>>) src(%dma_wait3A_467 : memref<120xi32, #tpu.memory_space<hbm>>) dst(%dma_wait3A_466 : memref<120xi32, #tpu.memory_space<vmem>>)
        %dma_start3A_468 = arith.constant 3 : i32
        %dma_start3A_469 = arith.constant 0 : i32
        %dma_start3A_470 = arith.constant 0 : i32
        %dma_start3A_471 = arith.constant 0 : i32
        %dma_start3A_472 = tpu.memref_slice %arg9[%dma_start3A_469, %dma_start3A_470, %dma_start3A_471] : memref<3x120x128xf32, #tpu.memory_space<vmem>> -> memref<1x120x128xf32, #tpu.memory_space<vmem>>
        %dma_start3A_473 = tpu.memref_squeeze %dma_start3A_472 : memref<1x120x128xf32, #tpu.memory_space<vmem>> -> memref<120x128xf32, #tpu.memory_space<vmem>>
        %dma_start3A_474 = arith.constant 0 : i32
        %dma_start3A_475 = tpu.memref_slice %arg7[%dma_start3A_468, %dma_start3A_474] : memref<6x120xi32, #tpu.memory_space<vmem>> -> memref<1x120xi32, #tpu.memory_space<vmem>>
        %dma_start3A_476 = tpu.memref_squeeze %dma_start3A_475 : memref<1x120xi32, #tpu.memory_space<vmem>> -> memref<120xi32, #tpu.memory_space<vmem>>
        %dma_start3A_477 = arith.constant 0 : i32
        %dma_start3A_478 = arith.constant 0 : i32
        %dma_start3A_479 = tpu.memref_slice %arg2[%dma_start3A_477, %dma_start3A_478] : memref<10112x128xf32, #tpu.memory_space<hbm>> -> memref<10112x128xf32, #tpu.memory_space<hbm>>
        tpu.enqueue_indirect_dma source(%dma_start3A_479 : memref<10112x128xf32, #tpu.memory_space<hbm>>) target(%dma_start3A_473 : memref<120x128xf32, #tpu.memory_space<vmem>>) offsets(%dma_start3A_476 : memref<120xi32, #tpu.memory_space<vmem>>) semaphore(%arg23 : memref<!tpu.dma_semaphore, #tpu.memory_space<semaphore_mem>>)
      } else {
      }
      %dma_wait3A_233 = arith.constant 1 : i32
      %dma_wait3A_234 = arith.constant 1 : i32
      %dma_wait3A_235 = arith.constant 0 : i32
      %dma_wait3A_236 = arith.constant 0 : i32
      %dma_wait3A_237 = tpu.memref_slice %arg9[%dma_wait3A_234, %dma_wait3A_235, %dma_wait3A_236] : memref<3x120x128xf32, #tpu.memory_space<vmem>> -> memref<1x120x128xf32, #tpu.memory_space<vmem>>
      %dma_wait3A_238 = tpu.memref_squeeze %dma_wait3A_237 : memref<1x120x128xf32, #tpu.memory_space<vmem>> -> memref<120x128xf32, #tpu.memory_space<vmem>>
      %dma_wait3A_239 = arith.constant 0 : i32
      %dma_wait3A_240 = tpu.memref_slice %arg7[%dma_wait3A_233, %dma_wait3A_239] : memref<6x120xi32, #tpu.memory_space<vmem>> -> memref<1x120xi32, #tpu.memory_space<vmem>>
      %dma_wait3A_241 = tpu.memref_squeeze %dma_wait3A_240 : memref<1x120xi32, #tpu.memory_space<vmem>> -> memref<120xi32, #tpu.memory_space<vmem>>
      %dma_wait3A_242 = arith.constant 0 : i32
      %dma_wait3A_243 = arith.constant 0 : i32
      %dma_wait3A_244 = tpu.memref_slice %arg2[%dma_wait3A_242, %dma_wait3A_243] : memref<10112x128xf32, #tpu.memory_space<hbm>> -> memref<10112x128xf32, #tpu.memory_space<hbm>>
      tpu.wait_indirect_dma semaphore(%arg24 : memref<!tpu.dma_semaphore, #tpu.memory_space<semaphore_mem>>) src(%dma_wait3A_244 : memref<10112x128xf32, #tpu.memory_space<hbm>>) dst(%dma_wait3A_238 : memref<120x128xf32, #tpu.memory_space<vmem>>)
      %mul3A_245 = arith.constant 120 : i32
      %mul3A_246 = arith.muli %add3A_214, %mul3A_245 : i32
      %add3A_247 = arith.addi %mul3A_4, %mul3A_246 : i32
      %dma_wait3A_248 = arith.constant 1 : i32
      %dma_wait3A_249 = arith.constant 0 : i32
      %dma_wait3A_250 = tpu.memref_slice %arg8[%dma_wait3A_248, %dma_wait3A_249] : memref<6x120xi32, #tpu.memory_space<vmem>> -> memref<1x120xi32, #tpu.memory_space<vmem>>
      %dma_wait3A_251 = tpu.memref_squeeze %dma_wait3A_250 : memref<1x120xi32, #tpu.memory_space<vmem>> -> memref<120xi32, #tpu.memory_space<vmem>>
      %dma_wait3A_252 = tpu.memref_slice %arg4[%add3A_247] : memref<322560xi32, #tpu.memory_space<hbm>> -> memref<120xi32, #tpu.memory_space<hbm>>
      %dma_wait3A_253 = arith.constant 0 : i32
      %dma_wait3A_254 = tpu.memref_slice %arg8[%dma_wait3A_248, %dma_wait3A_253] : memref<6x120xi32, #tpu.memory_space<vmem>> -> memref<1x120xi32, #tpu.memory_space<vmem>>
      %dma_wait3A_255 = tpu.memref_squeeze %dma_wait3A_254 : memref<1x120xi32, #tpu.memory_space<vmem>> -> memref<120xi32, #tpu.memory_space<vmem>>
      %dma_wait3A_256 = tpu.memref_slice %arg4[%add3A_247] : memref<322560xi32, #tpu.memory_space<hbm>> -> memref<120xi32, #tpu.memory_space<hbm>>
      tpu.wait_dma2 semaphore(%arg18 : memref<!tpu.dma_semaphore, #tpu.memory_space<semaphore_mem>>) src(%dma_wait3A_256 : memref<120xi32, #tpu.memory_space<hbm>>) dst(%dma_wait3A_255 : memref<120xi32, #tpu.memory_space<vmem>>)
      %run_scoped3A_257 = arith.constant 1 : i32
      %run_scoped3A_258 = arith.constant 1 : i32
      "tpu.region"() ({
        %run_scoped3A_452 = tpu.sem_alloc : memref<!tpu.dma_semaphore, #tpu.memory_space<semaphore_mem>>
        %dma_start3A_453 = arith.constant 0 : i32
        %dma_start3A_454 = arith.constant 0 : i32
        %dma_start3A_455 = tpu.memref_slice %arg9[%run_scoped3A_257, %dma_start3A_453, %dma_start3A_454] : memref<3x120x128xf32, #tpu.memory_space<vmem>> -> memref<1x120x128xf32, #tpu.memory_space<vmem>>
        %dma_start3A_456 = tpu.memref_squeeze %dma_start3A_455 : memref<1x120x128xf32, #tpu.memory_space<vmem>> -> memref<120x128xf32, #tpu.memory_space<vmem>>
        %dma_start3A_457 = arith.constant 0 : i32
        %dma_start3A_458 = tpu.memref_slice %arg8[%run_scoped3A_258, %dma_start3A_457] : memref<6x120xi32, #tpu.memory_space<vmem>> -> memref<1x120xi32, #tpu.memory_space<vmem>>
        %dma_start3A_459 = tpu.memref_squeeze %dma_start3A_458 : memref<1x120xi32, #tpu.memory_space<vmem>> -> memref<120xi32, #tpu.memory_space<vmem>>
        %dma_start3A_460 = arith.constant 0 : i32
        %dma_start3A_461 = arith.constant 0 : i32
        %dma_start3A_462 = tpu.memref_slice %arg10[%dma_start3A_460, %dma_start3A_461] : memref<10112x128xf32, #tpu.memory_space<vmem_shared>> -> memref<10112x128xf32, #tpu.memory_space<vmem_shared>>
        tpu.enqueue_indirect_dma source(%dma_start3A_456 : memref<120x128xf32, #tpu.memory_space<vmem>>) target(%dma_start3A_462 : memref<10112x128xf32, #tpu.memory_space<vmem_shared>>) offsets(%dma_start3A_459 : memref<120xi32, #tpu.memory_space<vmem>>) semaphore(%run_scoped3A_452 : memref<!tpu.dma_semaphore, #tpu.memory_space<semaphore_mem>>) {add = true}
        %dma_wait3A_463 = arith.constant 0 : i32
        %dma_wait3A_464 = arith.constant 0 : i32
        %dma_wait3A_465 = tpu.memref_slice %arg9[%run_scoped3A_257, %dma_wait3A_463, %dma_wait3A_464] : memref<3x120x128xf32, #tpu.memory_space<vmem>> -> memref<1x120x128xf32, #tpu.memory_space<vmem>>
        %dma_wait3A_466 = tpu.memref_squeeze %dma_wait3A_465 : memref<1x120x128xf32, #tpu.memory_space<vmem>> -> memref<120x128xf32, #tpu.memory_space<vmem>>
        %dma_wait3A_467 = arith.constant 0 : i32
        %dma_wait3A_468 = tpu.memref_slice %arg8[%run_scoped3A_258, %dma_wait3A_467] : memref<6x120xi32, #tpu.memory_space<vmem>> -> memref<1x120xi32, #tpu.memory_space<vmem>>
        %dma_wait3A_469 = tpu.memref_squeeze %dma_wait3A_468 : memref<1x120xi32, #tpu.memory_space<vmem>> -> memref<120xi32, #tpu.memory_space<vmem>>
        %dma_wait3A_470 = arith.constant 0 : i32
        %dma_wait3A_471 = arith.constant 0 : i32
        %dma_wait3A_472 = tpu.memref_slice %arg10[%dma_wait3A_470, %dma_wait3A_471] : memref<10112x128xf32, #tpu.memory_space<vmem_shared>> -> memref<10112x128xf32, #tpu.memory_space<vmem_shared>>
        tpu.wait_indirect_dma semaphore(%run_scoped3A_452 : memref<!tpu.dma_semaphore, #tpu.memory_space<semaphore_mem>>) src(%dma_wait3A_466 : memref<120x128xf32, #tpu.memory_space<vmem>>) dst(%dma_wait3A_472 : memref<10112x128xf32, #tpu.memory_space<vmem_shared>>)
        tpu.yield
      }) : () -> ()
      %mul3A_259 = arith.constant 6 : i32
      %mul3A_260 = arith.muli %scan3A_166, %mul3A_259 : i32
      %add3A_261 = arith.constant 2 : i32
      %add3A_262 = arith.addi %mul3A_260, %add3A_261 : i32
      %add3A_263 = arith.constant 6 : i32
      %add3A_264 = arith.addi %add3A_262, %add3A_263 : i32
      %sub3A_265 = arith.constant 1 : i32
      %sub3A_266 = arith.subi %add3A_264, %sub3A_265 : i32
      %lt3A_267 = arith.constant 84 : i32
      %lt3A_268 = arith.cmpi slt, %sub3A_266, %lt3A_267 : i32
      %convert_element_type3A_269 = arith.extui %lt3A_268 : i1 to i32
      %cond3A_270 = arith.constant 0 : i32
      %cond3A_271 = arith.cmpi ne, %convert_element_type3A_269, %cond3A_270 : i32
      scf.if %cond3A_271 {
        %add3A_452 = arith.constant 6 : i32
        %add3A_453 = arith.addi %add3A_262, %add3A_452 : i32
        %sub3A_454 = arith.constant 1 : i32
        %sub3A_455 = arith.subi %add3A_453, %sub3A_454 : i32
        %mul3A_456 = arith.constant 120 : i32
        %mul3A_457 = arith.muli %sub3A_455, %mul3A_456 : i32
        %add3A_458 = arith.addi %mul3A_4, %mul3A_457 : i32
        %dma_start3A_459 = arith.constant 1 : i32
        %dma_start3A_460 = arith.constant 0 : i32
        %dma_start3A_461 = tpu.memref_slice %arg7[%dma_start3A_459, %dma_start3A_460] : memref<6x120xi32, #tpu.memory_space<vmem>> -> memref<1x120xi32, #tpu.memory_space<vmem>>
        %dma_start3A_462 = tpu.memref_squeeze %dma_start3A_461 : memref<1x120xi32, #tpu.memory_space<vmem>> -> memref<120xi32, #tpu.memory_space<vmem>>
        %dma_start3A_463 = tpu.memref_slice %arg3[%add3A_458] : memref<322560xi32, #tpu.memory_space<hbm>> -> memref<120xi32, #tpu.memory_space<hbm>>
        %dma_start3A_464 = arith.constant 0 : i32
        %dma_start3A_465 = tpu.memref_slice %arg7[%dma_start3A_459, %dma_start3A_464] : memref<6x120xi32, #tpu.memory_space<vmem>> -> memref<1x120xi32, #tpu.memory_space<vmem>>
        %dma_start3A_466 = tpu.memref_squeeze %dma_start3A_465 : memref<1x120xi32, #tpu.memory_space<vmem>> -> memref<120xi32, #tpu.memory_space<vmem>>
        %dma_start3A_467 = tpu.memref_slice %arg3[%add3A_458] : memref<322560xi32, #tpu.memory_space<hbm>> -> memref<120xi32, #tpu.memory_space<hbm>>
        tpu.enqueue_dma source(%dma_start3A_467 : memref<120xi32, #tpu.memory_space<hbm>>) target(%dma_start3A_466 : memref<120xi32, #tpu.memory_space<vmem>>) target_semaphore(%arg12 : memref<!tpu.dma_semaphore, #tpu.memory_space<semaphore_mem>>)
        %mul3A_468 = arith.constant 120 : i32
        %mul3A_469 = arith.muli %sub3A_455, %mul3A_468 : i32
        %add3A_470 = arith.addi %mul3A_4, %mul3A_469 : i32
        %dma_start3A_471 = arith.constant 1 : i32
        %dma_start3A_472 = arith.constant 0 : i32
        %dma_start3A_473 = tpu.memref_slice %arg8[%dma_start3A_471, %dma_start3A_472] : memref<6x120xi32, #tpu.memory_space<vmem>> -> memref<1x120xi32, #tpu.memory_space<vmem>>
        %dma_start3A_474 = tpu.memref_squeeze %dma_start3A_473 : memref<1x120xi32, #tpu.memory_space<vmem>> -> memref<120xi32, #tpu.memory_space<vmem>>
        %dma_start3A_475 = tpu.memref_slice %arg4[%add3A_470] : memref<322560xi32, #tpu.memory_space<hbm>> -> memref<120xi32, #tpu.memory_space<hbm>>
        %dma_start3A_476 = arith.constant 0 : i32
        %dma_start3A_477 = tpu.memref_slice %arg8[%dma_start3A_471, %dma_start3A_476] : memref<6x120xi32, #tpu.memory_space<vmem>> -> memref<1x120xi32, #tpu.memory_space<vmem>>
        %dma_start3A_478 = tpu.memref_squeeze %dma_start3A_477 : memref<1x120xi32, #tpu.memory_space<vmem>> -> memref<120xi32, #tpu.memory_space<vmem>>
        %dma_start3A_479 = tpu.memref_slice %arg4[%add3A_470] : memref<322560xi32, #tpu.memory_space<hbm>> -> memref<120xi32, #tpu.memory_space<hbm>>
        tpu.enqueue_dma source(%dma_start3A_479 : memref<120xi32, #tpu.memory_space<hbm>>) target(%dma_start3A_478 : memref<120xi32, #tpu.memory_space<vmem>>) target_semaphore(%arg18 : memref<!tpu.dma_semaphore, #tpu.memory_space<semaphore_mem>>)
      } else {
      }
      %add3A_272 = arith.constant 3 : i32
      %add3A_273 = arith.addi %add3A_262, %add3A_272 : i32
      %sub3A_274 = arith.constant 1 : i32
      %sub3A_275 = arith.subi %add3A_273, %sub3A_274 : i32
      %lt3A_276 = arith.constant 84 : i32
      %lt3A_277 = arith.cmpi slt, %sub3A_275, %lt3A_276 : i32
      %convert_element_type3A_278 = arith.extui %lt3A_277 : i1 to i32
      %cond3A_279 = arith.constant 0 : i32
      %cond3A_280 = arith.cmpi ne, %convert_element_type3A_278, %cond3A_279 : i32
      scf.if %cond3A_280 {
        %add3A_452 = arith.constant 3 : i32
        %add3A_453 = arith.addi %add3A_262, %add3A_452 : i32
        %sub3A_454 = arith.constant 1 : i32
        %sub3A_455 = arith.subi %add3A_453, %sub3A_454 : i32
        %mul3A_456 = arith.constant 120 : i32
        %mul3A_457 = arith.muli %sub3A_455, %mul3A_456 : i32
        %add3A_458 = arith.addi %mul3A_4, %mul3A_457 : i32
        %dma_wait3A_459 = arith.constant 4 : i32
        %dma_wait3A_460 = arith.constant 0 : i32
        %dma_wait3A_461 = tpu.memref_slice %arg7[%dma_wait3A_459, %dma_wait3A_460] : memref<6x120xi32, #tpu.memory_space<vmem>> -> memref<1x120xi32, #tpu.memory_space<vmem>>
        %dma_wait3A_462 = tpu.memref_squeeze %dma_wait3A_461 : memref<1x120xi32, #tpu.memory_space<vmem>> -> memref<120xi32, #tpu.memory_space<vmem>>
        %dma_wait3A_463 = tpu.memref_slice %arg3[%add3A_458] : memref<322560xi32, #tpu.memory_space<hbm>> -> memref<120xi32, #tpu.memory_space<hbm>>
        %dma_wait3A_464 = arith.constant 0 : i32
        %dma_wait3A_465 = tpu.memref_slice %arg7[%dma_wait3A_459, %dma_wait3A_464] : memref<6x120xi32, #tpu.memory_space<vmem>> -> memref<1x120xi32, #tpu.memory_space<vmem>>
        %dma_wait3A_466 = tpu.memref_squeeze %dma_wait3A_465 : memref<1x120xi32, #tpu.memory_space<vmem>> -> memref<120xi32, #tpu.memory_space<vmem>>
        %dma_wait3A_467 = tpu.memref_slice %arg3[%add3A_458] : memref<322560xi32, #tpu.memory_space<hbm>> -> memref<120xi32, #tpu.memory_space<hbm>>
        tpu.wait_dma2 semaphore(%arg15 : memref<!tpu.dma_semaphore, #tpu.memory_space<semaphore_mem>>) src(%dma_wait3A_467 : memref<120xi32, #tpu.memory_space<hbm>>) dst(%dma_wait3A_466 : memref<120xi32, #tpu.memory_space<vmem>>)
        %dma_start3A_468 = arith.constant 4 : i32
        %dma_start3A_469 = arith.constant 1 : i32
        %dma_start3A_470 = arith.constant 0 : i32
        %dma_start3A_471 = arith.constant 0 : i32
        %dma_start3A_472 = tpu.memref_slice %arg9[%dma_start3A_469, %dma_start3A_470, %dma_start3A_471] : memref<3x120x128xf32, #tpu.memory_space<vmem>> -> memref<1x120x128xf32, #tpu.memory_space<vmem>>
        %dma_start3A_473 = tpu.memref_squeeze %dma_start3A_472 : memref<1x120x128xf32, #tpu.memory_space<vmem>> -> memref<120x128xf32, #tpu.memory_space<vmem>>
        %dma_start3A_474 = arith.constant 0 : i32
        %dma_start3A_475 = tpu.memref_slice %arg7[%dma_start3A_468, %dma_start3A_474] : memref<6x120xi32, #tpu.memory_space<vmem>> -> memref<1x120xi32, #tpu.memory_space<vmem>>
        %dma_start3A_476 = tpu.memref_squeeze %dma_start3A_475 : memref<1x120xi32, #tpu.memory_space<vmem>> -> memref<120xi32, #tpu.memory_space<vmem>>
        %dma_start3A_477 = arith.constant 0 : i32
        %dma_start3A_478 = arith.constant 0 : i32
        %dma_start3A_479 = tpu.memref_slice %arg2[%dma_start3A_477, %dma_start3A_478] : memref<10112x128xf32, #tpu.memory_space<hbm>> -> memref<10112x128xf32, #tpu.memory_space<hbm>>
        tpu.enqueue_indirect_dma source(%dma_start3A_479 : memref<10112x128xf32, #tpu.memory_space<hbm>>) target(%dma_start3A_473 : memref<120x128xf32, #tpu.memory_space<vmem>>) offsets(%dma_start3A_476 : memref<120xi32, #tpu.memory_space<vmem>>) semaphore(%arg24 : memref<!tpu.dma_semaphore, #tpu.memory_space<semaphore_mem>>)
      } else {
      }
      %dma_wait3A_281 = arith.constant 2 : i32
      %dma_wait3A_282 = arith.constant 2 : i32
      %dma_wait3A_283 = arith.constant 0 : i32
      %dma_wait3A_284 = arith.constant 0 : i32
      %dma_wait3A_285 = tpu.memref_slice %arg9[%dma_wait3A_282, %dma_wait3A_283, %dma_wait3A_284] : memref<3x120x128xf32, #tpu.memory_space<vmem>> -> memref<1x120x128xf32, #tpu.memory_space<vmem>>
      %dma_wait3A_286 = tpu.memref_squeeze %dma_wait3A_285 : memref<1x120x128xf32, #tpu.memory_space<vmem>> -> memref<120x128xf32, #tpu.memory_space<vmem>>
      %dma_wait3A_287 = arith.constant 0 : i32
      %dma_wait3A_288 = tpu.memref_slice %arg7[%dma_wait3A_281, %dma_wait3A_287] : memref<6x120xi32, #tpu.memory_space<vmem>> -> memref<1x120xi32, #tpu.memory_space<vmem>>
      %dma_wait3A_289 = tpu.memref_squeeze %dma_wait3A_288 : memref<1x120xi32, #tpu.memory_space<vmem>> -> memref<120xi32, #tpu.memory_space<vmem>>
      %dma_wait3A_290 = arith.constant 0 : i32
      %dma_wait3A_291 = arith.constant 0 : i32
      %dma_wait3A_292 = tpu.memref_slice %arg2[%dma_wait3A_290, %dma_wait3A_291] : memref<10112x128xf32, #tpu.memory_space<hbm>> -> memref<10112x128xf32, #tpu.memory_space<hbm>>
      tpu.wait_indirect_dma semaphore(%arg25 : memref<!tpu.dma_semaphore, #tpu.memory_space<semaphore_mem>>) src(%dma_wait3A_292 : memref<10112x128xf32, #tpu.memory_space<hbm>>) dst(%dma_wait3A_286 : memref<120x128xf32, #tpu.memory_space<vmem>>)
      %mul3A_293 = arith.constant 120 : i32
      %mul3A_294 = arith.muli %add3A_262, %mul3A_293 : i32
      %add3A_295 = arith.addi %mul3A_4, %mul3A_294 : i32
      %dma_wait3A_296 = arith.constant 2 : i32
      %dma_wait3A_297 = arith.constant 0 : i32
      %dma_wait3A_298 = tpu.memref_slice %arg8[%dma_wait3A_296, %dma_wait3A_297] : memref<6x120xi32, #tpu.memory_space<vmem>> -> memref<1x120xi32, #tpu.memory_space<vmem>>
      %dma_wait3A_299 = tpu.memref_squeeze %dma_wait3A_298 : memref<1x120xi32, #tpu.memory_space<vmem>> -> memref<120xi32, #tpu.memory_space<vmem>>
      %dma_wait3A_300 = tpu.memref_slice %arg4[%add3A_295] : memref<322560xi32, #tpu.memory_space<hbm>> -> memref<120xi32, #tpu.memory_space<hbm>>
      %dma_wait3A_301 = arith.constant 0 : i32
      %dma_wait3A_302 = tpu.memref_slice %arg8[%dma_wait3A_296, %dma_wait3A_301] : memref<6x120xi32, #tpu.memory_space<vmem>> -> memref<1x120xi32, #tpu.memory_space<vmem>>
      %dma_wait3A_303 = tpu.memref_squeeze %dma_wait3A_302 : memref<1x120xi32, #tpu.memory_space<vmem>> -> memref<120xi32, #tpu.memory_space<vmem>>
      %dma_wait3A_304 = tpu.memref_slice %arg4[%add3A_295] : memref<322560xi32, #tpu.memory_space<hbm>> -> memref<120xi32, #tpu.memory_space<hbm>>
      tpu.wait_dma2 semaphore(%arg19 : memref<!tpu.dma_semaphore, #tpu.memory_space<semaphore_mem>>) src(%dma_wait3A_304 : memref<120xi32, #tpu.memory_space<hbm>>) dst(%dma_wait3A_303 : memref<120xi32, #tpu.memory_space<vmem>>)
      %run_scoped3A_305 = arith.constant 2 : i32
      %run_scoped3A_306 = arith.constant 2 : i32
      "tpu.region"() ({
        %run_scoped3A_452 = tpu.sem_alloc : memref<!tpu.dma_semaphore, #tpu.memory_space<semaphore_mem>>
        %dma_start3A_453 = arith.constant 0 : i32
        %dma_start3A_454 = arith.constant 0 : i32
        %dma_start3A_455 = tpu.memref_slice %arg9[%run_scoped3A_305, %dma_start3A_453, %dma_start3A_454] : memref<3x120x128xf32, #tpu.memory_space<vmem>> -> memref<1x120x128xf32, #tpu.memory_space<vmem>>
        %dma_start3A_456 = tpu.memref_squeeze %dma_start3A_455 : memref<1x120x128xf32, #tpu.memory_space<vmem>> -> memref<120x128xf32, #tpu.memory_space<vmem>>
        %dma_start3A_457 = arith.constant 0 : i32
        %dma_start3A_458 = tpu.memref_slice %arg8[%run_scoped3A_306, %dma_start3A_457] : memref<6x120xi32, #tpu.memory_space<vmem>> -> memref<1x120xi32, #tpu.memory_space<vmem>>
        %dma_start3A_459 = tpu.memref_squeeze %dma_start3A_458 : memref<1x120xi32, #tpu.memory_space<vmem>> -> memref<120xi32, #tpu.memory_space<vmem>>
        %dma_start3A_460 = arith.constant 0 : i32
        %dma_start3A_461 = arith.constant 0 : i32
        %dma_start3A_462 = tpu.memref_slice %arg10[%dma_start3A_460, %dma_start3A_461] : memref<10112x128xf32, #tpu.memory_space<vmem_shared>> -> memref<10112x128xf32, #tpu.memory_space<vmem_shared>>
        tpu.enqueue_indirect_dma source(%dma_start3A_456 : memref<120x128xf32, #tpu.memory_space<vmem>>) target(%dma_start3A_462 : memref<10112x128xf32, #tpu.memory_space<vmem_shared>>) offsets(%dma_start3A_459 : memref<120xi32, #tpu.memory_space<vmem>>) semaphore(%run_scoped3A_452 : memref<!tpu.dma_semaphore, #tpu.memory_space<semaphore_mem>>) {add = true}
        %dma_wait3A_463 = arith.constant 0 : i32
        %dma_wait3A_464 = arith.constant 0 : i32
        %dma_wait3A_465 = tpu.memref_slice %arg9[%run_scoped3A_305, %dma_wait3A_463, %dma_wait3A_464] : memref<3x120x128xf32, #tpu.memory_space<vmem>> -> memref<1x120x128xf32, #tpu.memory_space<vmem>>
        %dma_wait3A_466 = tpu.memref_squeeze %dma_wait3A_465 : memref<1x120x128xf32, #tpu.memory_space<vmem>> -> memref<120x128xf32, #tpu.memory_space<vmem>>
        %dma_wait3A_467 = arith.constant 0 : i32
        %dma_wait3A_468 = tpu.memref_slice %arg8[%run_scoped3A_306, %dma_wait3A_467] : memref<6x120xi32, #tpu.memory_space<vmem>> -> memref<1x120xi32, #tpu.memory_space<vmem>>
        %dma_wait3A_469 = tpu.memref_squeeze %dma_wait3A_468 : memref<1x120xi32, #tpu.memory_space<vmem>> -> memref<120xi32, #tpu.memory_space<vmem>>
        %dma_wait3A_470 = arith.constant 0 : i32
        %dma_wait3A_471 = arith.constant 0 : i32
        %dma_wait3A_472 = tpu.memref_slice %arg10[%dma_wait3A_470, %dma_wait3A_471] : memref<10112x128xf32, #tpu.memory_space<vmem_shared>> -> memref<10112x128xf32, #tpu.memory_space<vmem_shared>>
        tpu.wait_indirect_dma semaphore(%run_scoped3A_452 : memref<!tpu.dma_semaphore, #tpu.memory_space<semaphore_mem>>) src(%dma_wait3A_466 : memref<120x128xf32, #tpu.memory_space<vmem>>) dst(%dma_wait3A_472 : memref<10112x128xf32, #tpu.memory_space<vmem_shared>>)
        tpu.yield
      }) : () -> ()
      %mul3A_307 = arith.constant 6 : i32
      %mul3A_308 = arith.muli %scan3A_166, %mul3A_307 : i32
      %add3A_309 = arith.constant 3 : i32
      %add3A_310 = arith.addi %mul3A_308, %add3A_309 : i32
      %add3A_311 = arith.constant 6 : i32
      %add3A_312 = arith.addi %add3A_310, %add3A_311 : i32
      %sub3A_313 = arith.constant 1 : i32
      %sub3A_314 = arith.subi %add3A_312, %sub3A_313 : i32
      %lt3A_315 = arith.constant 84 : i32
      %lt3A_316 = arith.cmpi slt, %sub3A_314, %lt3A_315 : i32
      %convert_element_type3A_317 = arith.extui %lt3A_316 : i1 to i32
      %cond3A_318 = arith.constant 0 : i32
      %cond3A_319 = arith.cmpi ne, %convert_element_type3A_317, %cond3A_318 : i32
      scf.if %cond3A_319 {
        %add3A_452 = arith.constant 6 : i32
        %add3A_453 = arith.addi %add3A_310, %add3A_452 : i32
        %sub3A_454 = arith.constant 1 : i32
        %sub3A_455 = arith.subi %add3A_453, %sub3A_454 : i32
        %mul3A_456 = arith.constant 120 : i32
        %mul3A_457 = arith.muli %sub3A_455, %mul3A_456 : i32
        %add3A_458 = arith.addi %mul3A_4, %mul3A_457 : i32
        %dma_start3A_459 = arith.constant 2 : i32
        %dma_start3A_460 = arith.constant 0 : i32
        %dma_start3A_461 = tpu.memref_slice %arg7[%dma_start3A_459, %dma_start3A_460] : memref<6x120xi32, #tpu.memory_space<vmem>> -> memref<1x120xi32, #tpu.memory_space<vmem>>
        %dma_start3A_462 = tpu.memref_squeeze %dma_start3A_461 : memref<1x120xi32, #tpu.memory_space<vmem>> -> memref<120xi32, #tpu.memory_space<vmem>>
        %dma_start3A_463 = tpu.memref_slice %arg3[%add3A_458] : memref<322560xi32, #tpu.memory_space<hbm>> -> memref<120xi32, #tpu.memory_space<hbm>>
        %dma_start3A_464 = arith.constant 0 : i32
        %dma_start3A_465 = tpu.memref_slice %arg7[%dma_start3A_459, %dma_start3A_464] : memref<6x120xi32, #tpu.memory_space<vmem>> -> memref<1x120xi32, #tpu.memory_space<vmem>>
        %dma_start3A_466 = tpu.memref_squeeze %dma_start3A_465 : memref<1x120xi32, #tpu.memory_space<vmem>> -> memref<120xi32, #tpu.memory_space<vmem>>
        %dma_start3A_467 = tpu.memref_slice %arg3[%add3A_458] : memref<322560xi32, #tpu.memory_space<hbm>> -> memref<120xi32, #tpu.memory_space<hbm>>
        tpu.enqueue_dma source(%dma_start3A_467 : memref<120xi32, #tpu.memory_space<hbm>>) target(%dma_start3A_466 : memref<120xi32, #tpu.memory_space<vmem>>) target_semaphore(%arg13 : memref<!tpu.dma_semaphore, #tpu.memory_space<semaphore_mem>>)
        %mul3A_468 = arith.constant 120 : i32
        %mul3A_469 = arith.muli %sub3A_455, %mul3A_468 : i32
        %add3A_470 = arith.addi %mul3A_4, %mul3A_469 : i32
        %dma_start3A_471 = arith.constant 2 : i32
        %dma_start3A_472 = arith.constant 0 : i32
        %dma_start3A_473 = tpu.memref_slice %arg8[%dma_start3A_471, %dma_start3A_472] : memref<6x120xi32, #tpu.memory_space<vmem>> -> memref<1x120xi32, #tpu.memory_space<vmem>>
        %dma_start3A_474 = tpu.memref_squeeze %dma_start3A_473 : memref<1x120xi32, #tpu.memory_space<vmem>> -> memref<120xi32, #tpu.memory_space<vmem>>
        %dma_start3A_475 = tpu.memref_slice %arg4[%add3A_470] : memref<322560xi32, #tpu.memory_space<hbm>> -> memref<120xi32, #tpu.memory_space<hbm>>
        %dma_start3A_476 = arith.constant 0 : i32
        %dma_start3A_477 = tpu.memref_slice %arg8[%dma_start3A_471, %dma_start3A_476] : memref<6x120xi32, #tpu.memory_space<vmem>> -> memref<1x120xi32, #tpu.memory_space<vmem>>
        %dma_start3A_478 = tpu.memref_squeeze %dma_start3A_477 : memref<1x120xi32, #tpu.memory_space<vmem>> -> memref<120xi32, #tpu.memory_space<vmem>>
        %dma_start3A_479 = tpu.memref_slice %arg4[%add3A_470] : memref<322560xi32, #tpu.memory_space<hbm>> -> memref<120xi32, #tpu.memory_space<hbm>>
        tpu.enqueue_dma source(%dma_start3A_479 : memref<120xi32, #tpu.memory_space<hbm>>) target(%dma_start3A_478 : memref<120xi32, #tpu.memory_space<vmem>>) target_semaphore(%arg19 : memref<!tpu.dma_semaphore, #tpu.memory_space<semaphore_mem>>)
      } else {
      }
      %add3A_320 = arith.constant 3 : i32
      %add3A_321 = arith.addi %add3A_310, %add3A_320 : i32
      %sub3A_322 = arith.constant 1 : i32
      %sub3A_323 = arith.subi %add3A_321, %sub3A_322 : i32
      %lt3A_324 = arith.constant 84 : i32
      %lt3A_325 = arith.cmpi slt, %sub3A_323, %lt3A_324 : i32
      %convert_element_type3A_326 = arith.extui %lt3A_325 : i1 to i32
      %cond3A_327 = arith.constant 0 : i32
      %cond3A_328 = arith.cmpi ne, %convert_element_type3A_326, %cond3A_327 : i32
      scf.if %cond3A_328 {
        %add3A_452 = arith.constant 3 : i32
        %add3A_453 = arith.addi %add3A_310, %add3A_452 : i32
        %sub3A_454 = arith.constant 1 : i32
        %sub3A_455 = arith.subi %add3A_453, %sub3A_454 : i32
        %mul3A_456 = arith.constant 120 : i32
        %mul3A_457 = arith.muli %sub3A_455, %mul3A_456 : i32
        %add3A_458 = arith.addi %mul3A_4, %mul3A_457 : i32
        %dma_wait3A_459 = arith.constant 5 : i32
        %dma_wait3A_460 = arith.constant 0 : i32
        %dma_wait3A_461 = tpu.memref_slice %arg7[%dma_wait3A_459, %dma_wait3A_460] : memref<6x120xi32, #tpu.memory_space<vmem>> -> memref<1x120xi32, #tpu.memory_space<vmem>>
        %dma_wait3A_462 = tpu.memref_squeeze %dma_wait3A_461 : memref<1x120xi32, #tpu.memory_space<vmem>> -> memref<120xi32, #tpu.memory_space<vmem>>
        %dma_wait3A_463 = tpu.memref_slice %arg3[%add3A_458] : memref<322560xi32, #tpu.memory_space<hbm>> -> memref<120xi32, #tpu.memory_space<hbm>>
        %dma_wait3A_464 = arith.constant 0 : i32
        %dma_wait3A_465 = tpu.memref_slice %arg7[%dma_wait3A_459, %dma_wait3A_464] : memref<6x120xi32, #tpu.memory_space<vmem>> -> memref<1x120xi32, #tpu.memory_space<vmem>>
        %dma_wait3A_466 = tpu.memref_squeeze %dma_wait3A_465 : memref<1x120xi32, #tpu.memory_space<vmem>> -> memref<120xi32, #tpu.memory_space<vmem>>
        %dma_wait3A_467 = tpu.memref_slice %arg3[%add3A_458] : memref<322560xi32, #tpu.memory_space<hbm>> -> memref<120xi32, #tpu.memory_space<hbm>>
        tpu.wait_dma2 semaphore(%arg16 : memref<!tpu.dma_semaphore, #tpu.memory_space<semaphore_mem>>) src(%dma_wait3A_467 : memref<120xi32, #tpu.memory_space<hbm>>) dst(%dma_wait3A_466 : memref<120xi32, #tpu.memory_space<vmem>>)
        %dma_start3A_468 = arith.constant 5 : i32
        %dma_start3A_469 = arith.constant 2 : i32
        %dma_start3A_470 = arith.constant 0 : i32
        %dma_start3A_471 = arith.constant 0 : i32
        %dma_start3A_472 = tpu.memref_slice %arg9[%dma_start3A_469, %dma_start3A_470, %dma_start3A_471] : memref<3x120x128xf32, #tpu.memory_space<vmem>> -> memref<1x120x128xf32, #tpu.memory_space<vmem>>
        %dma_start3A_473 = tpu.memref_squeeze %dma_start3A_472 : memref<1x120x128xf32, #tpu.memory_space<vmem>> -> memref<120x128xf32, #tpu.memory_space<vmem>>
        %dma_start3A_474 = arith.constant 0 : i32
        %dma_start3A_475 = tpu.memref_slice %arg7[%dma_start3A_468, %dma_start3A_474] : memref<6x120xi32, #tpu.memory_space<vmem>> -> memref<1x120xi32, #tpu.memory_space<vmem>>
        %dma_start3A_476 = tpu.memref_squeeze %dma_start3A_475 : memref<1x120xi32, #tpu.memory_space<vmem>> -> memref<120xi32, #tpu.memory_space<vmem>>
        %dma_start3A_477 = arith.constant 0 : i32
        %dma_start3A_478 = arith.constant 0 : i32
        %dma_start3A_479 = tpu.memref_slice %arg2[%dma_start3A_477, %dma_start3A_478] : memref<10112x128xf32, #tpu.memory_space<hbm>> -> memref<10112x128xf32, #tpu.memory_space<hbm>>
        tpu.enqueue_indirect_dma source(%dma_start3A_479 : memref<10112x128xf32, #tpu.memory_space<hbm>>) target(%dma_start3A_473 : memref<120x128xf32, #tpu.memory_space<vmem>>) offsets(%dma_start3A_476 : memref<120xi32, #tpu.memory_space<vmem>>) semaphore(%arg25 : memref<!tpu.dma_semaphore, #tpu.memory_space<semaphore_mem>>)
      } else {
      }
      %dma_wait3A_329 = arith.constant 3 : i32
      %dma_wait3A_330 = arith.constant 0 : i32
      %dma_wait3A_331 = arith.constant 0 : i32
      %dma_wait3A_332 = arith.constant 0 : i32
      %dma_wait3A_333 = tpu.memref_slice %arg9[%dma_wait3A_330, %dma_wait3A_331, %dma_wait3A_332] : memref<3x120x128xf32, #tpu.memory_space<vmem>> -> memref<1x120x128xf32, #tpu.memory_space<vmem>>
      %dma_wait3A_334 = tpu.memref_squeeze %dma_wait3A_333 : memref<1x120x128xf32, #tpu.memory_space<vmem>> -> memref<120x128xf32, #tpu.memory_space<vmem>>
      %dma_wait3A_335 = arith.constant 0 : i32
      %dma_wait3A_336 = tpu.memref_slice %arg7[%dma_wait3A_329, %dma_wait3A_335] : memref<6x120xi32, #tpu.memory_space<vmem>> -> memref<1x120xi32, #tpu.memory_space<vmem>>
      %dma_wait3A_337 = tpu.memref_squeeze %dma_wait3A_336 : memref<1x120xi32, #tpu.memory_space<vmem>> -> memref<120xi32, #tpu.memory_space<vmem>>
      %dma_wait3A_338 = arith.constant 0 : i32
      %dma_wait3A_339 = arith.constant 0 : i32
      %dma_wait3A_340 = tpu.memref_slice %arg2[%dma_wait3A_338, %dma_wait3A_339] : memref<10112x128xf32, #tpu.memory_space<hbm>> -> memref<10112x128xf32, #tpu.memory_space<hbm>>
      tpu.wait_indirect_dma semaphore(%arg23 : memref<!tpu.dma_semaphore, #tpu.memory_space<semaphore_mem>>) src(%dma_wait3A_340 : memref<10112x128xf32, #tpu.memory_space<hbm>>) dst(%dma_wait3A_334 : memref<120x128xf32, #tpu.memory_space<vmem>>)
      %mul3A_341 = arith.constant 120 : i32
      %mul3A_342 = arith.muli %add3A_310, %mul3A_341 : i32
      %add3A_343 = arith.addi %mul3A_4, %mul3A_342 : i32
      %dma_wait3A_344 = arith.constant 3 : i32
      %dma_wait3A_345 = arith.constant 0 : i32
      %dma_wait3A_346 = tpu.memref_slice %arg8[%dma_wait3A_344, %dma_wait3A_345] : memref<6x120xi32, #tpu.memory_space<vmem>> -> memref<1x120xi32, #tpu.memory_space<vmem>>
      %dma_wait3A_347 = tpu.memref_squeeze %dma_wait3A_346 : memref<1x120xi32, #tpu.memory_space<vmem>> -> memref<120xi32, #tpu.memory_space<vmem>>
      %dma_wait3A_348 = tpu.memref_slice %arg4[%add3A_343] : memref<322560xi32, #tpu.memory_space<hbm>> -> memref<120xi32, #tpu.memory_space<hbm>>
      %dma_wait3A_349 = arith.constant 0 : i32
      %dma_wait3A_350 = tpu.memref_slice %arg8[%dma_wait3A_344, %dma_wait3A_349] : memref<6x120xi32, #tpu.memory_space<vmem>> -> memref<1x120xi32, #tpu.memory_space<vmem>>
      %dma_wait3A_351 = tpu.memref_squeeze %dma_wait3A_350 : memref<1x120xi32, #tpu.memory_space<vmem>> -> memref<120xi32, #tpu.memory_space<vmem>>
      %dma_wait3A_352 = tpu.memref_slice %arg4[%add3A_343] : memref<322560xi32, #tpu.memory_space<hbm>> -> memref<120xi32, #tpu.memory_space<hbm>>
      tpu.wait_dma2 semaphore(%arg20 : memref<!tpu.dma_semaphore, #tpu.memory_space<semaphore_mem>>) src(%dma_wait3A_352 : memref<120xi32, #tpu.memory_space<hbm>>) dst(%dma_wait3A_351 : memref<120xi32, #tpu.memory_space<vmem>>)
      %run_scoped3A_353 = arith.constant 0 : i32
      %run_scoped3A_354 = arith.constant 3 : i32
      "tpu.region"() ({
        %run_scoped3A_452 = tpu.sem_alloc : memref<!tpu.dma_semaphore, #tpu.memory_space<semaphore_mem>>
        %dma_start3A_453 = arith.constant 0 : i32
        %dma_start3A_454 = arith.constant 0 : i32
        %dma_start3A_455 = tpu.memref_slice %arg9[%run_scoped3A_353, %dma_start3A_453, %dma_start3A_454] : memref<3x120x128xf32, #tpu.memory_space<vmem>> -> memref<1x120x128xf32, #tpu.memory_space<vmem>>
        %dma_start3A_456 = tpu.memref_squeeze %dma_start3A_455 : memref<1x120x128xf32, #tpu.memory_space<vmem>> -> memref<120x128xf32, #tpu.memory_space<vmem>>
        %dma_start3A_457 = arith.constant 0 : i32
        %dma_start3A_458 = tpu.memref_slice %arg8[%run_scoped3A_354, %dma_start3A_457] : memref<6x120xi32, #tpu.memory_space<vmem>> -> memref<1x120xi32, #tpu.memory_space<vmem>>
        %dma_start3A_459 = tpu.memref_squeeze %dma_start3A_458 : memref<1x120xi32, #tpu.memory_space<vmem>> -> memref<120xi32, #tpu.memory_space<vmem>>
        %dma_start3A_460 = arith.constant 0 : i32
        %dma_start3A_461 = arith.constant 0 : i32
        %dma_start3A_462 = tpu.memref_slice %arg10[%dma_start3A_460, %dma_start3A_461] : memref<10112x128xf32, #tpu.memory_space<vmem_shared>> -> memref<10112x128xf32, #tpu.memory_space<vmem_shared>>
        tpu.enqueue_indirect_dma source(%dma_start3A_456 : memref<120x128xf32, #tpu.memory_space<vmem>>) target(%dma_start3A_462 : memref<10112x128xf32, #tpu.memory_space<vmem_shared>>) offsets(%dma_start3A_459 : memref<120xi32, #tpu.memory_space<vmem>>) semaphore(%run_scoped3A_452 : memref<!tpu.dma_semaphore, #tpu.memory_space<semaphore_mem>>) {add = true}
        %dma_wait3A_463 = arith.constant 0 : i32
        %dma_wait3A_464 = arith.constant 0 : i32
        %dma_wait3A_465 = tpu.memref_slice %arg9[%run_scoped3A_353, %dma_wait3A_463, %dma_wait3A_464] : memref<3x120x128xf32, #tpu.memory_space<vmem>> -> memref<1x120x128xf32, #tpu.memory_space<vmem>>
        %dma_wait3A_466 = tpu.memref_squeeze %dma_wait3A_465 : memref<1x120x128xf32, #tpu.memory_space<vmem>> -> memref<120x128xf32, #tpu.memory_space<vmem>>
        %dma_wait3A_467 = arith.constant 0 : i32
        %dma_wait3A_468 = tpu.memref_slice %arg8[%run_scoped3A_354, %dma_wait3A_467] : memref<6x120xi32, #tpu.memory_space<vmem>> -> memref<1x120xi32, #tpu.memory_space<vmem>>
        %dma_wait3A_469 = tpu.memref_squeeze %dma_wait3A_468 : memref<1x120xi32, #tpu.memory_space<vmem>> -> memref<120xi32, #tpu.memory_space<vmem>>
        %dma_wait3A_470 = arith.constant 0 : i32
        %dma_wait3A_471 = arith.constant 0 : i32
        %dma_wait3A_472 = tpu.memref_slice %arg10[%dma_wait3A_470, %dma_wait3A_471] : memref<10112x128xf32, #tpu.memory_space<vmem_shared>> -> memref<10112x128xf32, #tpu.memory_space<vmem_shared>>
        tpu.wait_indirect_dma semaphore(%run_scoped3A_452 : memref<!tpu.dma_semaphore, #tpu.memory_space<semaphore_mem>>) src(%dma_wait3A_466 : memref<120x128xf32, #tpu.memory_space<vmem>>) dst(%dma_wait3A_472 : memref<10112x128xf32, #tpu.memory_space<vmem_shared>>)
        tpu.yield
      }) : () -> ()
      %mul3A_355 = arith.constant 6 : i32
      %mul3A_356 = arith.muli %scan3A_166, %mul3A_355 : i32
      %add3A_357 = arith.constant 4 : i32
      %add3A_358 = arith.addi %mul3A_356, %add3A_357 : i32
      %add3A_359 = arith.constant 6 : i32
      %add3A_360 = arith.addi %add3A_358, %add3A_359 : i32
      %sub3A_361 = arith.constant 1 : i32
      %sub3A_362 = arith.subi %add3A_360, %sub3A_361 : i32
      %lt3A_363 = arith.constant 84 : i32
      %lt3A_364 = arith.cmpi slt, %sub3A_362, %lt3A_363 : i32
      %convert_element_type3A_365 = arith.extui %lt3A_364 : i1 to i32
      %cond3A_366 = arith.constant 0 : i32
      %cond3A_367 = arith.cmpi ne, %convert_element_type3A_365, %cond3A_366 : i32
      scf.if %cond3A_367 {
        %add3A_452 = arith.constant 6 : i32
        %add3A_453 = arith.addi %add3A_358, %add3A_452 : i32
        %sub3A_454 = arith.constant 1 : i32
        %sub3A_455 = arith.subi %add3A_453, %sub3A_454 : i32
        %mul3A_456 = arith.constant 120 : i32
        %mul3A_457 = arith.muli %sub3A_455, %mul3A_456 : i32
        %add3A_458 = arith.addi %mul3A_4, %mul3A_457 : i32
        %dma_start3A_459 = arith.constant 3 : i32
        %dma_start3A_460 = arith.constant 0 : i32
        %dma_start3A_461 = tpu.memref_slice %arg7[%dma_start3A_459, %dma_start3A_460] : memref<6x120xi32, #tpu.memory_space<vmem>> -> memref<1x120xi32, #tpu.memory_space<vmem>>
        %dma_start3A_462 = tpu.memref_squeeze %dma_start3A_461 : memref<1x120xi32, #tpu.memory_space<vmem>> -> memref<120xi32, #tpu.memory_space<vmem>>
        %dma_start3A_463 = tpu.memref_slice %arg3[%add3A_458] : memref<322560xi32, #tpu.memory_space<hbm>> -> memref<120xi32, #tpu.memory_space<hbm>>
        %dma_start3A_464 = arith.constant 0 : i32
        %dma_start3A_465 = tpu.memref_slice %arg7[%dma_start3A_459, %dma_start3A_464] : memref<6x120xi32, #tpu.memory_space<vmem>> -> memref<1x120xi32, #tpu.memory_space<vmem>>
        %dma_start3A_466 = tpu.memref_squeeze %dma_start3A_465 : memref<1x120xi32, #tpu.memory_space<vmem>> -> memref<120xi32, #tpu.memory_space<vmem>>
        %dma_start3A_467 = tpu.memref_slice %arg3[%add3A_458] : memref<322560xi32, #tpu.memory_space<hbm>> -> memref<120xi32, #tpu.memory_space<hbm>>
        tpu.enqueue_dma source(%dma_start3A_467 : memref<120xi32, #tpu.memory_space<hbm>>) target(%dma_start3A_466 : memref<120xi32, #tpu.memory_space<vmem>>) target_semaphore(%arg14 : memref<!tpu.dma_semaphore, #tpu.memory_space<semaphore_mem>>)
        %mul3A_468 = arith.constant 120 : i32
        %mul3A_469 = arith.muli %sub3A_455, %mul3A_468 : i32
        %add3A_470 = arith.addi %mul3A_4, %mul3A_469 : i32
        %dma_start3A_471 = arith.constant 3 : i32
        %dma_start3A_472 = arith.constant 0 : i32
        %dma_start3A_473 = tpu.memref_slice %arg8[%dma_start3A_471, %dma_start3A_472] : memref<6x120xi32, #tpu.memory_space<vmem>> -> memref<1x120xi32, #tpu.memory_space<vmem>>
        %dma_start3A_474 = tpu.memref_squeeze %dma_start3A_473 : memref<1x120xi32, #tpu.memory_space<vmem>> -> memref<120xi32, #tpu.memory_space<vmem>>
        %dma_start3A_475 = tpu.memref_slice %arg4[%add3A_470] : memref<322560xi32, #tpu.memory_space<hbm>> -> memref<120xi32, #tpu.memory_space<hbm>>
        %dma_start3A_476 = arith.constant 0 : i32
        %dma_start3A_477 = tpu.memref_slice %arg8[%dma_start3A_471, %dma_start3A_476] : memref<6x120xi32, #tpu.memory_space<vmem>> -> memref<1x120xi32, #tpu.memory_space<vmem>>
        %dma_start3A_478 = tpu.memref_squeeze %dma_start3A_477 : memref<1x120xi32, #tpu.memory_space<vmem>> -> memref<120xi32, #tpu.memory_space<vmem>>
        %dma_start3A_479 = tpu.memref_slice %arg4[%add3A_470] : memref<322560xi32, #tpu.memory_space<hbm>> -> memref<120xi32, #tpu.memory_space<hbm>>
        tpu.enqueue_dma source(%dma_start3A_479 : memref<120xi32, #tpu.memory_space<hbm>>) target(%dma_start3A_478 : memref<120xi32, #tpu.memory_space<vmem>>) target_semaphore(%arg20 : memref<!tpu.dma_semaphore, #tpu.memory_space<semaphore_mem>>)
      } else {
      }
      %add3A_368 = arith.constant 3 : i32
      %add3A_369 = arith.addi %add3A_358, %add3A_368 : i32
      %sub3A_370 = arith.constant 1 : i32
      %sub3A_371 = arith.subi %add3A_369, %sub3A_370 : i32
      %lt3A_372 = arith.constant 84 : i32
      %lt3A_373 = arith.cmpi slt, %sub3A_371, %lt3A_372 : i32
      %convert_element_type3A_374 = arith.extui %lt3A_373 : i1 to i32
      %cond3A_375 = arith.constant 0 : i32
      %cond3A_376 = arith.cmpi ne, %convert_element_type3A_374, %cond3A_375 : i32
      scf.if %cond3A_376 {
        %add3A_452 = arith.constant 3 : i32
        %add3A_453 = arith.addi %add3A_358, %add3A_452 : i32
        %sub3A_454 = arith.constant 1 : i32
        %sub3A_455 = arith.subi %add3A_453, %sub3A_454 : i32
        %mul3A_456 = arith.constant 120 : i32
        %mul3A_457 = arith.muli %sub3A_455, %mul3A_456 : i32
        %add3A_458 = arith.addi %mul3A_4, %mul3A_457 : i32
        %dma_wait3A_459 = arith.constant 0 : i32
        %dma_wait3A_460 = arith.constant 0 : i32
        %dma_wait3A_461 = tpu.memref_slice %arg7[%dma_wait3A_459, %dma_wait3A_460] : memref<6x120xi32, #tpu.memory_space<vmem>> -> memref<1x120xi32, #tpu.memory_space<vmem>>
        %dma_wait3A_462 = tpu.memref_squeeze %dma_wait3A_461 : memref<1x120xi32, #tpu.memory_space<vmem>> -> memref<120xi32, #tpu.memory_space<vmem>>
        %dma_wait3A_463 = tpu.memref_slice %arg3[%add3A_458] : memref<322560xi32, #tpu.memory_space<hbm>> -> memref<120xi32, #tpu.memory_space<hbm>>
        %dma_wait3A_464 = arith.constant 0 : i32
        %dma_wait3A_465 = tpu.memref_slice %arg7[%dma_wait3A_459, %dma_wait3A_464] : memref<6x120xi32, #tpu.memory_space<vmem>> -> memref<1x120xi32, #tpu.memory_space<vmem>>
        %dma_wait3A_466 = tpu.memref_squeeze %dma_wait3A_465 : memref<1x120xi32, #tpu.memory_space<vmem>> -> memref<120xi32, #tpu.memory_space<vmem>>
        %dma_wait3A_467 = tpu.memref_slice %arg3[%add3A_458] : memref<322560xi32, #tpu.memory_space<hbm>> -> memref<120xi32, #tpu.memory_space<hbm>>
        tpu.wait_dma2 semaphore(%arg11 : memref<!tpu.dma_semaphore, #tpu.memory_space<semaphore_mem>>) src(%dma_wait3A_467 : memref<120xi32, #tpu.memory_space<hbm>>) dst(%dma_wait3A_466 : memref<120xi32, #tpu.memory_space<vmem>>)
        %dma_start3A_468 = arith.constant 0 : i32
        %dma_start3A_469 = arith.constant 0 : i32
        %dma_start3A_470 = arith.constant 0 : i32
        %dma_start3A_471 = arith.constant 0 : i32
        %dma_start3A_472 = tpu.memref_slice %arg9[%dma_start3A_469, %dma_start3A_470, %dma_start3A_471] : memref<3x120x128xf32, #tpu.memory_space<vmem>> -> memref<1x120x128xf32, #tpu.memory_space<vmem>>
        %dma_start3A_473 = tpu.memref_squeeze %dma_start3A_472 : memref<1x120x128xf32, #tpu.memory_space<vmem>> -> memref<120x128xf32, #tpu.memory_space<vmem>>
        %dma_start3A_474 = arith.constant 0 : i32
        %dma_start3A_475 = tpu.memref_slice %arg7[%dma_start3A_468, %dma_start3A_474] : memref<6x120xi32, #tpu.memory_space<vmem>> -> memref<1x120xi32, #tpu.memory_space<vmem>>
        %dma_start3A_476 = tpu.memref_squeeze %dma_start3A_475 : memref<1x120xi32, #tpu.memory_space<vmem>> -> memref<120xi32, #tpu.memory_space<vmem>>
        %dma_start3A_477 = arith.constant 0 : i32
        %dma_start3A_478 = arith.constant 0 : i32
        %dma_start3A_479 = tpu.memref_slice %arg2[%dma_start3A_477, %dma_start3A_478] : memref<10112x128xf32, #tpu.memory_space<hbm>> -> memref<10112x128xf32, #tpu.memory_space<hbm>>
        tpu.enqueue_indirect_dma source(%dma_start3A_479 : memref<10112x128xf32, #tpu.memory_space<hbm>>) target(%dma_start3A_473 : memref<120x128xf32, #tpu.memory_space<vmem>>) offsets(%dma_start3A_476 : memref<120xi32, #tpu.memory_space<vmem>>) semaphore(%arg23 : memref<!tpu.dma_semaphore, #tpu.memory_space<semaphore_mem>>)
      } else {
      }
      %dma_wait3A_377 = arith.constant 4 : i32
      %dma_wait3A_378 = arith.constant 1 : i32
      %dma_wait3A_379 = arith.constant 0 : i32
      %dma_wait3A_380 = arith.constant 0 : i32
      %dma_wait3A_381 = tpu.memref_slice %arg9[%dma_wait3A_378, %dma_wait3A_379, %dma_wait3A_380] : memref<3x120x128xf32, #tpu.memory_space<vmem>> -> memref<1x120x128xf32, #tpu.memory_space<vmem>>
      %dma_wait3A_382 = tpu.memref_squeeze %dma_wait3A_381 : memref<1x120x128xf32, #tpu.memory_space<vmem>> -> memref<120x128xf32, #tpu.memory_space<vmem>>
      %dma_wait3A_383 = arith.constant 0 : i32
      %dma_wait3A_384 = tpu.memref_slice %arg7[%dma_wait3A_377, %dma_wait3A_383] : memref<6x120xi32, #tpu.memory_space<vmem>> -> memref<1x120xi32, #tpu.memory_space<vmem>>
      %dma_wait3A_385 = tpu.memref_squeeze %dma_wait3A_384 : memref<1x120xi32, #tpu.memory_space<vmem>> -> memref<120xi32, #tpu.memory_space<vmem>>
      %dma_wait3A_386 = arith.constant 0 : i32
      %dma_wait3A_387 = arith.constant 0 : i32
      %dma_wait3A_388 = tpu.memref_slice %arg2[%dma_wait3A_386, %dma_wait3A_387] : memref<10112x128xf32, #tpu.memory_space<hbm>> -> memref<10112x128xf32, #tpu.memory_space<hbm>>
      tpu.wait_indirect_dma semaphore(%arg24 : memref<!tpu.dma_semaphore, #tpu.memory_space<semaphore_mem>>) src(%dma_wait3A_388 : memref<10112x128xf32, #tpu.memory_space<hbm>>) dst(%dma_wait3A_382 : memref<120x128xf32, #tpu.memory_space<vmem>>)
      %mul3A_389 = arith.constant 120 : i32
      %mul3A_390 = arith.muli %add3A_358, %mul3A_389 : i32
      %add3A_391 = arith.addi %mul3A_4, %mul3A_390 : i32
      %dma_wait3A_392 = arith.constant 4 : i32
      %dma_wait3A_393 = arith.constant 0 : i32
      %dma_wait3A_394 = tpu.memref_slice %arg8[%dma_wait3A_392, %dma_wait3A_393] : memref<6x120xi32, #tpu.memory_space<vmem>> -> memref<1x120xi32, #tpu.memory_space<vmem>>
      %dma_wait3A_395 = tpu.memref_squeeze %dma_wait3A_394 : memref<1x120xi32, #tpu.memory_space<vmem>> -> memref<120xi32, #tpu.memory_space<vmem>>
      %dma_wait3A_396 = tpu.memref_slice %arg4[%add3A_391] : memref<322560xi32, #tpu.memory_space<hbm>> -> memref<120xi32, #tpu.memory_space<hbm>>
      %dma_wait3A_397 = arith.constant 0 : i32
      %dma_wait3A_398 = tpu.memref_slice %arg8[%dma_wait3A_392, %dma_wait3A_397] : memref<6x120xi32, #tpu.memory_space<vmem>> -> memref<1x120xi32, #tpu.memory_space<vmem>>
      %dma_wait3A_399 = tpu.memref_squeeze %dma_wait3A_398 : memref<1x120xi32, #tpu.memory_space<vmem>> -> memref<120xi32, #tpu.memory_space<vmem>>
      %dma_wait3A_400 = tpu.memref_slice %arg4[%add3A_391] : memref<322560xi32, #tpu.memory_space<hbm>> -> memref<120xi32, #tpu.memory_space<hbm>>
      tpu.wait_dma2 semaphore(%arg21 : memref<!tpu.dma_semaphore, #tpu.memory_space<semaphore_mem>>) src(%dma_wait3A_400 : memref<120xi32, #tpu.memory_space<hbm>>) dst(%dma_wait3A_399 : memref<120xi32, #tpu.memory_space<vmem>>)
      %run_scoped3A_401 = arith.constant 1 : i32
      %run_scoped3A_402 = arith.constant 4 : i32
      "tpu.region"() ({
        %run_scoped3A_452 = tpu.sem_alloc : memref<!tpu.dma_semaphore, #tpu.memory_space<semaphore_mem>>
        %dma_start3A_453 = arith.constant 0 : i32
        %dma_start3A_454 = arith.constant 0 : i32
        %dma_start3A_455 = tpu.memref_slice %arg9[%run_scoped3A_401, %dma_start3A_453, %dma_start3A_454] : memref<3x120x128xf32, #tpu.memory_space<vmem>> -> memref<1x120x128xf32, #tpu.memory_space<vmem>>
        %dma_start3A_456 = tpu.memref_squeeze %dma_start3A_455 : memref<1x120x128xf32, #tpu.memory_space<vmem>> -> memref<120x128xf32, #tpu.memory_space<vmem>>
        %dma_start3A_457 = arith.constant 0 : i32
        %dma_start3A_458 = tpu.memref_slice %arg8[%run_scoped3A_402, %dma_start3A_457] : memref<6x120xi32, #tpu.memory_space<vmem>> -> memref<1x120xi32, #tpu.memory_space<vmem>>
        %dma_start3A_459 = tpu.memref_squeeze %dma_start3A_458 : memref<1x120xi32, #tpu.memory_space<vmem>> -> memref<120xi32, #tpu.memory_space<vmem>>
        %dma_start3A_460 = arith.constant 0 : i32
        %dma_start3A_461 = arith.constant 0 : i32
        %dma_start3A_462 = tpu.memref_slice %arg10[%dma_start3A_460, %dma_start3A_461] : memref<10112x128xf32, #tpu.memory_space<vmem_shared>> -> memref<10112x128xf32, #tpu.memory_space<vmem_shared>>
        tpu.enqueue_indirect_dma source(%dma_start3A_456 : memref<120x128xf32, #tpu.memory_space<vmem>>) target(%dma_start3A_462 : memref<10112x128xf32, #tpu.memory_space<vmem_shared>>) offsets(%dma_start3A_459 : memref<120xi32, #tpu.memory_space<vmem>>) semaphore(%run_scoped3A_452 : memref<!tpu.dma_semaphore, #tpu.memory_space<semaphore_mem>>) {add = true}
        %dma_wait3A_463 = arith.constant 0 : i32
        %dma_wait3A_464 = arith.constant 0 : i32
        %dma_wait3A_465 = tpu.memref_slice %arg9[%run_scoped3A_401, %dma_wait3A_463, %dma_wait3A_464] : memref<3x120x128xf32, #tpu.memory_space<vmem>> -> memref<1x120x128xf32, #tpu.memory_space<vmem>>
        %dma_wait3A_466 = tpu.memref_squeeze %dma_wait3A_465 : memref<1x120x128xf32, #tpu.memory_space<vmem>> -> memref<120x128xf32, #tpu.memory_space<vmem>>
        %dma_wait3A_467 = arith.constant 0 : i32
        %dma_wait3A_468 = tpu.memref_slice %arg8[%run_scoped3A_402, %dma_wait3A_467] : memref<6x120xi32, #tpu.memory_space<vmem>> -> memref<1x120xi32, #tpu.memory_space<vmem>>
        %dma_wait3A_469 = tpu.memref_squeeze %dma_wait3A_468 : memref<1x120xi32, #tpu.memory_space<vmem>> -> memref<120xi32, #tpu.memory_space<vmem>>
        %dma_wait3A_470 = arith.constant 0 : i32
        %dma_wait3A_471 = arith.constant 0 : i32
        %dma_wait3A_472 = tpu.memref_slice %arg10[%dma_wait3A_470, %dma_wait3A_471] : memref<10112x128xf32, #tpu.memory_space<vmem_shared>> -> memref<10112x128xf32, #tpu.memory_space<vmem_shared>>
        tpu.wait_indirect_dma semaphore(%run_scoped3A_452 : memref<!tpu.dma_semaphore, #tpu.memory_space<semaphore_mem>>) src(%dma_wait3A_466 : memref<120x128xf32, #tpu.memory_space<vmem>>) dst(%dma_wait3A_472 : memref<10112x128xf32, #tpu.memory_space<vmem_shared>>)
        tpu.yield
      }) : () -> ()
      %mul3A_403 = arith.constant 6 : i32
      %mul3A_404 = arith.muli %scan3A_166, %mul3A_403 : i32
      %add3A_405 = arith.constant 5 : i32
      %add3A_406 = arith.addi %mul3A_404, %add3A_405 : i32
      %add3A_407 = arith.constant 6 : i32
      %add3A_408 = arith.addi %add3A_406, %add3A_407 : i32
      %sub3A_409 = arith.constant 1 : i32
      %sub3A_410 = arith.subi %add3A_408, %sub3A_409 : i32
      %lt3A_411 = arith.constant 84 : i32
      %lt3A_412 = arith.cmpi slt, %sub3A_410, %lt3A_411 : i32
      %convert_element_type3A_413 = arith.extui %lt3A_412 : i1 to i32
      %cond3A_414 = arith.constant 0 : i32
      %cond3A_415 = arith.cmpi ne, %convert_element_type3A_413, %cond3A_414 : i32
      scf.if %cond3A_415 {
        %add3A_452 = arith.constant 6 : i32
        %add3A_453 = arith.addi %add3A_406, %add3A_452 : i32
        %sub3A_454 = arith.constant 1 : i32
        %sub3A_455 = arith.subi %add3A_453, %sub3A_454 : i32
        %mul3A_456 = arith.constant 120 : i32
        %mul3A_457 = arith.muli %sub3A_455, %mul3A_456 : i32
        %add3A_458 = arith.addi %mul3A_4, %mul3A_457 : i32
        %dma_start3A_459 = arith.constant 4 : i32
        %dma_start3A_460 = arith.constant 0 : i32
        %dma_start3A_461 = tpu.memref_slice %arg7[%dma_start3A_459, %dma_start3A_460] : memref<6x120xi32, #tpu.memory_space<vmem>> -> memref<1x120xi32, #tpu.memory_space<vmem>>
        %dma_start3A_462 = tpu.memref_squeeze %dma_start3A_461 : memref<1x120xi32, #tpu.memory_space<vmem>> -> memref<120xi32, #tpu.memory_space<vmem>>
        %dma_start3A_463 = tpu.memref_slice %arg3[%add3A_458] : memref<322560xi32, #tpu.memory_space<hbm>> -> memref<120xi32, #tpu.memory_space<hbm>>
        %dma_start3A_464 = arith.constant 0 : i32
        %dma_start3A_465 = tpu.memref_slice %arg7[%dma_start3A_459, %dma_start3A_464] : memref<6x120xi32, #tpu.memory_space<vmem>> -> memref<1x120xi32, #tpu.memory_space<vmem>>
        %dma_start3A_466 = tpu.memref_squeeze %dma_start3A_465 : memref<1x120xi32, #tpu.memory_space<vmem>> -> memref<120xi32, #tpu.memory_space<vmem>>
        %dma_start3A_467 = tpu.memref_slice %arg3[%add3A_458] : memref<322560xi32, #tpu.memory_space<hbm>> -> memref<120xi32, #tpu.memory_space<hbm>>
        tpu.enqueue_dma source(%dma_start3A_467 : memref<120xi32, #tpu.memory_space<hbm>>) target(%dma_start3A_466 : memref<120xi32, #tpu.memory_space<vmem>>) target_semaphore(%arg15 : memref<!tpu.dma_semaphore, #tpu.memory_space<semaphore_mem>>)
        %mul3A_468 = arith.constant 120 : i32
        %mul3A_469 = arith.muli %sub3A_455, %mul3A_468 : i32
        %add3A_470 = arith.addi %mul3A_4, %mul3A_469 : i32
        %dma_start3A_471 = arith.constant 4 : i32
        %dma_start3A_472 = arith.constant 0 : i32
        %dma_start3A_473 = tpu.memref_slice %arg8[%dma_start3A_471, %dma_start3A_472] : memref<6x120xi32, #tpu.memory_space<vmem>> -> memref<1x120xi32, #tpu.memory_space<vmem>>
        %dma_start3A_474 = tpu.memref_squeeze %dma_start3A_473 : memref<1x120xi32, #tpu.memory_space<vmem>> -> memref<120xi32, #tpu.memory_space<vmem>>
        %dma_start3A_475 = tpu.memref_slice %arg4[%add3A_470] : memref<322560xi32, #tpu.memory_space<hbm>> -> memref<120xi32, #tpu.memory_space<hbm>>
        %dma_start3A_476 = arith.constant 0 : i32
        %dma_start3A_477 = tpu.memref_slice %arg8[%dma_start3A_471, %dma_start3A_476] : memref<6x120xi32, #tpu.memory_space<vmem>> -> memref<1x120xi32, #tpu.memory_space<vmem>>
        %dma_start3A_478 = tpu.memref_squeeze %dma_start3A_477 : memref<1x120xi32, #tpu.memory_space<vmem>> -> memref<120xi32, #tpu.memory_space<vmem>>
        %dma_start3A_479 = tpu.memref_slice %arg4[%add3A_470] : memref<322560xi32, #tpu.memory_space<hbm>> -> memref<120xi32, #tpu.memory_space<hbm>>
        tpu.enqueue_dma source(%dma_start3A_479 : memref<120xi32, #tpu.memory_space<hbm>>) target(%dma_start3A_478 : memref<120xi32, #tpu.memory_space<vmem>>) target_semaphore(%arg21 : memref<!tpu.dma_semaphore, #tpu.memory_space<semaphore_mem>>)
      } else {
      }
      %add3A_416 = arith.constant 3 : i32
      %add3A_417 = arith.addi %add3A_406, %add3A_416 : i32
      %sub3A_418 = arith.constant 1 : i32
      %sub3A_419 = arith.subi %add3A_417, %sub3A_418 : i32
      %lt3A_420 = arith.constant 84 : i32
      %lt3A_421 = arith.cmpi slt, %sub3A_419, %lt3A_420 : i32
      %convert_element_type3A_422 = arith.extui %lt3A_421 : i1 to i32
      %cond3A_423 = arith.constant 0 : i32
      %cond3A_424 = arith.cmpi ne, %convert_element_type3A_422, %cond3A_423 : i32
      scf.if %cond3A_424 {
        %add3A_452 = arith.constant 3 : i32
        %add3A_453 = arith.addi %add3A_406, %add3A_452 : i32
        %sub3A_454 = arith.constant 1 : i32
        %sub3A_455 = arith.subi %add3A_453, %sub3A_454 : i32
        %mul3A_456 = arith.constant 120 : i32
        %mul3A_457 = arith.muli %sub3A_455, %mul3A_456 : i32
        %add3A_458 = arith.addi %mul3A_4, %mul3A_457 : i32
        %dma_wait3A_459 = arith.constant 1 : i32
        %dma_wait3A_460 = arith.constant 0 : i32
        %dma_wait3A_461 = tpu.memref_slice %arg7[%dma_wait3A_459, %dma_wait3A_460] : memref<6x120xi32, #tpu.memory_space<vmem>> -> memref<1x120xi32, #tpu.memory_space<vmem>>
        %dma_wait3A_462 = tpu.memref_squeeze %dma_wait3A_461 : memref<1x120xi32, #tpu.memory_space<vmem>> -> memref<120xi32, #tpu.memory_space<vmem>>
        %dma_wait3A_463 = tpu.memref_slice %arg3[%add3A_458] : memref<322560xi32, #tpu.memory_space<hbm>> -> memref<120xi32, #tpu.memory_space<hbm>>
        %dma_wait3A_464 = arith.constant 0 : i32
        %dma_wait3A_465 = tpu.memref_slice %arg7[%dma_wait3A_459, %dma_wait3A_464] : memref<6x120xi32, #tpu.memory_space<vmem>> -> memref<1x120xi32, #tpu.memory_space<vmem>>
        %dma_wait3A_466 = tpu.memref_squeeze %dma_wait3A_465 : memref<1x120xi32, #tpu.memory_space<vmem>> -> memref<120xi32, #tpu.memory_space<vmem>>
        %dma_wait3A_467 = tpu.memref_slice %arg3[%add3A_458] : memref<322560xi32, #tpu.memory_space<hbm>> -> memref<120xi32, #tpu.memory_space<hbm>>
        tpu.wait_dma2 semaphore(%arg12 : memref<!tpu.dma_semaphore, #tpu.memory_space<semaphore_mem>>) src(%dma_wait3A_467 : memref<120xi32, #tpu.memory_space<hbm>>) dst(%dma_wait3A_466 : memref<120xi32, #tpu.memory_space<vmem>>)
        %dma_start3A_468 = arith.constant 1 : i32
        %dma_start3A_469 = arith.constant 1 : i32
        %dma_start3A_470 = arith.constant 0 : i32
        %dma_start3A_471 = arith.constant 0 : i32
        %dma_start3A_472 = tpu.memref_slice %arg9[%dma_start3A_469, %dma_start3A_470, %dma_start3A_471] : memref<3x120x128xf32, #tpu.memory_space<vmem>> -> memref<1x120x128xf32, #tpu.memory_space<vmem>>
        %dma_start3A_473 = tpu.memref_squeeze %dma_start3A_472 : memref<1x120x128xf32, #tpu.memory_space<vmem>> -> memref<120x128xf32, #tpu.memory_space<vmem>>
        %dma_start3A_474 = arith.constant 0 : i32
        %dma_start3A_475 = tpu.memref_slice %arg7[%dma_start3A_468, %dma_start3A_474] : memref<6x120xi32, #tpu.memory_space<vmem>> -> memref<1x120xi32, #tpu.memory_space<vmem>>
        %dma_start3A_476 = tpu.memref_squeeze %dma_start3A_475 : memref<1x120xi32, #tpu.memory_space<vmem>> -> memref<120xi32, #tpu.memory_space<vmem>>
        %dma_start3A_477 = arith.constant 0 : i32
        %dma_start3A_478 = arith.constant 0 : i32
        %dma_start3A_479 = tpu.memref_slice %arg2[%dma_start3A_477, %dma_start3A_478] : memref<10112x128xf32, #tpu.memory_space<hbm>> -> memref<10112x128xf32, #tpu.memory_space<hbm>>
        tpu.enqueue_indirect_dma source(%dma_start3A_479 : memref<10112x128xf32, #tpu.memory_space<hbm>>) target(%dma_start3A_473 : memref<120x128xf32, #tpu.memory_space<vmem>>) offsets(%dma_start3A_476 : memref<120xi32, #tpu.memory_space<vmem>>) semaphore(%arg24 : memref<!tpu.dma_semaphore, #tpu.memory_space<semaphore_mem>>)
      } else {
      }
      %dma_wait3A_425 = arith.constant 5 : i32
      %dma_wait3A_426 = arith.constant 2 : i32
      %dma_wait3A_427 = arith.constant 0 : i32
      %dma_wait3A_428 = arith.constant 0 : i32
      %dma_wait3A_429 = tpu.memref_slice %arg9[%dma_wait3A_426, %dma_wait3A_427, %dma_wait3A_428] : memref<3x120x128xf32, #tpu.memory_space<vmem>> -> memref<1x120x128xf32, #tpu.memory_space<vmem>>
      %dma_wait3A_430 = tpu.memref_squeeze %dma_wait3A_429 : memref<1x120x128xf32, #tpu.memory_space<vmem>> -> memref<120x128xf32, #tpu.memory_space<vmem>>
      %dma_wait3A_431 = arith.constant 0 : i32
      %dma_wait3A_432 = tpu.memref_slice %arg7[%dma_wait3A_425, %dma_wait3A_431] : memref<6x120xi32, #tpu.memory_space<vmem>> -> memref<1x120xi32, #tpu.memory_space<vmem>>
      %dma_wait3A_433 = tpu.memref_squeeze %dma_wait3A_432 : memref<1x120xi32, #tpu.memory_space<vmem>> -> memref<120xi32, #tpu.memory_space<vmem>>
      %dma_wait3A_434 = arith.constant 0 : i32
      %dma_wait3A_435 = arith.constant 0 : i32
      %dma_wait3A_436 = tpu.memref_slice %arg2[%dma_wait3A_434, %dma_wait3A_435] : memref<10112x128xf32, #tpu.memory_space<hbm>> -> memref<10112x128xf32, #tpu.memory_space<hbm>>
      tpu.wait_indirect_dma semaphore(%arg25 : memref<!tpu.dma_semaphore, #tpu.memory_space<semaphore_mem>>) src(%dma_wait3A_436 : memref<10112x128xf32, #tpu.memory_space<hbm>>) dst(%dma_wait3A_430 : memref<120x128xf32, #tpu.memory_space<vmem>>)
      %mul3A_437 = arith.constant 120 : i32
      %mul3A_438 = arith.muli %add3A_406, %mul3A_437 : i32
      %add3A_439 = arith.addi %mul3A_4, %mul3A_438 : i32
      %dma_wait3A_440 = arith.constant 5 : i32
      %dma_wait3A_441 = arith.constant 0 : i32
      %dma_wait3A_442 = tpu.memref_slice %arg8[%dma_wait3A_440, %dma_wait3A_441] : memref<6x120xi32, #tpu.memory_space<vmem>> -> memref<1x120xi32, #tpu.memory_space<vmem>>
      %dma_wait3A_443 = tpu.memref_squeeze %dma_wait3A_442 : memref<1x120xi32, #tpu.memory_space<vmem>> -> memref<120xi32, #tpu.memory_space<vmem>>
      %dma_wait3A_444 = tpu.memref_slice %arg4[%add3A_439] : memref<322560xi32, #tpu.memory_space<hbm>> -> memref<120xi32, #tpu.memory_space<hbm>>
      %dma_wait3A_445 = arith.constant 0 : i32
      %dma_wait3A_446 = tpu.memref_slice %arg8[%dma_wait3A_440, %dma_wait3A_445] : memref<6x120xi32, #tpu.memory_space<vmem>> -> memref<1x120xi32, #tpu.memory_space<vmem>>
      %dma_wait3A_447 = tpu.memref_squeeze %dma_wait3A_446 : memref<1x120xi32, #tpu.memory_space<vmem>> -> memref<120xi32, #tpu.memory_space<vmem>>
      %dma_wait3A_448 = tpu.memref_slice %arg4[%add3A_439] : memref<322560xi32, #tpu.memory_space<hbm>> -> memref<120xi32, #tpu.memory_space<hbm>>
      tpu.wait_dma2 semaphore(%arg22 : memref<!tpu.dma_semaphore, #tpu.memory_space<semaphore_mem>>) src(%dma_wait3A_448 : memref<120xi32, #tpu.memory_space<hbm>>) dst(%dma_wait3A_447 : memref<120xi32, #tpu.memory_space<vmem>>)
      %run_scoped3A_449 = arith.constant 2 : i32
      %run_scoped3A_450 = arith.constant 5 : i32
      "tpu.region"() ({
        %run_scoped3A_452 = tpu.sem_alloc : memref<!tpu.dma_semaphore, #tpu.memory_space<semaphore_mem>>
        %dma_start3A_453 = arith.constant 0 : i32
        %dma_start3A_454 = arith.constant 0 : i32
        %dma_start3A_455 = tpu.memref_slice %arg9[%run_scoped3A_449, %dma_start3A_453, %dma_start3A_454] : memref<3x120x128xf32, #tpu.memory_space<vmem>> -> memref<1x120x128xf32, #tpu.memory_space<vmem>>
        %dma_start3A_456 = tpu.memref_squeeze %dma_start3A_455 : memref<1x120x128xf32, #tpu.memory_space<vmem>> -> memref<120x128xf32, #tpu.memory_space<vmem>>
        %dma_start3A_457 = arith.constant 0 : i32
        %dma_start3A_458 = tpu.memref_slice %arg8[%run_scoped3A_450, %dma_start3A_457] : memref<6x120xi32, #tpu.memory_space<vmem>> -> memref<1x120xi32, #tpu.memory_space<vmem>>
        %dma_start3A_459 = tpu.memref_squeeze %dma_start3A_458 : memref<1x120xi32, #tpu.memory_space<vmem>> -> memref<120xi32, #tpu.memory_space<vmem>>
        %dma_start3A_460 = arith.constant 0 : i32
        %dma_start3A_461 = arith.constant 0 : i32
        %dma_start3A_462 = tpu.memref_slice %arg10[%dma_start3A_460, %dma_start3A_461] : memref<10112x128xf32, #tpu.memory_space<vmem_shared>> -> memref<10112x128xf32, #tpu.memory_space<vmem_shared>>
        tpu.enqueue_indirect_dma source(%dma_start3A_456 : memref<120x128xf32, #tpu.memory_space<vmem>>) target(%dma_start3A_462 : memref<10112x128xf32, #tpu.memory_space<vmem_shared>>) offsets(%dma_start3A_459 : memref<120xi32, #tpu.memory_space<vmem>>) semaphore(%run_scoped3A_452 : memref<!tpu.dma_semaphore, #tpu.memory_space<semaphore_mem>>) {add = true}
        %dma_wait3A_463 = arith.constant 0 : i32
        %dma_wait3A_464 = arith.constant 0 : i32
        %dma_wait3A_465 = tpu.memref_slice %arg9[%run_scoped3A_449, %dma_wait3A_463, %dma_wait3A_464] : memref<3x120x128xf32, #tpu.memory_space<vmem>> -> memref<1x120x128xf32, #tpu.memory_space<vmem>>
        %dma_wait3A_466 = tpu.memref_squeeze %dma_wait3A_465 : memref<1x120x128xf32, #tpu.memory_space<vmem>> -> memref<120x128xf32, #tpu.memory_space<vmem>>
        %dma_wait3A_467 = arith.constant 0 : i32
        %dma_wait3A_468 = tpu.memref_slice %arg8[%run_scoped3A_450, %dma_wait3A_467] : memref<6x120xi32, #tpu.memory_space<vmem>> -> memref<1x120xi32, #tpu.memory_space<vmem>>
        %dma_wait3A_469 = tpu.memref_squeeze %dma_wait3A_468 : memref<1x120xi32, #tpu.memory_space<vmem>> -> memref<120xi32, #tpu.memory_space<vmem>>
        %dma_wait3A_470 = arith.constant 0 : i32
        %dma_wait3A_471 = arith.constant 0 : i32
        %dma_wait3A_472 = tpu.memref_slice %arg10[%dma_wait3A_470, %dma_wait3A_471] : memref<10112x128xf32, #tpu.memory_space<vmem_shared>> -> memref<10112x128xf32, #tpu.memory_space<vmem_shared>>
        tpu.wait_indirect_dma semaphore(%run_scoped3A_452 : memref<!tpu.dma_semaphore, #tpu.memory_space<semaphore_mem>>) src(%dma_wait3A_466 : memref<120x128xf32, #tpu.memory_space<vmem>>) dst(%dma_wait3A_472 : memref<10112x128xf32, #tpu.memory_space<vmem_shared>>)
        tpu.yield
      }) : () -> ()
      %scan3A_451 = arith.constant 0 : i32
      scf.yield %scan3A_451 : i32
    }
    %scan3A_164 = arith.constant 14 : i32
    %barrier3A_165 = arith.constant 0 : index
    tpu.barrier barrier_id(%barrier3A_165)
    "tpu.region"() ({
      %run_scoped3A = tpu.sem_alloc : memref<!tpu.dma_semaphore, #tpu.memory_space<semaphore_mem>>
      %dma_start3A_166 = arith.constant 0 : i32
      %dma_start3A_167 = tpu.memref_slice %arg6[%arg0, %mul3A_2, %dma_start3A_166] : memref<2x10112x128xf32, #tpu.memory_space<hbm>> -> memref<1x632x128xf32, #tpu.memory_space<hbm>>
      %dma_start3A_168 = tpu.memref_squeeze %dma_start3A_167 : memref<1x632x128xf32, #tpu.memory_space<hbm>> -> memref<632x128xf32, #tpu.memory_space<hbm>>
      %dma_start3A_169 = arith.constant 0 : i32
      %dma_start3A_170 = tpu.memref_slice %arg10[%mul3A_2, %dma_start3A_169] : memref<10112x128xf32, #tpu.memory_space<vmem_shared>> -> memref<632x128xf32, #tpu.memory_space<vmem_shared>>
      tpu.enqueue_dma source(%dma_start3A_170 : memref<632x128xf32, #tpu.memory_space<vmem_shared>>) target(%dma_start3A_168 : memref<632x128xf32, #tpu.memory_space<hbm>>) target_semaphore(%run_scoped3A : memref<!tpu.dma_semaphore, #tpu.memory_space<semaphore_mem>>)
      %dma_wait3A_171 = arith.constant 0 : i32
      %dma_wait3A_172 = tpu.memref_slice %arg6[%arg0, %mul3A_2, %dma_wait3A_171] : memref<2x10112x128xf32, #tpu.memory_space<hbm>> -> memref<1x632x128xf32, #tpu.memory_space<hbm>>
      %dma_wait3A_173 = tpu.memref_squeeze %dma_wait3A_172 : memref<1x632x128xf32, #tpu.memory_space<hbm>> -> memref<632x128xf32, #tpu.memory_space<hbm>>
      %dma_wait3A_174 = arith.constant 0 : i32
      %dma_wait3A_175 = tpu.memref_slice %arg10[%mul3A_2, %dma_wait3A_174] : memref<10112x128xf32, #tpu.memory_space<vmem_shared>> -> memref<632x128xf32, #tpu.memory_space<vmem_shared>>
      tpu.wait_dma2 semaphore(%run_scoped3A : memref<!tpu.dma_semaphore, #tpu.memory_space<semaphore_mem>>) src(%dma_wait3A_175 : memref<632x128xf32, #tpu.memory_space<vmem_shared>>) dst(%dma_wait3A_173 : memref<632x128xf32, #tpu.memory_space<hbm>>)
      tpu.yield
    }) : () -> ()
    return
  }
}

#map = affine_map<(d0, d1) -> (0)>
module attributes {stable_mosaic.version = 14 : i64} {
  func.func @deg_kernel(%arg0: i32, %arg1: i32, %arg2: memref<322560xi32, #tpu.memory_space<hbm>>, %arg3: memref<323584xf32, #tpu.memory_space<hbm>>, %arg4: memref<10080xi32, #tpu.memory_space<vmem>>, %arg5: memref<10112xf32, #tpu.memory_space<vmem>>, %arg6: memref<!tpu.dma_semaphore, #tpu.memory_space<semaphore_mem>>) attributes {dimension_semantics = [#tpu.dimension_semantics<core_parallel>, #tpu.dimension_semantics<subcore_parallel>], iteration_bounds = array<i64: 2, 16>, scalar_prefetch = 0 : i64, scratch_operands = 3 : i64, tpu.core_type = #tpu.core_type<sc_vector_subcore>, window_params = [{transform_indices = #map}, {transform_indices = #map}]} {
    %mul3A = arith.constant 16 : i32
    %mul3A_0 = arith.muli %arg0, %mul3A : i32
    %add3A = arith.addi %mul3A_0, %arg1 : i32
    %mul3A_1 = arith.constant 10080 : i32
    %mul3A_2 = arith.muli %add3A, %mul3A_1 : i32
    %dma_start3A = tpu.memref_slice %arg2[%mul3A_2] : memref<322560xi32, #tpu.memory_space<hbm>> -> memref<10080xi32, #tpu.memory_space<hbm>>
    %dma_start3A_3 = tpu.memref_slice %arg2[%mul3A_2] : memref<322560xi32, #tpu.memory_space<hbm>> -> memref<10080xi32, #tpu.memory_space<hbm>>
    tpu.enqueue_dma source(%dma_start3A_3 : memref<10080xi32, #tpu.memory_space<hbm>>) target(%arg4 : memref<10080xi32, #tpu.memory_space<vmem>>) target_semaphore(%arg6 : memref<!tpu.dma_semaphore, #tpu.memory_space<semaphore_mem>>)
    %dma_wait3A = tpu.memref_slice %arg2[%mul3A_2] : memref<322560xi32, #tpu.memory_space<hbm>> -> memref<10080xi32, #tpu.memory_space<hbm>>
    %dma_wait3A_4 = tpu.memref_slice %arg2[%mul3A_2] : memref<322560xi32, #tpu.memory_space<hbm>> -> memref<10080xi32, #tpu.memory_space<hbm>>
    tpu.wait_dma2 semaphore(%arg6 : memref<!tpu.dma_semaphore, #tpu.memory_space<semaphore_mem>>) src(%dma_wait3A_4 : memref<10080xi32, #tpu.memory_space<hbm>>) dst(%arg4 : memref<10080xi32, #tpu.memory_space<vmem>>)
    %broadcast_in_dim3A = arith.constant 0.000000e+00 : f32
    %broadcast_in_dim3A_5 = vector.broadcast %broadcast_in_dim3A : f32 to vector<16xf32>
    %scan3A = arith.constant 0 : i32
    %scan3A_6 = arith.constant 0 : i32
    %scan3A_7 = arith.constant 632 : i32
    %scan3A_8 = arith.addi %scan3A_6, %scan3A_7 : i32
    %scan3A_9 = arith.constant 1 : i32
    %scan3A_10 = scf.for %scan3A_21 = %scan3A_6 to %scan3A_8 step %scan3A_9 iter_args(%scan3A_22 = %scan3A) -> (i32)  : i32 {
      %mul3A_23 = arith.constant 16 : i32
      %mul3A_24 = arith.muli %scan3A_21, %mul3A_23 : i32
      %swap3A = arith.index_cast %mul3A_24 : i32 to index
      %swap3A_25 = tpu.vector_load %arg5[%swap3A] {strides = array<i32>} : memref<10112xf32, #tpu.memory_space<vmem>>, vector<16xf32>,
      tpu.vector_store %arg5[%swap3A], %broadcast_in_dim3A_5 {strides = array<i32>} : memref<10112xf32, #tpu.memory_space<vmem>>, vector<16xf32>,
      %scan3A_26 = arith.constant 0 : i32
      scf.yield %scan3A_26 : i32
    }
    %scan3A_11 = arith.constant 632 : i32
    %scan3A_12 = arith.constant 0 : i32
    %scan3A_13 = arith.constant 0 : i32
    %scan3A_14 = arith.constant 630 : i32
    %scan3A_15 = arith.addi %scan3A_13, %scan3A_14 : i32
    %scan3A_16 = arith.constant 1 : i32
    %scan3A_17 = scf.for %scan3A_21 = %scan3A_13 to %scan3A_15 step %scan3A_16 iter_args(%scan3A_22 = %scan3A_12) -> (i32)  : i32 {
      %mul3A_23 = arith.constant 16 : i32
      %mul3A_24 = arith.muli %scan3A_21, %mul3A_23 : i32
      %get3A = arith.index_cast %mul3A_24 : i32 to index
      %get3A_25 = tpu.vector_load %arg4[%get3A] {strides = array<i32>} : memref<10080xi32, #tpu.memory_space<vmem>>, vector<16xi32>,
      %broadcast_in_dim3A_26 = arith.constant true
      %broadcast_in_dim3A_27 = vector.broadcast %broadcast_in_dim3A_26 : i1 to vector<16xi1>
      %unique3A, %unique3A_28 = tpu.scan_count mask(%broadcast_in_dim3A_27 : vector<16xi1>) value(%get3A_25 : vector<16xi32>) : vector<16xi1>, vector<16xi32>
      %convert_element_type3A = arith.sitofp %unique3A_28 : vector<16xi32> to vector<16xf32>
      tpu.vector_store_idx %arg5[%get3A_25], %convert_element_type3A masked %unique3A {add = true} : memref<10112xf32, #tpu.memory_space<vmem>>[vector<16xi32>], vector<16xf32>, vector<16xi1>
      %scan3A_29 = arith.constant 0 : i32
      scf.yield %scan3A_29 : i32
    }
    %scan3A_18 = arith.constant 630 : i32
    %mul3A_19 = arith.constant 10112 : i32
    %mul3A_20 = arith.muli %add3A, %mul3A_19 : i32
    "tpu.region"() ({
      %run_scoped3A = tpu.sem_alloc : memref<!tpu.dma_semaphore, #tpu.memory_space<semaphore_mem>>
      %dma_start3A_21 = tpu.memref_slice %arg3[%mul3A_20] : memref<323584xf32, #tpu.memory_space<hbm>> -> memref<10112xf32, #tpu.memory_space<hbm>>
      %dma_start3A_22 = tpu.memref_slice %arg3[%mul3A_20] : memref<323584xf32, #tpu.memory_space<hbm>> -> memref<10112xf32, #tpu.memory_space<hbm>>
      tpu.enqueue_dma source(%arg5 : memref<10112xf32, #tpu.memory_space<vmem>>) target(%dma_start3A_22 : memref<10112xf32, #tpu.memory_space<hbm>>) target_semaphore(%run_scoped3A : memref<!tpu.dma_semaphore, #tpu.memory_space<semaphore_mem>>)
      %dma_wait3A_23 = tpu.memref_slice %arg3[%mul3A_20] : memref<323584xf32, #tpu.memory_space<hbm>> -> memref<10112xf32, #tpu.memory_space<hbm>>
      %dma_wait3A_24 = tpu.memref_slice %arg3[%mul3A_20] : memref<323584xf32, #tpu.memory_space<hbm>> -> memref<10112xf32, #tpu.memory_space<hbm>>
      tpu.wait_dma2 semaphore(%run_scoped3A : memref<!tpu.dma_semaphore, #tpu.memory_space<semaphore_mem>>) src(%arg5 : memref<10112xf32, #tpu.memory_space<vmem>>) dst(%dma_wait3A_24 : memref<10112xf32, #tpu.memory_space<hbm>>)
      tpu.yield
    }) : () -> ()
    return
  }
}

#map = affine_map<(d0, d1) -> (0, 0)>
#map1 = affine_map<(d0, d1) -> (0)>
#map2 = affine_map<(d0, d1) -> (0, 0, 0)>
module attributes {stable_mosaic.version = 14 : i64} {
  func.func @agg_kernel(%arg0: i32, %arg1: i32, %arg2: memref<10112x128xf32, #tpu.memory_space<hbm>>, %arg3: memref<322560xi32, #tpu.memory_space<hbm>>, %arg4: memref<322560xi32, #tpu.memory_space<hbm>>, %arg5: memref<632x128xf32, #tpu.memory_space<hbm>>, %arg6: memref<2x10112x128xf32, #tpu.memory_space<hbm>>, %arg7: memref<6x120xi32, #tpu.memory_space<vmem>>, %arg8: memref<6x120xi32, #tpu.memory_space<vmem>>, %arg9: memref<3x120x128xf32, #tpu.memory_space<vmem>>, %arg10: memref<10112x128xf32, #tpu.memory_space<vmem_shared>>, %arg11: memref<!tpu.dma_semaphore, #tpu.memory_space<semaphore_mem>>, %arg12: memref<!tpu.dma_semaphore, #tpu.memory_space<semaphore_mem>>, %arg13: memref<!tpu.dma_semaphore, #tpu.memory_space<semaphore_mem>>, %arg14: memref<!tpu.dma_semaphore, #tpu.memory_space<semaphore_mem>>, %arg15: memref<!tpu.dma_semaphore, #tpu.memory_space<semaphore_mem>>, %arg16: memref<!tpu.dma_semaphore, #tpu.memory_space<semaphore_mem>>, %arg17: memref<!tpu.dma_semaphore, #tpu.memory_space<semaphore_mem>>, %arg18: memref<!tpu.dma_semaphore, #tpu.memory_space<semaphore_mem>>, %arg19: memref<!tpu.dma_semaphore, #tpu.memory_space<semaphore_mem>>, %arg20: memref<!tpu.dma_semaphore, #tpu.memory_space<semaphore_mem>>, %arg21: memref<!tpu.dma_semaphore, #tpu.memory_space<semaphore_mem>>, %arg22: memref<!tpu.dma_semaphore, #tpu.memory_space<semaphore_mem>>, %arg23: memref<!tpu.dma_semaphore, #tpu.memory_space<semaphore_mem>>, %arg24: memref<!tpu.dma_semaphore, #tpu.memory_space<semaphore_mem>>, %arg25: memref<!tpu.dma_semaphore, #tpu.memory_space<semaphore_mem>>) attributes {dimension_semantics = [#tpu.dimension_semantics<core_parallel>, #tpu.dimension_semantics<subcore_parallel>], iteration_bounds = array<i64: 2, 16>, scalar_prefetch = 0 : i64, scratch_operands = 19 : i64, tpu.core_type = #tpu.core_type<sc_vector_subcore>, window_params = [{transform_indices = #map}, {transform_indices = #map1}, {transform_indices = #map1}, {transform_indices = #map}, {transform_indices = #map2}]} {
    %mul3A = arith.constant 16 : i32
    %mul3A_0 = arith.muli %arg0, %mul3A : i32
    %add3A = arith.addi %mul3A_0, %arg1 : i32
    %mul3A_1 = arith.constant 632 : i32
    %mul3A_2 = arith.muli %arg1, %mul3A_1 : i32
    %mul3A_3 = arith.constant 10080 : i32
    %mul3A_4 = arith.muli %add3A, %mul3A_3 : i32
    %add3A_5 = arith.constant 0 : i32
    %add3A_6 = arith.addi %mul3A_4, %add3A_5 : i32
    %dma_start3A = arith.constant 0 : i32
    %dma_start3A_7 = arith.constant 0 : i32
    %dma_start3A_8 = tpu.memref_slice %arg7[%dma_start3A, %dma_start3A_7] : memref<6x120xi32, #tpu.memory_space<vmem>> -> memref<1x120xi32, #tpu.memory_space<vmem>>
    %dma_start3A_9 = tpu.memref_squeeze %dma_start3A_8 : memref<1x120xi32, #tpu.memory_space<vmem>> -> memref<120xi32, #tpu.memory_space<vmem>>
    %dma_start3A_10 = tpu.memref_slice %arg3[%add3A_6] : memref<322560xi32, #tpu.memory_space<hbm>> -> memref<120xi32, #tpu.memory_space<hbm>>
    %dma_start3A_11 = arith.constant 0 : i32
    %dma_start3A_12 = tpu.memref_slice %arg7[%dma_start3A, %dma_start3A_11] : memref<6x120xi32, #tpu.memory_space<vmem>> -> memref<1x120xi32, #tpu.memory_space<vmem>>
    %dma_start3A_13 = tpu.memref_squeeze %dma_start3A_12 : memref<1x120xi32, #tpu.memory_space<vmem>> -> memref<120xi32, #tpu.memory_space<vmem>>
    %dma_start3A_14 = tpu.memref_slice %arg3[%add3A_6] : memref<322560xi32, #tpu.memory_space<hbm>> -> memref<120xi32, #tpu.memory_space<hbm>>
    tpu.enqueue_dma source(%dma_start3A_14 : memref<120xi32, #tpu.memory_space<hbm>>) target(%dma_start3A_13 : memref<120xi32, #tpu.memory_space<vmem>>) target_semaphore(%arg11 : memref<!tpu.dma_semaphore, #tpu.memory_space<semaphore_mem>>)
    %add3A_15 = arith.constant 0 : i32
    %add3A_16 = arith.addi %mul3A_4, %add3A_15 : i32
    %dma_start3A_17 = arith.constant 0 : i32
    %dma_start3A_18 = arith.constant 0 : i32
    %dma_start3A_19 = tpu.memref_slice %arg8[%dma_start3A_17, %dma_start3A_18] : memref<6x120xi32, #tpu.memory_space<vmem>> -> memref<1x120xi32, #tpu.memory_space<vmem>>
    %dma_start3A_20 = tpu.memref_squeeze %dma_start3A_19 : memref<1x120xi32, #tpu.memory_space<vmem>> -> memref<120xi32, #tpu.memory_space<vmem>>
    %dma_start3A_21 = tpu.memref_slice %arg4[%add3A_16] : memref<322560xi32, #tpu.memory_space<hbm>> -> memref<120xi32, #tpu.memory_space<hbm>>
    %dma_start3A_22 = arith.constant 0 : i32
    %dma_start3A_23 = tpu.memref_slice %arg8[%dma_start3A_17, %dma_start3A_22] : memref<6x120xi32, #tpu.memory_space<vmem>> -> memref<1x120xi32, #tpu.memory_space<vmem>>
    %dma_start3A_24 = tpu.memref_squeeze %dma_start3A_23 : memref<1x120xi32, #tpu.memory_space<vmem>> -> memref<120xi32, #tpu.memory_space<vmem>>
    %dma_start3A_25 = tpu.memref_slice %arg4[%add3A_16] : memref<322560xi32, #tpu.memory_space<hbm>> -> memref<120xi32, #tpu.memory_space<hbm>>
    tpu.enqueue_dma source(%dma_start3A_25 : memref<120xi32, #tpu.memory_space<hbm>>) target(%dma_start3A_24 : memref<120xi32, #tpu.memory_space<vmem>>) target_semaphore(%arg17 : memref<!tpu.dma_semaphore, #tpu.memory_space<semaphore_mem>>)
    %add3A_26 = arith.constant 120 : i32
    %add3A_27 = arith.addi %mul3A_4, %add3A_26 : i32
    %dma_start3A_28 = arith.constant 1 : i32
    %dma_start3A_29 = arith.constant 0 : i32
    %dma_start3A_30 = tpu.memref_slice %arg7[%dma_start3A_28, %dma_start3A_29] : memref<6x120xi32, #tpu.memory_space<vmem>> -> memref<1x120xi32, #tpu.memory_space<vmem>>
    %dma_start3A_31 = tpu.memref_squeeze %dma_start3A_30 : memref<1x120xi32, #tpu.memory_space<vmem>> -> memref<120xi32, #tpu.memory_space<vmem>>
    %dma_start3A_32 = tpu.memref_slice %arg3[%add3A_27] : memref<322560xi32, #tpu.memory_space<hbm>> -> memref<120xi32, #tpu.memory_space<hbm>>
    %dma_start3A_33 = arith.constant 0 : i32
    %dma_start3A_34 = tpu.memref_slice %arg7[%dma_start3A_28, %dma_start3A_33] : memref<6x120xi32, #tpu.memory_space<vmem>> -> memref<1x120xi32, #tpu.memory_space<vmem>>
    %dma_start3A_35 = tpu.memref_squeeze %dma_start3A_34 : memref<1x120xi32, #tpu.memory_space<vmem>> -> memref<120xi32, #tpu.memory_space<vmem>>
    %dma_start3A_36 = tpu.memref_slice %arg3[%add3A_27] : memref<322560xi32, #tpu.memory_space<hbm>> -> memref<120xi32, #tpu.memory_space<hbm>>
    tpu.enqueue_dma source(%dma_start3A_36 : memref<120xi32, #tpu.memory_space<hbm>>) target(%dma_start3A_35 : memref<120xi32, #tpu.memory_space<vmem>>) target_semaphore(%arg12 : memref<!tpu.dma_semaphore, #tpu.memory_space<semaphore_mem>>)
    %add3A_37 = arith.constant 120 : i32
    %add3A_38 = arith.addi %mul3A_4, %add3A_37 : i32
    %dma_start3A_39 = arith.constant 1 : i32
    %dma_start3A_40 = arith.constant 0 : i32
    %dma_start3A_41 = tpu.memref_slice %arg8[%dma_start3A_39, %dma_start3A_40] : memref<6x120xi32, #tpu.memory_space<vmem>> -> memref<1x120xi32, #tpu.memory_space<vmem>>
    %dma_start3A_42 = tpu.memref_squeeze %dma_start3A_41 : memref<1x120xi32, #tpu.memory_space<vmem>> -> memref<120xi32, #tpu.memory_space<vmem>>
    %dma_start3A_43 = tpu.memref_slice %arg4[%add3A_38] : memref<322560xi32, #tpu.memory_space<hbm>> -> memref<120xi32, #tpu.memory_space<hbm>>
    %dma_start3A_44 = arith.constant 0 : i32
    %dma_start3A_45 = tpu.memref_slice %arg8[%dma_start3A_39, %dma_start3A_44] : memref<6x120xi32, #tpu.memory_space<vmem>> -> memref<1x120xi32, #tpu.memory_space<vmem>>
    %dma_start3A_46 = tpu.memref_squeeze %dma_start3A_45 : memref<1x120xi32, #tpu.memory_space<vmem>> -> memref<120xi32, #tpu.memory_space<vmem>>
    %dma_start3A_47 = tpu.memref_slice %arg4[%add3A_38] : memref<322560xi32, #tpu.memory_space<hbm>> -> memref<120xi32, #tpu.memory_space<hbm>>
    tpu.enqueue_dma source(%dma_start3A_47 : memref<120xi32, #tpu.memory_space<hbm>>) target(%dma_start3A_46 : memref<120xi32, #tpu.memory_space<vmem>>) target_semaphore(%arg18 : memref<!tpu.dma_semaphore, #tpu.memory_space<semaphore_mem>>)
    %add3A_48 = arith.constant 240 : i32
    %add3A_49 = arith.addi %mul3A_4, %add3A_48 : i32
    %dma_start3A_50 = arith.constant 2 : i32
    %dma_start3A_51 = arith.constant 0 : i32
    %dma_start3A_52 = tpu.memref_slice %arg7[%dma_start3A_50, %dma_start3A_51] : memref<6x120xi32, #tpu.memory_space<vmem>> -> memref<1x120xi32, #tpu.memory_space<vmem>>
    %dma_start3A_53 = tpu.memref_squeeze %dma_start3A_52 : memref<1x120xi32, #tpu.memory_space<vmem>> -> memref<120xi32, #tpu.memory_space<vmem>>
    %dma_start3A_54 = tpu.memref_slice %arg3[%add3A_49] : memref<322560xi32, #tpu.memory_space<hbm>> -> memref<120xi32, #tpu.memory_space<hbm>>
    %dma_start3A_55 = arith.constant 0 : i32
    %dma_start3A_56 = tpu.memref_slice %arg7[%dma_start3A_50, %dma_start3A_55] : memref<6x120xi32, #tpu.memory_space<vmem>> -> memref<1x120xi32, #tpu.memory_space<vmem>>
    %dma_start3A_57 = tpu.memref_squeeze %dma_start3A_56 : memref<1x120xi32, #tpu.memory_space<vmem>> -> memref<120xi32, #tpu.memory_space<vmem>>
    %dma_start3A_58 = tpu.memref_slice %arg3[%add3A_49] : memref<322560xi32, #tpu.memory_space<hbm>> -> memref<120xi32, #tpu.memory_space<hbm>>
    tpu.enqueue_dma source(%dma_start3A_58 : memref<120xi32, #tpu.memory_space<hbm>>) target(%dma_start3A_57 : memref<120xi32, #tpu.memory_space<vmem>>) target_semaphore(%arg13 : memref<!tpu.dma_semaphore, #tpu.memory_space<semaphore_mem>>)
    %add3A_59 = arith.constant 240 : i32
    %add3A_60 = arith.addi %mul3A_4, %add3A_59 : i32
    %dma_start3A_61 = arith.constant 2 : i32
    %dma_start3A_62 = arith.constant 0 : i32
    %dma_start3A_63 = tpu.memref_slice %arg8[%dma_start3A_61, %dma_start3A_62] : memref<6x120xi32, #tpu.memory_space<vmem>> -> memref<1x120xi32, #tpu.memory_space<vmem>>
    %dma_start3A_64 = tpu.memref_squeeze %dma_start3A_63 : memref<1x120xi32, #tpu.memory_space<vmem>> -> memref<120xi32, #tpu.memory_space<vmem>>
    %dma_start3A_65 = tpu.memref_slice %arg4[%add3A_60] : memref<322560xi32, #tpu.memory_space<hbm>> -> memref<120xi32, #tpu.memory_space<hbm>>
    %dma_start3A_66 = arith.constant 0 : i32
    %dma_start3A_67 = tpu.memref_slice %arg8[%dma_start3A_61, %dma_start3A_66] : memref<6x120xi32, #tpu.memory_space<vmem>> -> memref<1x120xi32, #tpu.memory_space<vmem>>
    %dma_start3A_68 = tpu.memref_squeeze %dma_start3A_67 : memref<1x120xi32, #tpu.memory_space<vmem>> -> memref<120xi32, #tpu.memory_space<vmem>>
    %dma_start3A_69 = tpu.memref_slice %arg4[%add3A_60] : memref<322560xi32, #tpu.memory_space<hbm>> -> memref<120xi32, #tpu.memory_space<hbm>>
    tpu.enqueue_dma source(%dma_start3A_69 : memref<120xi32, #tpu.memory_space<hbm>>) target(%dma_start3A_68 : memref<120xi32, #tpu.memory_space<vmem>>) target_semaphore(%arg19 : memref<!tpu.dma_semaphore, #tpu.memory_space<semaphore_mem>>)
    %add3A_70 = arith.constant 360 : i32
    %add3A_71 = arith.addi %mul3A_4, %add3A_70 : i32
    %dma_start3A_72 = arith.constant 3 : i32
    %dma_start3A_73 = arith.constant 0 : i32
    %dma_start3A_74 = tpu.memref_slice %arg7[%dma_start3A_72, %dma_start3A_73] : memref<6x120xi32, #tpu.memory_space<vmem>> -> memref<1x120xi32, #tpu.memory_space<vmem>>
    %dma_start3A_75 = tpu.memref_squeeze %dma_start3A_74 : memref<1x120xi32, #tpu.memory_space<vmem>> -> memref<120xi32, #tpu.memory_space<vmem>>
    %dma_start3A_76 = tpu.memref_slice %arg3[%add3A_71] : memref<322560xi32, #tpu.memory_space<hbm>> -> memref<120xi32, #tpu.memory_space<hbm>>
    %dma_start3A_77 = arith.constant 0 : i32
    %dma_start3A_78 = tpu.memref_slice %arg7[%dma_start3A_72, %dma_start3A_77] : memref<6x120xi32, #tpu.memory_space<vmem>> -> memref<1x120xi32, #tpu.memory_space<vmem>>
    %dma_start3A_79 = tpu.memref_squeeze %dma_start3A_78 : memref<1x120xi32, #tpu.memory_space<vmem>> -> memref<120xi32, #tpu.memory_space<vmem>>
    %dma_start3A_80 = tpu.memref_slice %arg3[%add3A_71] : memref<322560xi32, #tpu.memory_space<hbm>> -> memref<120xi32, #tpu.memory_space<hbm>>
    tpu.enqueue_dma source(%dma_start3A_80 : memref<120xi32, #tpu.memory_space<hbm>>) target(%dma_start3A_79 : memref<120xi32, #tpu.memory_space<vmem>>) target_semaphore(%arg14 : memref<!tpu.dma_semaphore, #tpu.memory_space<semaphore_mem>>)
    %add3A_81 = arith.constant 360 : i32
    %add3A_82 = arith.addi %mul3A_4, %add3A_81 : i32
    %dma_start3A_83 = arith.constant 3 : i32
    %dma_start3A_84 = arith.constant 0 : i32
    %dma_start3A_85 = tpu.memref_slice %arg8[%dma_start3A_83, %dma_start3A_84] : memref<6x120xi32, #tpu.memory_space<vmem>> -> memref<1x120xi32, #tpu.memory_space<vmem>>
    %dma_start3A_86 = tpu.memref_squeeze %dma_start3A_85 : memref<1x120xi32, #tpu.memory_space<vmem>> -> memref<120xi32, #tpu.memory_space<vmem>>
    %dma_start3A_87 = tpu.memref_slice %arg4[%add3A_82] : memref<322560xi32, #tpu.memory_space<hbm>> -> memref<120xi32, #tpu.memory_space<hbm>>
    %dma_start3A_88 = arith.constant 0 : i32
    %dma_start3A_89 = tpu.memref_slice %arg8[%dma_start3A_83, %dma_start3A_88] : memref<6x120xi32, #tpu.memory_space<vmem>> -> memref<1x120xi32, #tpu.memory_space<vmem>>
    %dma_start3A_90 = tpu.memref_squeeze %dma_start3A_89 : memref<1x120xi32, #tpu.memory_space<vmem>> -> memref<120xi32, #tpu.memory_space<vmem>>
    %dma_start3A_91 = tpu.memref_slice %arg4[%add3A_82] : memref<322560xi32, #tpu.memory_space<hbm>> -> memref<120xi32, #tpu.memory_space<hbm>>
    tpu.enqueue_dma source(%dma_start3A_91 : memref<120xi32, #tpu.memory_space<hbm>>) target(%dma_start3A_90 : memref<120xi32, #tpu.memory_space<vmem>>) target_semaphore(%arg20 : memref<!tpu.dma_semaphore, #tpu.memory_space<semaphore_mem>>)
    %add3A_92 = arith.constant 480 : i32
    %add3A_93 = arith.addi %mul3A_4, %add3A_92 : i32
    %dma_start3A_94 = arith.constant 4 : i32
    %dma_start3A_95 = arith.constant 0 : i32
    %dma_start3A_96 = tpu.memref_slice %arg7[%dma_start3A_94, %dma_start3A_95] : memref<6x120xi32, #tpu.memory_space<vmem>> -> memref<1x120xi32, #tpu.memory_space<vmem>>
    %dma_start3A_97 = tpu.memref_squeeze %dma_start3A_96 : memref<1x120xi32, #tpu.memory_space<vmem>> -> memref<120xi32, #tpu.memory_space<vmem>>
    %dma_start3A_98 = tpu.memref_slice %arg3[%add3A_93] : memref<322560xi32, #tpu.memory_space<hbm>> -> memref<120xi32, #tpu.memory_space<hbm>>
    %dma_start3A_99 = arith.constant 0 : i32
    %dma_start3A_100 = tpu.memref_slice %arg7[%dma_start3A_94, %dma_start3A_99] : memref<6x120xi32, #tpu.memory_space<vmem>> -> memref<1x120xi32, #tpu.memory_space<vmem>>
    %dma_start3A_101 = tpu.memref_squeeze %dma_start3A_100 : memref<1x120xi32, #tpu.memory_space<vmem>> -> memref<120xi32, #tpu.memory_space<vmem>>
    %dma_start3A_102 = tpu.memref_slice %arg3[%add3A_93] : memref<322560xi32, #tpu.memory_space<hbm>> -> memref<120xi32, #tpu.memory_space<hbm>>
    tpu.enqueue_dma source(%dma_start3A_102 : memref<120xi32, #tpu.memory_space<hbm>>) target(%dma_start3A_101 : memref<120xi32, #tpu.memory_space<vmem>>) target_semaphore(%arg15 : memref<!tpu.dma_semaphore, #tpu.memory_space<semaphore_mem>>)
    %add3A_103 = arith.constant 480 : i32
    %add3A_104 = arith.addi %mul3A_4, %add3A_103 : i32
    %dma_start3A_105 = arith.constant 4 : i32
    %dma_start3A_106 = arith.constant 0 : i32
    %dma_start3A_107 = tpu.memref_slice %arg8[%dma_start3A_105, %dma_start3A_106] : memref<6x120xi32, #tpu.memory_space<vmem>> -> memref<1x120xi32, #tpu.memory_space<vmem>>
    %dma_start3A_108 = tpu.memref_squeeze %dma_start3A_107 : memref<1x120xi32, #tpu.memory_space<vmem>> -> memref<120xi32, #tpu.memory_space<vmem>>
    %dma_start3A_109 = tpu.memref_slice %arg4[%add3A_104] : memref<322560xi32, #tpu.memory_space<hbm>> -> memref<120xi32, #tpu.memory_space<hbm>>
    %dma_start3A_110 = arith.constant 0 : i32
    %dma_start3A_111 = tpu.memref_slice %arg8[%dma_start3A_105, %dma_start3A_110] : memref<6x120xi32, #tpu.memory_space<vmem>> -> memref<1x120xi32, #tpu.memory_space<vmem>>
    %dma_start3A_112 = tpu.memref_squeeze %dma_start3A_111 : memref<1x120xi32, #tpu.memory_space<vmem>> -> memref<120xi32, #tpu.memory_space<vmem>>
    %dma_start3A_113 = tpu.memref_slice %arg4[%add3A_104] : memref<322560xi32, #tpu.memory_space<hbm>> -> memref<120xi32, #tpu.memory_space<hbm>>
    tpu.enqueue_dma source(%dma_start3A_113 : memref<120xi32, #tpu.memory_space<hbm>>) target(%dma_start3A_112 : memref<120xi32, #tpu.memory_space<vmem>>) target_semaphore(%arg21 : memref<!tpu.dma_semaphore, #tpu.memory_space<semaphore_mem>>)
    "tpu.region"() ({
      %run_scoped3A = tpu.sem_alloc : memref<!tpu.dma_semaphore, #tpu.memory_space<semaphore_mem>>
      %dma_start3A_166 = arith.constant 0 : i32
      %dma_start3A_167 = tpu.memref_slice %arg10[%mul3A_2, %dma_start3A_166] : memref<10112x128xf32, #tpu.memory_space<vmem_shared>> -> memref<632x128xf32, #tpu.memory_space<vmem_shared>>
      tpu.enqueue_dma source(%arg5 : memref<632x128xf32, #tpu.memory_space<hbm>>) target(%dma_start3A_167 : memref<632x128xf32, #tpu.memory_space<vmem_shared>>) target_semaphore(%run_scoped3A : memref<!tpu.dma_semaphore, #tpu.memory_space<semaphore_mem>>)
      %dma_wait3A_168 = arith.constant 0 : i32
      %dma_wait3A_169 = tpu.memref_slice %arg10[%mul3A_2, %dma_wait3A_168] : memref<10112x128xf32, #tpu.memory_space<vmem_shared>> -> memref<632x128xf32, #tpu.memory_space<vmem_shared>>
      tpu.wait_dma2 semaphore(%run_scoped3A : memref<!tpu.dma_semaphore, #tpu.memory_space<semaphore_mem>>) src(%arg5 : memref<632x128xf32, #tpu.memory_space<hbm>>) dst(%dma_wait3A_169 : memref<632x128xf32, #tpu.memory_space<vmem_shared>>)
      tpu.yield
    }) : () -> ()
    %barrier3A = arith.constant 0 : index
    tpu.barrier barrier_id(%barrier3A)
    %add3A_114 = arith.constant 0 : i32
    %add3A_115 = arith.addi %mul3A_4, %add3A_114 : i32
    %dma_wait3A = arith.constant 0 : i32
    %dma_wait3A_116 = arith.constant 0 : i32
    %dma_wait3A_117 = tpu.memref_slice %arg7[%dma_wait3A, %dma_wait3A_116] : memref<6x120xi32, #tpu.memory_space<vmem>> -> memref<1x120xi32, #tpu.memory_space<vmem>>
    %dma_wait3A_118 = tpu.memref_squeeze %dma_wait3A_117 : memref<1x120xi32, #tpu.memory_space<vmem>> -> memref<120xi32, #tpu.memory_space<vmem>>
    %dma_wait3A_119 = tpu.memref_slice %arg3[%add3A_115] : memref<322560xi32, #tpu.memory_space<hbm>> -> memref<120xi32, #tpu.memory_space<hbm>>
    %dma_wait3A_120 = arith.constant 0 : i32
    %dma_wait3A_121 = tpu.memref_slice %arg7[%dma_wait3A, %dma_wait3A_120] : memref<6x120xi32, #tpu.memory_space<vmem>> -> memref<1x120xi32, #tpu.memory_space<vmem>>
    %dma_wait3A_122 = tpu.memref_squeeze %dma_wait3A_121 : memref<1x120xi32, #tpu.memory_space<vmem>> -> memref<120xi32, #tpu.memory_space<vmem>>
    %dma_wait3A_123 = tpu.memref_slice %arg3[%add3A_115] : memref<322560xi32, #tpu.memory_space<hbm>> -> memref<120xi32, #tpu.memory_space<hbm>>
    tpu.wait_dma2 semaphore(%arg11 : memref<!tpu.dma_semaphore, #tpu.memory_space<semaphore_mem>>) src(%dma_wait3A_123 : memref<120xi32, #tpu.memory_space<hbm>>) dst(%dma_wait3A_122 : memref<120xi32, #tpu.memory_space<vmem>>)
    %dma_start3A_124 = arith.constant 0 : i32
    %dma_start3A_125 = arith.constant 0 : i32
    %dma_start3A_126 = arith.constant 0 : i32
    %dma_start3A_127 = arith.constant 0 : i32
    %dma_start3A_128 = tpu.memref_slice %arg9[%dma_start3A_125, %dma_start3A_126, %dma_start3A_127] : memref<3x120x128xf32, #tpu.memory_space<vmem>> -> memref<1x120x128xf32, #tpu.memory_space<vmem>>
    %dma_start3A_129 = tpu.memref_squeeze %dma_start3A_128 : memref<1x120x128xf32, #tpu.memory_space<vmem>> -> memref<120x128xf32, #tpu.memory_space<vmem>>
    %dma_start3A_130 = arith.constant 0 : i32
    %dma_start3A_131 = tpu.memref_slice %arg7[%dma_start3A_124, %dma_start3A_130] : memref<6x120xi32, #tpu.memory_space<vmem>> -> memref<1x120xi32, #tpu.memory_space<vmem>>
    %dma_start3A_132 = tpu.memref_squeeze %dma_start3A_131 : memref<1x120xi32, #tpu.memory_space<vmem>> -> memref<120xi32, #tpu.memory_space<vmem>>
    %dma_start3A_133 = arith.constant 0 : i32
    %dma_start3A_134 = arith.constant 0 : i32
    %dma_start3A_135 = tpu.memref_slice %arg2[%dma_start3A_133, %dma_start3A_134] : memref<10112x128xf32, #tpu.memory_space<hbm>> -> memref<10112x128xf32, #tpu.memory_space<hbm>>
    tpu.enqueue_indirect_dma source(%dma_start3A_135 : memref<10112x128xf32, #tpu.memory_space<hbm>>) target(%dma_start3A_129 : memref<120x128xf32, #tpu.memory_space<vmem>>) offsets(%dma_start3A_132 : memref<120xi32, #tpu.memory_space<vmem>>) semaphore(%arg23 : memref<!tpu.dma_semaphore, #tpu.memory_space<semaphore_mem>>)
    %add3A_136 = arith.constant 120 : i32
    %add3A_137 = arith.addi %mul3A_4, %add3A_136 : i32
    %dma_wait3A_138 = arith.constant 1 : i32
    %dma_wait3A_139 = arith.constant 0 : i32
    %dma_wait3A_140 = tpu.memref_slice %arg7[%dma_wait3A_138, %dma_wait3A_139] : memref<6x120xi32, #tpu.memory_space<vmem>> -> memref<1x120xi32, #tpu.memory_space<vmem>>
    %dma_wait3A_141 = tpu.memref_squeeze %dma_wait3A_140 : memref<1x120xi32, #tpu.memory_space<vmem>> -> memref<120xi32, #tpu.memory_space<vmem>>
    %dma_wait3A_142 = tpu.memref_slice %arg3[%add3A_137] : memref<322560xi32, #tpu.memory_space<hbm>> -> memref<120xi32, #tpu.memory_space<hbm>>
    %dma_wait3A_143 = arith.constant 0 : i32
    %dma_wait3A_144 = tpu.memref_slice %arg7[%dma_wait3A_138, %dma_wait3A_143] : memref<6x120xi32, #tpu.memory_space<vmem>> -> memref<1x120xi32, #tpu.memory_space<vmem>>
    %dma_wait3A_145 = tpu.memref_squeeze %dma_wait3A_144 : memref<1x120xi32, #tpu.memory_space<vmem>> -> memref<120xi32, #tpu.memory_space<vmem>>
    %dma_wait3A_146 = tpu.memref_slice %arg3[%add3A_137] : memref<322560xi32, #tpu.memory_space<hbm>> -> memref<120xi32, #tpu.memory_space<hbm>>
    tpu.wait_dma2 semaphore(%arg12 : memref<!tpu.dma_semaphore, #tpu.memory_space<semaphore_mem>>) src(%dma_wait3A_146 : memref<120xi32, #tpu.memory_space<hbm>>) dst(%dma_wait3A_145 : memref<120xi32, #tpu.memory_space<vmem>>)
    %dma_start3A_147 = arith.constant 1 : i32
    %dma_start3A_148 = arith.constant 1 : i32
    %dma_start3A_149 = arith.constant 0 : i32
    %dma_start3A_150 = arith.constant 0 : i32
    %dma_start3A_151 = tpu.memref_slice %arg9[%dma_start3A_148, %dma_start3A_149, %dma_start3A_150] : memref<3x120x128xf32, #tpu.memory_space<vmem>> -> memref<1x120x128xf32, #tpu.memory_space<vmem>>
    %dma_start3A_152 = tpu.memref_squeeze %dma_start3A_151 : memref<1x120x128xf32, #tpu.memory_space<vmem>> -> memref<120x128xf32, #tpu.memory_space<vmem>>
    %dma_start3A_153 = arith.constant 0 : i32
    %dma_start3A_154 = tpu.memref_slice %arg7[%dma_start3A_147, %dma_start3A_153] : memref<6x120xi32, #tpu.memory_space<vmem>> -> memref<1x120xi32, #tpu.memory_space<vmem>>
    %dma_start3A_155 = tpu.memref_squeeze %dma_start3A_154 : memref<1x120xi32, #tpu.memory_space<vmem>> -> memref<120xi32, #tpu.memory_space<vmem>>
    %dma_start3A_156 = arith.constant 0 : i32
    %dma_start3A_157 = arith.constant 0 : i32
    %dma_start3A_158 = tpu.memref_slice %arg2[%dma_start3A_156, %dma_start3A_157] : memref<10112x128xf32, #tpu.memory_space<hbm>> -> memref<10112x128xf32, #tpu.memory_space<hbm>>
    tpu.enqueue_indirect_dma source(%dma_start3A_158 : memref<10112x128xf32, #tpu.memory_space<hbm>>) target(%dma_start3A_152 : memref<120x128xf32, #tpu.memory_space<vmem>>) offsets(%dma_start3A_155 : memref<120xi32, #tpu.memory_space<vmem>>) semaphore(%arg24 : memref<!tpu.dma_semaphore, #tpu.memory_space<semaphore_mem>>)
    %scan3A = arith.constant 0 : i32
    %scan3A_159 = arith.constant 0 : i32
    %scan3A_160 = arith.constant 14 : i32
    %scan3A_161 = arith.addi %scan3A_159, %scan3A_160 : i32
    %scan3A_162 = arith.constant 1 : i32
    %scan3A_163 = scf.for %scan3A_166 = %scan3A_159 to %scan3A_161 step %scan3A_162 iter_args(%scan3A_167 = %scan3A) -> (i32)  : i32 {
      %mul3A_168 = arith.constant 6 : i32
      %mul3A_169 = arith.muli %scan3A_166, %mul3A_168 : i32
      %add3A_170 = arith.constant 0 : i32
      %add3A_171 = arith.addi %mul3A_169, %add3A_170 : i32
      %add3A_172 = arith.constant 6 : i32
      %add3A_173 = arith.addi %add3A_171, %add3A_172 : i32
      %sub3A = arith.constant 1 : i32
      %sub3A_174 = arith.subi %add3A_173, %sub3A : i32
      %lt3A = arith.constant 84 : i32
      %lt3A_175 = arith.cmpi slt, %sub3A_174, %lt3A : i32
      %convert_element_type3A = arith.extui %lt3A_175 : i1 to i32
      %cond3A = arith.constant 0 : i32
      %cond3A_176 = arith.cmpi ne, %convert_element_type3A, %cond3A : i32
      scf.if %cond3A_176 {
        %add3A_452 = arith.constant 6 : i32
        %add3A_453 = arith.addi %add3A_171, %add3A_452 : i32
        %sub3A_454 = arith.constant 1 : i32
        %sub3A_455 = arith.subi %add3A_453, %sub3A_454 : i32
        %mul3A_456 = arith.constant 120 : i32
        %mul3A_457 = arith.muli %sub3A_455, %mul3A_456 : i32
        %add3A_458 = arith.addi %mul3A_4, %mul3A_457 : i32
        %dma_start3A_459 = arith.constant 5 : i32
        %dma_start3A_460 = arith.constant 0 : i32
        %dma_start3A_461 = tpu.memref_slice %arg7[%dma_start3A_459, %dma_start3A_460] : memref<6x120xi32, #tpu.memory_space<vmem>> -> memref<1x120xi32, #tpu.memory_space<vmem>>
        %dma_start3A_462 = tpu.memref_squeeze %dma_start3A_461 : memref<1x120xi32, #tpu.memory_space<vmem>> -> memref<120xi32, #tpu.memory_space<vmem>>
        %dma_start3A_463 = tpu.memref_slice %arg3[%add3A_458] : memref<322560xi32, #tpu.memory_space<hbm>> -> memref<120xi32, #tpu.memory_space<hbm>>
        %dma_start3A_464 = arith.constant 0 : i32
        %dma_start3A_465 = tpu.memref_slice %arg7[%dma_start3A_459, %dma_start3A_464] : memref<6x120xi32, #tpu.memory_space<vmem>> -> memref<1x120xi32, #tpu.memory_space<vmem>>
        %dma_start3A_466 = tpu.memref_squeeze %dma_start3A_465 : memref<1x120xi32, #tpu.memory_space<vmem>> -> memref<120xi32, #tpu.memory_space<vmem>>
        %dma_start3A_467 = tpu.memref_slice %arg3[%add3A_458] : memref<322560xi32, #tpu.memory_space<hbm>> -> memref<120xi32, #tpu.memory_space<hbm>>
        tpu.enqueue_dma source(%dma_start3A_467 : memref<120xi32, #tpu.memory_space<hbm>>) target(%dma_start3A_466 : memref<120xi32, #tpu.memory_space<vmem>>) target_semaphore(%arg16 : memref<!tpu.dma_semaphore, #tpu.memory_space<semaphore_mem>>)
        %mul3A_468 = arith.constant 120 : i32
        %mul3A_469 = arith.muli %sub3A_455, %mul3A_468 : i32
        %add3A_470 = arith.addi %mul3A_4, %mul3A_469 : i32
        %dma_start3A_471 = arith.constant 5 : i32
        %dma_start3A_472 = arith.constant 0 : i32
        %dma_start3A_473 = tpu.memref_slice %arg8[%dma_start3A_471, %dma_start3A_472] : memref<6x120xi32, #tpu.memory_space<vmem>> -> memref<1x120xi32, #tpu.memory_space<vmem>>
        %dma_start3A_474 = tpu.memref_squeeze %dma_start3A_473 : memref<1x120xi32, #tpu.memory_space<vmem>> -> memref<120xi32, #tpu.memory_space<vmem>>
        %dma_start3A_475 = tpu.memref_slice %arg4[%add3A_470] : memref<322560xi32, #tpu.memory_space<hbm>> -> memref<120xi32, #tpu.memory_space<hbm>>
        %dma_start3A_476 = arith.constant 0 : i32
        %dma_start3A_477 = tpu.memref_slice %arg8[%dma_start3A_471, %dma_start3A_476] : memref<6x120xi32, #tpu.memory_space<vmem>> -> memref<1x120xi32, #tpu.memory_space<vmem>>
        %dma_start3A_478 = tpu.memref_squeeze %dma_start3A_477 : memref<1x120xi32, #tpu.memory_space<vmem>> -> memref<120xi32, #tpu.memory_space<vmem>>
        %dma_start3A_479 = tpu.memref_slice %arg4[%add3A_470] : memref<322560xi32, #tpu.memory_space<hbm>> -> memref<120xi32, #tpu.memory_space<hbm>>
        tpu.enqueue_dma source(%dma_start3A_479 : memref<120xi32, #tpu.memory_space<hbm>>) target(%dma_start3A_478 : memref<120xi32, #tpu.memory_space<vmem>>) target_semaphore(%arg22 : memref<!tpu.dma_semaphore, #tpu.memory_space<semaphore_mem>>)
      } else {
      }
      %add3A_177 = arith.constant 3 : i32
      %add3A_178 = arith.addi %add3A_171, %add3A_177 : i32
      %sub3A_179 = arith.constant 1 : i32
      %sub3A_180 = arith.subi %add3A_178, %sub3A_179 : i32
      %lt3A_181 = arith.constant 84 : i32
      %lt3A_182 = arith.cmpi slt, %sub3A_180, %lt3A_181 : i32
      %convert_element_type3A_183 = arith.extui %lt3A_182 : i1 to i32
      %cond3A_184 = arith.constant 0 : i32
      %cond3A_185 = arith.cmpi ne, %convert_element_type3A_183, %cond3A_184 : i32
      scf.if %cond3A_185 {
        %add3A_452 = arith.constant 3 : i32
        %add3A_453 = arith.addi %add3A_171, %add3A_452 : i32
        %sub3A_454 = arith.constant 1 : i32
        %sub3A_455 = arith.subi %add3A_453, %sub3A_454 : i32
        %mul3A_456 = arith.constant 120 : i32
        %mul3A_457 = arith.muli %sub3A_455, %mul3A_456 : i32
        %add3A_458 = arith.addi %mul3A_4, %mul3A_457 : i32
        %dma_wait3A_459 = arith.constant 2 : i32
        %dma_wait3A_460 = arith.constant 0 : i32
        %dma_wait3A_461 = tpu.memref_slice %arg7[%dma_wait3A_459, %dma_wait3A_460] : memref<6x120xi32, #tpu.memory_space<vmem>> -> memref<1x120xi32, #tpu.memory_space<vmem>>
        %dma_wait3A_462 = tpu.memref_squeeze %dma_wait3A_461 : memref<1x120xi32, #tpu.memory_space<vmem>> -> memref<120xi32, #tpu.memory_space<vmem>>
        %dma_wait3A_463 = tpu.memref_slice %arg3[%add3A_458] : memref<322560xi32, #tpu.memory_space<hbm>> -> memref<120xi32, #tpu.memory_space<hbm>>
        %dma_wait3A_464 = arith.constant 0 : i32
        %dma_wait3A_465 = tpu.memref_slice %arg7[%dma_wait3A_459, %dma_wait3A_464] : memref<6x120xi32, #tpu.memory_space<vmem>> -> memref<1x120xi32, #tpu.memory_space<vmem>>
        %dma_wait3A_466 = tpu.memref_squeeze %dma_wait3A_465 : memref<1x120xi32, #tpu.memory_space<vmem>> -> memref<120xi32, #tpu.memory_space<vmem>>
        %dma_wait3A_467 = tpu.memref_slice %arg3[%add3A_458] : memref<322560xi32, #tpu.memory_space<hbm>> -> memref<120xi32, #tpu.memory_space<hbm>>
        tpu.wait_dma2 semaphore(%arg13 : memref<!tpu.dma_semaphore, #tpu.memory_space<semaphore_mem>>) src(%dma_wait3A_467 : memref<120xi32, #tpu.memory_space<hbm>>) dst(%dma_wait3A_466 : memref<120xi32, #tpu.memory_space<vmem>>)
        %dma_start3A_468 = arith.constant 2 : i32
        %dma_start3A_469 = arith.constant 2 : i32
        %dma_start3A_470 = arith.constant 0 : i32
        %dma_start3A_471 = arith.constant 0 : i32
        %dma_start3A_472 = tpu.memref_slice %arg9[%dma_start3A_469, %dma_start3A_470, %dma_start3A_471] : memref<3x120x128xf32, #tpu.memory_space<vmem>> -> memref<1x120x128xf32, #tpu.memory_space<vmem>>
        %dma_start3A_473 = tpu.memref_squeeze %dma_start3A_472 : memref<1x120x128xf32, #tpu.memory_space<vmem>> -> memref<120x128xf32, #tpu.memory_space<vmem>>
        %dma_start3A_474 = arith.constant 0 : i32
        %dma_start3A_475 = tpu.memref_slice %arg7[%dma_start3A_468, %dma_start3A_474] : memref<6x120xi32, #tpu.memory_space<vmem>> -> memref<1x120xi32, #tpu.memory_space<vmem>>
        %dma_start3A_476 = tpu.memref_squeeze %dma_start3A_475 : memref<1x120xi32, #tpu.memory_space<vmem>> -> memref<120xi32, #tpu.memory_space<vmem>>
        %dma_start3A_477 = arith.constant 0 : i32
        %dma_start3A_478 = arith.constant 0 : i32
        %dma_start3A_479 = tpu.memref_slice %arg2[%dma_start3A_477, %dma_start3A_478] : memref<10112x128xf32, #tpu.memory_space<hbm>> -> memref<10112x128xf32, #tpu.memory_space<hbm>>
        tpu.enqueue_indirect_dma source(%dma_start3A_479 : memref<10112x128xf32, #tpu.memory_space<hbm>>) target(%dma_start3A_473 : memref<120x128xf32, #tpu.memory_space<vmem>>) offsets(%dma_start3A_476 : memref<120xi32, #tpu.memory_space<vmem>>) semaphore(%arg25 : memref<!tpu.dma_semaphore, #tpu.memory_space<semaphore_mem>>)
      } else {
      }
      %dma_wait3A_186 = arith.constant 0 : i32
      %dma_wait3A_187 = arith.constant 0 : i32
      %dma_wait3A_188 = arith.constant 0 : i32
      %dma_wait3A_189 = arith.constant 0 : i32
      %dma_wait3A_190 = tpu.memref_slice %arg9[%dma_wait3A_187, %dma_wait3A_188, %dma_wait3A_189] : memref<3x120x128xf32, #tpu.memory_space<vmem>> -> memref<1x120x128xf32, #tpu.memory_space<vmem>>
      %dma_wait3A_191 = tpu.memref_squeeze %dma_wait3A_190 : memref<1x120x128xf32, #tpu.memory_space<vmem>> -> memref<120x128xf32, #tpu.memory_space<vmem>>
      %dma_wait3A_192 = arith.constant 0 : i32
      %dma_wait3A_193 = tpu.memref_slice %arg7[%dma_wait3A_186, %dma_wait3A_192] : memref<6x120xi32, #tpu.memory_space<vmem>> -> memref<1x120xi32, #tpu.memory_space<vmem>>
      %dma_wait3A_194 = tpu.memref_squeeze %dma_wait3A_193 : memref<1x120xi32, #tpu.memory_space<vmem>> -> memref<120xi32, #tpu.memory_space<vmem>>
      %dma_wait3A_195 = arith.constant 0 : i32
      %dma_wait3A_196 = arith.constant 0 : i32
      %dma_wait3A_197 = tpu.memref_slice %arg2[%dma_wait3A_195, %dma_wait3A_196] : memref<10112x128xf32, #tpu.memory_space<hbm>> -> memref<10112x128xf32, #tpu.memory_space<hbm>>
      tpu.wait_indirect_dma semaphore(%arg23 : memref<!tpu.dma_semaphore, #tpu.memory_space<semaphore_mem>>) src(%dma_wait3A_197 : memref<10112x128xf32, #tpu.memory_space<hbm>>) dst(%dma_wait3A_191 : memref<120x128xf32, #tpu.memory_space<vmem>>)
      %mul3A_198 = arith.constant 120 : i32
      %mul3A_199 = arith.muli %add3A_171, %mul3A_198 : i32
      %add3A_200 = arith.addi %mul3A_4, %mul3A_199 : i32
      %dma_wait3A_201 = arith.constant 0 : i32
      %dma_wait3A_202 = arith.constant 0 : i32
      %dma_wait3A_203 = tpu.memref_slice %arg8[%dma_wait3A_201, %dma_wait3A_202] : memref<6x120xi32, #tpu.memory_space<vmem>> -> memref<1x120xi32, #tpu.memory_space<vmem>>
      %dma_wait3A_204 = tpu.memref_squeeze %dma_wait3A_203 : memref<1x120xi32, #tpu.memory_space<vmem>> -> memref<120xi32, #tpu.memory_space<vmem>>
      %dma_wait3A_205 = tpu.memref_slice %arg4[%add3A_200] : memref<322560xi32, #tpu.memory_space<hbm>> -> memref<120xi32, #tpu.memory_space<hbm>>
      %dma_wait3A_206 = arith.constant 0 : i32
      %dma_wait3A_207 = tpu.memref_slice %arg8[%dma_wait3A_201, %dma_wait3A_206] : memref<6x120xi32, #tpu.memory_space<vmem>> -> memref<1x120xi32, #tpu.memory_space<vmem>>
      %dma_wait3A_208 = tpu.memref_squeeze %dma_wait3A_207 : memref<1x120xi32, #tpu.memory_space<vmem>> -> memref<120xi32, #tpu.memory_space<vmem>>
      %dma_wait3A_209 = tpu.memref_slice %arg4[%add3A_200] : memref<322560xi32, #tpu.memory_space<hbm>> -> memref<120xi32, #tpu.memory_space<hbm>>
      tpu.wait_dma2 semaphore(%arg17 : memref<!tpu.dma_semaphore, #tpu.memory_space<semaphore_mem>>) src(%dma_wait3A_209 : memref<120xi32, #tpu.memory_space<hbm>>) dst(%dma_wait3A_208 : memref<120xi32, #tpu.memory_space<vmem>>)
      %run_scoped3A = arith.constant 0 : i32
      %run_scoped3A_210 = arith.constant 0 : i32
      "tpu.region"() ({
        %run_scoped3A_452 = tpu.sem_alloc : memref<!tpu.dma_semaphore, #tpu.memory_space<semaphore_mem>>
        %dma_start3A_453 = arith.constant 0 : i32
        %dma_start3A_454 = arith.constant 0 : i32
        %dma_start3A_455 = tpu.memref_slice %arg9[%run_scoped3A, %dma_start3A_453, %dma_start3A_454] : memref<3x120x128xf32, #tpu.memory_space<vmem>> -> memref<1x120x128xf32, #tpu.memory_space<vmem>>
        %dma_start3A_456 = tpu.memref_squeeze %dma_start3A_455 : memref<1x120x128xf32, #tpu.memory_space<vmem>> -> memref<120x128xf32, #tpu.memory_space<vmem>>
        %dma_start3A_457 = arith.constant 0 : i32
        %dma_start3A_458 = tpu.memref_slice %arg8[%run_scoped3A_210, %dma_start3A_457] : memref<6x120xi32, #tpu.memory_space<vmem>> -> memref<1x120xi32, #tpu.memory_space<vmem>>
        %dma_start3A_459 = tpu.memref_squeeze %dma_start3A_458 : memref<1x120xi32, #tpu.memory_space<vmem>> -> memref<120xi32, #tpu.memory_space<vmem>>
        %dma_start3A_460 = arith.constant 0 : i32
        %dma_start3A_461 = arith.constant 0 : i32
        %dma_start3A_462 = tpu.memref_slice %arg10[%dma_start3A_460, %dma_start3A_461] : memref<10112x128xf32, #tpu.memory_space<vmem_shared>> -> memref<10112x128xf32, #tpu.memory_space<vmem_shared>>
        tpu.enqueue_indirect_dma source(%dma_start3A_456 : memref<120x128xf32, #tpu.memory_space<vmem>>) target(%dma_start3A_462 : memref<10112x128xf32, #tpu.memory_space<vmem_shared>>) offsets(%dma_start3A_459 : memref<120xi32, #tpu.memory_space<vmem>>) semaphore(%run_scoped3A_452 : memref<!tpu.dma_semaphore, #tpu.memory_space<semaphore_mem>>) {add = true}
        %dma_wait3A_463 = arith.constant 0 : i32
        %dma_wait3A_464 = arith.constant 0 : i32
        %dma_wait3A_465 = tpu.memref_slice %arg9[%run_scoped3A, %dma_wait3A_463, %dma_wait3A_464] : memref<3x120x128xf32, #tpu.memory_space<vmem>> -> memref<1x120x128xf32, #tpu.memory_space<vmem>>
        %dma_wait3A_466 = tpu.memref_squeeze %dma_wait3A_465 : memref<1x120x128xf32, #tpu.memory_space<vmem>> -> memref<120x128xf32, #tpu.memory_space<vmem>>
        %dma_wait3A_467 = arith.constant 0 : i32
        %dma_wait3A_468 = tpu.memref_slice %arg8[%run_scoped3A_210, %dma_wait3A_467] : memref<6x120xi32, #tpu.memory_space<vmem>> -> memref<1x120xi32, #tpu.memory_space<vmem>>
        %dma_wait3A_469 = tpu.memref_squeeze %dma_wait3A_468 : memref<1x120xi32, #tpu.memory_space<vmem>> -> memref<120xi32, #tpu.memory_space<vmem>>
        %dma_wait3A_470 = arith.constant 0 : i32
        %dma_wait3A_471 = arith.constant 0 : i32
        %dma_wait3A_472 = tpu.memref_slice %arg10[%dma_wait3A_470, %dma_wait3A_471] : memref<10112x128xf32, #tpu.memory_space<vmem_shared>> -> memref<10112x128xf32, #tpu.memory_space<vmem_shared>>
        tpu.wait_indirect_dma semaphore(%run_scoped3A_452 : memref<!tpu.dma_semaphore, #tpu.memory_space<semaphore_mem>>) src(%dma_wait3A_466 : memref<120x128xf32, #tpu.memory_space<vmem>>) dst(%dma_wait3A_472 : memref<10112x128xf32, #tpu.memory_space<vmem_shared>>)
        tpu.yield
      }) : () -> ()
      %mul3A_211 = arith.constant 6 : i32
      %mul3A_212 = arith.muli %scan3A_166, %mul3A_211 : i32
      %add3A_213 = arith.constant 1 : i32
      %add3A_214 = arith.addi %mul3A_212, %add3A_213 : i32
      %add3A_215 = arith.constant 6 : i32
      %add3A_216 = arith.addi %add3A_214, %add3A_215 : i32
      %sub3A_217 = arith.constant 1 : i32
      %sub3A_218 = arith.subi %add3A_216, %sub3A_217 : i32
      %lt3A_219 = arith.constant 84 : i32
      %lt3A_220 = arith.cmpi slt, %sub3A_218, %lt3A_219 : i32
      %convert_element_type3A_221 = arith.extui %lt3A_220 : i1 to i32
      %cond3A_222 = arith.constant 0 : i32
      %cond3A_223 = arith.cmpi ne, %convert_element_type3A_221, %cond3A_222 : i32
      scf.if %cond3A_223 {
        %add3A_452 = arith.constant 6 : i32
        %add3A_453 = arith.addi %add3A_214, %add3A_452 : i32
        %sub3A_454 = arith.constant 1 : i32
        %sub3A_455 = arith.subi %add3A_453, %sub3A_454 : i32
        %mul3A_456 = arith.constant 120 : i32
        %mul3A_457 = arith.muli %sub3A_455, %mul3A_456 : i32
        %add3A_458 = arith.addi %mul3A_4, %mul3A_457 : i32
        %dma_start3A_459 = arith.constant 0 : i32
        %dma_start3A_460 = arith.constant 0 : i32
        %dma_start3A_461 = tpu.memref_slice %arg7[%dma_start3A_459, %dma_start3A_460] : memref<6x120xi32, #tpu.memory_space<vmem>> -> memref<1x120xi32, #tpu.memory_space<vmem>>
        %dma_start3A_462 = tpu.memref_squeeze %dma_start3A_461 : memref<1x120xi32, #tpu.memory_space<vmem>> -> memref<120xi32, #tpu.memory_space<vmem>>
        %dma_start3A_463 = tpu.memref_slice %arg3[%add3A_458] : memref<322560xi32, #tpu.memory_space<hbm>> -> memref<120xi32, #tpu.memory_space<hbm>>
        %dma_start3A_464 = arith.constant 0 : i32
        %dma_start3A_465 = tpu.memref_slice %arg7[%dma_start3A_459, %dma_start3A_464] : memref<6x120xi32, #tpu.memory_space<vmem>> -> memref<1x120xi32, #tpu.memory_space<vmem>>
        %dma_start3A_466 = tpu.memref_squeeze %dma_start3A_465 : memref<1x120xi32, #tpu.memory_space<vmem>> -> memref<120xi32, #tpu.memory_space<vmem>>
        %dma_start3A_467 = tpu.memref_slice %arg3[%add3A_458] : memref<322560xi32, #tpu.memory_space<hbm>> -> memref<120xi32, #tpu.memory_space<hbm>>
        tpu.enqueue_dma source(%dma_start3A_467 : memref<120xi32, #tpu.memory_space<hbm>>) target(%dma_start3A_466 : memref<120xi32, #tpu.memory_space<vmem>>) target_semaphore(%arg11 : memref<!tpu.dma_semaphore, #tpu.memory_space<semaphore_mem>>)
        %mul3A_468 = arith.constant 120 : i32
        %mul3A_469 = arith.muli %sub3A_455, %mul3A_468 : i32
        %add3A_470 = arith.addi %mul3A_4, %mul3A_469 : i32
        %dma_start3A_471 = arith.constant 0 : i32
        %dma_start3A_472 = arith.constant 0 : i32
        %dma_start3A_473 = tpu.memref_slice %arg8[%dma_start3A_471, %dma_start3A_472] : memref<6x120xi32, #tpu.memory_space<vmem>> -> memref<1x120xi32, #tpu.memory_space<vmem>>
        %dma_start3A_474 = tpu.memref_squeeze %dma_start3A_473 : memref<1x120xi32, #tpu.memory_space<vmem>> -> memref<120xi32, #tpu.memory_space<vmem>>
        %dma_start3A_475 = tpu.memref_slice %arg4[%add3A_470] : memref<322560xi32, #tpu.memory_space<hbm>> -> memref<120xi32, #tpu.memory_space<hbm>>
        %dma_start3A_476 = arith.constant 0 : i32
        %dma_start3A_477 = tpu.memref_slice %arg8[%dma_start3A_471, %dma_start3A_476] : memref<6x120xi32, #tpu.memory_space<vmem>> -> memref<1x120xi32, #tpu.memory_space<vmem>>
        %dma_start3A_478 = tpu.memref_squeeze %dma_start3A_477 : memref<1x120xi32, #tpu.memory_space<vmem>> -> memref<120xi32, #tpu.memory_space<vmem>>
        %dma_start3A_479 = tpu.memref_slice %arg4[%add3A_470] : memref<322560xi32, #tpu.memory_space<hbm>> -> memref<120xi32, #tpu.memory_space<hbm>>
        tpu.enqueue_dma source(%dma_start3A_479 : memref<120xi32, #tpu.memory_space<hbm>>) target(%dma_start3A_478 : memref<120xi32, #tpu.memory_space<vmem>>) target_semaphore(%arg17 : memref<!tpu.dma_semaphore, #tpu.memory_space<semaphore_mem>>)
      } else {
      }
      %add3A_224 = arith.constant 3 : i32
      %add3A_225 = arith.addi %add3A_214, %add3A_224 : i32
      %sub3A_226 = arith.constant 1 : i32
      %sub3A_227 = arith.subi %add3A_225, %sub3A_226 : i32
      %lt3A_228 = arith.constant 84 : i32
      %lt3A_229 = arith.cmpi slt, %sub3A_227, %lt3A_228 : i32
      %convert_element_type3A_230 = arith.extui %lt3A_229 : i1 to i32
      %cond3A_231 = arith.constant 0 : i32
      %cond3A_232 = arith.cmpi ne, %convert_element_type3A_230, %cond3A_231 : i32
      scf.if %cond3A_232 {
        %add3A_452 = arith.constant 3 : i32
        %add3A_453 = arith.addi %add3A_214, %add3A_452 : i32
        %sub3A_454 = arith.constant 1 : i32
        %sub3A_455 = arith.subi %add3A_453, %sub3A_454 : i32
        %mul3A_456 = arith.constant 120 : i32
        %mul3A_457 = arith.muli %sub3A_455, %mul3A_456 : i32
        %add3A_458 = arith.addi %mul3A_4, %mul3A_457 : i32
        %dma_wait3A_459 = arith.constant 3 : i32
        %dma_wait3A_460 = arith.constant 0 : i32
        %dma_wait3A_461 = tpu.memref_slice %arg7[%dma_wait3A_459, %dma_wait3A_460] : memref<6x120xi32, #tpu.memory_space<vmem>> -> memref<1x120xi32, #tpu.memory_space<vmem>>
        %dma_wait3A_462 = tpu.memref_squeeze %dma_wait3A_461 : memref<1x120xi32, #tpu.memory_space<vmem>> -> memref<120xi32, #tpu.memory_space<vmem>>
        %dma_wait3A_463 = tpu.memref_slice %arg3[%add3A_458] : memref<322560xi32, #tpu.memory_space<hbm>> -> memref<120xi32, #tpu.memory_space<hbm>>
        %dma_wait3A_464 = arith.constant 0 : i32
        %dma_wait3A_465 = tpu.memref_slice %arg7[%dma_wait3A_459, %dma_wait3A_464] : memref<6x120xi32, #tpu.memory_space<vmem>> -> memref<1x120xi32, #tpu.memory_space<vmem>>
        %dma_wait3A_466 = tpu.memref_squeeze %dma_wait3A_465 : memref<1x120xi32, #tpu.memory_space<vmem>> -> memref<120xi32, #tpu.memory_space<vmem>>
        %dma_wait3A_467 = tpu.memref_slice %arg3[%add3A_458] : memref<322560xi32, #tpu.memory_space<hbm>> -> memref<120xi32, #tpu.memory_space<hbm>>
        tpu.wait_dma2 semaphore(%arg14 : memref<!tpu.dma_semaphore, #tpu.memory_space<semaphore_mem>>) src(%dma_wait3A_467 : memref<120xi32, #tpu.memory_space<hbm>>) dst(%dma_wait3A_466 : memref<120xi32, #tpu.memory_space<vmem>>)
        %dma_start3A_468 = arith.constant 3 : i32
        %dma_start3A_469 = arith.constant 0 : i32
        %dma_start3A_470 = arith.constant 0 : i32
        %dma_start3A_471 = arith.constant 0 : i32
        %dma_start3A_472 = tpu.memref_slice %arg9[%dma_start3A_469, %dma_start3A_470, %dma_start3A_471] : memref<3x120x128xf32, #tpu.memory_space<vmem>> -> memref<1x120x128xf32, #tpu.memory_space<vmem>>
        %dma_start3A_473 = tpu.memref_squeeze %dma_start3A_472 : memref<1x120x128xf32, #tpu.memory_space<vmem>> -> memref<120x128xf32, #tpu.memory_space<vmem>>
        %dma_start3A_474 = arith.constant 0 : i32
        %dma_start3A_475 = tpu.memref_slice %arg7[%dma_start3A_468, %dma_start3A_474] : memref<6x120xi32, #tpu.memory_space<vmem>> -> memref<1x120xi32, #tpu.memory_space<vmem>>
        %dma_start3A_476 = tpu.memref_squeeze %dma_start3A_475 : memref<1x120xi32, #tpu.memory_space<vmem>> -> memref<120xi32, #tpu.memory_space<vmem>>
        %dma_start3A_477 = arith.constant 0 : i32
        %dma_start3A_478 = arith.constant 0 : i32
        %dma_start3A_479 = tpu.memref_slice %arg2[%dma_start3A_477, %dma_start3A_478] : memref<10112x128xf32, #tpu.memory_space<hbm>> -> memref<10112x128xf32, #tpu.memory_space<hbm>>
        tpu.enqueue_indirect_dma source(%dma_start3A_479 : memref<10112x128xf32, #tpu.memory_space<hbm>>) target(%dma_start3A_473 : memref<120x128xf32, #tpu.memory_space<vmem>>) offsets(%dma_start3A_476 : memref<120xi32, #tpu.memory_space<vmem>>) semaphore(%arg23 : memref<!tpu.dma_semaphore, #tpu.memory_space<semaphore_mem>>)
      } else {
      }
      %dma_wait3A_233 = arith.constant 1 : i32
      %dma_wait3A_234 = arith.constant 1 : i32
      %dma_wait3A_235 = arith.constant 0 : i32
      %dma_wait3A_236 = arith.constant 0 : i32
      %dma_wait3A_237 = tpu.memref_slice %arg9[%dma_wait3A_234, %dma_wait3A_235, %dma_wait3A_236] : memref<3x120x128xf32, #tpu.memory_space<vmem>> -> memref<1x120x128xf32, #tpu.memory_space<vmem>>
      %dma_wait3A_238 = tpu.memref_squeeze %dma_wait3A_237 : memref<1x120x128xf32, #tpu.memory_space<vmem>> -> memref<120x128xf32, #tpu.memory_space<vmem>>
      %dma_wait3A_239 = arith.constant 0 : i32
      %dma_wait3A_240 = tpu.memref_slice %arg7[%dma_wait3A_233, %dma_wait3A_239] : memref<6x120xi32, #tpu.memory_space<vmem>> -> memref<1x120xi32, #tpu.memory_space<vmem>>
      %dma_wait3A_241 = tpu.memref_squeeze %dma_wait3A_240 : memref<1x120xi32, #tpu.memory_space<vmem>> -> memref<120xi32, #tpu.memory_space<vmem>>
      %dma_wait3A_242 = arith.constant 0 : i32
      %dma_wait3A_243 = arith.constant 0 : i32
      %dma_wait3A_244 = tpu.memref_slice %arg2[%dma_wait3A_242, %dma_wait3A_243] : memref<10112x128xf32, #tpu.memory_space<hbm>> -> memref<10112x128xf32, #tpu.memory_space<hbm>>
      tpu.wait_indirect_dma semaphore(%arg24 : memref<!tpu.dma_semaphore, #tpu.memory_space<semaphore_mem>>) src(%dma_wait3A_244 : memref<10112x128xf32, #tpu.memory_space<hbm>>) dst(%dma_wait3A_238 : memref<120x128xf32, #tpu.memory_space<vmem>>)
      %mul3A_245 = arith.constant 120 : i32
      %mul3A_246 = arith.muli %add3A_214, %mul3A_245 : i32
      %add3A_247 = arith.addi %mul3A_4, %mul3A_246 : i32
      %dma_wait3A_248 = arith.constant 1 : i32
      %dma_wait3A_249 = arith.constant 0 : i32
      %dma_wait3A_250 = tpu.memref_slice %arg8[%dma_wait3A_248, %dma_wait3A_249] : memref<6x120xi32, #tpu.memory_space<vmem>> -> memref<1x120xi32, #tpu.memory_space<vmem>>
      %dma_wait3A_251 = tpu.memref_squeeze %dma_wait3A_250 : memref<1x120xi32, #tpu.memory_space<vmem>> -> memref<120xi32, #tpu.memory_space<vmem>>
      %dma_wait3A_252 = tpu.memref_slice %arg4[%add3A_247] : memref<322560xi32, #tpu.memory_space<hbm>> -> memref<120xi32, #tpu.memory_space<hbm>>
      %dma_wait3A_253 = arith.constant 0 : i32
      %dma_wait3A_254 = tpu.memref_slice %arg8[%dma_wait3A_248, %dma_wait3A_253] : memref<6x120xi32, #tpu.memory_space<vmem>> -> memref<1x120xi32, #tpu.memory_space<vmem>>
      %dma_wait3A_255 = tpu.memref_squeeze %dma_wait3A_254 : memref<1x120xi32, #tpu.memory_space<vmem>> -> memref<120xi32, #tpu.memory_space<vmem>>
      %dma_wait3A_256 = tpu.memref_slice %arg4[%add3A_247] : memref<322560xi32, #tpu.memory_space<hbm>> -> memref<120xi32, #tpu.memory_space<hbm>>
      tpu.wait_dma2 semaphore(%arg18 : memref<!tpu.dma_semaphore, #tpu.memory_space<semaphore_mem>>) src(%dma_wait3A_256 : memref<120xi32, #tpu.memory_space<hbm>>) dst(%dma_wait3A_255 : memref<120xi32, #tpu.memory_space<vmem>>)
      %run_scoped3A_257 = arith.constant 1 : i32
      %run_scoped3A_258 = arith.constant 1 : i32
      "tpu.region"() ({
        %run_scoped3A_452 = tpu.sem_alloc : memref<!tpu.dma_semaphore, #tpu.memory_space<semaphore_mem>>
        %dma_start3A_453 = arith.constant 0 : i32
        %dma_start3A_454 = arith.constant 0 : i32
        %dma_start3A_455 = tpu.memref_slice %arg9[%run_scoped3A_257, %dma_start3A_453, %dma_start3A_454] : memref<3x120x128xf32, #tpu.memory_space<vmem>> -> memref<1x120x128xf32, #tpu.memory_space<vmem>>
        %dma_start3A_456 = tpu.memref_squeeze %dma_start3A_455 : memref<1x120x128xf32, #tpu.memory_space<vmem>> -> memref<120x128xf32, #tpu.memory_space<vmem>>
        %dma_start3A_457 = arith.constant 0 : i32
        %dma_start3A_458 = tpu.memref_slice %arg8[%run_scoped3A_258, %dma_start3A_457] : memref<6x120xi32, #tpu.memory_space<vmem>> -> memref<1x120xi32, #tpu.memory_space<vmem>>
        %dma_start3A_459 = tpu.memref_squeeze %dma_start3A_458 : memref<1x120xi32, #tpu.memory_space<vmem>> -> memref<120xi32, #tpu.memory_space<vmem>>
        %dma_start3A_460 = arith.constant 0 : i32
        %dma_start3A_461 = arith.constant 0 : i32
        %dma_start3A_462 = tpu.memref_slice %arg10[%dma_start3A_460, %dma_start3A_461] : memref<10112x128xf32, #tpu.memory_space<vmem_shared>> -> memref<10112x128xf32, #tpu.memory_space<vmem_shared>>
        tpu.enqueue_indirect_dma source(%dma_start3A_456 : memref<120x128xf32, #tpu.memory_space<vmem>>) target(%dma_start3A_462 : memref<10112x128xf32, #tpu.memory_space<vmem_shared>>) offsets(%dma_start3A_459 : memref<120xi32, #tpu.memory_space<vmem>>) semaphore(%run_scoped3A_452 : memref<!tpu.dma_semaphore, #tpu.memory_space<semaphore_mem>>) {add = true}
        %dma_wait3A_463 = arith.constant 0 : i32
        %dma_wait3A_464 = arith.constant 0 : i32
        %dma_wait3A_465 = tpu.memref_slice %arg9[%run_scoped3A_257, %dma_wait3A_463, %dma_wait3A_464] : memref<3x120x128xf32, #tpu.memory_space<vmem>> -> memref<1x120x128xf32, #tpu.memory_space<vmem>>
        %dma_wait3A_466 = tpu.memref_squeeze %dma_wait3A_465 : memref<1x120x128xf32, #tpu.memory_space<vmem>> -> memref<120x128xf32, #tpu.memory_space<vmem>>
        %dma_wait3A_467 = arith.constant 0 : i32
        %dma_wait3A_468 = tpu.memref_slice %arg8[%run_scoped3A_258, %dma_wait3A_467] : memref<6x120xi32, #tpu.memory_space<vmem>> -> memref<1x120xi32, #tpu.memory_space<vmem>>
        %dma_wait3A_469 = tpu.memref_squeeze %dma_wait3A_468 : memref<1x120xi32, #tpu.memory_space<vmem>> -> memref<120xi32, #tpu.memory_space<vmem>>
        %dma_wait3A_470 = arith.constant 0 : i32
        %dma_wait3A_471 = arith.constant 0 : i32
        %dma_wait3A_472 = tpu.memref_slice %arg10[%dma_wait3A_470, %dma_wait3A_471] : memref<10112x128xf32, #tpu.memory_space<vmem_shared>> -> memref<10112x128xf32, #tpu.memory_space<vmem_shared>>
        tpu.wait_indirect_dma semaphore(%run_scoped3A_452 : memref<!tpu.dma_semaphore, #tpu.memory_space<semaphore_mem>>) src(%dma_wait3A_466 : memref<120x128xf32, #tpu.memory_space<vmem>>) dst(%dma_wait3A_472 : memref<10112x128xf32, #tpu.memory_space<vmem_shared>>)
        tpu.yield
      }) : () -> ()
      %mul3A_259 = arith.constant 6 : i32
      %mul3A_260 = arith.muli %scan3A_166, %mul3A_259 : i32
      %add3A_261 = arith.constant 2 : i32
      %add3A_262 = arith.addi %mul3A_260, %add3A_261 : i32
      %add3A_263 = arith.constant 6 : i32
      %add3A_264 = arith.addi %add3A_262, %add3A_263 : i32
      %sub3A_265 = arith.constant 1 : i32
      %sub3A_266 = arith.subi %add3A_264, %sub3A_265 : i32
      %lt3A_267 = arith.constant 84 : i32
      %lt3A_268 = arith.cmpi slt, %sub3A_266, %lt3A_267 : i32
      %convert_element_type3A_269 = arith.extui %lt3A_268 : i1 to i32
      %cond3A_270 = arith.constant 0 : i32
      %cond3A_271 = arith.cmpi ne, %convert_element_type3A_269, %cond3A_270 : i32
      scf.if %cond3A_271 {
        %add3A_452 = arith.constant 6 : i32
        %add3A_453 = arith.addi %add3A_262, %add3A_452 : i32
        %sub3A_454 = arith.constant 1 : i32
        %sub3A_455 = arith.subi %add3A_453, %sub3A_454 : i32
        %mul3A_456 = arith.constant 120 : i32
        %mul3A_457 = arith.muli %sub3A_455, %mul3A_456 : i32
        %add3A_458 = arith.addi %mul3A_4, %mul3A_457 : i32
        %dma_start3A_459 = arith.constant 1 : i32
        %dma_start3A_460 = arith.constant 0 : i32
        %dma_start3A_461 = tpu.memref_slice %arg7[%dma_start3A_459, %dma_start3A_460] : memref<6x120xi32, #tpu.memory_space<vmem>> -> memref<1x120xi32, #tpu.memory_space<vmem>>
        %dma_start3A_462 = tpu.memref_squeeze %dma_start3A_461 : memref<1x120xi32, #tpu.memory_space<vmem>> -> memref<120xi32, #tpu.memory_space<vmem>>
        %dma_start3A_463 = tpu.memref_slice %arg3[%add3A_458] : memref<322560xi32, #tpu.memory_space<hbm>> -> memref<120xi32, #tpu.memory_space<hbm>>
        %dma_start3A_464 = arith.constant 0 : i32
        %dma_start3A_465 = tpu.memref_slice %arg7[%dma_start3A_459, %dma_start3A_464] : memref<6x120xi32, #tpu.memory_space<vmem>> -> memref<1x120xi32, #tpu.memory_space<vmem>>
        %dma_start3A_466 = tpu.memref_squeeze %dma_start3A_465 : memref<1x120xi32, #tpu.memory_space<vmem>> -> memref<120xi32, #tpu.memory_space<vmem>>
        %dma_start3A_467 = tpu.memref_slice %arg3[%add3A_458] : memref<322560xi32, #tpu.memory_space<hbm>> -> memref<120xi32, #tpu.memory_space<hbm>>
        tpu.enqueue_dma source(%dma_start3A_467 : memref<120xi32, #tpu.memory_space<hbm>>) target(%dma_start3A_466 : memref<120xi32, #tpu.memory_space<vmem>>) target_semaphore(%arg12 : memref<!tpu.dma_semaphore, #tpu.memory_space<semaphore_mem>>)
        %mul3A_468 = arith.constant 120 : i32
        %mul3A_469 = arith.muli %sub3A_455, %mul3A_468 : i32
        %add3A_470 = arith.addi %mul3A_4, %mul3A_469 : i32
        %dma_start3A_471 = arith.constant 1 : i32
        %dma_start3A_472 = arith.constant 0 : i32
        %dma_start3A_473 = tpu.memref_slice %arg8[%dma_start3A_471, %dma_start3A_472] : memref<6x120xi32, #tpu.memory_space<vmem>> -> memref<1x120xi32, #tpu.memory_space<vmem>>
        %dma_start3A_474 = tpu.memref_squeeze %dma_start3A_473 : memref<1x120xi32, #tpu.memory_space<vmem>> -> memref<120xi32, #tpu.memory_space<vmem>>
        %dma_start3A_475 = tpu.memref_slice %arg4[%add3A_470] : memref<322560xi32, #tpu.memory_space<hbm>> -> memref<120xi32, #tpu.memory_space<hbm>>
        %dma_start3A_476 = arith.constant 0 : i32
        %dma_start3A_477 = tpu.memref_slice %arg8[%dma_start3A_471, %dma_start3A_476] : memref<6x120xi32, #tpu.memory_space<vmem>> -> memref<1x120xi32, #tpu.memory_space<vmem>>
        %dma_start3A_478 = tpu.memref_squeeze %dma_start3A_477 : memref<1x120xi32, #tpu.memory_space<vmem>> -> memref<120xi32, #tpu.memory_space<vmem>>
        %dma_start3A_479 = tpu.memref_slice %arg4[%add3A_470] : memref<322560xi32, #tpu.memory_space<hbm>> -> memref<120xi32, #tpu.memory_space<hbm>>
        tpu.enqueue_dma source(%dma_start3A_479 : memref<120xi32, #tpu.memory_space<hbm>>) target(%dma_start3A_478 : memref<120xi32, #tpu.memory_space<vmem>>) target_semaphore(%arg18 : memref<!tpu.dma_semaphore, #tpu.memory_space<semaphore_mem>>)
      } else {
      }
      %add3A_272 = arith.constant 3 : i32
      %add3A_273 = arith.addi %add3A_262, %add3A_272 : i32
      %sub3A_274 = arith.constant 1 : i32
      %sub3A_275 = arith.subi %add3A_273, %sub3A_274 : i32
      %lt3A_276 = arith.constant 84 : i32
      %lt3A_277 = arith.cmpi slt, %sub3A_275, %lt3A_276 : i32
      %convert_element_type3A_278 = arith.extui %lt3A_277 : i1 to i32
      %cond3A_279 = arith.constant 0 : i32
      %cond3A_280 = arith.cmpi ne, %convert_element_type3A_278, %cond3A_279 : i32
      scf.if %cond3A_280 {
        %add3A_452 = arith.constant 3 : i32
        %add3A_453 = arith.addi %add3A_262, %add3A_452 : i32
        %sub3A_454 = arith.constant 1 : i32
        %sub3A_455 = arith.subi %add3A_453, %sub3A_454 : i32
        %mul3A_456 = arith.constant 120 : i32
        %mul3A_457 = arith.muli %sub3A_455, %mul3A_456 : i32
        %add3A_458 = arith.addi %mul3A_4, %mul3A_457 : i32
        %dma_wait3A_459 = arith.constant 4 : i32
        %dma_wait3A_460 = arith.constant 0 : i32
        %dma_wait3A_461 = tpu.memref_slice %arg7[%dma_wait3A_459, %dma_wait3A_460] : memref<6x120xi32, #tpu.memory_space<vmem>> -> memref<1x120xi32, #tpu.memory_space<vmem>>
        %dma_wait3A_462 = tpu.memref_squeeze %dma_wait3A_461 : memref<1x120xi32, #tpu.memory_space<vmem>> -> memref<120xi32, #tpu.memory_space<vmem>>
        %dma_wait3A_463 = tpu.memref_slice %arg3[%add3A_458] : memref<322560xi32, #tpu.memory_space<hbm>> -> memref<120xi32, #tpu.memory_space<hbm>>
        %dma_wait3A_464 = arith.constant 0 : i32
        %dma_wait3A_465 = tpu.memref_slice %arg7[%dma_wait3A_459, %dma_wait3A_464] : memref<6x120xi32, #tpu.memory_space<vmem>> -> memref<1x120xi32, #tpu.memory_space<vmem>>
        %dma_wait3A_466 = tpu.memref_squeeze %dma_wait3A_465 : memref<1x120xi32, #tpu.memory_space<vmem>> -> memref<120xi32, #tpu.memory_space<vmem>>
        %dma_wait3A_467 = tpu.memref_slice %arg3[%add3A_458] : memref<322560xi32, #tpu.memory_space<hbm>> -> memref<120xi32, #tpu.memory_space<hbm>>
        tpu.wait_dma2 semaphore(%arg15 : memref<!tpu.dma_semaphore, #tpu.memory_space<semaphore_mem>>) src(%dma_wait3A_467 : memref<120xi32, #tpu.memory_space<hbm>>) dst(%dma_wait3A_466 : memref<120xi32, #tpu.memory_space<vmem>>)
        %dma_start3A_468 = arith.constant 4 : i32
        %dma_start3A_469 = arith.constant 1 : i32
        %dma_start3A_470 = arith.constant 0 : i32
        %dma_start3A_471 = arith.constant 0 : i32
        %dma_start3A_472 = tpu.memref_slice %arg9[%dma_start3A_469, %dma_start3A_470, %dma_start3A_471] : memref<3x120x128xf32, #tpu.memory_space<vmem>> -> memref<1x120x128xf32, #tpu.memory_space<vmem>>
        %dma_start3A_473 = tpu.memref_squeeze %dma_start3A_472 : memref<1x120x128xf32, #tpu.memory_space<vmem>> -> memref<120x128xf32, #tpu.memory_space<vmem>>
        %dma_start3A_474 = arith.constant 0 : i32
        %dma_start3A_475 = tpu.memref_slice %arg7[%dma_start3A_468, %dma_start3A_474] : memref<6x120xi32, #tpu.memory_space<vmem>> -> memref<1x120xi32, #tpu.memory_space<vmem>>
        %dma_start3A_476 = tpu.memref_squeeze %dma_start3A_475 : memref<1x120xi32, #tpu.memory_space<vmem>> -> memref<120xi32, #tpu.memory_space<vmem>>
        %dma_start3A_477 = arith.constant 0 : i32
        %dma_start3A_478 = arith.constant 0 : i32
        %dma_start3A_479 = tpu.memref_slice %arg2[%dma_start3A_477, %dma_start3A_478] : memref<10112x128xf32, #tpu.memory_space<hbm>> -> memref<10112x128xf32, #tpu.memory_space<hbm>>
        tpu.enqueue_indirect_dma source(%dma_start3A_479 : memref<10112x128xf32, #tpu.memory_space<hbm>>) target(%dma_start3A_473 : memref<120x128xf32, #tpu.memory_space<vmem>>) offsets(%dma_start3A_476 : memref<120xi32, #tpu.memory_space<vmem>>) semaphore(%arg24 : memref<!tpu.dma_semaphore, #tpu.memory_space<semaphore_mem>>)
      } else {
      }
      %dma_wait3A_281 = arith.constant 2 : i32
      %dma_wait3A_282 = arith.constant 2 : i32
      %dma_wait3A_283 = arith.constant 0 : i32
      %dma_wait3A_284 = arith.constant 0 : i32
      %dma_wait3A_285 = tpu.memref_slice %arg9[%dma_wait3A_282, %dma_wait3A_283, %dma_wait3A_284] : memref<3x120x128xf32, #tpu.memory_space<vmem>> -> memref<1x120x128xf32, #tpu.memory_space<vmem>>
      %dma_wait3A_286 = tpu.memref_squeeze %dma_wait3A_285 : memref<1x120x128xf32, #tpu.memory_space<vmem>> -> memref<120x128xf32, #tpu.memory_space<vmem>>
      %dma_wait3A_287 = arith.constant 0 : i32
      %dma_wait3A_288 = tpu.memref_slice %arg7[%dma_wait3A_281, %dma_wait3A_287] : memref<6x120xi32, #tpu.memory_space<vmem>> -> memref<1x120xi32, #tpu.memory_space<vmem>>
      %dma_wait3A_289 = tpu.memref_squeeze %dma_wait3A_288 : memref<1x120xi32, #tpu.memory_space<vmem>> -> memref<120xi32, #tpu.memory_space<vmem>>
      %dma_wait3A_290 = arith.constant 0 : i32
      %dma_wait3A_291 = arith.constant 0 : i32
      %dma_wait3A_292 = tpu.memref_slice %arg2[%dma_wait3A_290, %dma_wait3A_291] : memref<10112x128xf32, #tpu.memory_space<hbm>> -> memref<10112x128xf32, #tpu.memory_space<hbm>>
      tpu.wait_indirect_dma semaphore(%arg25 : memref<!tpu.dma_semaphore, #tpu.memory_space<semaphore_mem>>) src(%dma_wait3A_292 : memref<10112x128xf32, #tpu.memory_space<hbm>>) dst(%dma_wait3A_286 : memref<120x128xf32, #tpu.memory_space<vmem>>)
      %mul3A_293 = arith.constant 120 : i32
      %mul3A_294 = arith.muli %add3A_262, %mul3A_293 : i32
      %add3A_295 = arith.addi %mul3A_4, %mul3A_294 : i32
      %dma_wait3A_296 = arith.constant 2 : i32
      %dma_wait3A_297 = arith.constant 0 : i32
      %dma_wait3A_298 = tpu.memref_slice %arg8[%dma_wait3A_296, %dma_wait3A_297] : memref<6x120xi32, #tpu.memory_space<vmem>> -> memref<1x120xi32, #tpu.memory_space<vmem>>
      %dma_wait3A_299 = tpu.memref_squeeze %dma_wait3A_298 : memref<1x120xi32, #tpu.memory_space<vmem>> -> memref<120xi32, #tpu.memory_space<vmem>>
      %dma_wait3A_300 = tpu.memref_slice %arg4[%add3A_295] : memref<322560xi32, #tpu.memory_space<hbm>> -> memref<120xi32, #tpu.memory_space<hbm>>
      %dma_wait3A_301 = arith.constant 0 : i32
      %dma_wait3A_302 = tpu.memref_slice %arg8[%dma_wait3A_296, %dma_wait3A_301] : memref<6x120xi32, #tpu.memory_space<vmem>> -> memref<1x120xi32, #tpu.memory_space<vmem>>
      %dma_wait3A_303 = tpu.memref_squeeze %dma_wait3A_302 : memref<1x120xi32, #tpu.memory_space<vmem>> -> memref<120xi32, #tpu.memory_space<vmem>>
      %dma_wait3A_304 = tpu.memref_slice %arg4[%add3A_295] : memref<322560xi32, #tpu.memory_space<hbm>> -> memref<120xi32, #tpu.memory_space<hbm>>
      tpu.wait_dma2 semaphore(%arg19 : memref<!tpu.dma_semaphore, #tpu.memory_space<semaphore_mem>>) src(%dma_wait3A_304 : memref<120xi32, #tpu.memory_space<hbm>>) dst(%dma_wait3A_303 : memref<120xi32, #tpu.memory_space<vmem>>)
      %run_scoped3A_305 = arith.constant 2 : i32
      %run_scoped3A_306 = arith.constant 2 : i32
      "tpu.region"() ({
        %run_scoped3A_452 = tpu.sem_alloc : memref<!tpu.dma_semaphore, #tpu.memory_space<semaphore_mem>>
        %dma_start3A_453 = arith.constant 0 : i32
        %dma_start3A_454 = arith.constant 0 : i32
        %dma_start3A_455 = tpu.memref_slice %arg9[%run_scoped3A_305, %dma_start3A_453, %dma_start3A_454] : memref<3x120x128xf32, #tpu.memory_space<vmem>> -> memref<1x120x128xf32, #tpu.memory_space<vmem>>
        %dma_start3A_456 = tpu.memref_squeeze %dma_start3A_455 : memref<1x120x128xf32, #tpu.memory_space<vmem>> -> memref<120x128xf32, #tpu.memory_space<vmem>>
        %dma_start3A_457 = arith.constant 0 : i32
        %dma_start3A_458 = tpu.memref_slice %arg8[%run_scoped3A_306, %dma_start3A_457] : memref<6x120xi32, #tpu.memory_space<vmem>> -> memref<1x120xi32, #tpu.memory_space<vmem>>
        %dma_start3A_459 = tpu.memref_squeeze %dma_start3A_458 : memref<1x120xi32, #tpu.memory_space<vmem>> -> memref<120xi32, #tpu.memory_space<vmem>>
        %dma_start3A_460 = arith.constant 0 : i32
        %dma_start3A_461 = arith.constant 0 : i32
        %dma_start3A_462 = tpu.memref_slice %arg10[%dma_start3A_460, %dma_start3A_461] : memref<10112x128xf32, #tpu.memory_space<vmem_shared>> -> memref<10112x128xf32, #tpu.memory_space<vmem_shared>>
        tpu.enqueue_indirect_dma source(%dma_start3A_456 : memref<120x128xf32, #tpu.memory_space<vmem>>) target(%dma_start3A_462 : memref<10112x128xf32, #tpu.memory_space<vmem_shared>>) offsets(%dma_start3A_459 : memref<120xi32, #tpu.memory_space<vmem>>) semaphore(%run_scoped3A_452 : memref<!tpu.dma_semaphore, #tpu.memory_space<semaphore_mem>>) {add = true}
        %dma_wait3A_463 = arith.constant 0 : i32
        %dma_wait3A_464 = arith.constant 0 : i32
        %dma_wait3A_465 = tpu.memref_slice %arg9[%run_scoped3A_305, %dma_wait3A_463, %dma_wait3A_464] : memref<3x120x128xf32, #tpu.memory_space<vmem>> -> memref<1x120x128xf32, #tpu.memory_space<vmem>>
        %dma_wait3A_466 = tpu.memref_squeeze %dma_wait3A_465 : memref<1x120x128xf32, #tpu.memory_space<vmem>> -> memref<120x128xf32, #tpu.memory_space<vmem>>
        %dma_wait3A_467 = arith.constant 0 : i32
        %dma_wait3A_468 = tpu.memref_slice %arg8[%run_scoped3A_306, %dma_wait3A_467] : memref<6x120xi32, #tpu.memory_space<vmem>> -> memref<1x120xi32, #tpu.memory_space<vmem>>
        %dma_wait3A_469 = tpu.memref_squeeze %dma_wait3A_468 : memref<1x120xi32, #tpu.memory_space<vmem>> -> memref<120xi32, #tpu.memory_space<vmem>>
        %dma_wait3A_470 = arith.constant 0 : i32
        %dma_wait3A_471 = arith.constant 0 : i32
        %dma_wait3A_472 = tpu.memref_slice %arg10[%dma_wait3A_470, %dma_wait3A_471] : memref<10112x128xf32, #tpu.memory_space<vmem_shared>> -> memref<10112x128xf32, #tpu.memory_space<vmem_shared>>
        tpu.wait_indirect_dma semaphore(%run_scoped3A_452 : memref<!tpu.dma_semaphore, #tpu.memory_space<semaphore_mem>>) src(%dma_wait3A_466 : memref<120x128xf32, #tpu.memory_space<vmem>>) dst(%dma_wait3A_472 : memref<10112x128xf32, #tpu.memory_space<vmem_shared>>)
        tpu.yield
      }) : () -> ()
      %mul3A_307 = arith.constant 6 : i32
      %mul3A_308 = arith.muli %scan3A_166, %mul3A_307 : i32
      %add3A_309 = arith.constant 3 : i32
      %add3A_310 = arith.addi %mul3A_308, %add3A_309 : i32
      %add3A_311 = arith.constant 6 : i32
      %add3A_312 = arith.addi %add3A_310, %add3A_311 : i32
      %sub3A_313 = arith.constant 1 : i32
      %sub3A_314 = arith.subi %add3A_312, %sub3A_313 : i32
      %lt3A_315 = arith.constant 84 : i32
      %lt3A_316 = arith.cmpi slt, %sub3A_314, %lt3A_315 : i32
      %convert_element_type3A_317 = arith.extui %lt3A_316 : i1 to i32
      %cond3A_318 = arith.constant 0 : i32
      %cond3A_319 = arith.cmpi ne, %convert_element_type3A_317, %cond3A_318 : i32
      scf.if %cond3A_319 {
        %add3A_452 = arith.constant 6 : i32
        %add3A_453 = arith.addi %add3A_310, %add3A_452 : i32
        %sub3A_454 = arith.constant 1 : i32
        %sub3A_455 = arith.subi %add3A_453, %sub3A_454 : i32
        %mul3A_456 = arith.constant 120 : i32
        %mul3A_457 = arith.muli %sub3A_455, %mul3A_456 : i32
        %add3A_458 = arith.addi %mul3A_4, %mul3A_457 : i32
        %dma_start3A_459 = arith.constant 2 : i32
        %dma_start3A_460 = arith.constant 0 : i32
        %dma_start3A_461 = tpu.memref_slice %arg7[%dma_start3A_459, %dma_start3A_460] : memref<6x120xi32, #tpu.memory_space<vmem>> -> memref<1x120xi32, #tpu.memory_space<vmem>>
        %dma_start3A_462 = tpu.memref_squeeze %dma_start3A_461 : memref<1x120xi32, #tpu.memory_space<vmem>> -> memref<120xi32, #tpu.memory_space<vmem>>
        %dma_start3A_463 = tpu.memref_slice %arg3[%add3A_458] : memref<322560xi32, #tpu.memory_space<hbm>> -> memref<120xi32, #tpu.memory_space<hbm>>
        %dma_start3A_464 = arith.constant 0 : i32
        %dma_start3A_465 = tpu.memref_slice %arg7[%dma_start3A_459, %dma_start3A_464] : memref<6x120xi32, #tpu.memory_space<vmem>> -> memref<1x120xi32, #tpu.memory_space<vmem>>
        %dma_start3A_466 = tpu.memref_squeeze %dma_start3A_465 : memref<1x120xi32, #tpu.memory_space<vmem>> -> memref<120xi32, #tpu.memory_space<vmem>>
        %dma_start3A_467 = tpu.memref_slice %arg3[%add3A_458] : memref<322560xi32, #tpu.memory_space<hbm>> -> memref<120xi32, #tpu.memory_space<hbm>>
        tpu.enqueue_dma source(%dma_start3A_467 : memref<120xi32, #tpu.memory_space<hbm>>) target(%dma_start3A_466 : memref<120xi32, #tpu.memory_space<vmem>>) target_semaphore(%arg13 : memref<!tpu.dma_semaphore, #tpu.memory_space<semaphore_mem>>)
        %mul3A_468 = arith.constant 120 : i32
        %mul3A_469 = arith.muli %sub3A_455, %mul3A_468 : i32
        %add3A_470 = arith.addi %mul3A_4, %mul3A_469 : i32
        %dma_start3A_471 = arith.constant 2 : i32
        %dma_start3A_472 = arith.constant 0 : i32
        %dma_start3A_473 = tpu.memref_slice %arg8[%dma_start3A_471, %dma_start3A_472] : memref<6x120xi32, #tpu.memory_space<vmem>> -> memref<1x120xi32, #tpu.memory_space<vmem>>
        %dma_start3A_474 = tpu.memref_squeeze %dma_start3A_473 : memref<1x120xi32, #tpu.memory_space<vmem>> -> memref<120xi32, #tpu.memory_space<vmem>>
        %dma_start3A_475 = tpu.memref_slice %arg4[%add3A_470] : memref<322560xi32, #tpu.memory_space<hbm>> -> memref<120xi32, #tpu.memory_space<hbm>>
        %dma_start3A_476 = arith.constant 0 : i32
        %dma_start3A_477 = tpu.memref_slice %arg8[%dma_start3A_471, %dma_start3A_476] : memref<6x120xi32, #tpu.memory_space<vmem>> -> memref<1x120xi32, #tpu.memory_space<vmem>>
        %dma_start3A_478 = tpu.memref_squeeze %dma_start3A_477 : memref<1x120xi32, #tpu.memory_space<vmem>> -> memref<120xi32, #tpu.memory_space<vmem>>
        %dma_start3A_479 = tpu.memref_slice %arg4[%add3A_470] : memref<322560xi32, #tpu.memory_space<hbm>> -> memref<120xi32, #tpu.memory_space<hbm>>
        tpu.enqueue_dma source(%dma_start3A_479 : memref<120xi32, #tpu.memory_space<hbm>>) target(%dma_start3A_478 : memref<120xi32, #tpu.memory_space<vmem>>) target_semaphore(%arg19 : memref<!tpu.dma_semaphore, #tpu.memory_space<semaphore_mem>>)
      } else {
      }
      %add3A_320 = arith.constant 3 : i32
      %add3A_321 = arith.addi %add3A_310, %add3A_320 : i32
      %sub3A_322 = arith.constant 1 : i32
      %sub3A_323 = arith.subi %add3A_321, %sub3A_322 : i32
      %lt3A_324 = arith.constant 84 : i32
      %lt3A_325 = arith.cmpi slt, %sub3A_323, %lt3A_324 : i32
      %convert_element_type3A_326 = arith.extui %lt3A_325 : i1 to i32
      %cond3A_327 = arith.constant 0 : i32
      %cond3A_328 = arith.cmpi ne, %convert_element_type3A_326, %cond3A_327 : i32
      scf.if %cond3A_328 {
        %add3A_452 = arith.constant 3 : i32
        %add3A_453 = arith.addi %add3A_310, %add3A_452 : i32
        %sub3A_454 = arith.constant 1 : i32
        %sub3A_455 = arith.subi %add3A_453, %sub3A_454 : i32
        %mul3A_456 = arith.constant 120 : i32
        %mul3A_457 = arith.muli %sub3A_455, %mul3A_456 : i32
        %add3A_458 = arith.addi %mul3A_4, %mul3A_457 : i32
        %dma_wait3A_459 = arith.constant 5 : i32
        %dma_wait3A_460 = arith.constant 0 : i32
        %dma_wait3A_461 = tpu.memref_slice %arg7[%dma_wait3A_459, %dma_wait3A_460] : memref<6x120xi32, #tpu.memory_space<vmem>> -> memref<1x120xi32, #tpu.memory_space<vmem>>
        %dma_wait3A_462 = tpu.memref_squeeze %dma_wait3A_461 : memref<1x120xi32, #tpu.memory_space<vmem>> -> memref<120xi32, #tpu.memory_space<vmem>>
        %dma_wait3A_463 = tpu.memref_slice %arg3[%add3A_458] : memref<322560xi32, #tpu.memory_space<hbm>> -> memref<120xi32, #tpu.memory_space<hbm>>
        %dma_wait3A_464 = arith.constant 0 : i32
        %dma_wait3A_465 = tpu.memref_slice %arg7[%dma_wait3A_459, %dma_wait3A_464] : memref<6x120xi32, #tpu.memory_space<vmem>> -> memref<1x120xi32, #tpu.memory_space<vmem>>
        %dma_wait3A_466 = tpu.memref_squeeze %dma_wait3A_465 : memref<1x120xi32, #tpu.memory_space<vmem>> -> memref<120xi32, #tpu.memory_space<vmem>>
        %dma_wait3A_467 = tpu.memref_slice %arg3[%add3A_458] : memref<322560xi32, #tpu.memory_space<hbm>> -> memref<120xi32, #tpu.memory_space<hbm>>
        tpu.wait_dma2 semaphore(%arg16 : memref<!tpu.dma_semaphore, #tpu.memory_space<semaphore_mem>>) src(%dma_wait3A_467 : memref<120xi32, #tpu.memory_space<hbm>>) dst(%dma_wait3A_466 : memref<120xi32, #tpu.memory_space<vmem>>)
        %dma_start3A_468 = arith.constant 5 : i32
        %dma_start3A_469 = arith.constant 2 : i32
        %dma_start3A_470 = arith.constant 0 : i32
        %dma_start3A_471 = arith.constant 0 : i32
        %dma_start3A_472 = tpu.memref_slice %arg9[%dma_start3A_469, %dma_start3A_470, %dma_start3A_471] : memref<3x120x128xf32, #tpu.memory_space<vmem>> -> memref<1x120x128xf32, #tpu.memory_space<vmem>>
        %dma_start3A_473 = tpu.memref_squeeze %dma_start3A_472 : memref<1x120x128xf32, #tpu.memory_space<vmem>> -> memref<120x128xf32, #tpu.memory_space<vmem>>
        %dma_start3A_474 = arith.constant 0 : i32
        %dma_start3A_475 = tpu.memref_slice %arg7[%dma_start3A_468, %dma_start3A_474] : memref<6x120xi32, #tpu.memory_space<vmem>> -> memref<1x120xi32, #tpu.memory_space<vmem>>
        %dma_start3A_476 = tpu.memref_squeeze %dma_start3A_475 : memref<1x120xi32, #tpu.memory_space<vmem>> -> memref<120xi32, #tpu.memory_space<vmem>>
        %dma_start3A_477 = arith.constant 0 : i32
        %dma_start3A_478 = arith.constant 0 : i32
        %dma_start3A_479 = tpu.memref_slice %arg2[%dma_start3A_477, %dma_start3A_478] : memref<10112x128xf32, #tpu.memory_space<hbm>> -> memref<10112x128xf32, #tpu.memory_space<hbm>>
        tpu.enqueue_indirect_dma source(%dma_start3A_479 : memref<10112x128xf32, #tpu.memory_space<hbm>>) target(%dma_start3A_473 : memref<120x128xf32, #tpu.memory_space<vmem>>) offsets(%dma_start3A_476 : memref<120xi32, #tpu.memory_space<vmem>>) semaphore(%arg25 : memref<!tpu.dma_semaphore, #tpu.memory_space<semaphore_mem>>)
      } else {
      }
      %dma_wait3A_329 = arith.constant 3 : i32
      %dma_wait3A_330 = arith.constant 0 : i32
      %dma_wait3A_331 = arith.constant 0 : i32
      %dma_wait3A_332 = arith.constant 0 : i32
      %dma_wait3A_333 = tpu.memref_slice %arg9[%dma_wait3A_330, %dma_wait3A_331, %dma_wait3A_332] : memref<3x120x128xf32, #tpu.memory_space<vmem>> -> memref<1x120x128xf32, #tpu.memory_space<vmem>>
      %dma_wait3A_334 = tpu.memref_squeeze %dma_wait3A_333 : memref<1x120x128xf32, #tpu.memory_space<vmem>> -> memref<120x128xf32, #tpu.memory_space<vmem>>
      %dma_wait3A_335 = arith.constant 0 : i32
      %dma_wait3A_336 = tpu.memref_slice %arg7[%dma_wait3A_329, %dma_wait3A_335] : memref<6x120xi32, #tpu.memory_space<vmem>> -> memref<1x120xi32, #tpu.memory_space<vmem>>
      %dma_wait3A_337 = tpu.memref_squeeze %dma_wait3A_336 : memref<1x120xi32, #tpu.memory_space<vmem>> -> memref<120xi32, #tpu.memory_space<vmem>>
      %dma_wait3A_338 = arith.constant 0 : i32
      %dma_wait3A_339 = arith.constant 0 : i32
      %dma_wait3A_340 = tpu.memref_slice %arg2[%dma_wait3A_338, %dma_wait3A_339] : memref<10112x128xf32, #tpu.memory_space<hbm>> -> memref<10112x128xf32, #tpu.memory_space<hbm>>
      tpu.wait_indirect_dma semaphore(%arg23 : memref<!tpu.dma_semaphore, #tpu.memory_space<semaphore_mem>>) src(%dma_wait3A_340 : memref<10112x128xf32, #tpu.memory_space<hbm>>) dst(%dma_wait3A_334 : memref<120x128xf32, #tpu.memory_space<vmem>>)
      %mul3A_341 = arith.constant 120 : i32
      %mul3A_342 = arith.muli %add3A_310, %mul3A_341 : i32
      %add3A_343 = arith.addi %mul3A_4, %mul3A_342 : i32
      %dma_wait3A_344 = arith.constant 3 : i32
      %dma_wait3A_345 = arith.constant 0 : i32
      %dma_wait3A_346 = tpu.memref_slice %arg8[%dma_wait3A_344, %dma_wait3A_345] : memref<6x120xi32, #tpu.memory_space<vmem>> -> memref<1x120xi32, #tpu.memory_space<vmem>>
      %dma_wait3A_347 = tpu.memref_squeeze %dma_wait3A_346 : memref<1x120xi32, #tpu.memory_space<vmem>> -> memref<120xi32, #tpu.memory_space<vmem>>
      %dma_wait3A_348 = tpu.memref_slice %arg4[%add3A_343] : memref<322560xi32, #tpu.memory_space<hbm>> -> memref<120xi32, #tpu.memory_space<hbm>>
      %dma_wait3A_349 = arith.constant 0 : i32
      %dma_wait3A_350 = tpu.memref_slice %arg8[%dma_wait3A_344, %dma_wait3A_349] : memref<6x120xi32, #tpu.memory_space<vmem>> -> memref<1x120xi32, #tpu.memory_space<vmem>>
      %dma_wait3A_351 = tpu.memref_squeeze %dma_wait3A_350 : memref<1x120xi32, #tpu.memory_space<vmem>> -> memref<120xi32, #tpu.memory_space<vmem>>
      %dma_wait3A_352 = tpu.memref_slice %arg4[%add3A_343] : memref<322560xi32, #tpu.memory_space<hbm>> -> memref<120xi32, #tpu.memory_space<hbm>>
      tpu.wait_dma2 semaphore(%arg20 : memref<!tpu.dma_semaphore, #tpu.memory_space<semaphore_mem>>) src(%dma_wait3A_352 : memref<120xi32, #tpu.memory_space<hbm>>) dst(%dma_wait3A_351 : memref<120xi32, #tpu.memory_space<vmem>>)
      %run_scoped3A_353 = arith.constant 0 : i32
      %run_scoped3A_354 = arith.constant 3 : i32
      "tpu.region"() ({
        %run_scoped3A_452 = tpu.sem_alloc : memref<!tpu.dma_semaphore, #tpu.memory_space<semaphore_mem>>
        %dma_start3A_453 = arith.constant 0 : i32
        %dma_start3A_454 = arith.constant 0 : i32
        %dma_start3A_455 = tpu.memref_slice %arg9[%run_scoped3A_353, %dma_start3A_453, %dma_start3A_454] : memref<3x120x128xf32, #tpu.memory_space<vmem>> -> memref<1x120x128xf32, #tpu.memory_space<vmem>>
        %dma_start3A_456 = tpu.memref_squeeze %dma_start3A_455 : memref<1x120x128xf32, #tpu.memory_space<vmem>> -> memref<120x128xf32, #tpu.memory_space<vmem>>
        %dma_start3A_457 = arith.constant 0 : i32
        %dma_start3A_458 = tpu.memref_slice %arg8[%run_scoped3A_354, %dma_start3A_457] : memref<6x120xi32, #tpu.memory_space<vmem>> -> memref<1x120xi32, #tpu.memory_space<vmem>>
        %dma_start3A_459 = tpu.memref_squeeze %dma_start3A_458 : memref<1x120xi32, #tpu.memory_space<vmem>> -> memref<120xi32, #tpu.memory_space<vmem>>
        %dma_start3A_460 = arith.constant 0 : i32
        %dma_start3A_461 = arith.constant 0 : i32
        %dma_start3A_462 = tpu.memref_slice %arg10[%dma_start3A_460, %dma_start3A_461] : memref<10112x128xf32, #tpu.memory_space<vmem_shared>> -> memref<10112x128xf32, #tpu.memory_space<vmem_shared>>
        tpu.enqueue_indirect_dma source(%dma_start3A_456 : memref<120x128xf32, #tpu.memory_space<vmem>>) target(%dma_start3A_462 : memref<10112x128xf32, #tpu.memory_space<vmem_shared>>) offsets(%dma_start3A_459 : memref<120xi32, #tpu.memory_space<vmem>>) semaphore(%run_scoped3A_452 : memref<!tpu.dma_semaphore, #tpu.memory_space<semaphore_mem>>) {add = true}
        %dma_wait3A_463 = arith.constant 0 : i32
        %dma_wait3A_464 = arith.constant 0 : i32
        %dma_wait3A_465 = tpu.memref_slice %arg9[%run_scoped3A_353, %dma_wait3A_463, %dma_wait3A_464] : memref<3x120x128xf32, #tpu.memory_space<vmem>> -> memref<1x120x128xf32, #tpu.memory_space<vmem>>
        %dma_wait3A_466 = tpu.memref_squeeze %dma_wait3A_465 : memref<1x120x128xf32, #tpu.memory_space<vmem>> -> memref<120x128xf32, #tpu.memory_space<vmem>>
        %dma_wait3A_467 = arith.constant 0 : i32
        %dma_wait3A_468 = tpu.memref_slice %arg8[%run_scoped3A_354, %dma_wait3A_467] : memref<6x120xi32, #tpu.memory_space<vmem>> -> memref<1x120xi32, #tpu.memory_space<vmem>>
        %dma_wait3A_469 = tpu.memref_squeeze %dma_wait3A_468 : memref<1x120xi32, #tpu.memory_space<vmem>> -> memref<120xi32, #tpu.memory_space<vmem>>
        %dma_wait3A_470 = arith.constant 0 : i32
        %dma_wait3A_471 = arith.constant 0 : i32
        %dma_wait3A_472 = tpu.memref_slice %arg10[%dma_wait3A_470, %dma_wait3A_471] : memref<10112x128xf32, #tpu.memory_space<vmem_shared>> -> memref<10112x128xf32, #tpu.memory_space<vmem_shared>>
        tpu.wait_indirect_dma semaphore(%run_scoped3A_452 : memref<!tpu.dma_semaphore, #tpu.memory_space<semaphore_mem>>) src(%dma_wait3A_466 : memref<120x128xf32, #tpu.memory_space<vmem>>) dst(%dma_wait3A_472 : memref<10112x128xf32, #tpu.memory_space<vmem_shared>>)
        tpu.yield
      }) : () -> ()
      %mul3A_355 = arith.constant 6 : i32
      %mul3A_356 = arith.muli %scan3A_166, %mul3A_355 : i32
      %add3A_357 = arith.constant 4 : i32
      %add3A_358 = arith.addi %mul3A_356, %add3A_357 : i32
      %add3A_359 = arith.constant 6 : i32
      %add3A_360 = arith.addi %add3A_358, %add3A_359 : i32
      %sub3A_361 = arith.constant 1 : i32
      %sub3A_362 = arith.subi %add3A_360, %sub3A_361 : i32
      %lt3A_363 = arith.constant 84 : i32
      %lt3A_364 = arith.cmpi slt, %sub3A_362, %lt3A_363 : i32
      %convert_element_type3A_365 = arith.extui %lt3A_364 : i1 to i32
      %cond3A_366 = arith.constant 0 : i32
      %cond3A_367 = arith.cmpi ne, %convert_element_type3A_365, %cond3A_366 : i32
      scf.if %cond3A_367 {
        %add3A_452 = arith.constant 6 : i32
        %add3A_453 = arith.addi %add3A_358, %add3A_452 : i32
        %sub3A_454 = arith.constant 1 : i32
        %sub3A_455 = arith.subi %add3A_453, %sub3A_454 : i32
        %mul3A_456 = arith.constant 120 : i32
        %mul3A_457 = arith.muli %sub3A_455, %mul3A_456 : i32
        %add3A_458 = arith.addi %mul3A_4, %mul3A_457 : i32
        %dma_start3A_459 = arith.constant 3 : i32
        %dma_start3A_460 = arith.constant 0 : i32
        %dma_start3A_461 = tpu.memref_slice %arg7[%dma_start3A_459, %dma_start3A_460] : memref<6x120xi32, #tpu.memory_space<vmem>> -> memref<1x120xi32, #tpu.memory_space<vmem>>
        %dma_start3A_462 = tpu.memref_squeeze %dma_start3A_461 : memref<1x120xi32, #tpu.memory_space<vmem>> -> memref<120xi32, #tpu.memory_space<vmem>>
        %dma_start3A_463 = tpu.memref_slice %arg3[%add3A_458] : memref<322560xi32, #tpu.memory_space<hbm>> -> memref<120xi32, #tpu.memory_space<hbm>>
        %dma_start3A_464 = arith.constant 0 : i32
        %dma_start3A_465 = tpu.memref_slice %arg7[%dma_start3A_459, %dma_start3A_464] : memref<6x120xi32, #tpu.memory_space<vmem>> -> memref<1x120xi32, #tpu.memory_space<vmem>>
        %dma_start3A_466 = tpu.memref_squeeze %dma_start3A_465 : memref<1x120xi32, #tpu.memory_space<vmem>> -> memref<120xi32, #tpu.memory_space<vmem>>
        %dma_start3A_467 = tpu.memref_slice %arg3[%add3A_458] : memref<322560xi32, #tpu.memory_space<hbm>> -> memref<120xi32, #tpu.memory_space<hbm>>
        tpu.enqueue_dma source(%dma_start3A_467 : memref<120xi32, #tpu.memory_space<hbm>>) target(%dma_start3A_466 : memref<120xi32, #tpu.memory_space<vmem>>) target_semaphore(%arg14 : memref<!tpu.dma_semaphore, #tpu.memory_space<semaphore_mem>>)
        %mul3A_468 = arith.constant 120 : i32
        %mul3A_469 = arith.muli %sub3A_455, %mul3A_468 : i32
        %add3A_470 = arith.addi %mul3A_4, %mul3A_469 : i32
        %dma_start3A_471 = arith.constant 3 : i32
        %dma_start3A_472 = arith.constant 0 : i32
        %dma_start3A_473 = tpu.memref_slice %arg8[%dma_start3A_471, %dma_start3A_472] : memref<6x120xi32, #tpu.memory_space<vmem>> -> memref<1x120xi32, #tpu.memory_space<vmem>>
        %dma_start3A_474 = tpu.memref_squeeze %dma_start3A_473 : memref<1x120xi32, #tpu.memory_space<vmem>> -> memref<120xi32, #tpu.memory_space<vmem>>
        %dma_start3A_475 = tpu.memref_slice %arg4[%add3A_470] : memref<322560xi32, #tpu.memory_space<hbm>> -> memref<120xi32, #tpu.memory_space<hbm>>
        %dma_start3A_476 = arith.constant 0 : i32
        %dma_start3A_477 = tpu.memref_slice %arg8[%dma_start3A_471, %dma_start3A_476] : memref<6x120xi32, #tpu.memory_space<vmem>> -> memref<1x120xi32, #tpu.memory_space<vmem>>
        %dma_start3A_478 = tpu.memref_squeeze %dma_start3A_477 : memref<1x120xi32, #tpu.memory_space<vmem>> -> memref<120xi32, #tpu.memory_space<vmem>>
        %dma_start3A_479 = tpu.memref_slice %arg4[%add3A_470] : memref<322560xi32, #tpu.memory_space<hbm>> -> memref<120xi32, #tpu.memory_space<hbm>>
        tpu.enqueue_dma source(%dma_start3A_479 : memref<120xi32, #tpu.memory_space<hbm>>) target(%dma_start3A_478 : memref<120xi32, #tpu.memory_space<vmem>>) target_semaphore(%arg20 : memref<!tpu.dma_semaphore, #tpu.memory_space<semaphore_mem>>)
      } else {
      }
      %add3A_368 = arith.constant 3 : i32
      %add3A_369 = arith.addi %add3A_358, %add3A_368 : i32
      %sub3A_370 = arith.constant 1 : i32
      %sub3A_371 = arith.subi %add3A_369, %sub3A_370 : i32
      %lt3A_372 = arith.constant 84 : i32
      %lt3A_373 = arith.cmpi slt, %sub3A_371, %lt3A_372 : i32
      %convert_element_type3A_374 = arith.extui %lt3A_373 : i1 to i32
      %cond3A_375 = arith.constant 0 : i32
      %cond3A_376 = arith.cmpi ne, %convert_element_type3A_374, %cond3A_375 : i32
      scf.if %cond3A_376 {
        %add3A_452 = arith.constant 3 : i32
        %add3A_453 = arith.addi %add3A_358, %add3A_452 : i32
        %sub3A_454 = arith.constant 1 : i32
        %sub3A_455 = arith.subi %add3A_453, %sub3A_454 : i32
        %mul3A_456 = arith.constant 120 : i32
        %mul3A_457 = arith.muli %sub3A_455, %mul3A_456 : i32
        %add3A_458 = arith.addi %mul3A_4, %mul3A_457 : i32
        %dma_wait3A_459 = arith.constant 0 : i32
        %dma_wait3A_460 = arith.constant 0 : i32
        %dma_wait3A_461 = tpu.memref_slice %arg7[%dma_wait3A_459, %dma_wait3A_460] : memref<6x120xi32, #tpu.memory_space<vmem>> -> memref<1x120xi32, #tpu.memory_space<vmem>>
        %dma_wait3A_462 = tpu.memref_squeeze %dma_wait3A_461 : memref<1x120xi32, #tpu.memory_space<vmem>> -> memref<120xi32, #tpu.memory_space<vmem>>
        %dma_wait3A_463 = tpu.memref_slice %arg3[%add3A_458] : memref<322560xi32, #tpu.memory_space<hbm>> -> memref<120xi32, #tpu.memory_space<hbm>>
        %dma_wait3A_464 = arith.constant 0 : i32
        %dma_wait3A_465 = tpu.memref_slice %arg7[%dma_wait3A_459, %dma_wait3A_464] : memref<6x120xi32, #tpu.memory_space<vmem>> -> memref<1x120xi32, #tpu.memory_space<vmem>>
        %dma_wait3A_466 = tpu.memref_squeeze %dma_wait3A_465 : memref<1x120xi32, #tpu.memory_space<vmem>> -> memref<120xi32, #tpu.memory_space<vmem>>
        %dma_wait3A_467 = tpu.memref_slice %arg3[%add3A_458] : memref<322560xi32, #tpu.memory_space<hbm>> -> memref<120xi32, #tpu.memory_space<hbm>>
        tpu.wait_dma2 semaphore(%arg11 : memref<!tpu.dma_semaphore, #tpu.memory_space<semaphore_mem>>) src(%dma_wait3A_467 : memref<120xi32, #tpu.memory_space<hbm>>) dst(%dma_wait3A_466 : memref<120xi32, #tpu.memory_space<vmem>>)
        %dma_start3A_468 = arith.constant 0 : i32
        %dma_start3A_469 = arith.constant 0 : i32
        %dma_start3A_470 = arith.constant 0 : i32
        %dma_start3A_471 = arith.constant 0 : i32
        %dma_start3A_472 = tpu.memref_slice %arg9[%dma_start3A_469, %dma_start3A_470, %dma_start3A_471] : memref<3x120x128xf32, #tpu.memory_space<vmem>> -> memref<1x120x128xf32, #tpu.memory_space<vmem>>
        %dma_start3A_473 = tpu.memref_squeeze %dma_start3A_472 : memref<1x120x128xf32, #tpu.memory_space<vmem>> -> memref<120x128xf32, #tpu.memory_space<vmem>>
        %dma_start3A_474 = arith.constant 0 : i32
        %dma_start3A_475 = tpu.memref_slice %arg7[%dma_start3A_468, %dma_start3A_474] : memref<6x120xi32, #tpu.memory_space<vmem>> -> memref<1x120xi32, #tpu.memory_space<vmem>>
        %dma_start3A_476 = tpu.memref_squeeze %dma_start3A_475 : memref<1x120xi32, #tpu.memory_space<vmem>> -> memref<120xi32, #tpu.memory_space<vmem>>
        %dma_start3A_477 = arith.constant 0 : i32
        %dma_start3A_478 = arith.constant 0 : i32
        %dma_start3A_479 = tpu.memref_slice %arg2[%dma_start3A_477, %dma_start3A_478] : memref<10112x128xf32, #tpu.memory_space<hbm>> -> memref<10112x128xf32, #tpu.memory_space<hbm>>
        tpu.enqueue_indirect_dma source(%dma_start3A_479 : memref<10112x128xf32, #tpu.memory_space<hbm>>) target(%dma_start3A_473 : memref<120x128xf32, #tpu.memory_space<vmem>>) offsets(%dma_start3A_476 : memref<120xi32, #tpu.memory_space<vmem>>) semaphore(%arg23 : memref<!tpu.dma_semaphore, #tpu.memory_space<semaphore_mem>>)
      } else {
      }
      %dma_wait3A_377 = arith.constant 4 : i32
      %dma_wait3A_378 = arith.constant 1 : i32
      %dma_wait3A_379 = arith.constant 0 : i32
      %dma_wait3A_380 = arith.constant 0 : i32
      %dma_wait3A_381 = tpu.memref_slice %arg9[%dma_wait3A_378, %dma_wait3A_379, %dma_wait3A_380] : memref<3x120x128xf32, #tpu.memory_space<vmem>> -> memref<1x120x128xf32, #tpu.memory_space<vmem>>
      %dma_wait3A_382 = tpu.memref_squeeze %dma_wait3A_381 : memref<1x120x128xf32, #tpu.memory_space<vmem>> -> memref<120x128xf32, #tpu.memory_space<vmem>>
      %dma_wait3A_383 = arith.constant 0 : i32
      %dma_wait3A_384 = tpu.memref_slice %arg7[%dma_wait3A_377, %dma_wait3A_383] : memref<6x120xi32, #tpu.memory_space<vmem>> -> memref<1x120xi32, #tpu.memory_space<vmem>>
      %dma_wait3A_385 = tpu.memref_squeeze %dma_wait3A_384 : memref<1x120xi32, #tpu.memory_space<vmem>> -> memref<120xi32, #tpu.memory_space<vmem>>
      %dma_wait3A_386 = arith.constant 0 : i32
      %dma_wait3A_387 = arith.constant 0 : i32
      %dma_wait3A_388 = tpu.memref_slice %arg2[%dma_wait3A_386, %dma_wait3A_387] : memref<10112x128xf32, #tpu.memory_space<hbm>> -> memref<10112x128xf32, #tpu.memory_space<hbm>>
      tpu.wait_indirect_dma semaphore(%arg24 : memref<!tpu.dma_semaphore, #tpu.memory_space<semaphore_mem>>) src(%dma_wait3A_388 : memref<10112x128xf32, #tpu.memory_space<hbm>>) dst(%dma_wait3A_382 : memref<120x128xf32, #tpu.memory_space<vmem>>)
      %mul3A_389 = arith.constant 120 : i32
      %mul3A_390 = arith.muli %add3A_358, %mul3A_389 : i32
      %add3A_391 = arith.addi %mul3A_4, %mul3A_390 : i32
      %dma_wait3A_392 = arith.constant 4 : i32
      %dma_wait3A_393 = arith.constant 0 : i32
      %dma_wait3A_394 = tpu.memref_slice %arg8[%dma_wait3A_392, %dma_wait3A_393] : memref<6x120xi32, #tpu.memory_space<vmem>> -> memref<1x120xi32, #tpu.memory_space<vmem>>
      %dma_wait3A_395 = tpu.memref_squeeze %dma_wait3A_394 : memref<1x120xi32, #tpu.memory_space<vmem>> -> memref<120xi32, #tpu.memory_space<vmem>>
      %dma_wait3A_396 = tpu.memref_slice %arg4[%add3A_391] : memref<322560xi32, #tpu.memory_space<hbm>> -> memref<120xi32, #tpu.memory_space<hbm>>
      %dma_wait3A_397 = arith.constant 0 : i32
      %dma_wait3A_398 = tpu.memref_slice %arg8[%dma_wait3A_392, %dma_wait3A_397] : memref<6x120xi32, #tpu.memory_space<vmem>> -> memref<1x120xi32, #tpu.memory_space<vmem>>
      %dma_wait3A_399 = tpu.memref_squeeze %dma_wait3A_398 : memref<1x120xi32, #tpu.memory_space<vmem>> -> memref<120xi32, #tpu.memory_space<vmem>>
      %dma_wait3A_400 = tpu.memref_slice %arg4[%add3A_391] : memref<322560xi32, #tpu.memory_space<hbm>> -> memref<120xi32, #tpu.memory_space<hbm>>
      tpu.wait_dma2 semaphore(%arg21 : memref<!tpu.dma_semaphore, #tpu.memory_space<semaphore_mem>>) src(%dma_wait3A_400 : memref<120xi32, #tpu.memory_space<hbm>>) dst(%dma_wait3A_399 : memref<120xi32, #tpu.memory_space<vmem>>)
      %run_scoped3A_401 = arith.constant 1 : i32
      %run_scoped3A_402 = arith.constant 4 : i32
      "tpu.region"() ({
        %run_scoped3A_452 = tpu.sem_alloc : memref<!tpu.dma_semaphore, #tpu.memory_space<semaphore_mem>>
        %dma_start3A_453 = arith.constant 0 : i32
        %dma_start3A_454 = arith.constant 0 : i32
        %dma_start3A_455 = tpu.memref_slice %arg9[%run_scoped3A_401, %dma_start3A_453, %dma_start3A_454] : memref<3x120x128xf32, #tpu.memory_space<vmem>> -> memref<1x120x128xf32, #tpu.memory_space<vmem>>
        %dma_start3A_456 = tpu.memref_squeeze %dma_start3A_455 : memref<1x120x128xf32, #tpu.memory_space<vmem>> -> memref<120x128xf32, #tpu.memory_space<vmem>>
        %dma_start3A_457 = arith.constant 0 : i32
        %dma_start3A_458 = tpu.memref_slice %arg8[%run_scoped3A_402, %dma_start3A_457] : memref<6x120xi32, #tpu.memory_space<vmem>> -> memref<1x120xi32, #tpu.memory_space<vmem>>
        %dma_start3A_459 = tpu.memref_squeeze %dma_start3A_458 : memref<1x120xi32, #tpu.memory_space<vmem>> -> memref<120xi32, #tpu.memory_space<vmem>>
        %dma_start3A_460 = arith.constant 0 : i32
        %dma_start3A_461 = arith.constant 0 : i32
        %dma_start3A_462 = tpu.memref_slice %arg10[%dma_start3A_460, %dma_start3A_461] : memref<10112x128xf32, #tpu.memory_space<vmem_shared>> -> memref<10112x128xf32, #tpu.memory_space<vmem_shared>>
        tpu.enqueue_indirect_dma source(%dma_start3A_456 : memref<120x128xf32, #tpu.memory_space<vmem>>) target(%dma_start3A_462 : memref<10112x128xf32, #tpu.memory_space<vmem_shared>>) offsets(%dma_start3A_459 : memref<120xi32, #tpu.memory_space<vmem>>) semaphore(%run_scoped3A_452 : memref<!tpu.dma_semaphore, #tpu.memory_space<semaphore_mem>>) {add = true}
        %dma_wait3A_463 = arith.constant 0 : i32
        %dma_wait3A_464 = arith.constant 0 : i32
        %dma_wait3A_465 = tpu.memref_slice %arg9[%run_scoped3A_401, %dma_wait3A_463, %dma_wait3A_464] : memref<3x120x128xf32, #tpu.memory_space<vmem>> -> memref<1x120x128xf32, #tpu.memory_space<vmem>>
        %dma_wait3A_466 = tpu.memref_squeeze %dma_wait3A_465 : memref<1x120x128xf32, #tpu.memory_space<vmem>> -> memref<120x128xf32, #tpu.memory_space<vmem>>
        %dma_wait3A_467 = arith.constant 0 : i32
        %dma_wait3A_468 = tpu.memref_slice %arg8[%run_scoped3A_402, %dma_wait3A_467] : memref<6x120xi32, #tpu.memory_space<vmem>> -> memref<1x120xi32, #tpu.memory_space<vmem>>
        %dma_wait3A_469 = tpu.memref_squeeze %dma_wait3A_468 : memref<1x120xi32, #tpu.memory_space<vmem>> -> memref<120xi32, #tpu.memory_space<vmem>>
        %dma_wait3A_470 = arith.constant 0 : i32
        %dma_wait3A_471 = arith.constant 0 : i32
        %dma_wait3A_472 = tpu.memref_slice %arg10[%dma_wait3A_470, %dma_wait3A_471] : memref<10112x128xf32, #tpu.memory_space<vmem_shared>> -> memref<10112x128xf32, #tpu.memory_space<vmem_shared>>
        tpu.wait_indirect_dma semaphore(%run_scoped3A_452 : memref<!tpu.dma_semaphore, #tpu.memory_space<semaphore_mem>>) src(%dma_wait3A_466 : memref<120x128xf32, #tpu.memory_space<vmem>>) dst(%dma_wait3A_472 : memref<10112x128xf32, #tpu.memory_space<vmem_shared>>)
        tpu.yield
      }) : () -> ()
      %mul3A_403 = arith.constant 6 : i32
      %mul3A_404 = arith.muli %scan3A_166, %mul3A_403 : i32
      %add3A_405 = arith.constant 5 : i32
      %add3A_406 = arith.addi %mul3A_404, %add3A_405 : i32
      %add3A_407 = arith.constant 6 : i32
      %add3A_408 = arith.addi %add3A_406, %add3A_407 : i32
      %sub3A_409 = arith.constant 1 : i32
      %sub3A_410 = arith.subi %add3A_408, %sub3A_409 : i32
      %lt3A_411 = arith.constant 84 : i32
      %lt3A_412 = arith.cmpi slt, %sub3A_410, %lt3A_411 : i32
      %convert_element_type3A_413 = arith.extui %lt3A_412 : i1 to i32
      %cond3A_414 = arith.constant 0 : i32
      %cond3A_415 = arith.cmpi ne, %convert_element_type3A_413, %cond3A_414 : i32
      scf.if %cond3A_415 {
        %add3A_452 = arith.constant 6 : i32
        %add3A_453 = arith.addi %add3A_406, %add3A_452 : i32
        %sub3A_454 = arith.constant 1 : i32
        %sub3A_455 = arith.subi %add3A_453, %sub3A_454 : i32
        %mul3A_456 = arith.constant 120 : i32
        %mul3A_457 = arith.muli %sub3A_455, %mul3A_456 : i32
        %add3A_458 = arith.addi %mul3A_4, %mul3A_457 : i32
        %dma_start3A_459 = arith.constant 4 : i32
        %dma_start3A_460 = arith.constant 0 : i32
        %dma_start3A_461 = tpu.memref_slice %arg7[%dma_start3A_459, %dma_start3A_460] : memref<6x120xi32, #tpu.memory_space<vmem>> -> memref<1x120xi32, #tpu.memory_space<vmem>>
        %dma_start3A_462 = tpu.memref_squeeze %dma_start3A_461 : memref<1x120xi32, #tpu.memory_space<vmem>> -> memref<120xi32, #tpu.memory_space<vmem>>
        %dma_start3A_463 = tpu.memref_slice %arg3[%add3A_458] : memref<322560xi32, #tpu.memory_space<hbm>> -> memref<120xi32, #tpu.memory_space<hbm>>
        %dma_start3A_464 = arith.constant 0 : i32
        %dma_start3A_465 = tpu.memref_slice %arg7[%dma_start3A_459, %dma_start3A_464] : memref<6x120xi32, #tpu.memory_space<vmem>> -> memref<1x120xi32, #tpu.memory_space<vmem>>
        %dma_start3A_466 = tpu.memref_squeeze %dma_start3A_465 : memref<1x120xi32, #tpu.memory_space<vmem>> -> memref<120xi32, #tpu.memory_space<vmem>>
        %dma_start3A_467 = tpu.memref_slice %arg3[%add3A_458] : memref<322560xi32, #tpu.memory_space<hbm>> -> memref<120xi32, #tpu.memory_space<hbm>>
        tpu.enqueue_dma source(%dma_start3A_467 : memref<120xi32, #tpu.memory_space<hbm>>) target(%dma_start3A_466 : memref<120xi32, #tpu.memory_space<vmem>>) target_semaphore(%arg15 : memref<!tpu.dma_semaphore, #tpu.memory_space<semaphore_mem>>)
        %mul3A_468 = arith.constant 120 : i32
        %mul3A_469 = arith.muli %sub3A_455, %mul3A_468 : i32
        %add3A_470 = arith.addi %mul3A_4, %mul3A_469 : i32
        %dma_start3A_471 = arith.constant 4 : i32
        %dma_start3A_472 = arith.constant 0 : i32
        %dma_start3A_473 = tpu.memref_slice %arg8[%dma_start3A_471, %dma_start3A_472] : memref<6x120xi32, #tpu.memory_space<vmem>> -> memref<1x120xi32, #tpu.memory_space<vmem>>
        %dma_start3A_474 = tpu.memref_squeeze %dma_start3A_473 : memref<1x120xi32, #tpu.memory_space<vmem>> -> memref<120xi32, #tpu.memory_space<vmem>>
        %dma_start3A_475 = tpu.memref_slice %arg4[%add3A_470] : memref<322560xi32, #tpu.memory_space<hbm>> -> memref<120xi32, #tpu.memory_space<hbm>>
        %dma_start3A_476 = arith.constant 0 : i32
        %dma_start3A_477 = tpu.memref_slice %arg8[%dma_start3A_471, %dma_start3A_476] : memref<6x120xi32, #tpu.memory_space<vmem>> -> memref<1x120xi32, #tpu.memory_space<vmem>>
        %dma_start3A_478 = tpu.memref_squeeze %dma_start3A_477 : memref<1x120xi32, #tpu.memory_space<vmem>> -> memref<120xi32, #tpu.memory_space<vmem>>
        %dma_start3A_479 = tpu.memref_slice %arg4[%add3A_470] : memref<322560xi32, #tpu.memory_space<hbm>> -> memref<120xi32, #tpu.memory_space<hbm>>
        tpu.enqueue_dma source(%dma_start3A_479 : memref<120xi32, #tpu.memory_space<hbm>>) target(%dma_start3A_478 : memref<120xi32, #tpu.memory_space<vmem>>) target_semaphore(%arg21 : memref<!tpu.dma_semaphore, #tpu.memory_space<semaphore_mem>>)
      } else {
      }
      %add3A_416 = arith.constant 3 : i32
      %add3A_417 = arith.addi %add3A_406, %add3A_416 : i32
      %sub3A_418 = arith.constant 1 : i32
      %sub3A_419 = arith.subi %add3A_417, %sub3A_418 : i32
      %lt3A_420 = arith.constant 84 : i32
      %lt3A_421 = arith.cmpi slt, %sub3A_419, %lt3A_420 : i32
      %convert_element_type3A_422 = arith.extui %lt3A_421 : i1 to i32
      %cond3A_423 = arith.constant 0 : i32
      %cond3A_424 = arith.cmpi ne, %convert_element_type3A_422, %cond3A_423 : i32
      scf.if %cond3A_424 {
        %add3A_452 = arith.constant 3 : i32
        %add3A_453 = arith.addi %add3A_406, %add3A_452 : i32
        %sub3A_454 = arith.constant 1 : i32
        %sub3A_455 = arith.subi %add3A_453, %sub3A_454 : i32
        %mul3A_456 = arith.constant 120 : i32
        %mul3A_457 = arith.muli %sub3A_455, %mul3A_456 : i32
        %add3A_458 = arith.addi %mul3A_4, %mul3A_457 : i32
        %dma_wait3A_459 = arith.constant 1 : i32
        %dma_wait3A_460 = arith.constant 0 : i32
        %dma_wait3A_461 = tpu.memref_slice %arg7[%dma_wait3A_459, %dma_wait3A_460] : memref<6x120xi32, #tpu.memory_space<vmem>> -> memref<1x120xi32, #tpu.memory_space<vmem>>
        %dma_wait3A_462 = tpu.memref_squeeze %dma_wait3A_461 : memref<1x120xi32, #tpu.memory_space<vmem>> -> memref<120xi32, #tpu.memory_space<vmem>>
        %dma_wait3A_463 = tpu.memref_slice %arg3[%add3A_458] : memref<322560xi32, #tpu.memory_space<hbm>> -> memref<120xi32, #tpu.memory_space<hbm>>
        %dma_wait3A_464 = arith.constant 0 : i32
        %dma_wait3A_465 = tpu.memref_slice %arg7[%dma_wait3A_459, %dma_wait3A_464] : memref<6x120xi32, #tpu.memory_space<vmem>> -> memref<1x120xi32, #tpu.memory_space<vmem>>
        %dma_wait3A_466 = tpu.memref_squeeze %dma_wait3A_465 : memref<1x120xi32, #tpu.memory_space<vmem>> -> memref<120xi32, #tpu.memory_space<vmem>>
        %dma_wait3A_467 = tpu.memref_slice %arg3[%add3A_458] : memref<322560xi32, #tpu.memory_space<hbm>> -> memref<120xi32, #tpu.memory_space<hbm>>
        tpu.wait_dma2 semaphore(%arg12 : memref<!tpu.dma_semaphore, #tpu.memory_space<semaphore_mem>>) src(%dma_wait3A_467 : memref<120xi32, #tpu.memory_space<hbm>>) dst(%dma_wait3A_466 : memref<120xi32, #tpu.memory_space<vmem>>)
        %dma_start3A_468 = arith.constant 1 : i32
        %dma_start3A_469 = arith.constant 1 : i32
        %dma_start3A_470 = arith.constant 0 : i32
        %dma_start3A_471 = arith.constant 0 : i32
        %dma_start3A_472 = tpu.memref_slice %arg9[%dma_start3A_469, %dma_start3A_470, %dma_start3A_471] : memref<3x120x128xf32, #tpu.memory_space<vmem>> -> memref<1x120x128xf32, #tpu.memory_space<vmem>>
        %dma_start3A_473 = tpu.memref_squeeze %dma_start3A_472 : memref<1x120x128xf32, #tpu.memory_space<vmem>> -> memref<120x128xf32, #tpu.memory_space<vmem>>
        %dma_start3A_474 = arith.constant 0 : i32
        %dma_start3A_475 = tpu.memref_slice %arg7[%dma_start3A_468, %dma_start3A_474] : memref<6x120xi32, #tpu.memory_space<vmem>> -> memref<1x120xi32, #tpu.memory_space<vmem>>
        %dma_start3A_476 = tpu.memref_squeeze %dma_start3A_475 : memref<1x120xi32, #tpu.memory_space<vmem>> -> memref<120xi32, #tpu.memory_space<vmem>>
        %dma_start3A_477 = arith.constant 0 : i32
        %dma_start3A_478 = arith.constant 0 : i32
        %dma_start3A_479 = tpu.memref_slice %arg2[%dma_start3A_477, %dma_start3A_478] : memref<10112x128xf32, #tpu.memory_space<hbm>> -> memref<10112x128xf32, #tpu.memory_space<hbm>>
        tpu.enqueue_indirect_dma source(%dma_start3A_479 : memref<10112x128xf32, #tpu.memory_space<hbm>>) target(%dma_start3A_473 : memref<120x128xf32, #tpu.memory_space<vmem>>) offsets(%dma_start3A_476 : memref<120xi32, #tpu.memory_space<vmem>>) semaphore(%arg24 : memref<!tpu.dma_semaphore, #tpu.memory_space<semaphore_mem>>)
      } else {
      }
      %dma_wait3A_425 = arith.constant 5 : i32
      %dma_wait3A_426 = arith.constant 2 : i32
      %dma_wait3A_427 = arith.constant 0 : i32
      %dma_wait3A_428 = arith.constant 0 : i32
      %dma_wait3A_429 = tpu.memref_slice %arg9[%dma_wait3A_426, %dma_wait3A_427, %dma_wait3A_428] : memref<3x120x128xf32, #tpu.memory_space<vmem>> -> memref<1x120x128xf32, #tpu.memory_space<vmem>>
      %dma_wait3A_430 = tpu.memref_squeeze %dma_wait3A_429 : memref<1x120x128xf32, #tpu.memory_space<vmem>> -> memref<120x128xf32, #tpu.memory_space<vmem>>
      %dma_wait3A_431 = arith.constant 0 : i32
      %dma_wait3A_432 = tpu.memref_slice %arg7[%dma_wait3A_425, %dma_wait3A_431] : memref<6x120xi32, #tpu.memory_space<vmem>> -> memref<1x120xi32, #tpu.memory_space<vmem>>
      %dma_wait3A_433 = tpu.memref_squeeze %dma_wait3A_432 : memref<1x120xi32, #tpu.memory_space<vmem>> -> memref<120xi32, #tpu.memory_space<vmem>>
      %dma_wait3A_434 = arith.constant 0 : i32
      %dma_wait3A_435 = arith.constant 0 : i32
      %dma_wait3A_436 = tpu.memref_slice %arg2[%dma_wait3A_434, %dma_wait3A_435] : memref<10112x128xf32, #tpu.memory_space<hbm>> -> memref<10112x128xf32, #tpu.memory_space<hbm>>
      tpu.wait_indirect_dma semaphore(%arg25 : memref<!tpu.dma_semaphore, #tpu.memory_space<semaphore_mem>>) src(%dma_wait3A_436 : memref<10112x128xf32, #tpu.memory_space<hbm>>) dst(%dma_wait3A_430 : memref<120x128xf32, #tpu.memory_space<vmem>>)
      %mul3A_437 = arith.constant 120 : i32
      %mul3A_438 = arith.muli %add3A_406, %mul3A_437 : i32
      %add3A_439 = arith.addi %mul3A_4, %mul3A_438 : i32
      %dma_wait3A_440 = arith.constant 5 : i32
      %dma_wait3A_441 = arith.constant 0 : i32
      %dma_wait3A_442 = tpu.memref_slice %arg8[%dma_wait3A_440, %dma_wait3A_441] : memref<6x120xi32, #tpu.memory_space<vmem>> -> memref<1x120xi32, #tpu.memory_space<vmem>>
      %dma_wait3A_443 = tpu.memref_squeeze %dma_wait3A_442 : memref<1x120xi32, #tpu.memory_space<vmem>> -> memref<120xi32, #tpu.memory_space<vmem>>
      %dma_wait3A_444 = tpu.memref_slice %arg4[%add3A_439] : memref<322560xi32, #tpu.memory_space<hbm>> -> memref<120xi32, #tpu.memory_space<hbm>>
      %dma_wait3A_445 = arith.constant 0 : i32
      %dma_wait3A_446 = tpu.memref_slice %arg8[%dma_wait3A_440, %dma_wait3A_445] : memref<6x120xi32, #tpu.memory_space<vmem>> -> memref<1x120xi32, #tpu.memory_space<vmem>>
      %dma_wait3A_447 = tpu.memref_squeeze %dma_wait3A_446 : memref<1x120xi32, #tpu.memory_space<vmem>> -> memref<120xi32, #tpu.memory_space<vmem>>
      %dma_wait3A_448 = tpu.memref_slice %arg4[%add3A_439] : memref<322560xi32, #tpu.memory_space<hbm>> -> memref<120xi32, #tpu.memory_space<hbm>>
      tpu.wait_dma2 semaphore(%arg22 : memref<!tpu.dma_semaphore, #tpu.memory_space<semaphore_mem>>) src(%dma_wait3A_448 : memref<120xi32, #tpu.memory_space<hbm>>) dst(%dma_wait3A_447 : memref<120xi32, #tpu.memory_space<vmem>>)
      %run_scoped3A_449 = arith.constant 2 : i32
      %run_scoped3A_450 = arith.constant 5 : i32
      "tpu.region"() ({
        %run_scoped3A_452 = tpu.sem_alloc : memref<!tpu.dma_semaphore, #tpu.memory_space<semaphore_mem>>
        %dma_start3A_453 = arith.constant 0 : i32
        %dma_start3A_454 = arith.constant 0 : i32
        %dma_start3A_455 = tpu.memref_slice %arg9[%run_scoped3A_449, %dma_start3A_453, %dma_start3A_454] : memref<3x120x128xf32, #tpu.memory_space<vmem>> -> memref<1x120x128xf32, #tpu.memory_space<vmem>>
        %dma_start3A_456 = tpu.memref_squeeze %dma_start3A_455 : memref<1x120x128xf32, #tpu.memory_space<vmem>> -> memref<120x128xf32, #tpu.memory_space<vmem>>
        %dma_start3A_457 = arith.constant 0 : i32
        %dma_start3A_458 = tpu.memref_slice %arg8[%run_scoped3A_450, %dma_start3A_457] : memref<6x120xi32, #tpu.memory_space<vmem>> -> memref<1x120xi32, #tpu.memory_space<vmem>>
        %dma_start3A_459 = tpu.memref_squeeze %dma_start3A_458 : memref<1x120xi32, #tpu.memory_space<vmem>> -> memref<120xi32, #tpu.memory_space<vmem>>
        %dma_start3A_460 = arith.constant 0 : i32
        %dma_start3A_461 = arith.constant 0 : i32
        %dma_start3A_462 = tpu.memref_slice %arg10[%dma_start3A_460, %dma_start3A_461] : memref<10112x128xf32, #tpu.memory_space<vmem_shared>> -> memref<10112x128xf32, #tpu.memory_space<vmem_shared>>
        tpu.enqueue_indirect_dma source(%dma_start3A_456 : memref<120x128xf32, #tpu.memory_space<vmem>>) target(%dma_start3A_462 : memref<10112x128xf32, #tpu.memory_space<vmem_shared>>) offsets(%dma_start3A_459 : memref<120xi32, #tpu.memory_space<vmem>>) semaphore(%run_scoped3A_452 : memref<!tpu.dma_semaphore, #tpu.memory_space<semaphore_mem>>) {add = true}
        %dma_wait3A_463 = arith.constant 0 : i32
        %dma_wait3A_464 = arith.constant 0 : i32
        %dma_wait3A_465 = tpu.memref_slice %arg9[%run_scoped3A_449, %dma_wait3A_463, %dma_wait3A_464] : memref<3x120x128xf32, #tpu.memory_space<vmem>> -> memref<1x120x128xf32, #tpu.memory_space<vmem>>
        %dma_wait3A_466 = tpu.memref_squeeze %dma_wait3A_465 : memref<1x120x128xf32, #tpu.memory_space<vmem>> -> memref<120x128xf32, #tpu.memory_space<vmem>>
        %dma_wait3A_467 = arith.constant 0 : i32
        %dma_wait3A_468 = tpu.memref_slice %arg8[%run_scoped3A_450, %dma_wait3A_467] : memref<6x120xi32, #tpu.memory_space<vmem>> -> memref<1x120xi32, #tpu.memory_space<vmem>>
        %dma_wait3A_469 = tpu.memref_squeeze %dma_wait3A_468 : memref<1x120xi32, #tpu.memory_space<vmem>> -> memref<120xi32, #tpu.memory_space<vmem>>
        %dma_wait3A_470 = arith.constant 0 : i32
        %dma_wait3A_471 = arith.constant 0 : i32
        %dma_wait3A_472 = tpu.memref_slice %arg10[%dma_wait3A_470, %dma_wait3A_471] : memref<10112x128xf32, #tpu.memory_space<vmem_shared>> -> memref<10112x128xf32, #tpu.memory_space<vmem_shared>>
        tpu.wait_indirect_dma semaphore(%run_scoped3A_452 : memref<!tpu.dma_semaphore, #tpu.memory_space<semaphore_mem>>) src(%dma_wait3A_466 : memref<120x128xf32, #tpu.memory_space<vmem>>) dst(%dma_wait3A_472 : memref<10112x128xf32, #tpu.memory_space<vmem_shared>>)
        tpu.yield
      }) : () -> ()
      %scan3A_451 = arith.constant 0 : i32
      scf.yield %scan3A_451 : i32
    }
    %scan3A_164 = arith.constant 14 : i32
    %barrier3A_165 = arith.constant 0 : index
    tpu.barrier barrier_id(%barrier3A_165)
    "tpu.region"() ({
      %run_scoped3A = tpu.sem_alloc : memref<!tpu.dma_semaphore, #tpu.memory_space<semaphore_mem>>
      %dma_start3A_166 = arith.constant 0 : i32
      %dma_start3A_167 = tpu.memref_slice %arg6[%arg0, %mul3A_2, %dma_start3A_166] : memref<2x10112x128xf32, #tpu.memory_space<hbm>> -> memref<1x632x128xf32, #tpu.memory_space<hbm>>
      %dma_start3A_168 = tpu.memref_squeeze %dma_start3A_167 : memref<1x632x128xf32, #tpu.memory_space<hbm>> -> memref<632x128xf32, #tpu.memory_space<hbm>>
      %dma_start3A_169 = arith.constant 0 : i32
      %dma_start3A_170 = tpu.memref_slice %arg10[%mul3A_2, %dma_start3A_169] : memref<10112x128xf32, #tpu.memory_space<vmem_shared>> -> memref<632x128xf32, #tpu.memory_space<vmem_shared>>
      tpu.enqueue_dma source(%dma_start3A_170 : memref<632x128xf32, #tpu.memory_space<vmem_shared>>) target(%dma_start3A_168 : memref<632x128xf32, #tpu.memory_space<hbm>>) target_semaphore(%run_scoped3A : memref<!tpu.dma_semaphore, #tpu.memory_space<semaphore_mem>>)
      %dma_wait3A_171 = arith.constant 0 : i32
      %dma_wait3A_172 = tpu.memref_slice %arg6[%arg0, %mul3A_2, %dma_wait3A_171] : memref<2x10112x128xf32, #tpu.memory_space<hbm>> -> memref<1x632x128xf32, #tpu.memory_space<hbm>>
      %dma_wait3A_173 = tpu.memref_squeeze %dma_wait3A_172 : memref<1x632x128xf32, #tpu.memory_space<hbm>> -> memref<632x128xf32, #tpu.memory_space<hbm>>
      %dma_wait3A_174 = arith.constant 0 : i32
      %dma_wait3A_175 = tpu.memref_slice %arg10[%mul3A_2, %dma_wait3A_174] : memref<10112x128xf32, #tpu.memory_space<vmem_shared>> -> memref<632x128xf32, #tpu.memory_space<vmem_shared>>
      tpu.wait_dma2 semaphore(%run_scoped3A : memref<!tpu.dma_semaphore, #tpu.memory_space<semaphore_mem>>) src(%dma_wait3A_175 : memref<632x128xf32, #tpu.memory_space<vmem_shared>>) dst(%dma_wait3A_173 : memref<632x128xf32, #tpu.memory_space<hbm>>)
      tpu.yield
    }) : () -> ()
    return
  }
}

module attributes {stable_mosaic.version = 14 : i64} {
  func.func @_tc1_body(%arg0: memref<10112x128xf32, #tpu.memory_space<vmem>>, %arg1: memref<128x128xf32, #tpu.memory_space<vmem>>, %arg2: memref<32x10112xf32, #tpu.memory_space<vmem>>, %arg3: memref<32x1xf32, #tpu.memory_space<vmem>>, %arg4: memref<10112x128xf32, #tpu.memory_space<vmem>>, %arg5: memref<10112x128xf32, #tpu.memory_space<vmem>>, %arg6: memref<10112x1xf32, #tpu.memory_space<vmem>>) attributes {dimension_semantics = [], scalar_prefetch = 0 : i64, scratch_operands = 0 : i64, tpu.core_type = #tpu.core_type<tc>} {
    %get3A = arith.constant 0 : index
    %get3A_0 = arith.constant 0 : index
    %get3A_1 = vector.load %arg2[%get3A, %get3A_0] : memref<32x10112xf32, #tpu.memory_space<vmem>>, vector<32x10112xf32>
    %get3A_2 = arith.constant 0 : index
    %get3A_3 = arith.constant 0 : index
    %get3A_4 = vector.load %arg3[%get3A_2, %get3A_3] : memref<32x1xf32, #tpu.memory_space<vmem>>, vector<32x1xf32>
    %dot_general3A = arith.constant dense<0.000000e+00> : vector<10112x1xf32>
    %dot_general3A_5 = tpu.matmul %get3A_1, %get3A_4, %dot_general3A {dimension_numbers = #tpu.dot_dimension_numbers<[0], [0], [1], [1], [0, 1, 1, 1], [], []>, transpose_lhs_hint = false} : vector<32x10112xf32>, vector<32x1xf32>, vector<10112x1xf32> -> vector<10112x1xf32>
    %add3A = arith.constant 1.000000e+00 : f32
    %add3A_6 = vector.broadcast %add3A : f32 to vector<10112x1xf32>
    %add3A_7 = arith.addf %dot_general3A_5, %add3A_6 : vector<10112x1xf32>
    %rsqrt3A = math.rsqrt %add3A_7 : vector<10112x1xf32>
    %get3A_8 = arith.constant 0 : index
    %get3A_9 = arith.constant 0 : index
    %get3A_10 = vector.load %arg0[%get3A_8, %get3A_9] : memref<10112x128xf32, #tpu.memory_space<vmem>>, vector<10112x128xf32>
    %get3A_11 = arith.constant 0 : index
    %get3A_12 = arith.constant 0 : index
    %get3A_13 = vector.load %arg1[%get3A_11, %get3A_12] : memref<128x128xf32, #tpu.memory_space<vmem>>, vector<128x128xf32>
    %dot_general3A_14 = arith.constant dense<0.000000e+00> : vector<10112x128xf32>
    %dot_general3A_15 = tpu.matmul %get3A_10, %get3A_13, %dot_general3A_14 {dimension_numbers = #tpu.dot_dimension_numbers<[1], [0], [0], [1], [0, 0, 1, 1], [], []>, transpose_lhs_hint = false} : vector<10112x128xf32>, vector<128x128xf32>, vector<10112x128xf32> -> vector<10112x128xf32>
    %mul3A = vector.broadcast %rsqrt3A : vector<10112x1xf32> to vector<10112x128xf32>
    %mul3A_16 = arith.mulf %dot_general3A_15, %mul3A : vector<10112x128xf32>
    %swap3A = arith.constant 0 : index
    %swap3A_17 = arith.constant 0 : index
    %swap3A_18 = vector.load %arg4[%swap3A, %swap3A_17] : memref<10112x128xf32, #tpu.memory_space<vmem>>, vector<10112x128xf32>
    tpu.vector_store %arg4[%swap3A, %swap3A_17], %mul3A_16 {strides = array<i32>} : memref<10112x128xf32, #tpu.memory_space<vmem>>, vector<10112x128xf32>,
    %mul3A_19 = vector.broadcast %rsqrt3A : vector<10112x1xf32> to vector<10112x128xf32>
    %mul3A_20 = arith.mulf %mul3A_16, %mul3A_19 : vector<10112x128xf32>
    %swap3A_21 = arith.constant 0 : index
    %swap3A_22 = arith.constant 0 : index
    %swap3A_23 = vector.load %arg5[%swap3A_21, %swap3A_22] : memref<10112x128xf32, #tpu.memory_space<vmem>>, vector<10112x128xf32>
    tpu.vector_store %arg5[%swap3A_21, %swap3A_22], %mul3A_20 {strides = array<i32>} : memref<10112x128xf32, #tpu.memory_space<vmem>>, vector<10112x128xf32>,
    %swap3A_24 = arith.constant 0 : index
    %swap3A_25 = arith.constant 0 : index
    %swap3A_26 = vector.load %arg6[%swap3A_24, %swap3A_25] : memref<10112x1xf32, #tpu.memory_space<vmem>>, vector<10112x1xf32>
    tpu.vector_store %arg6[%swap3A_24, %swap3A_25], %rsqrt3A {strides = array<i32>} : memref<10112x1xf32, #tpu.memory_space<vmem>>, vector<10112x1xf32>,
    return
  }
}

module attributes {stable_mosaic.version = 14 : i64} {
  func.func @_tc2_body(%arg0: memref<2x10112x128xf32, #tpu.memory_space<vmem>>, %arg1: memref<10112x128xf32, #tpu.memory_space<vmem>>, %arg2: memref<10112x1xf32, #tpu.memory_space<vmem>>, %arg3: memref<1x128xf32, #tpu.memory_space<vmem>>, %arg4: memref<128x128xf32, #tpu.memory_space<vmem>>, %arg5: memref<10112x128xf32, #tpu.memory_space<vmem>>, %arg6: memref<10112x128xf32, #tpu.memory_space<vmem>>) attributes {dimension_semantics = [], scalar_prefetch = 0 : i64, scratch_operands = 0 : i64, tpu.core_type = #tpu.core_type<tc>} {
    %get3A = arith.constant 0 : index
    %get3A_0 = arith.constant 0 : index
    %get3A_1 = vector.load %arg2[%get3A, %get3A_0] : memref<10112x1xf32, #tpu.memory_space<vmem>>, vector<10112x1xf32>
    %get3A_2 = arith.constant 0 : index
    %get3A_3 = arith.constant 0 : index
    %get3A_4 = arith.constant 0 : index
    %get3A_5 = vector.load %arg0[%get3A_2, %get3A_3, %get3A_4] : memref<2x10112x128xf32, #tpu.memory_space<vmem>>, vector<1x10112x128xf32>
    %get3A_6 = vector.shape_cast %get3A_5 : vector<1x10112x128xf32> to vector<10112x128xf32>
    %get3A_7 = arith.constant 1 : index
    %get3A_8 = arith.constant 0 : index
    %get3A_9 = arith.constant 0 : index
    %get3A_10 = vector.load %arg0[%get3A_7, %get3A_8, %get3A_9] : memref<2x10112x128xf32, #tpu.memory_space<vmem>>, vector<1x10112x128xf32>
    %get3A_11 = vector.shape_cast %get3A_10 : vector<1x10112x128xf32> to vector<10112x128xf32>
    %add3A = arith.addf %get3A_6, %get3A_11 : vector<10112x128xf32>
    %mul3A = vector.broadcast %get3A_1 : vector<10112x1xf32> to vector<10112x128xf32>
    %mul3A_12 = arith.mulf %mul3A, %add3A : vector<10112x128xf32>
    %get3A_13 = arith.constant 0 : index
    %get3A_14 = arith.constant 0 : index
    %get3A_15 = vector.load %arg1[%get3A_13, %get3A_14] : memref<10112x128xf32, #tpu.memory_space<vmem>>, vector<10112x128xf32>
    %add3A_16 = arith.addf %mul3A_12, %get3A_15 : vector<10112x128xf32>
    %get3A_17 = arith.constant 0 : index
    %get3A_18 = arith.constant 0 : index
    %get3A_19 = vector.load %arg3[%get3A_17, %get3A_18] : memref<1x128xf32, #tpu.memory_space<vmem>>, vector<1x128xf32>
    %add3A_20 = vector.broadcast %get3A_19 : vector<1x128xf32> to vector<10112x128xf32>
    %add3A_21 = arith.addf %add3A_16, %add3A_20 : vector<10112x128xf32>
    %max3A = arith.constant 0.000000e+00 : f32
    %max3A_22 = vector.broadcast %max3A : f32 to vector<10112x128xf32>
    %max3A_23 = arith.maximumf %add3A_21, %max3A_22 : vector<10112x128xf32>
    %get3A_24 = arith.constant 0 : index
    %get3A_25 = arith.constant 0 : index
    %get3A_26 = vector.load %arg4[%get3A_24, %get3A_25] : memref<128x128xf32, #tpu.memory_space<vmem>>, vector<128x128xf32>
    %dot_general3A = arith.constant dense<0.000000e+00> : vector<10112x128xf32>
    %dot_general3A_27 = tpu.matmul %max3A_23, %get3A_26, %dot_general3A {dimension_numbers = #tpu.dot_dimension_numbers<[1], [0], [0], [1], [0, 0, 1, 1], [], []>, transpose_lhs_hint = false} : vector<10112x128xf32>, vector<128x128xf32>, vector<10112x128xf32> -> vector<10112x128xf32>
    %mul3A_28 = vector.broadcast %get3A_1 : vector<10112x1xf32> to vector<10112x128xf32>
    %mul3A_29 = arith.mulf %dot_general3A_27, %mul3A_28 : vector<10112x128xf32>
    %swap3A = arith.constant 0 : index
    %swap3A_30 = arith.constant 0 : index
    %swap3A_31 = vector.load %arg5[%swap3A, %swap3A_30] : memref<10112x128xf32, #tpu.memory_space<vmem>>, vector<10112x128xf32>
    tpu.vector_store %arg5[%swap3A, %swap3A_30], %mul3A_29 {strides = array<i32>} : memref<10112x128xf32, #tpu.memory_space<vmem>>, vector<10112x128xf32>,
    %mul3A_32 = vector.broadcast %get3A_1 : vector<10112x1xf32> to vector<10112x128xf32>
    %mul3A_33 = arith.mulf %mul3A_29, %mul3A_32 : vector<10112x128xf32>
    %swap3A_34 = arith.constant 0 : index
    %swap3A_35 = arith.constant 0 : index
    %swap3A_36 = vector.load %arg6[%swap3A_34, %swap3A_35] : memref<10112x128xf32, #tpu.memory_space<vmem>>, vector<10112x128xf32>
    tpu.vector_store %arg6[%swap3A_34, %swap3A_35], %mul3A_33 {strides = array<i32>} : memref<10112x128xf32, #tpu.memory_space<vmem>>, vector<10112x128xf32>,
    return
  }
}

module attributes {stable_mosaic.version = 14 : i64} {
  func.func @_tc3_body(%arg0: memref<2x10112x128xf32, #tpu.memory_space<vmem>>, %arg1: memref<10112x128xf32, #tpu.memory_space<vmem>>, %arg2: memref<10112x1xf32, #tpu.memory_space<vmem>>, %arg3: memref<1x128xf32, #tpu.memory_space<vmem>>, %arg4: memref<128x1xf32, #tpu.memory_space<vmem>>, %arg5: memref<1x1xf32, #tpu.memory_space<vmem>>, %arg6: memref<1x1xf32, #tpu.memory_space<vmem>>) attributes {dimension_semantics = [], scalar_prefetch = 0 : i64, scratch_operands = 0 : i64, tpu.core_type = #tpu.core_type<tc>} {
    %get3A = arith.constant 0 : index
    %get3A_0 = arith.constant 0 : index
    %get3A_1 = vector.load %arg2[%get3A, %get3A_0] : memref<10112x1xf32, #tpu.memory_space<vmem>>, vector<10112x1xf32>
    %get3A_2 = arith.constant 0 : index
    %get3A_3 = arith.constant 0 : index
    %get3A_4 = arith.constant 0 : index
    %get3A_5 = vector.load %arg0[%get3A_2, %get3A_3, %get3A_4] : memref<2x10112x128xf32, #tpu.memory_space<vmem>>, vector<1x10112x128xf32>
    %get3A_6 = vector.shape_cast %get3A_5 : vector<1x10112x128xf32> to vector<10112x128xf32>
    %get3A_7 = arith.constant 1 : index
    %get3A_8 = arith.constant 0 : index
    %get3A_9 = arith.constant 0 : index
    %get3A_10 = vector.load %arg0[%get3A_7, %get3A_8, %get3A_9] : memref<2x10112x128xf32, #tpu.memory_space<vmem>>, vector<1x10112x128xf32>
    %get3A_11 = vector.shape_cast %get3A_10 : vector<1x10112x128xf32> to vector<10112x128xf32>
    %add3A = arith.addf %get3A_6, %get3A_11 : vector<10112x128xf32>
    %mul3A = vector.broadcast %get3A_1 : vector<10112x1xf32> to vector<10112x128xf32>
    %mul3A_12 = arith.mulf %mul3A, %add3A : vector<10112x128xf32>
    %get3A_13 = arith.constant 0 : index
    %get3A_14 = arith.constant 0 : index
    %get3A_15 = vector.load %arg1[%get3A_13, %get3A_14] : memref<10112x128xf32, #tpu.memory_space<vmem>>, vector<10112x128xf32>
    %add3A_16 = arith.addf %mul3A_12, %get3A_15 : vector<10112x128xf32>
    %get3A_17 = arith.constant 0 : index
    %get3A_18 = arith.constant 0 : index
    %get3A_19 = vector.load %arg3[%get3A_17, %get3A_18] : memref<1x128xf32, #tpu.memory_space<vmem>>, vector<1x128xf32>
    %add3A_20 = vector.broadcast %get3A_19 : vector<1x128xf32> to vector<10112x128xf32>
    %add3A_21 = arith.addf %add3A_16, %add3A_20 : vector<10112x128xf32>
    %max3A = arith.constant 0.000000e+00 : f32
    %max3A_22 = vector.broadcast %max3A : f32 to vector<10112x128xf32>
    %max3A_23 = arith.maximumf %add3A_21, %max3A_22 : vector<10112x128xf32>
    %iota3A = tpu.iota {dimensions = array<i32: 0>} : vector<10112x128xi32>
    %lt3A = arith.constant 10000 : i32
    %lt3A_24 = vector.broadcast %lt3A : i32 to vector<10112x128xi32>
    %lt3A_25 = arith.cmpi slt, %iota3A, %lt3A_24 : vector<10112x128xi32>
    %jit3A = arith.constant 0.000000e+00 : f32
    %broadcast_in_dim3A = vector.broadcast %jit3A : f32 to vector<10112x128xf32>
    %select_n3A = arith.select %lt3A_25, %max3A_23, %broadcast_in_dim3A : vector<10112x128xi1>, vector<10112x128xf32>
    %reduce_sum3A = arith.constant dense<0.000000e+00> : vector<128xf32>
    %reduce_sum3A_26 = vector.multi_reduction <add>, %select_n3A, %reduce_sum3A [0] : vector<10112x128xf32> to vector<128xf32>
    %broadcast_in_dim3A_27 = vector.shape_cast %reduce_sum3A_26 : vector<128xf32> to vector<1x128xf32>
    %mul3A_28 = arith.constant 9.99999974E-5 : f32
    %mul3A_29 = vector.broadcast %mul3A_28 : f32 to vector<1x128xf32>
    %mul3A_30 = arith.mulf %broadcast_in_dim3A_27, %mul3A_29 : vector<1x128xf32>
    %get3A_31 = arith.constant 0 : index
    %get3A_32 = arith.constant 0 : index
    %get3A_33 = vector.load %arg4[%get3A_31, %get3A_32] : memref<128x1xf32, #tpu.memory_space<vmem>>, vector<128x1xf32>
    %dot_general3A = arith.constant dense<0.000000e+00> : vector<1x1xf32>
    %dot_general3A_34 = tpu.matmul %mul3A_30, %get3A_33, %dot_general3A {dimension_numbers = #tpu.dot_dimension_numbers<[1], [0], [0], [1], [0, 0, 1, 1], [], []>, transpose_lhs_hint = false} : vector<1x128xf32>, vector<128x1xf32>, vector<1x1xf32> -> vector<1x1xf32>
    %get3A_35 = arith.constant 0 : index
    %get3A_36 = arith.constant 0 : index
    %get3A_37 = vector.load %arg5[%get3A_35, %get3A_36] : memref<1x1xf32, #tpu.memory_space<vmem>>, vector<1x1xf32>
    %add3A_38 = arith.addf %dot_general3A_34, %get3A_37 : vector<1x1xf32>
    %swap3A = arith.constant 0 : index
    %swap3A_39 = arith.constant 0 : index
    %swap3A_40 = vector.load %arg6[%swap3A, %swap3A_39] : memref<1x1xf32, #tpu.memory_space<vmem>>, vector<1x1xf32>
    tpu.vector_store %arg6[%swap3A, %swap3A_39], %add3A_38 {strides = array<i32>} : memref<1x1xf32, #tpu.memory_space<vmem>>, vector<1x1xf32>,
    return
  }
}

</mosaic_0001>

<sc_bundles>
// kernel: kernel.11.cloned.1.call-start
scs
__scs_entry_jumppad:
0x0: {  	(pc) =	sbr.rel $0x88, $3  }
0x1: {  	(tag) =	ssettag $0x0;
	lr =	simm.s32 $0x1  }
0x2: {  	[smem:$0x3F99] =	sst lr;
	_ =	strace $0xD0000000  }
0x3: {  	_ = 	snop  }
0x4: {  	_ = 	snop  }
0x5: {  	_ = 	snop  }
0x6: {  	_ = 	snop  }
0x7: {  	_ = 	snop  }
__scs_overlays_trampoline_lowered:
0x8: {  	[smem:$0x3FA8] =	sst s0  }
0x9: {  	[smem:$0x3FA9] =	sst s1  }
0xa: {  	[smem:$0x3FAA] =	sst s2  }
0xb: {  	[smem:$0x3FAB] =	sst s3  }
0xc: {  	[smem:$0x3FAC] =	sst s4  }
0xd: {  	[smem:$0x3FAD] =	sst s5  }
0xe: {  	[smem:$0x3FAE] =	sst s6  }
0xf: {  	[smem:$0x3FAF] =	sst s7  }
0x10: {  	[smem:$0x3FB0] =	sst s8  }
0x11: {  	[smem:$0x3FB1] =	sst s9;
	s0 =	simm.s32 @!p0 $0x0  }
0x12: {  	s1 =	sld [smem:$0x3F97];
	s0 =	simm.s32 @p0 $0x1  }
0x13: {  	[smem:$0x3FB2] =	sst s0;
	s0 =	simm.s32 @!p1 $0x0  }
0x14: {  	s2 =	sld [smem:$0x3F96];
	s0 =	simm.s32 @p1 $0x1  }
0x15: {  	[smem:$0x3FB3] =	sst s0;
	s0 =	simm.s32 @!p2 $0x0  }
0x16: {  	s3 =	sld [smem:$0x3FDB];
	s0 =	simm.s32 @p2 $0x1  }
0x17: {  	s4 =	simm.s32 $0x1BF5;
	[smem:$0x3FB5] =	sst s0  }
0x18: {  	s0 =	sld [smem:$0x3F98];
	_ =	swait.ge [sflag:s4], $0x0  }
0x19: {  	s7 =	sld [smem:$0x3F99]  }
0x1a: {  	s8 =	sadd.s32 $0xFFFFE003, lr  }
0x1b: {  	s9 =	sadd.s32 $0xFFFFFEF7, lr;
	s5 =	simm.s32 $0xFFFFFFFF;
	p2 =	slt.u32 s8, $0xFFFFF086  }
0x1c: {  	p1 =	slt.u32 s9, $0xF7A;
	s5 =	simm.s32 @!p2 $0x0  }
0x1d: {  	s5 =	simm.s32 @p1 $0x1;
	p0 =	seq.s32 s7, s2  }
0x1e: {  	s7 =	smul.u32 @!p0 $0xF7A, s2;
	p2 =	seq.s32 @!p0 s5, $0x0  }
0x1f: {  	s9 =	smul.u32 $0xF7A, s1;
	s8 =	simm.s32 @!p0 $0x1BF5;
	p2 =	por !p2, p0  }
0x20: {  	[sflag:s8] =	ssyncset.s32 @!p0 $0xFFFFF086;
	s6 =	sadd.s32 @!p0 s3, s7;
	s7 =	simm.s32 @!p0 $0x108  }
0x21: {  	s3 =	sadd.s32 s3, s9;
	s6 =	sadd.s32 @!p0 $0x88, s6;
	s7 =	simm.s32 @p2 $0x1082  }
0x22: {  	[simem:s7], [sflag:s8] =	dma.local @!p0 [hbm:s6], $0xF7A  }
0x23: {  	s9 =	sor.u32 $0xD0000000, s2;
	s6 =	simm.s32 $0x108;
	_ =	swait.ge @!p0 [sflag:s8], $0x0  }
0x24: {  	s3 =	sadd.s32 $0x88, s3;
	s6 =	simm.s32 @!p1 $0x1082;
	[sflag:s4] =	ssyncset.s32 $0xFFFFF086  }
0x25: {  	[simem:s6], [sflag:s4] =	dma.local [hbm:s3], $0xF7A  }
0x26: {  	[smem:$0x3F99] =	sst s1;
	(tag) =	ssettag s2;
	_ =	strace s9  }
0x27: {  	s1 =	sld [smem:$0x3FA9]  }
0x28: {  	s2 =	sld [smem:$0x3FAA]  }
0x29: {  	s4 =	sld [smem:$0x3FAC]  }
0x2a: {  	p0 =	seq.s32 s5, $0x0;
	s5 =	sld [smem:$0x3FAD]  }
0x2b: {  	s6 =	sld [smem:$0x3FAE]  }
0x2c: {  	s7 =	sld [smem:$0x3FAF]  }
0x2d: {  	s3 =	simm.s32 $0x108;
	s8 =	sld [smem:$0x3FB0]  }
0x2e: {  	s3 =	simm.s32 @!p0 $0x1082;
	s9 =	sld [smem:$0x3FB1]  }
0x2f: {  	lr =	sadd.s32 s0, s3;
	s0 =	sld [smem:$0x3FA8]  }
0x30: {  	s3 =	sld [smem:$0x3FAB]  }
0x31: {  	[smem:$0x3FB4] =	sst s10  }
0x32: {  	s10 =	sld [smem:$0x3FB2];
	_ =	sdelay $0x3  }
0x33: {  	p0 =	seq.s32 s10, $0x1;
	s10 =	sld [smem:$0x3FB4];
	_ =	sdelay $0x3  }
0x34: {  	[smem:$0x3FB4] =	sst s10  }
0x35: {  	s10 =	sld [smem:$0x3FB3];
	_ =	sdelay $0x3  }
0x36: {  	p1 =	seq.s32 s10, $0x1;
	s10 =	sld [smem:$0x3FB4];
	_ =	sdelay $0x3  }
0x37: {  	[smem:$0x3FB4] =	sst s10  }
0x38: {  	s10 =	sld [smem:$0x3FB5]  }
0x39: {  	_ = 	snop;
	(pc) =	sbr.ind lr, $3  }
0x3a: {  	_ = 	snop  }
0x3b: {  	_ = 	snop  }
0x3c: {  	p2 =	seq.s32 s10, $0x1;
	s10 =	sld [smem:$0x3FB4]  }
0x3d: {  	_ =	shalt  }
0x3e: {  	_ =	shalt  }
0x3f: {  	_ =	shalt  }
0x40: {  	_ =	shalt  }
0x41: {  	_ =	shalt  }
0x42: {  	_ =	shalt  }
0x43: {  	_ =	shalt  }
0x44: {  	_ =	shalt  }
0x45: {  	_ =	shalt  }
0x46: {  	_ =	shalt  }
0x47: {  	_ =	shalt  }
0x48: {  	_ =	shalt  }
0x49: {  	_ =	shalt  }
0x4a: {  	_ =	shalt  }
0x4b: {  	_ =	shalt  }
0x4c: {  	_ =	shalt  }
0x4d: {  	_ =	shalt  }
0x4e: {  	_ =	shalt  }
0x4f: {  	_ =	shalt  }
0x50: {  	_ =	shalt  }
0x51: {  	_ =	shalt  }
0x52: {  	_ =	shalt  }
0x53: {  	_ =	shalt  }
0x54: {  	_ =	shalt  }
0x55: {  	_ =	shalt  }
0x56: {  	_ =	shalt  }
0x57: {  	_ =	shalt  }
0x58: {  	_ =	shalt  }
0x59: {  	_ =	shalt  }
0x5a: {  	_ =	shalt  }
0x5b: {  	_ =	shalt  }
0x5c: {  	_ =	shalt  }
0x5d: {  	_ =	shalt  }
0x5e: {  	_ =	shalt  }
0x5f: {  	_ =	shalt  }
0x60: {  	_ =	shalt  }
0x61: {  	_ =	shalt  }
0x62: {  	_ =	shalt  }
0x63: {  	_ =	shalt  }
0x64: {  	_ =	shalt  }
0x65: {  	_ =	shalt  }
0x66: {  	_ =	shalt  }
0x67: {  	_ =	shalt  }
0x68: {  	_ =	shalt  }
0x69: {  	_ =	shalt  }
0x6a: {  	_ =	shalt  }
0x6b: {  	_ =	shalt  }
0x6c: {  	_ =	shalt  }
0x6d: {  	_ =	shalt  }
0x6e: {  	_ =	shalt  }
0x6f: {  	_ =	shalt  }
0x70: {  	_ =	shalt  }
0x71: {  	_ =	shalt  }
0x72: {  	_ =	shalt  }
0x73: {  	_ =	shalt  }
0x74: {  	_ =	shalt  }
0x75: {  	_ =	shalt  }
0x76: {  	_ =	shalt  }
0x77: {  	_ =	shalt  }
0x78: {  	_ =	shalt  }
0x79: {  	_ =	shalt  }
0x7a: {  	_ =	shalt  }
0x7b: {  	_ =	shalt  }
0x7c: {  	_ =	shalt  }
0x7d: {  	_ =	shalt  }
0x7e: {  	_ =	shalt  }
0x7f: {  	_ =	shalt  }
0x80: {  	_ =	shalt  }
0x81: {  	_ =	shalt  }
0x82: {  	_ =	shalt  }
0x83: {  	_ =	shalt  }
0x84: {  	_ =	shalt  }
0x85: {  	_ =	shalt  }
0x86: {  	_ =	shalt  }
0x87: {  	_ =	shalt  }
.Lfunc_end0:
.L_simem_size_0:
called_computation.1_lowered:
.L_overlay_start_0:
0x88: {  	s2 =	sld [smem:$0x3FD9]  }
0x89: {  	s3 =	sld [smem:$0x3FFE];
	_ =	sdelay $0x1  }
0x8a: {  	s1 =	srdreg.scid  }
0x8b: {  	s0 =	sand.u32 $0x1, s1  }
0x8c: {  	s16 =	sshll.u32 s0, $0xA;
	s2 =	sadd.s32 s3, s2  }
0x8d: {  	s2 =	sadd.s32 s2, s16  }
0x8e: {  	[smem:$0x3FC0] =	sst s2  }
0x8f: {  	_ = 	snop  }
0x90: {  	(tm) =	ssettm $0x1  }
0x91: {  	s17 =	sld [smem:$0x3FFB];
	_ =	sdelay $0x3  }
0x92: {  	_ =	strace s17  }
0x93: {  	s2 =	sld [smem:$0x3FFC];
	_ =	sdelay $0x3  }
0x94: {  	_ =	strace s2  }
0x95: {  	s2 =	sld [smem:$0x3FFD];
	_ =	sdelay $0x3  }
0x96: {  	_ =	strace s2  }
0x97: {  	_ =	strace $0x8FFFFFFF  }
0x98: {  	s18 =	sld [smem:$0x3FDB];
	_ =	sdelay $0x1  }
0x99: {  	s19 =	simm.s32 $_scs_section_size  }
0x9a: {  	s4 =	simm.s32 $_size__tile_overlayer_lowered;
	s5 =	simm.s32 $_tile_overlayer_lowered  }
0x9b: {  	s22 =	simm.s32 $0x1BFF;
	s21 =	sshll.u32 s5, $0x1;
	s2 =	sadd.s32 s19, s18  }
0x9c: {  	s6 =	simm.s32 $0x0;
	s20 =	sshll.u32 s4, $0x1;
	s4 =	sadd.s32 s21, s2  }
0x9d: {  	[timem:s6], [sflag:s22] =	dma.local [hbm:s4], s20  }
0x9e: {  	_ =	swait.ge [sflag:s22], s20  }
0x9f: {  	s3 =	ssub.s32 $0x0, s20;
	[sflag:s22] =	ssyncset.done $0x0  }
0xa0: {  	[sflag:s22] =	ssyncadd.s32 s3;
	_ =	sdelay $0x1  }
0xa1: {  	s23 =	simm.s32 $0x1B8B  }
0xa2: {  	_ =	swait.ge [sflag:s23], $0x1  }
0xa3: {  	[sflag:s23] =	ssyncset.done $0x0  }
0xa4: {  	s25 =	simm.s32 $0x1B8E;
	s24 =	sld [smem:$0x3FFE];
	[sflag:s23] =	ssyncadd.s32 $0xFFFFFFFF  }
0xa5: {  	s26 =	simm.s32 $execute0_lowered;
	[smem:$0x3FD2] =	sst s25  }
0xa6: {  	s4 =	sshll.u32 s26, $0x1;
	_ =	strace $0x80000049;
	[dreg:$0x1] =	wrdreg $0xFFFFFFFF  }
0xa7: {  	s28 =	simm.s32 $_size_execute0_lowered;
	s2 =	sadd.s32 s2, s4;
	[dreg:$0x0] =	wrdreg $0x0  }
0xa8: {  	s4 =	sshll.u32 s28, $0x1;
	[dreg:$0x2] =	wrdreg s2  }
0xa9: {  	[dreg:$0x3] =	wrdreg s4  }
0xaa: {  	[dreg:$0x4] =	wrdreg $0xC0  }
0xab: {  	_ =	task [dreg:s6], $0x5FFFF  }
0xac: {  	[dreg:$0x1] =	wrdreg $0xFFFFFFFF  }
0xad: {  	[dreg:$0x0] =	wrdreg $0x60  }
0xae: {  	[dreg:$0x2] =	wrdreg s24  }
0xaf: {  	[dreg:$0x3] =	wrdreg $0xBC000  }
0xb0: {  	[dreg:$0x4] =	wrdreg $0x9  }
0xb1: {  	_ =	task.clear_ibuf [dreg:s6], $0x5FFFF;
	_ =	strace $0x90000049  }
0xb2: {  	s29 =	simm.s32 $0x9;
	_ =	strace $0x8000004B  }
0xb3: {  	_ =	swait.ge [sflag:s29], $0x1  }
0xb4: {  	[sflag:s29] =	ssyncadd.s32 $0xFFFFFFFF  }
0xb5: {  	_ =	strace $0x9000004B  }
0xb6: {  	_ =	sfence  }
0xb7: {  	s30 =	sld [smem:$0x0];
	_ =	sdelay $0x2  }
0xb8: {  	s31 =	sshll.u32 s1, $0xD;
	s1 =	sshrl.u32 s1, $0x2  }
0xb9: {  	s3 =	sand.u32 $0x4000, s31;
	s1 =	sadd.s32 s1, s30  }
0xba: {  	s0 =	sor.u32 s3, s0;
	s1 =	sshll.u32 s1, $0x11  }
0xbb: {  	s0 =	sor.u32 s1, s0  }
0xbc: {  	s0 =	sadd.s32 $0x8F2B, s0  }
0xbd: {  	[sflag:s0] =	ssyncadd.remote.s32 $0x1  }
0xbe: {  	_ =	sfence.sel $0xFFFF  }
0xbf: {  	[dreg:$0x0] =	wrdreg $0xFFFFFFFF;
	(pc) =	sbr.abs _section_cstart, $3  }
0xc0: {  	[dreg:$0x1] =	wrdreg $0xFFFFFFFF  }
0xc1: {  	_ =	task.clear_ibuf [dreg:s6], $0x2FFFF;
	_ =	strace $0x9FFFFFFF  }
0xc2: {  	(tm) =	ssettm $0x7FFFFFFF  }
0xc3: {  	_ =	shalt  }
tec
execute0_lowered:
.L_overlay_start_1:
0x0: {  	(tag) =	ssettag $0x1  }
0x1: {  	s0 =	rddreg [dreg:$0x0]  }
0x2: {  	s1 =	rddreg [dreg:$0x1];
	s17 =	stileid.u32  }
0x3: {  	s3 =	simm.s32 $0x0;
	s2 =	srdreg.scid;
	s8 =	smul.u32 $0x13C00, s17  }
0x4: {  	[smem:$0x7FF] =	sst s3;
	s2 =	sand.u32 $0x1, s2;
	s28 =	smul.u32 $0x2760, s17  }
0x5: {  	s4 =	sadd.s32 $0x15E00, s0;
	s5 =	sadd.s32 $0x2200, s0;
	s30 =	smul.u32 $0x4F000, s17  }
0x6: {  	s6 =	sadd.s32 $0xC000, s0;
	s10 =	sadd.s32 $0x3D600, s0;
	s7 =	smul.u32 $0x13C000, s2  }
0x7: {  	_ =	strace $0x8000004A;
	s9 =	sshll.u32 s2, $0x4;
	[dreg:$0xf] =	wrdreg s10  }
0x8: {  	s19 =	ssub.s32 $0x2, s2;
	s2 =	smul.u32 $0x27600, s2;
	[dreg:$0xe] =	wrdreg s6  }
0x9: {  	s12 =	sshll.u32 s17, $0x6;
	[dreg:$0xd] =	wrdreg s5;
	s18 =	sor.u32 s17, s9  }
0xa: {  	s7 =	sadd.s32 s8, s7;
	s8 =	smul.u32 $0x2760, s18;
	s2 =	sadd.s32 s28, s2  }
0xb: {  	s20 =	sshrl.u32 s19, $0x1;
	s7 =	sshrl.u32 s7, $0x3;
	s17 =	sadd.s32 $0x3C0, s2  }
0xc: {  	s0 =	sadd.s32 s7, s0;
	s7 =	ssub.s32 s19, s20;
	s21 =	sshrl.u32 s8, $0x3  }
0xd: {  	s22 =	sadd.s32 $0x78, s8;
	s8 =	sadd.s32 $0x168, s8;
	s19 =	sshrl.u32 s17, $0x3  }
0xe: {  	s17 =	simm.s32 $0x4;
	s11 =	sadd.s32 s5, s21;
	s23 =	sadd.s32 s6, s21  }
0xf: {  	s10 =	sshrl.u32 s22, $0x3;
	s25 =	sadd.s32 $0x1E, s21;
	[dreg:$0x10] =	wrdreg s11  }
0x10: {  	s8 =	sshrl.u32 s8, $0x3;
	s20 =	sadd.s32 s19, s6;
	[dreg:$0x11] =	wrdreg s23  }
0x11: {  	s9 =	sadd.s32 $0x3C, s21;
	s22 =	sadd.s32 s19, s5;
	[dreg:$0x7] =	wrdreg s20  }
0x12: {  	s21 =	sadd.s32 $0x348, s2;
	s0 =	sadd.s32 $0x3FE00, s0;
	[dreg:$0x8] =	wrdreg s22  }
0x13: {  	s19 =	simm.s32 $0xA;
	s24 =	sadd.s32 s5, s10;
	[dreg:$0x1c] =	wrdreg s0  }
0x14: {  	s10 =	sadd.s32 s6, s10;
	s26 =	sadd.s32 s5, s25;
	[dreg:$0x12] =	wrdreg s24  }
0x15: {  	s29 =	sadd.s32 s5, s8;
	s8 =	sadd.s32 s6, s8;
	[dreg:$0x13] =	wrdreg s10  }
0x16: {  	s31 =	sadd.s32 s5, s9;
	s9 =	sadd.s32 s6, s9;
	[dreg:$0x14] =	wrdreg s26  }
0x17: {  	s11 =	sadd.s32 $0x4B0, s2;
	s23 =	sshrl.u32 s21, $0x3;
	[dreg:$0x16] =	wrdreg s29  }
0x18: {  	s20 =	simm.s32 $0x5;
	s21 =	simm.s32 $0xF;
	[dreg:$0x17] =	wrdreg s8  }
0x19: {  	s0 =	simm.s32 $0x9;
	s22 =	simm.s32 $0xC;
	[dreg:$0x18] =	wrdreg s31  }
0x1a: {  	s10 =	sadd.s32 s6, s25;
	[dreg:$0x19] =	wrdreg s9;
	s9 =	sshrl.u32 s11, $0x3  }
0x1b: {  	s11 =	sor.u32 $0x1C10, s12;
	s24 =	sadd.s32 s23, s6;
	[dreg:$0x15] =	wrdreg s10  }
0x1c: {  	s25 =	sadd.s32 $0x258, s2;
	s26 =	sadd.s32 s23, s5;
	[dreg:$0x9] =	wrdreg s24  }
0x1d: {  	s12 =	simm.s32 $0x680;
	s10 =	sshrl.u32 s30, $0x2;
	[dreg:$0xa] =	wrdreg s26  }
0x1e: {  	s13 =	sadd.s32 s9, s6;
	s14 =	sadd.s32 s9, s5;
	[dreg:$0x1b] =	wrdreg s11  }
0x1f: {  	s28 =	sshrl.u32 s25, $0x3;
	s30 =	smax.u32 s7, $0x1;
	[dreg:$0x3] =	wrdreg s13  }
0x20: {  	s7 =	simm.s32 $0x78;
	s24 =	simm.s32 $0x8;
	[dreg:$0x4] =	wrdreg s14  }
0x21: {  	s9 =	simm.s32 $0x6;
	s8 =	sadd.s32 s10, s1;
	[dreg:$0x1d] =	wrdreg s30  }
0x22: {  	s10 =	sadd.s32 $0x438, s2;
	s29 =	sadd.s32 s28, s6;
	[dreg:$0x1a] =	wrdreg s8  }
0x23: {  	s31 =	sadd.s32 s28, s5;
	s2 =	sadd.s32 $0x2D0, s2;
	[dreg:$0xb] =	wrdreg s29  }
0x24: {  	s13 =	simm.s32 $0x3;
	s14 =	simm.s32 $0x8000;
	[dreg:$0x1e] =	wrdreg s2  }
0x25: {  	s15 =	sshrl.u32 s10, $0x3;
	[dreg:$0xc] =	wrdreg s31;
	s2 =	simm.s32 $0x10  }
0x26: {  	s8 =	simm.s32 $0x800;
	s16 =	sadd.s32 s15, s6;
	s18 =	sadd.s32 s15, s5  }
0x27: {  	s15 =	simm.s32 $0xD;
	s5 =	simm.s32 $0x0;
	[dreg:$0x5] =	wrdreg s16  }
0x28: {  	[dreg:$0x6] =	wrdreg s18;
	s16 =	simm.s32 $0x7;
	s18 =	simm.s32 $0xE  }
.LBB2_1:
0x29: {  	[dreg:$0x1f] =	wrdreg s5  }
0x2a: {  	s3 =	simm.s32 $0x0;
	s28 =	rddreg [dreg:$0x10]  }
0x2b: {  	[tilespmem:s3], [sflag:$0x1] =	stream.linear.gather [hbm4b:s28+s3], $0x78, $0x38;
	[tilespmem:$0x1F800] =	vst v63  }
0x2c: {  	s30 =	rddreg [dreg:$0x11];
	s6 =	simm.s32 $0x400  }
0x2d: {  	[tilespmem:s6], [sflag:$0x7] =	stream.linear.gather [hbm4b:s30+s3], $0x78, $0x38;
	[tilespmem:$0x1F800] =	vst v63  }
0x2e: {  	s31 =	rddreg [dreg:$0x12];
	s10 =	simm.s32 $0x80  }
0x2f: {  	[tilespmem:s10], [sflag:$0x2] =	stream.linear.gather [hbm4b:s31+s3], $0x78, $0x38;
	[tilespmem:$0x1F800] =	vst v63  }
0x30: {  	s23 =	rddreg [dreg:$0x13];
	s28 =	simm.s32 $0x480  }
0x31: {  	[tilespmem:s28], [sflag:$0x8] =	stream.linear.gather [hbm4b:s23+s3], $0x78, $0x38;
	[tilespmem:$0x1F800] =	vst v63  }
0x32: {  	s25 =	rddreg [dreg:$0x14];
	s26 =	simm.s32 $0x100  }
0x33: {  	[tilespmem:s26], [sflag:$0x3] =	stream.linear.gather [hbm4b:s25+s3], $0x78, $0x38;
	[tilespmem:$0x1F800] =	vst v63  }
0x34: {  	s30 =	rddreg [dreg:$0x15];
	s31 =	simm.s32 $0x500  }
0x35: {  	[tilespmem:s31], [sflag:$0x9] =	stream.linear.gather [hbm4b:s30+s3], $0x78, $0x38;
	[tilespmem:$0x1F800] =	vst v63  }
0x36: {  	s23 =	rddreg [dreg:$0x16];
	s30 =	simm.s32 $0x180  }
0x37: {  	[tilespmem:s30], [sflag:$0x4] =	stream.linear.gather [hbm4b:s23+s3], $0x78, $0x38;
	[tilespmem:$0x1F800] =	vst v63  }
0x38: {  	s25 =	rddreg [dreg:$0x17];
	s23 =	simm.s32 $0x580  }
0x39: {  	[tilespmem:s23], [sflag:$0xA] =	stream.linear.gather [hbm4b:s25+s3], $0x78, $0x38;
	[tilespmem:$0x1F800] =	vst v63  }
0x3a: {  	s29 =	simm.s32 $0x200;
	s25 =	rddreg [dreg:$0x18]  }
0x3b: {  	[tilespmem:s29], [sflag:$0x5] =	stream.linear.gather [hbm4b:s25+s3], $0x78, $0x38;
	[tilespmem:$0x1F800] =	vst v63  }
0x3c: {  	s23 =	rddreg [dreg:$0x19];
	s25 =	simm.s32 $0x600  }
0x3d: {  	[tilespmem:s25], [sflag:$0xB] =	stream.linear.gather [hbm4b:s23+s3], $0x78, $0x38;
	[tilespmem:$0x1F800] =	vst v63  }
0x3e: {  	s25 =	rddreg [dreg:$0x1a]  }
0x3f: {  	s5 =	sshrl.u32 s25, $0x3;
	s25 =	rddreg [dreg:$0xf]  }
0x40: {  	[smem:$0x7FD] =	sst s5  }
0x41: {  	[spmem:s5], [sflag:s11] =	dma.local [hbm:s25], $0x2780  }
0x42: {  	_ =	swait.ge [sflag:s2], $0x2780  }
0x43: {  	[sflag:s2] =	ssyncset.done $0x0  }
0x44: {  	[sflag:s2] =	ssyncadd.s32 $0xFFFFD880  }
0x45: {  	s23 =	simm.s32 $0x1;
	[bflag:$0x0] =	sbarrier.arrive $0xFFFF  }
0x46: {  	_ =	swait.ge [sflag:s23], $0x78  }
0x47: {  	[sflag:s23] =	ssyncset.done $0x0  }
0x48: {  	s25 =	simm.s32 $0x2;
	[sflag:s23] =	ssyncadd.s32 $0xFFFFFF88  }
0x49: {  	[tilespmem:s8], [sflag:$0xD] =	stream.indirect.gather [hbm4b:s4+s7], $0x80, s3, s7, $0xb8;
	[tilespmem:$0x1F800] =	vst v63  }
0x4a: {  	_ =	swait.ge [sflag:s25], $0x78  }
0x4b: {  	[sflag:s25] =	ssyncset.done $0x0  }
0x4c: {  	s11 =	simm.s32 $0x4400;
	s5 =	rddreg [dreg:$0xc];
	[sflag:s25] =	ssyncadd.s32 $0xFFFFFF88  }
0x4d: {  	[tilespmem:s11], [sflag:$0xE] =	stream.indirect.gather [hbm4b:s4+s7], $0x80, s10, s7, $0xb8;
	[tilespmem:$0x1F800] =	vst v63  }
0x4e: {  	s25 =	rddreg [dreg:$0xb];
	s23 =	sadd.s32 $0x0, s5;
	s10 =	simm.s32 $0x280  }
0x4f: {  	[tilespmem:s10], [sflag:$0x6] =	stream.linear.gather [hbm4b:s23+s3], $0x78, $0x38;
	[tilespmem:$0x1F800] =	vst v63  }
0x50: {  	s25 =	sadd.s32 $0x0, s25  }
0x51: {  	[tilespmem:s12], [sflag:$0xC] =	stream.linear.gather [hbm4b:s25+s3], $0x78, $0x38;
	[tilespmem:$0x1F800] =	vst v63  }
0x52: {  	_ =	swait.ge [sflag:s13], $0x78  }
0x53: {  	[sflag:s13] =	ssyncset.done $0x0  }
0x54: {  	[sflag:s13] =	ssyncadd.s32 $0xFFFFFF88  }
0x55: {  	[tilespmem:s14], [sflag:$0xF] =	stream.indirect.gather [hbm4b:s4+s7], $0x80, s26, s7, $0xb8;
	[tilespmem:$0x1F800] =	vst v63  }
0x56: {  	_ =	swait.ge [sflag:s15], $0x3C00  }
0x57: {  	[sflag:s15] =	ssyncset.done $0x0  }
0x58: {  	[sflag:s15] =	ssyncadd.s32 $0xFFFFC400  }
0x59: {  	_ =	swait.ge [sflag:s16], $0x78  }
0x5a: {  	[sflag:s16] =	ssyncset.done $0x0  }
0x5b: {  	[sflag:s16] =	ssyncadd.s32 $0xFFFFFF88  }
0x5c: {  	[spmem:s1] =	stream.indirect.scatter.add.f32 [tilespmem:s8], [sflag:$0x10], $0x80, s6, s7, $0xb8;
	[tilespmem:$0x1F800] =	vst v63  }
0x5d: {  	p0 =	por $0x0, $0x0;
	_ =	swait.ge [sflag:s2], $0x3C00  }
0x5e: {  	s6 =	simm.s32 @!p0 $0x0;
	s5 =	rddreg [dreg:$0x1e]  }
0x5f: {  	[sflag:s2] =	ssyncset.done $0x0;
	s3 =	rddreg [dreg:$0xd];
	s25 =	sshrl.u32 @!p0 s5, $0x3  }
0x60: {  	[sflag:s2] =	ssyncadd.s32 $0xFFFFC400;
	s26 =	sadd.s32 @!p0 s3, s25;
	s3 =	rddreg [dreg:$0xe]  }
0x61: {  	[tilespmem:s6], [sflag:$0x1] =	stream.linear.gather @!p0 [hbm4b:s26+s6], $0x78, $0x38;
	[tilespmem:$0x1F800] =	vst v63  }
0x62: {  	s25 =	sadd.s32 @!p0 s3, s25;
	s26 =	simm.s32 @!p0 $0x400  }
0x63: {  	[tilespmem:s26], [sflag:$0x7] =	stream.linear.gather @!p0 [hbm4b:s25+s6], $0x78, $0x38;
	[tilespmem:$0x1F800] =	vst v63  }
0x64: {  	_ =	swait.ge [sflag:s17], $0x78  }
0x65: {  	[sflag:s17] =	ssyncset.done $0x0  }
0x66: {  	[sflag:s17] =	ssyncadd.s32 $0xFFFFFF88  }
0x67: {  	[tilespmem:s8], [sflag:$0xD] =	stream.indirect.gather [hbm4b:s4+s7], $0x80, s30, s7, $0xb8;
	[tilespmem:$0x1F800] =	vst v63  }
0x68: {  	_ =	swait.ge [sflag:s18], $0x3C00  }
0x69: {  	[sflag:s18] =	ssyncset.done $0x0  }
0x6a: {  	[sflag:s18] =	ssyncadd.s32 $0xFFFFC400  }
0x6b: {  	_ =	swait.ge [sflag:s24], $0x78  }
0x6c: {  	[sflag:s24] =	ssyncset.done $0x0  }
0x6d: {  	[sflag:s24] =	ssyncadd.s32 $0xFFFFFF88  }
0x6e: {  	[spmem:s1] =	stream.indirect.scatter.add.f32 [tilespmem:s11], [sflag:$0x10], $0x80, s28, s7, $0xb8;
	[tilespmem:$0x1F800] =	vst v63  }
0x6f: {  	_ =	swait.ge [sflag:s2], $0x3C00  }
0x70: {  	s3 =	simm.s32 @!p0 $0x80;
	s25 =	rddreg [dreg:$0xa];
	[sflag:s2] =	ssyncset.done $0x0  }
0x71: {  	s26 =	rddreg [dreg:$0x9];
	[sflag:s2] =	ssyncadd.s32 $0xFFFFC400;
	s28 =	sadd.s32 @!p0 $0x0, s25  }
0x72: {  	[tilespmem:s3], [sflag:$0x2] =	stream.linear.gather @!p0 [hbm4b:s28+s6], $0x78, $0x38;
	[tilespmem:$0x1F800] =	vst v63  }
0x73: {  	s26 =	sadd.s32 @!p0 $0x0, s26;
	s28 =	simm.s32 @!p0 $0x480  }
0x74: {  	[tilespmem:s28], [sflag:$0x8] =	stream.linear.gather @!p0 [hbm4b:s26+s6], $0x78, $0x38;
	[tilespmem:$0x1F800] =	vst v63  }
0x75: {  	_ =	swait.ge [sflag:s20], $0x78  }
0x76: {  	[sflag:s20] =	ssyncset.done $0x0  }
0x77: {  	[sflag:s20] =	ssyncadd.s32 $0xFFFFFF88  }
0x78: {  	[tilespmem:s11], [sflag:$0xE] =	stream.indirect.gather [hbm4b:s4+s7], $0x80, s29, s7, $0xb8;
	[tilespmem:$0x1F800] =	vst v63  }
0x79: {  	_ =	swait.ge [sflag:s21], $0x3C00  }
0x7a: {  	[sflag:s21] =	ssyncset.done $0x0  }
0x7b: {  	[sflag:s21] =	ssyncadd.s32 $0xFFFFC400  }
0x7c: {  	_ =	swait.ge [sflag:s0], $0x78  }
0x7d: {  	[sflag:s0] =	ssyncset.done $0x0  }
0x7e: {  	[sflag:s0] =	ssyncadd.s32 $0xFFFFFF88  }
0x7f: {  	[spmem:s1] =	stream.indirect.scatter.add.f32 [tilespmem:s14], [sflag:$0x10], $0x80, s31, s7, $0xb8;
	[tilespmem:$0x1F800] =	vst v63  }
0x80: {  	_ =	swait.ge [sflag:s2], $0x3C00  }
0x81: {  	s29 =	simm.s32 @!p0 $0x100;
	s26 =	rddreg [dreg:$0x8];
	[sflag:s2] =	ssyncset.done $0x0  }
0x82: {  	s28 =	rddreg [dreg:$0x7];
	[sflag:s2] =	ssyncadd.s32 $0xFFFFC400;
	s26 =	sadd.s32 @!p0 $0x0, s26  }
0x83: {  	[tilespmem:s29], [sflag:$0x3] =	stream.linear.gather @!p0 [hbm4b:s26+s6], $0x78, $0x38;
	[tilespmem:$0x1F800] =	vst v63  }
0x84: {  	s26 =	sadd.s32 @!p0 $0x0, s28;
	s28 =	simm.s32 @!p0 $0x500  }
0x85: {  	[tilespmem:s28], [sflag:$0x9] =	stream.linear.gather @!p0 [hbm4b:s26+s6], $0x78, $0x38;
	[tilespmem:$0x1F800] =	vst v63  }
0x86: {  	_ =	swait.ge [sflag:s9], $0x78  }
0x87: {  	[sflag:s9] =	ssyncset.done $0x0  }
0x88: {  	[sflag:s9] =	ssyncadd.s32 $0xFFFFFF88  }
0x89: {  	[tilespmem:s14], [sflag:$0xF] =	stream.indirect.gather [hbm4b:s4+s7], $0x80, s10, s7, $0xb8;
	[tilespmem:$0x1F800] =	vst v63  }
0x8a: {  	_ =	swait.ge [sflag:s15], $0x3C00  }
0x8b: {  	[sflag:s15] =	ssyncset.done $0x0  }
0x8c: {  	[sflag:s15] =	ssyncadd.s32 $0xFFFFC400  }
0x8d: {  	_ =	swait.ge [sflag:s19], $0x78  }
0x8e: {  	[sflag:s19] =	ssyncset.done $0x0  }
0x8f: {  	s31 =	simm.s32 $0x580;
	[sflag:s19] =	ssyncadd.s32 $0xFFFFFF88  }
0x90: {  	[spmem:s1] =	stream.indirect.scatter.add.f32 [tilespmem:s8], [sflag:$0x10], $0x80, s31, s7, $0xb8;
	[tilespmem:$0x1F800] =	vst v63  }
0x91: {  	_ =	swait.ge [sflag:s2], $0x3C00  }
0x92: {  	[sflag:s2] =	ssyncset.done $0x0  }
0x93: {  	s26 =	simm.s32 @p0 $0xE;
	[sflag:s2] =	ssyncadd.s32 $0xFFFFC400  }
0x94: {  	_ =	swait.ge @p0 [sflag:s26], $0x3C00  }
0x95: {  	[sflag:s26] =	ssyncset.done @p0 $0x0  }
0x96: {  	[sflag:s26] =	ssyncadd.s32 @p0 $0xFFFFC400;
	s26 =	simm.s32 @p0 $0xB  }
0x97: {  	_ =	swait.ge @p0 [sflag:s26], $0x78  }
0x98: {  	s30 =	simm.s32 @p0 $0x600;
	s29 =	simm.s32 @p0 $0x10;
	[sflag:s26] =	ssyncset.done @p0 $0x0  }
0x99: {  	s28 =	simm.s32 @p0 $0x4400;
	[sflag:s26] =	ssyncadd.s32 @p0 $0xFFFFFF88;
	s26 =	simm.s32 @p0 $0x78  }
0x9a: {  	[spmem:s1] =	stream.indirect.scatter.add.f32 @p0 [tilespmem:s28], [sflag:$0x10], $0x80, s30, s26, $0xb8;
	[tilespmem:$0x1F800] =	vst v63  }
0x9b: {  	_ =	swait.ge @p0 [sflag:s29], $0x3C00  }
0x9c: {  	s26 =	rddreg [dreg:$0x6]  }
0x9d: {  	[sflag:s29] =	ssyncset.done @p0 $0x0;
	s28 =	rddreg [dreg:$0x5]  }
0x9e: {  	[sflag:s29] =	ssyncadd.s32 @p0 $0xFFFFC400;
	s26 =	sadd.s32 @!p0 $0x0, s26;
	s29 =	simm.s32 @!p0 $0x180  }
0x9f: {  	[tilespmem:s29], [sflag:$0x4] =	stream.linear.gather @!p0 [hbm4b:s26+s6], $0x78, $0x38;
	[tilespmem:$0x1F800] =	vst v63  }
0xa0: {  	s26 =	sadd.s32 @!p0 $0x0, s28;
	s28 =	simm.s32 @!p0 $0x580;
	s29 =	simm.s32 @!p0 $0x1  }
0xa1: {  	[tilespmem:s28], [sflag:$0xA] =	stream.linear.gather @!p0 [hbm4b:s26+s6], $0x78, $0x38;
	[tilespmem:$0x1F800] =	vst v63  }
0xa2: {  	_ =	swait.ge @!p0 [sflag:s29], $0x78  }
0xa3: {  	s26 =	simm.s32 @!p0 $0xE;
	[sflag:s29] =	ssyncset.done @!p0 $0x0  }
0xa4: {  	s28 =	simm.s32 @!p0 $0x78;
	[sflag:s29] =	ssyncadd.s32 @!p0 $0xFFFFFF88;
	s29 =	simm.s32 @!p0 $0x800  }
0xa5: {  	[tilespmem:s29], [sflag:$0xD] =	stream.indirect.gather @!p0 [hbm4b:s4+s28], $0x80, s6, s28, $0xb8;
	[tilespmem:$0x1F800] =	vst v63  }
0xa6: {  	_ =	swait.ge @!p0 [sflag:s26], $0x3C00  }
0xa7: {  	[sflag:s26] =	ssyncset.done @!p0 $0x0  }
0xa8: {  	[sflag:s26] =	ssyncadd.s32 @!p0 $0xFFFFC400;
	s26 =	simm.s32 @!p0 $0xB  }
0xa9: {  	_ =	swait.ge @!p0 [sflag:s26], $0x78  }
0xaa: {  	s30 =	simm.s32 @!p0 $0x4400;
	[sflag:s26] =	ssyncset.done @!p0 $0x0  }
0xab: {  	s29 =	simm.s32 @!p0 $0x10;
	[sflag:s26] =	ssyncadd.s32 @!p0 $0xFFFFFF88;
	s26 =	simm.s32 @!p0 $0x600  }
0xac: {  	[spmem:s1] =	stream.indirect.scatter.add.f32 @!p0 [tilespmem:s30], [sflag:$0x10], $0x80, s26, s28, $0xb8;
	[tilespmem:$0x1F800] =	vst v63  }
0xad: {  	_ =	swait.ge @!p0 [sflag:s29], $0x3C00  }
0xae: {  	s23 =	rddreg [dreg:$0x4]  }
0xaf: {  	[sflag:s29] =	ssyncset.done @!p0 $0x0;
	s25 =	rddreg [dreg:$0x3]  }
0xb0: {  	[sflag:s29] =	ssyncadd.s32 @!p0 $0xFFFFC400;
	s23 =	sadd.s32 @!p0 $0x0, s23;
	s29 =	simm.s32 @!p0 $0x200  }
0xb1: {  	[tilespmem:s29], [sflag:$0x5] =	stream.linear.gather @!p0 [hbm4b:s23+s6], $0x78, $0x38;
	[tilespmem:$0x1F800] =	vst v63  }
0xb2: {  	s23 =	sadd.s32 @!p0 $0x0, s25  }
0xb3: {  	[tilespmem:s26], [sflag:$0xB] =	stream.linear.gather @!p0 [hbm4b:s23+s6], $0x78, $0x38;
	[tilespmem:$0x1F800] =	vst v63  }
0xb4: {  	s23 =	simm.s32 @!p0 $0x2  }
0xb5: {  	_ =	swait.ge @!p0 [sflag:s23], $0x78  }
0xb6: {  	[sflag:s23] =	ssyncset.done @!p0 $0x0  }
0xb7: {  	[sflag:s23] =	ssyncadd.s32 @!p0 $0xFFFFFF88  }
0xb8: {  	[tilespmem:s30], [sflag:$0xE] =	stream.indirect.gather @!p0 [hbm4b:s4+s28], $0x80, s3, s28, $0xb8;
	[tilespmem:$0x1F800] =	vst v63  }
0xb9: {  	_ =	swait.ge [sflag:s21], $0x3C00  }
0xba: {  	[sflag:s21] =	ssyncset.done $0x0  }
0xbb: {  	[sflag:s21] =	ssyncadd.s32 $0xFFFFC400  }
0xbc: {  	_ =	swait.ge [sflag:s22], $0x78  }
0xbd: {  	[sflag:s22] =	ssyncset.done $0x0  }
0xbe: {  	[sflag:s22] =	ssyncadd.s32 $0xFFFFFF88  }
0xbf: {  	[spmem:s1] =	stream.indirect.scatter.add.f32 [tilespmem:s14], [sflag:$0x10], $0x80, s12, s7, $0xb8;
	[tilespmem:$0x1F800] =	vst v63  }
0xc0: {  	s25 =	smov.u32 s5;
	s26 =	simm.s32 $0xB4;
	_ =	swait.ge [sflag:s2], $0x3C00  }
0xc1: {  	s23 =	simm.s32 $0x5A;
	s29 =	rddreg [dreg:$0xc];
	[sflag:s2] =	ssyncset.done $0x0  }
.LBB2_2:
0xc2: {  	[sflag:s2] =	ssyncadd.s32 $0xFFFFC400;
	s30 =	rddreg [dreg:$0xb]  }
0xc3: {  	s29 =	sadd.s32 s23, s29;
	s3 =	simm.s32 $0x0;
	s6 =	simm.s32 $0x280  }
0xc4: {  	[tilespmem:s6], [sflag:$0x6] =	stream.linear.gather [hbm4b:s29+s3], $0x78, $0x38;
	[tilespmem:$0x1F800] =	vst v63  }
0xc5: {  	s29 =	sadd.s32 s23, s30  }
0xc6: {  	[tilespmem:s12], [sflag:$0xC] =	stream.linear.gather [hbm4b:s29+s3], $0x78, $0x38;
	[tilespmem:$0x1F800] =	vst v63  }
0xc7: {  	_ =	swait.ge [sflag:s13], $0x78  }
0xc8: {  	[sflag:s13] =	ssyncset.done $0x0  }
0xc9: {  	s10 =	simm.s32 $0x100;
	[sflag:s13] =	ssyncadd.s32 $0xFFFFFF88  }
0xca: {  	[tilespmem:s14], [sflag:$0xF] =	stream.indirect.gather [hbm4b:s4+s7], $0x80, s10, s7, $0xb8;
	[tilespmem:$0x1F800] =	vst v63  }
0xcb: {  	_ =	swait.ge [sflag:s15], $0x3C00  }
0xcc: {  	[sflag:s15] =	ssyncset.done $0x0  }
0xcd: {  	[sflag:s15] =	ssyncadd.s32 $0xFFFFC400  }
0xce: {  	_ =	swait.ge [sflag:s16], $0x78  }
0xcf: {  	s25 =	sadd.s32 $0x2D0, s25;
	[sflag:s16] =	ssyncset.done $0x0  }
0xd0: {  	s11 =	simm.s32 $0x400;
	p1 =	seq.s32 s23, $0x492;
	[sflag:s16] =	ssyncadd.s32 $0xFFFFFF88  }
0xd1: {  	[spmem:s1] =	stream.indirect.scatter.add.f32 [tilespmem:s8], [sflag:$0x10], $0x80, s11, s7, $0xb8;
	[tilespmem:$0x1F800] =	vst v63  }
0xd2: {  	s30 =	sshrl.u32 @!p1 s25, $0x3;
	_ =	swait.ge [sflag:s2], $0x3C00  }
0xd3: {  	s29 =	simm.s32 @!p1 $0x0;
	[sflag:s2] =	ssyncset.done $0x0;
	s3 =	rddreg [dreg:$0xd]  }
0xd4: {  	[sflag:s2] =	ssyncadd.s32 $0xFFFFC400;
	s31 =	sadd.s32 @!p1 s3, s30;
	s3 =	rddreg [dreg:$0xe]  }
0xd5: {  	[tilespmem:s29], [sflag:$0x1] =	stream.linear.gather @!p1 [hbm4b:s31+s29], $0x78, $0x38;
	[tilespmem:$0x1F800] =	vst v63  }
0xd6: {  	s30 =	sadd.s32 @!p1 s3, s30;
	s31 =	simm.s32 @!p1 $0x400  }
0xd7: {  	[tilespmem:s31], [sflag:$0x7] =	stream.linear.gather @!p1 [hbm4b:s30+s29], $0x78, $0x38;
	[tilespmem:$0x1F800] =	vst v63  }
0xd8: {  	_ =	swait.ge [sflag:s17], $0x78  }
0xd9: {  	[sflag:s17] =	ssyncset.done $0x0  }
0xda: {  	s30 =	simm.s32 $0x180;
	[sflag:s17] =	ssyncadd.s32 $0xFFFFFF88  }
0xdb: {  	[tilespmem:s8], [sflag:$0xD] =	stream.indirect.gather [hbm4b:s4+s7], $0x80, s30, s7, $0xb8;
	[tilespmem:$0x1F800] =	vst v63  }
0xdc: {  	_ =	swait.ge [sflag:s18], $0x3C00  }
0xdd: {  	[sflag:s18] =	ssyncset.done $0x0  }
0xde: {  	[sflag:s18] =	ssyncadd.s32 $0xFFFFC400  }
0xdf: {  	_ =	swait.ge [sflag:s24], $0x78  }
0xe0: {  	[sflag:s24] =	ssyncset.done $0x0  }
0xe1: {  	s5 =	simm.s32 $0x4400;
	s31 =	simm.s32 $0x480;
	[sflag:s24] =	ssyncadd.s32 $0xFFFFFF88  }
0xe2: {  	[spmem:s1] =	stream.indirect.scatter.add.f32 [tilespmem:s5], [sflag:$0x10], $0x80, s31, s7, $0xb8;
	[tilespmem:$0x1F800] =	vst v63  }
0xe3: {  	_ =	swait.ge [sflag:s2], $0x3C00  }
0xe4: {  	s30 =	rddreg [dreg:$0xa]  }
0xe5: {  	[sflag:s2] =	ssyncset.done $0x0;
	s31 =	rddreg [dreg:$0x9]  }
0xe6: {  	[sflag:s2] =	ssyncadd.s32 $0xFFFFC400;
	s3 =	sadd.s32 @!p1 s23, s30;
	s30 =	simm.s32 @!p1 $0x80  }
0xe7: {  	[tilespmem:s30], [sflag:$0x2] =	stream.linear.gather @!p1 [hbm4b:s3+s29], $0x78, $0x38;
	[tilespmem:$0x1F800] =	vst v63  }
0xe8: {  	s3 =	sadd.s32 @!p1 s23, s31;
	s31 =	simm.s32 @!p1 $0x480  }
0xe9: {  	[tilespmem:s31], [sflag:$0x8] =	stream.linear.gather @!p1 [hbm4b:s3+s29], $0x78, $0x38;
	[tilespmem:$0x1F800] =	vst v63  }
0xea: {  	_ =	swait.ge [sflag:s20], $0x78  }
0xeb: {  	[sflag:s20] =	ssyncset.done $0x0  }
0xec: {  	s10 =	simm.s32 $0x200;
	[sflag:s20] =	ssyncadd.s32 $0xFFFFFF88  }
0xed: {  	[tilespmem:s5], [sflag:$0xE] =	stream.indirect.gather [hbm4b:s4+s7], $0x80, s10, s7, $0xb8;
	[tilespmem:$0x1F800] =	vst v63  }
0xee: {  	_ =	swait.ge [sflag:s21], $0x3C00  }
0xef: {  	[sflag:s21] =	ssyncset.done $0x0  }
0xf0: {  	[sflag:s21] =	ssyncadd.s32 $0xFFFFC400  }
0xf1: {  	_ =	swait.ge [sflag:s0], $0x78  }
0xf2: {  	[sflag:s0] =	ssyncset.done $0x0  }
0xf3: {  	s11 =	simm.s32 $0x500;
	[sflag:s0] =	ssyncadd.s32 $0xFFFFFF88  }
0xf4: {  	[spmem:s1] =	stream.indirect.scatter.add.f32 [tilespmem:s14], [sflag:$0x10], $0x80, s11, s7, $0xb8;
	[tilespmem:$0x1F800] =	vst v63  }
0xf5: {  	_ =	swait.ge [sflag:s2], $0x3C00  }
0xf6: {  	s5 =	simm.s32 @!p1 $0x100;
	s3 =	rddreg [dreg:$0x8];
	[sflag:s2] =	ssyncset.done $0x0  }
0xf7: {  	s31 =	rddreg [dreg:$0x7];
	[sflag:s2] =	ssyncadd.s32 $0xFFFFC400;
	s3 =	sadd.s32 @!p1 s23, s3  }
0xf8: {  	[tilespmem:s5], [sflag:$0x3] =	stream.linear.gather @!p1 [hbm4b:s3+s29], $0x78, $0x38;
	[tilespmem:$0x1F800] =	vst v63  }
0xf9: {  	s3 =	sadd.s32 @!p1 s23, s31;
	s5 =	simm.s32 @!p1 $0x500  }
0xfa: {  	[tilespmem:s5], [sflag:$0x9] =	stream.linear.gather @!p1 [hbm4b:s3+s29], $0x78, $0x38;
	[tilespmem:$0x1F800] =	vst v63  }
0xfb: {  	_ =	swait.ge [sflag:s9], $0x78  }
0xfc: {  	[sflag:s9] =	ssyncset.done $0x0  }
0xfd: {  	[sflag:s9] =	ssyncadd.s32 $0xFFFFFF88  }
0xfe: {  	[tilespmem:s14], [sflag:$0xF] =	stream.indirect.gather [hbm4b:s4+s7], $0x80, s6, s7, $0xb8;
	[tilespmem:$0x1F800] =	vst v63  }
0xff: {  	_ =	swait.ge [sflag:s15], $0x3C00  }
0x100: {  	[sflag:s15] =	ssyncset.done $0x0  }
0x101: {  	[sflag:s15] =	ssyncadd.s32 $0xFFFFC400  }
0x102: {  	_ =	swait.ge [sflag:s19], $0x78  }
0x103: {  	[sflag:s19] =	ssyncset.done $0x0  }
0x104: {  	s31 =	simm.s32 $0x580;
	[sflag:s19] =	ssyncadd.s32 $0xFFFFFF88  }
0x105: {  	[spmem:s1] =	stream.indirect.scatter.add.f32 [tilespmem:s8], [sflag:$0x10], $0x80, s31, s7, $0xb8;
	[tilespmem:$0x1F800] =	vst v63  }
0x106: {  	_ =	swait.ge [sflag:s2], $0x3C00  }
0x107: {  	[sflag:s2] =	ssyncset.done $0x0  }
0x108: {  	s3 =	simm.s32 @p1 $0xE;
	[sflag:s2] =	ssyncadd.s32 $0xFFFFC400  }
0x109: {  	_ =	swait.ge @p1 [sflag:s3], $0x3C00  }
0x10a: {  	[sflag:s3] =	ssyncset.done @p1 $0x0  }
0x10b: {  	[sflag:s3] =	ssyncadd.s32 @p1 $0xFFFFC400;
	s3 =	simm.s32 @p1 $0xB  }
0x10c: {  	_ =	swait.ge @p1 [sflag:s3], $0x78  }
0x10d: {  	s5 =	simm.s32 @p1 $0x4400;
	s6 =	simm.s32 @p1 $0x600;
	[sflag:s3] =	ssyncset.done @p1 $0x0  }
0x10e: {  	s31 =	simm.s32 @p1 $0x10;
	[sflag:s3] =	ssyncadd.s32 @p1 $0xFFFFFF88;
	s3 =	simm.s32 @p1 $0x78  }
0x10f: {  	[spmem:s1] =	stream.indirect.scatter.add.f32 @p1 [tilespmem:s5], [sflag:$0x10], $0x80, s6, s3, $0xb8;
	[tilespmem:$0x1F800] =	vst v63  }
0x110: {  	_ =	swait.ge @p1 [sflag:s31], $0x3C00  }
0x111: {  	s6 =	simm.s32 @!p1 $0x180;
	s3 =	rddreg [dreg:$0x6];
	[sflag:s31] =	ssyncset.done @p1 $0x0  }
0x112: {  	s5 =	rddreg [dreg:$0x5];
	[sflag:s31] =	ssyncadd.s32 @p1 $0xFFFFC400;
	s3 =	sadd.s32 @!p1 s23, s3  }
0x113: {  	[tilespmem:s6], [sflag:$0x4] =	stream.linear.gather @!p1 [hbm4b:s3+s29], $0x78, $0x38;
	[tilespmem:$0x1F800] =	vst v63  }
0x114: {  	s3 =	sadd.s32 @!p1 s23, s5;
	s5 =	simm.s32 @!p1 $0x580;
	s6 =	simm.s32 @!p1 $0x1  }
0x115: {  	[tilespmem:s5], [sflag:$0xA] =	stream.linear.gather @!p1 [hbm4b:s3+s29], $0x78, $0x38;
	[tilespmem:$0x1F800] =	vst v63  }
0x116: {  	_ =	swait.ge @!p1 [sflag:s6], $0x78  }
0x117: {  	s3 =	simm.s32 @!p1 $0xE;
	[sflag:s6] =	ssyncset.done @!p1 $0x0  }
0x118: {  	s5 =	simm.s32 @!p1 $0x78;
	[sflag:s6] =	ssyncadd.s32 @!p1 $0xFFFFFF88;
	s6 =	simm.s32 @!p1 $0x800  }
0x119: {  	[tilespmem:s6], [sflag:$0xD] =	stream.indirect.gather @!p1 [hbm4b:s4+s5], $0x80, s29, s5, $0xb8;
	[tilespmem:$0x1F800] =	vst v63  }
0x11a: {  	_ =	swait.ge @!p1 [sflag:s3], $0x3C00  }
0x11b: {  	[sflag:s3] =	ssyncset.done @!p1 $0x0  }
0x11c: {  	[sflag:s3] =	ssyncadd.s32 @!p1 $0xFFFFC400;
	s3 =	simm.s32 @!p1 $0xB  }
0x11d: {  	_ =	swait.ge @!p1 [sflag:s3], $0x78  }
0x11e: {  	s31 =	simm.s32 @!p1 $0x4400;
	[sflag:s3] =	ssyncset.done @!p1 $0x0  }
0x11f: {  	s6 =	simm.s32 @!p1 $0x10;
	[sflag:s3] =	ssyncadd.s32 @!p1 $0xFFFFFF88;
	s3 =	simm.s32 @!p1 $0x600  }
0x120: {  	[spmem:s1] =	stream.indirect.scatter.add.f32 @!p1 [tilespmem:s31], [sflag:$0x10], $0x80, s3, s5, $0xb8;
	[tilespmem:$0x1F800] =	vst v63  }
0x121: {  	_ =	swait.ge @!p1 [sflag:s6], $0x3C00  }
0x122: {  	s10 =	rddreg [dreg:$0x4]  }
0x123: {  	[sflag:s6] =	ssyncset.done @!p1 $0x0;
	s11 =	rddreg [dreg:$0x3]  }
0x124: {  	[sflag:s6] =	ssyncadd.s32 @!p1 $0xFFFFC400;
	s6 =	sadd.s32 @!p1 s23, s10;
	s10 =	simm.s32 @!p1 $0x200  }
0x125: {  	[tilespmem:s10], [sflag:$0x5] =	stream.linear.gather @!p1 [hbm4b:s6+s29], $0x78, $0x38;
	[tilespmem:$0x1F800] =	vst v63  }
0x126: {  	s6 =	sadd.s32 @!p1 s23, s11;
	s10 =	simm.s32 @!p1 $0x2  }
0x127: {  	[tilespmem:s3], [sflag:$0xB] =	stream.linear.gather @!p1 [hbm4b:s6+s29], $0x78, $0x38;
	[tilespmem:$0x1F800] =	vst v63  }
0x128: {  	_ =	swait.ge @!p1 [sflag:s10], $0x78  }
0x129: {  	[sflag:s10] =	ssyncset.done @!p1 $0x0  }
0x12a: {  	[sflag:s10] =	ssyncadd.s32 @!p1 $0xFFFFFF88  }
0x12b: {  	[tilespmem:s31], [sflag:$0xE] =	stream.indirect.gather @!p1 [hbm4b:s4+s5], $0x80, s30, s5, $0xb8;
	[tilespmem:$0x1F800] =	vst v63  }
0x12c: {  	_ =	swait.ge [sflag:s21], $0x3C00  }
0x12d: {  	[sflag:s21] =	ssyncset.done $0x0  }
0x12e: {  	s28 =	smov.u32 s26;
	s26 =	sadd.s32 $0x5A, s26;
	[sflag:s21] =	ssyncadd.s32 $0xFFFFC400  }
0x12f: {  	p0 =	sne.s32 s26, $0x4EC;
	_ =	swait.ge [sflag:s22], $0x78  }
.Ltmp0:
0x130: {  	[sflag:s22] =	ssyncset.done $0x0;
	(pc) =	sbr.rel @p0 .LBB2_2-.Ltmp0, $4  }
0x131: {  	[sflag:s22] =	ssyncadd.s32 $0xFFFFFF88  }
0x132: {  	[spmem:s1] =	stream.indirect.scatter.add.f32 [tilespmem:s14], [sflag:$0x10], $0x80, s12, s7, $0xb8;
	[tilespmem:$0x1F800] =	vst v63  }
0x133: {  	_ =	swait.ge [sflag:s2], $0x3C00  }
0x134: {  	s23 =	smov.u32 s28;
	s29 =	rddreg [dreg:$0xc];
	[sflag:s2] =	ssyncset.done $0x0  }
0x135: {  	s3 =	rddreg [dreg:$0xb];
	[sflag:s2] =	ssyncadd.s32 $0xFFFFC400  }
0x136: {  	s5 =	sadd.s32 s23, s29;
	s6 =	simm.s32 $0x0;
	s10 =	simm.s32 $0x280  }
0x137: {  	[tilespmem:s10], [sflag:$0x6] =	stream.linear.gather [hbm4b:s5+s6], $0x78, $0x38;
	[tilespmem:$0x1F800] =	vst v63  }
0x138: {  	s3 =	sadd.s32 s23, s3  }
0x139: {  	[tilespmem:s12], [sflag:$0xC] =	stream.linear.gather [hbm4b:s3+s6], $0x78, $0x38;
	[tilespmem:$0x1F800] =	vst v63  }
0x13a: {  	_ =	swait.ge [sflag:s13], $0x78  }
0x13b: {  	[sflag:s13] =	ssyncset.done $0x0  }
0x13c: {  	s26 =	simm.s32 $0x100;
	[sflag:s13] =	ssyncadd.s32 $0xFFFFFF88  }
0x13d: {  	[tilespmem:s14], [sflag:$0xF] =	stream.indirect.gather [hbm4b:s4+s7], $0x80, s26, s7, $0xb8;
	[tilespmem:$0x1F800] =	vst v63  }
0x13e: {  	_ =	swait.ge [sflag:s15], $0x3C00  }
0x13f: {  	[sflag:s15] =	ssyncset.done $0x0  }
0x140: {  	[sflag:s15] =	ssyncadd.s32 $0xFFFFC400  }
0x141: {  	_ =	swait.ge [sflag:s16], $0x78  }
0x142: {  	[sflag:s16] =	ssyncset.done $0x0  }
0x143: {  	s28 =	simm.s32 $0x400;
	[sflag:s16] =	ssyncadd.s32 $0xFFFFFF88  }
0x144: {  	[spmem:s1] =	stream.indirect.scatter.add.f32 [tilespmem:s8], [sflag:$0x10], $0x80, s28, s7, $0xb8;
	[tilespmem:$0x1F800] =	vst v63  }
0x145: {  	p0 =	seq.s32 s23, $0x492;
	s3 =	sadd.s32 $0x2D0, s25;
	_ =	swait.ge [sflag:s2], $0x3C00  }
0x146: {  	s3 =	sshrl.u32 @!p0 s3, $0x3;
	[sflag:s2] =	ssyncset.done $0x0;
	s5 =	rddreg [dreg:$0xd]  }
0x147: {  	s25 =	simm.s32 @!p0 $0x0;
	[sflag:s2] =	ssyncadd.s32 $0xFFFFC400;
	s5 =	sadd.s32 @!p0 s5, s3  }
0x148: {  	[tilespmem:s25], [sflag:$0x1] =	stream.linear.gather @!p0 [hbm4b:s5+s25], $0x78, $0x38;
	[tilespmem:$0x1F800] =	vst v63  }
0x149: {  	s5 =	rddreg [dreg:$0xe]  }
0x14a: {  	s3 =	sadd.s32 @!p0 s5, s3;
	s5 =	simm.s32 @!p0 $0x400  }
0x14b: {  	[tilespmem:s5], [sflag:$0x7] =	stream.linear.gather @!p0 [hbm4b:s3+s25], $0x78, $0x38;
	[tilespmem:$0x1F800] =	vst v63  }
0x14c: {  	_ =	swait.ge [sflag:s17], $0x78  }
0x14d: {  	[sflag:s17] =	ssyncset.done $0x0  }
0x14e: {  	s29 =	simm.s32 $0x180;
	[sflag:s17] =	ssyncadd.s32 $0xFFFFFF88  }
0x14f: {  	[tilespmem:s8], [sflag:$0xD] =	stream.indirect.gather [hbm4b:s4+s7], $0x80, s29, s7, $0xb8;
	[tilespmem:$0x1F800] =	vst v63  }
0x150: {  	_ =	swait.ge [sflag:s18], $0x3C00  }
0x151: {  	[sflag:s18] =	ssyncset.done $0x0  }
0x152: {  	[sflag:s18] =	ssyncadd.s32 $0xFFFFC400  }
0x153: {  	_ =	swait.ge [sflag:s24], $0x78  }
0x154: {  	[sflag:s24] =	ssyncset.done $0x0  }
0x155: {  	s30 =	simm.s32 $0x480;
	s31 =	simm.s32 $0x4400;
	[sflag:s24] =	ssyncadd.s32 $0xFFFFFF88  }
0x156: {  	[spmem:s1] =	stream.indirect.scatter.add.f32 [tilespmem:s31], [sflag:$0x10], $0x80, s30, s7, $0xb8;
	[tilespmem:$0x1F800] =	vst v63  }
0x157: {  	_ =	swait.ge [sflag:s2], $0x3C00  }
0x158: {  	s26 =	simm.s32 @!p0 $0x80;
	s3 =	rddreg [dreg:$0xa];
	[sflag:s2] =	ssyncset.done $0x0  }
0x159: {  	s5 =	rddreg [dreg:$0x9];
	[sflag:s2] =	ssyncadd.s32 $0xFFFFC400;
	s3 =	sadd.s32 @!p0 s23, s3  }
0x15a: {  	[tilespmem:s26], [sflag:$0x2] =	stream.linear.gather @!p0 [hbm4b:s3+s25], $0x78, $0x38;
	[tilespmem:$0x1F800] =	vst v63  }
0x15b: {  	s3 =	sadd.s32 @!p0 s23, s5;
	s5 =	simm.s32 @!p0 $0x480  }
0x15c: {  	[tilespmem:s5], [sflag:$0x8] =	stream.linear.gather @!p0 [hbm4b:s3+s25], $0x78, $0x38;
	[tilespmem:$0x1F800] =	vst v63  }
0x15d: {  	_ =	swait.ge [sflag:s20], $0x78  }
0x15e: {  	[sflag:s20] =	ssyncset.done $0x0  }
0x15f: {  	s5 =	simm.s32 $0x200;
	[sflag:s20] =	ssyncadd.s32 $0xFFFFFF88  }
0x160: {  	[tilespmem:s31], [sflag:$0xE] =	stream.indirect.gather [hbm4b:s4+s7], $0x80, s5, s7, $0xb8;
	[tilespmem:$0x1F800] =	vst v63  }
0x161: {  	_ =	swait.ge [sflag:s21], $0x3C00  }
0x162: {  	[sflag:s21] =	ssyncset.done $0x0  }
0x163: {  	[sflag:s21] =	ssyncadd.s32 $0xFFFFC400  }
0x164: {  	_ =	swait.ge [sflag:s0], $0x78  }
0x165: {  	[sflag:s0] =	ssyncset.done $0x0  }
0x166: {  	s6 =	simm.s32 $0x500;
	[sflag:s0] =	ssyncadd.s32 $0xFFFFFF88  }
0x167: {  	[spmem:s1] =	stream.indirect.scatter.add.f32 [tilespmem:s14], [sflag:$0x10], $0x80, s6, s7, $0xb8;
	[tilespmem:$0x1F800] =	vst v63  }
0x168: {  	_ =	swait.ge [sflag:s2], $0x3C00  }
0x169: {  	s6 =	simm.s32 @!p0 $0x100;
	s3 =	rddreg [dreg:$0x8];
	[sflag:s2] =	ssyncset.done $0x0  }
0x16a: {  	s5 =	rddreg [dreg:$0x7];
	[sflag:s2] =	ssyncadd.s32 $0xFFFFC400;
	s3 =	sadd.s32 @!p0 s23, s3  }
0x16b: {  	[tilespmem:s6], [sflag:$0x3] =	stream.linear.gather @!p0 [hbm4b:s3+s25], $0x78, $0x38;
	[tilespmem:$0x1F800] =	vst v63  }
0x16c: {  	s3 =	sadd.s32 @!p0 s23, s5;
	s5 =	simm.s32 @!p0 $0x500  }
0x16d: {  	[tilespmem:s5], [sflag:$0x9] =	stream.linear.gather @!p0 [hbm4b:s3+s25], $0x78, $0x38;
	[tilespmem:$0x1F800] =	vst v63  }
0x16e: {  	_ =	swait.ge [sflag:s9], $0x78  }
0x16f: {  	[sflag:s9] =	ssyncset.done $0x0  }
0x170: {  	[sflag:s9] =	ssyncadd.s32 $0xFFFFFF88  }
0x171: {  	[tilespmem:s14], [sflag:$0xF] =	stream.indirect.gather [hbm4b:s4+s7], $0x80, s10, s7, $0xb8;
	[tilespmem:$0x1F800] =	vst v63  }
0x172: {  	_ =	swait.ge [sflag:s15], $0x3C00  }
0x173: {  	[sflag:s15] =	ssyncset.done $0x0  }
0x174: {  	[sflag:s15] =	ssyncadd.s32 $0xFFFFC400  }
0x175: {  	_ =	swait.ge [sflag:s19], $0x78  }
0x176: {  	[sflag:s19] =	ssyncset.done $0x0  }
0x177: {  	s11 =	simm.s32 $0x580;
	[sflag:s19] =	ssyncadd.s32 $0xFFFFFF88  }
0x178: {  	[spmem:s1] =	stream.indirect.scatter.add.f32 [tilespmem:s8], [sflag:$0x10], $0x80, s11, s7, $0xb8;
	[tilespmem:$0x1F800] =	vst v63  }
0x179: {  	_ =	swait.ge [sflag:s2], $0x3C00  }
0x17a: {  	[sflag:s2] =	ssyncset.done $0x0  }
0x17b: {  	s3 =	simm.s32 @p0 $0xE;
	[sflag:s2] =	ssyncadd.s32 $0xFFFFC400  }
0x17c: {  	_ =	swait.ge @p0 [sflag:s3], $0x3C00  }
0x17d: {  	[sflag:s3] =	ssyncset.done @p0 $0x0  }
0x17e: {  	[sflag:s3] =	ssyncadd.s32 @p0 $0xFFFFC400;
	s3 =	simm.s32 @p0 $0xB  }
0x17f: {  	_ =	swait.ge @p0 [sflag:s3], $0x78  }
0x180: {  	s6 =	simm.s32 @p0 $0x10;
	s5 =	simm.s32 @p0 $0x4400;
	[sflag:s3] =	ssyncset.done @p0 $0x0  }
0x181: {  	s10 =	simm.s32 @p0 $0x600;
	[sflag:s3] =	ssyncadd.s32 @p0 $0xFFFFFF88;
	s3 =	simm.s32 @p0 $0x78  }
0x182: {  	[spmem:s1] =	stream.indirect.scatter.add.f32 @p0 [tilespmem:s5], [sflag:$0x10], $0x80, s10, s3, $0xb8;
	[tilespmem:$0x1F800] =	vst v63  }
0x183: {  	_ =	swait.ge @p0 [sflag:s6], $0x3C00  }
0x184: {  	s3 =	rddreg [dreg:$0x6]  }
0x185: {  	[sflag:s6] =	ssyncset.done @p0 $0x0;
	s5 =	rddreg [dreg:$0x5]  }
0x186: {  	[sflag:s6] =	ssyncadd.s32 @p0 $0xFFFFC400;
	s3 =	sadd.s32 @!p0 s23, s3;
	s6 =	simm.s32 @!p0 $0x180  }
0x187: {  	[tilespmem:s6], [sflag:$0x4] =	stream.linear.gather @!p0 [hbm4b:s3+s25], $0x78, $0x38;
	[tilespmem:$0x1F800] =	vst v63  }
0x188: {  	s3 =	sadd.s32 @!p0 s23, s5;
	s5 =	simm.s32 @!p0 $0x580;
	s6 =	simm.s32 @!p0 $0x1  }
0x189: {  	[tilespmem:s5], [sflag:$0xA] =	stream.linear.gather @!p0 [hbm4b:s3+s25], $0x78, $0x38;
	[tilespmem:$0x1F800] =	vst v63  }
0x18a: {  	_ =	swait.ge @!p0 [sflag:s6], $0x78  }
0x18b: {  	s3 =	simm.s32 @!p0 $0xE;
	[sflag:s6] =	ssyncset.done @!p0 $0x0  }
0x18c: {  	s5 =	simm.s32 @!p0 $0x78;
	[sflag:s6] =	ssyncadd.s32 @!p0 $0xFFFFFF88;
	s6 =	simm.s32 @!p0 $0x800  }
0x18d: {  	[tilespmem:s6], [sflag:$0xD] =	stream.indirect.gather @!p0 [hbm4b:s4+s5], $0x80, s25, s5, $0xb8;
	[tilespmem:$0x1F800] =	vst v63  }
0x18e: {  	_ =	swait.ge @!p0 [sflag:s3], $0x3C00  }
0x18f: {  	[sflag:s3] =	ssyncset.done @!p0 $0x0  }
0x190: {  	[sflag:s3] =	ssyncadd.s32 @!p0 $0xFFFFC400;
	s3 =	simm.s32 @!p0 $0xB  }
0x191: {  	_ =	swait.ge @!p0 [sflag:s3], $0x78  }
0x192: {  	s10 =	simm.s32 @!p0 $0x4400;
	[sflag:s3] =	ssyncset.done @!p0 $0x0  }
0x193: {  	s6 =	simm.s32 @!p0 $0x10;
	[sflag:s3] =	ssyncadd.s32 @!p0 $0xFFFFFF88;
	s3 =	simm.s32 @!p0 $0x600  }
0x194: {  	[spmem:s1] =	stream.indirect.scatter.add.f32 @!p0 [tilespmem:s10], [sflag:$0x10], $0x80, s3, s5, $0xb8;
	[tilespmem:$0x1F800] =	vst v63  }
0x195: {  	_ =	swait.ge @!p0 [sflag:s6], $0x3C00  }
0x196: {  	s11 =	rddreg [dreg:$0x4]  }
0x197: {  	[sflag:s6] =	ssyncset.done @!p0 $0x0;
	s28 =	rddreg [dreg:$0x3]  }
0x198: {  	[sflag:s6] =	ssyncadd.s32 @!p0 $0xFFFFC400;
	s6 =	sadd.s32 @!p0 s23, s11;
	s11 =	simm.s32 @!p0 $0x200  }
0x199: {  	[tilespmem:s11], [sflag:$0x5] =	stream.linear.gather @!p0 [hbm4b:s6+s25], $0x78, $0x38;
	[tilespmem:$0x1F800] =	vst v63  }
0x19a: {  	s6 =	sadd.s32 @!p0 s23, s28  }
0x19b: {  	[tilespmem:s3], [sflag:$0xB] =	stream.linear.gather @!p0 [hbm4b:s6+s25], $0x78, $0x38;
	[tilespmem:$0x1F800] =	vst v63  }
0x19c: {  	s3 =	simm.s32 @!p0 $0x2  }
0x19d: {  	_ =	swait.ge @!p0 [sflag:s3], $0x78  }
0x19e: {  	[sflag:s3] =	ssyncset.done @!p0 $0x0  }
0x19f: {  	[sflag:s3] =	ssyncadd.s32 @!p0 $0xFFFFFF88  }
0x1a0: {  	[tilespmem:s10], [sflag:$0xE] =	stream.indirect.gather @!p0 [hbm4b:s4+s5], $0x80, s26, s5, $0xb8;
	[tilespmem:$0x1F800] =	vst v63  }
0x1a1: {  	_ =	swait.ge [sflag:s21], $0x3C00  }
0x1a2: {  	[sflag:s21] =	ssyncset.done $0x0  }
0x1a3: {  	[sflag:s21] =	ssyncadd.s32 $0xFFFFC400  }
0x1a4: {  	_ =	swait.ge [sflag:s22], $0x78  }
0x1a5: {  	[sflag:s22] =	ssyncset.done $0x0  }
0x1a6: {  	[sflag:s22] =	ssyncadd.s32 $0xFFFFFF88  }
0x1a7: {  	[spmem:s1] =	stream.indirect.scatter.add.f32 [tilespmem:s14], [sflag:$0x10], $0x80, s12, s7, $0xb8;
	[tilespmem:$0x1F800] =	vst v63  }
0x1a8: {  	_ =	swait.ge [sflag:s2], $0x3C00  }
0x1a9: {  	[sflag:s2] =	ssyncset.done $0x0  }
0x1aa: {  	[sflag:s2] =	ssyncadd.s32 $0xFFFFC400  }
0x1ab: {  	[bflag:$0x0] =	sbarrier.arrive $0xFFFF  }
0x1ac: {  	s29 =	sld [smem:$0x7FD]  }
0x1ad: {  	s11 =	rddreg [dreg:$0x1b]  }
0x1ae: {  	s28 =	rddreg [dreg:$0x1c]  }
0x1af: {  	[hbm:s28], [sflag:s11] =	dma.local [spmem:s29], $0x2780  }
0x1b0: {  	_ =	swait.ge [sflag:s2], $0x2780  }
0x1b1: {  	s30 =	rddreg [dreg:$0x1f]  }
0x1b2: {  	s31 =	rddreg [dreg:$0x1d];
	s5 =	sadd.s32 $0x1, s30  }
0x1b3: {  	p0 =	sne.s32 s5, s31  }
.Ltmp1:
0x1b4: {  	_ = 	snop;
	(pc) =	sbr.rel @p0 .LBB2_1-.Ltmp1, $3  }
0x1b5: {  	_ =	sdelay $0x1  }
0x1b6: {  	[sflag:s2] =	ssyncset.done $0x0  }
0x1b7: {  	[sflag:s2] =	ssyncadd.s32 $0xFFFFD880  }
0x1b8: {  	_ =	sfence.sel $0x180000  }
0x1b9: {  	[bflag:$0x0] =	sbarrier.arrive $0xFFFF  }
0x1ba: {  	_ =	strace $0x9000004A  }
0x1bb: {  	s0 =	stileid.u32;
	[bflag:$0x2] =	sbarrier.arrive $0xFFFF  }
0x1bc: {  	p0 =	sne.s32 s0, $0x0;
	s0 =	rddreg [dreg:$0x2]  }
0x1bd: {  	s0 =	sadd.s32 @!p0 $0x100000, s0  }
0x1be: {  	[sflag:s0] =	ssyncadd.tile.s32 @!p0 $0x1;
	_ =	shalt  }
.Lfunc_end2:
_tile_overlayer_lowered:
.L_overlay_start_2:
0x1bf: {  	(tag) =	ssettag $0x2  }
0x1c0: {  	s0 =	rddreg [dreg:$0x0];
	s2 =	stileid.u32  }
0x1c1: {  	s1 =	rddreg [dreg:$0x1];
	p0 =	sne.s32 s2, $0x0  }
0x1c2: {  	s3 =	rddreg [dreg:$0x2];
	[bflag:$0x3] =	sbarrier.arrive $0xFFFF;
	s2 =	simm.s32 @!p0 $0x1C10  }
0x1c3: {  	[timem:s3], [sflag:s2] =	dma.local @!p0 [hbm:s0], s1  }
0x1c4: {  	s0 =	simm.s32 @!p0 $0x10  }
0x1c5: {  	_ =	swait.ge @!p0 [sflag:s0], s1  }
0x1c6: {  	s1 =	ssub.s32 @!p0 $0x0, s1;
	[sflag:s0] =	ssyncset.done @!p0 $0x0  }
0x1c7: {  	[sflag:s0] =	ssyncadd.s32 @!p0 s1  }
0x1c8: {  	[bflag:$0x3] =	sbarrier.arrive $0xFFFF  }
0x1c9: {  	_ =	shalt  }

// kernel: kernel.14.cloned.1.call-start
scs
__scs_entry_jumppad:
0x0: {  	(pc) =	sbr.rel $0x88, $3  }
0x1: {  	(tag) =	ssettag $0x0;
	lr =	simm.s32 $0x1  }
0x2: {  	[smem:$0x3F99] =	sst lr;
	_ =	strace $0xD0000000  }
0x3: {  	_ = 	snop  }
0x4: {  	_ = 	snop  }
0x5: {  	_ = 	snop  }
0x6: {  	_ = 	snop  }
0x7: {  	_ = 	snop  }
__scs_overlays_trampoline_lowered:
0x8: {  	[smem:$0x3FA8] =	sst s0  }
0x9: {  	[smem:$0x3FA9] =	sst s1  }
0xa: {  	[smem:$0x3FAA] =	sst s2  }
0xb: {  	[smem:$0x3FAB] =	sst s3  }
0xc: {  	[smem:$0x3FAC] =	sst s4  }
0xd: {  	[smem:$0x3FAD] =	sst s5  }
0xe: {  	[smem:$0x3FAE] =	sst s6  }
0xf: {  	[smem:$0x3FAF] =	sst s7  }
0x10: {  	[smem:$0x3FB0] =	sst s8  }
0x11: {  	[smem:$0x3FB1] =	sst s9;
	s0 =	simm.s32 @!p0 $0x0  }
0x12: {  	s1 =	sld [smem:$0x3F97];
	s0 =	simm.s32 @p0 $0x1  }
0x13: {  	[smem:$0x3FB2] =	sst s0;
	s0 =	simm.s32 @!p1 $0x0  }
0x14: {  	s2 =	sld [smem:$0x3F96];
	s0 =	simm.s32 @p1 $0x1  }
0x15: {  	[smem:$0x3FB3] =	sst s0;
	s0 =	simm.s32 @!p2 $0x0  }
0x16: {  	s3 =	sld [smem:$0x3FDB];
	s0 =	simm.s32 @p2 $0x1  }
0x17: {  	s4 =	simm.s32 $0x1BF5;
	[smem:$0x3FB5] =	sst s0  }
0x18: {  	s0 =	sld [smem:$0x3F98];
	_ =	swait.ge [sflag:s4], $0x0  }
0x19: {  	s7 =	sld [smem:$0x3F99]  }
0x1a: {  	s8 =	sadd.s32 $0xFFFFE003, lr  }
0x1b: {  	s9 =	sadd.s32 $0xFFFFFEF7, lr;
	s5 =	simm.s32 $0xFFFFFFFF;
	p2 =	slt.u32 s8, $0xFFFFF086  }
0x1c: {  	p1 =	slt.u32 s9, $0xF7A;
	s5 =	simm.s32 @!p2 $0x0  }
0x1d: {  	s5 =	simm.s32 @p1 $0x1;
	p0 =	seq.s32 s7, s2  }
0x1e: {  	s7 =	smul.u32 @!p0 $0xF7A, s2;
	p2 =	seq.s32 @!p0 s5, $0x0  }
0x1f: {  	s9 =	smul.u32 $0xF7A, s1;
	s8 =	simm.s32 @!p0 $0x1BF5;
	p2 =	por !p2, p0  }
0x20: {  	[sflag:s8] =	ssyncset.s32 @!p0 $0xFFFFF086;
	s6 =	sadd.s32 @!p0 s3, s7;
	s7 =	simm.s32 @!p0 $0x108  }
0x21: {  	s3 =	sadd.s32 s3, s9;
	s6 =	sadd.s32 @!p0 $0x88, s6;
	s7 =	simm.s32 @p2 $0x1082  }
0x22: {  	[simem:s7], [sflag:s8] =	dma.local @!p0 [hbm:s6], $0xF7A  }
0x23: {  	s9 =	sor.u32 $0xD0000000, s2;
	s6 =	simm.s32 $0x108;
	_ =	swait.ge @!p0 [sflag:s8], $0x0  }
0x24: {  	s3 =	sadd.s32 $0x88, s3;
	s6 =	simm.s32 @!p1 $0x1082;
	[sflag:s4] =	ssyncset.s32 $0xFFFFF086  }
0x25: {  	[simem:s6], [sflag:s4] =	dma.local [hbm:s3], $0xF7A  }
0x26: {  	[smem:$0x3F99] =	sst s1;
	(tag) =	ssettag s2;
	_ =	strace s9  }
0x27: {  	s1 =	sld [smem:$0x3FA9]  }
0x28: {  	s2 =	sld [smem:$0x3FAA]  }
0x29: {  	s4 =	sld [smem:$0x3FAC]  }
0x2a: {  	p0 =	seq.s32 s5, $0x0;
	s5 =	sld [smem:$0x3FAD]  }
0x2b: {  	s6 =	sld [smem:$0x3FAE]  }
0x2c: {  	s7 =	sld [smem:$0x3FAF]  }
0x2d: {  	s3 =	simm.s32 $0x108;
	s8 =	sld [smem:$0x3FB0]  }
0x2e: {  	s3 =	simm.s32 @!p0 $0x1082;
	s9 =	sld [smem:$0x3FB1]  }
0x2f: {  	lr =	sadd.s32 s0, s3;
	s0 =	sld [smem:$0x3FA8]  }
0x30: {  	s3 =	sld [smem:$0x3FAB]  }
0x31: {  	[smem:$0x3FB4] =	sst s10  }
0x32: {  	s10 =	sld [smem:$0x3FB2];
	_ =	sdelay $0x3  }
0x33: {  	p0 =	seq.s32 s10, $0x1;
	s10 =	sld [smem:$0x3FB4];
	_ =	sdelay $0x3  }
0x34: {  	[smem:$0x3FB4] =	sst s10  }
0x35: {  	s10 =	sld [smem:$0x3FB3];
	_ =	sdelay $0x3  }
0x36: {  	p1 =	seq.s32 s10, $0x1;
	s10 =	sld [smem:$0x3FB4];
	_ =	sdelay $0x3  }
0x37: {  	[smem:$0x3FB4] =	sst s10  }
0x38: {  	s10 =	sld [smem:$0x3FB5]  }
0x39: {  	_ = 	snop;
	(pc) =	sbr.ind lr, $3  }
0x3a: {  	_ = 	snop  }
0x3b: {  	_ = 	snop  }
0x3c: {  	p2 =	seq.s32 s10, $0x1;
	s10 =	sld [smem:$0x3FB4]  }
0x3d: {  	_ =	shalt  }
0x3e: {  	_ =	shalt  }
0x3f: {  	_ =	shalt  }
0x40: {  	_ =	shalt  }
0x41: {  	_ =	shalt  }
0x42: {  	_ =	shalt  }
0x43: {  	_ =	shalt  }
0x44: {  	_ =	shalt  }
0x45: {  	_ =	shalt  }
0x46: {  	_ =	shalt  }
0x47: {  	_ =	shalt  }
0x48: {  	_ =	shalt  }
0x49: {  	_ =	shalt  }
0x4a: {  	_ =	shalt  }
0x4b: {  	_ =	shalt  }
0x4c: {  	_ =	shalt  }
0x4d: {  	_ =	shalt  }
0x4e: {  	_ =	shalt  }
0x4f: {  	_ =	shalt  }
0x50: {  	_ =	shalt  }
0x51: {  	_ =	shalt  }
0x52: {  	_ =	shalt  }
0x53: {  	_ =	shalt  }
0x54: {  	_ =	shalt  }
0x55: {  	_ =	shalt  }
0x56: {  	_ =	shalt  }
0x57: {  	_ =	shalt  }
0x58: {  	_ =	shalt  }
0x59: {  	_ =	shalt  }
0x5a: {  	_ =	shalt  }
0x5b: {  	_ =	shalt  }
0x5c: {  	_ =	shalt  }
0x5d: {  	_ =	shalt  }
0x5e: {  	_ =	shalt  }
0x5f: {  	_ =	shalt  }
0x60: {  	_ =	shalt  }
0x61: {  	_ =	shalt  }
0x62: {  	_ =	shalt  }
0x63: {  	_ =	shalt  }
0x64: {  	_ =	shalt  }
0x65: {  	_ =	shalt  }
0x66: {  	_ =	shalt  }
0x67: {  	_ =	shalt  }
0x68: {  	_ =	shalt  }
0x69: {  	_ =	shalt  }
0x6a: {  	_ =	shalt  }
0x6b: {  	_ =	shalt  }
0x6c: {  	_ =	shalt  }
0x6d: {  	_ =	shalt  }
0x6e: {  	_ =	shalt  }
0x6f: {  	_ =	shalt  }
0x70: {  	_ =	shalt  }
0x71: {  	_ =	shalt  }
0x72: {  	_ =	shalt  }
0x73: {  	_ =	shalt  }
0x74: {  	_ =	shalt  }
0x75: {  	_ =	shalt  }
0x76: {  	_ =	shalt  }
0x77: {  	_ =	shalt  }
0x78: {  	_ =	shalt  }
0x79: {  	_ =	shalt  }
0x7a: {  	_ =	shalt  }
0x7b: {  	_ =	shalt  }
0x7c: {  	_ =	shalt  }
0x7d: {  	_ =	shalt  }
0x7e: {  	_ =	shalt  }
0x7f: {  	_ =	shalt  }
0x80: {  	_ =	shalt  }
0x81: {  	_ =	shalt  }
0x82: {  	_ =	shalt  }
0x83: {  	_ =	shalt  }
0x84: {  	_ =	shalt  }
0x85: {  	_ =	shalt  }
0x86: {  	_ =	shalt  }
0x87: {  	_ =	shalt  }
.Lfunc_end0:
.L_simem_size_0:
called_computation.2_lowered:
.L_overlay_start_0:
0x88: {  	s2 =	sld [smem:$0x3FD9]  }
0x89: {  	s3 =	sld [smem:$0x3FFE];
	_ =	sdelay $0x1  }
0x8a: {  	s1 =	srdreg.scid  }
0x8b: {  	s0 =	sand.u32 $0x1, s1  }
0x8c: {  	s16 =	sshll.u32 s0, $0xA;
	s2 =	sadd.s32 s3, s2  }
0x8d: {  	s2 =	sadd.s32 s2, s16  }
0x8e: {  	[smem:$0x3FC0] =	sst s2  }
0x8f: {  	_ = 	snop  }
0x90: {  	(tm) =	ssettm $0x1  }
0x91: {  	s17 =	sld [smem:$0x3FFB];
	_ =	sdelay $0x3  }
0x92: {  	_ =	strace s17  }
0x93: {  	s2 =	sld [smem:$0x3FFC];
	_ =	sdelay $0x3  }
0x94: {  	_ =	strace s2  }
0x95: {  	s2 =	sld [smem:$0x3FFD];
	_ =	sdelay $0x3  }
0x96: {  	_ =	strace s2  }
0x97: {  	_ =	strace $0x8FFFFFFF  }
0x98: {  	s18 =	sld [smem:$0x3FDB];
	_ =	sdelay $0x1  }
0x99: {  	s19 =	simm.s32 $_scs_section_size  }
0x9a: {  	s4 =	simm.s32 $_size__tile_overlayer_lowered;
	s5 =	simm.s32 $_tile_overlayer_lowered  }
0x9b: {  	s22 =	simm.s32 $0x1BFF;
	s21 =	sshll.u32 s5, $0x1;
	s2 =	sadd.s32 s19, s18  }
0x9c: {  	s6 =	simm.s32 $0x0;
	s20 =	sshll.u32 s4, $0x1;
	s4 =	sadd.s32 s21, s2  }
0x9d: {  	[timem:s6], [sflag:s22] =	dma.local [hbm:s4], s20  }
0x9e: {  	_ =	swait.ge [sflag:s22], s20  }
0x9f: {  	s3 =	ssub.s32 $0x0, s20;
	[sflag:s22] =	ssyncset.done $0x0  }
0xa0: {  	[sflag:s22] =	ssyncadd.s32 s3;
	_ =	sdelay $0x1  }
0xa1: {  	s23 =	simm.s32 $0x1B8B  }
0xa2: {  	_ =	swait.ge [sflag:s23], $0x1  }
0xa3: {  	[sflag:s23] =	ssyncset.done $0x0  }
0xa4: {  	s25 =	simm.s32 $0x1B8E;
	s24 =	sld [smem:$0x3FFE];
	[sflag:s23] =	ssyncadd.s32 $0xFFFFFFFF  }
0xa5: {  	s26 =	simm.s32 $execute0_lowered;
	[smem:$0x3FD2] =	sst s25  }
0xa6: {  	s4 =	sshll.u32 s26, $0x1;
	_ =	strace $0x8000004C;
	[dreg:$0x1] =	wrdreg $0xFFFFFFFF  }
0xa7: {  	s28 =	simm.s32 $_size_execute0_lowered;
	s2 =	sadd.s32 s2, s4;
	[dreg:$0x0] =	wrdreg $0x0  }
0xa8: {  	s4 =	sshll.u32 s28, $0x1;
	[dreg:$0x2] =	wrdreg s2  }
0xa9: {  	[dreg:$0x3] =	wrdreg s4  }
0xaa: {  	[dreg:$0x4] =	wrdreg $0xC0  }
0xab: {  	_ =	task [dreg:s6], $0x5FFFF  }
0xac: {  	[dreg:$0x1] =	wrdreg $0xFFFFFFFF  }
0xad: {  	[dreg:$0x0] =	wrdreg $0x60  }
0xae: {  	[dreg:$0x2] =	wrdreg s24  }
0xaf: {  	[dreg:$0x3] =	wrdreg $0xBC000  }
0xb0: {  	[dreg:$0x4] =	wrdreg $0x9  }
0xb1: {  	_ =	task.clear_ibuf [dreg:s6], $0x5FFFF;
	_ =	strace $0x9000004C  }
0xb2: {  	s29 =	simm.s32 $0x9;
	_ =	strace $0x8000004E  }
0xb3: {  	_ =	swait.ge [sflag:s29], $0x1  }
0xb4: {  	[sflag:s29] =	ssyncadd.s32 $0xFFFFFFFF  }
0xb5: {  	_ =	strace $0x9000004E  }
0xb6: {  	_ =	sfence  }
0xb7: {  	s30 =	sld [smem:$0x0];
	_ =	sdelay $0x2  }
0xb8: {  	s31 =	sshll.u32 s1, $0xD;
	s1 =	sshrl.u32 s1, $0x2  }
0xb9: {  	s3 =	sand.u32 $0x4000, s31;
	s1 =	sadd.s32 s1, s30  }
0xba: {  	s0 =	sor.u32 s3, s0;
	s1 =	sshll.u32 s1, $0x11  }
0xbb: {  	s0 =	sor.u32 s1, s0  }
0xbc: {  	s0 =	sadd.s32 $0x8F2B, s0  }
0xbd: {  	[sflag:s0] =	ssyncadd.remote.s32 $0x1  }
0xbe: {  	_ =	sfence.sel $0xFFFF  }
0xbf: {  	[dreg:$0x0] =	wrdreg $0xFFFFFFFF;
	(pc) =	sbr.abs _section_cstart, $3  }
0xc0: {  	[dreg:$0x1] =	wrdreg $0xFFFFFFFF  }
0xc1: {  	_ =	task.clear_ibuf [dreg:s6], $0x2FFFF;
	_ =	strace $0x9FFFFFFF  }
0xc2: {  	(tm) =	ssettm $0x7FFFFFFF  }
0xc3: {  	_ =	shalt  }
tec
execute0_lowered:
.L_overlay_start_1:
0x0: {  	(tag) =	ssettag $0x1  }
0x1: {  	s0 =	rddreg [dreg:$0x0]  }
0x2: {  	s1 =	rddreg [dreg:$0x1];
	s17 =	stileid.u32  }
0x3: {  	s3 =	simm.s32 $0x0;
	s2 =	srdreg.scid;
	s8 =	smul.u32 $0x13C00, s17  }
0x4: {  	[smem:$0x7FF] =	sst s3;
	s2 =	sand.u32 $0x1, s2;
	s28 =	smul.u32 $0x2760, s17  }
0x5: {  	s4 =	sadd.s32 $0x15E00, s0;
	s5 =	sadd.s32 $0x2200, s0;
	s30 =	smul.u32 $0x4F000, s17  }
0x6: {  	s6 =	sadd.s32 $0xC000, s0;
	s10 =	sadd.s32 $0x3D600, s0;
	s7 =	smul.u32 $0x13C000, s2  }
0x7: {  	_ =	strace $0x8000004D;
	s9 =	sshll.u32 s2, $0x4;
	[dreg:$0xf] =	wrdreg s10  }
0x8: {  	s19 =	ssub.s32 $0x2, s2;
	s2 =	smul.u32 $0x27600, s2;
	[dreg:$0xe] =	wrdreg s6  }
0x9: {  	s12 =	sshll.u32 s17, $0x6;
	[dreg:$0xd] =	wrdreg s5;
	s18 =	sor.u32 s17, s9  }
0xa: {  	s7 =	sadd.s32 s8, s7;
	s8 =	smul.u32 $0x2760, s18;
	s2 =	sadd.s32 s28, s2  }
0xb: {  	s20 =	sshrl.u32 s19, $0x1;
	s7 =	sshrl.u32 s7, $0x3;
	s17 =	sadd.s32 $0x3C0, s2  }
0xc: {  	s0 =	sadd.s32 s7, s0;
	s7 =	ssub.s32 s19, s20;
	s21 =	sshrl.u32 s8, $0x3  }
0xd: {  	s22 =	sadd.s32 $0x78, s8;
	s8 =	sadd.s32 $0x168, s8;
	s19 =	sshrl.u32 s17, $0x3  }
0xe: {  	s17 =	simm.s32 $0x4;
	s11 =	sadd.s32 s5, s21;
	s23 =	sadd.s32 s6, s21  }
0xf: {  	s10 =	sshrl.u32 s22, $0x3;
	s25 =	sadd.s32 $0x1E, s21;
	[dreg:$0x10] =	wrdreg s11  }
0x10: {  	s8 =	sshrl.u32 s8, $0x3;
	s20 =	sadd.s32 s19, s6;
	[dreg:$0x11] =	wrdreg s23  }
0x11: {  	s9 =	sadd.s32 $0x3C, s21;
	s22 =	sadd.s32 s19, s5;
	[dreg:$0x7] =	wrdreg s20  }
0x12: {  	s21 =	sadd.s32 $0x348, s2;
	s0 =	sadd.s32 $0x3FE00, s0;
	[dreg:$0x8] =	wrdreg s22  }
0x13: {  	s19 =	simm.s32 $0xA;
	s24 =	sadd.s32 s5, s10;
	[dreg:$0x1c] =	wrdreg s0  }
0x14: {  	s10 =	sadd.s32 s6, s10;
	s26 =	sadd.s32 s5, s25;
	[dreg:$0x12] =	wrdreg s24  }
0x15: {  	s29 =	sadd.s32 s5, s8;
	s8 =	sadd.s32 s6, s8;
	[dreg:$0x13] =	wrdreg s10  }
0x16: {  	s31 =	sadd.s32 s5, s9;
	s9 =	sadd.s32 s6, s9;
	[dreg:$0x14] =	wrdreg s26  }
0x17: {  	s11 =	sadd.s32 $0x4B0, s2;
	s23 =	sshrl.u32 s21, $0x3;
	[dreg:$0x16] =	wrdreg s29  }
0x18: {  	s20 =	simm.s32 $0x5;
	s21 =	simm.s32 $0xF;
	[dreg:$0x17] =	wrdreg s8  }
0x19: {  	s0 =	simm.s32 $0x9;
	s22 =	simm.s32 $0xC;
	[dreg:$0x18] =	wrdreg s31  }
0x1a: {  	s10 =	sadd.s32 s6, s25;
	[dreg:$0x19] =	wrdreg s9;
	s9 =	sshrl.u32 s11, $0x3  }
0x1b: {  	s11 =	sor.u32 $0x1C10, s12;
	s24 =	sadd.s32 s23, s6;
	[dreg:$0x15] =	wrdreg s10  }
0x1c: {  	s25 =	sadd.s32 $0x258, s2;
	s26 =	sadd.s32 s23, s5;
	[dreg:$0x9] =	wrdreg s24  }
0x1d: {  	s12 =	simm.s32 $0x680;
	s10 =	sshrl.u32 s30, $0x2;
	[dreg:$0xa] =	wrdreg s26  }
0x1e: {  	s13 =	sadd.s32 s9, s6;
	s14 =	sadd.s32 s9, s5;
	[dreg:$0x1b] =	wrdreg s11  }
0x1f: {  	s28 =	sshrl.u32 s25, $0x3;
	s30 =	smax.u32 s7, $0x1;
	[dreg:$0x3] =	wrdreg s13  }
0x20: {  	s7 =	simm.s32 $0x78;
	s24 =	simm.s32 $0x8;
	[dreg:$0x4] =	wrdreg s14  }
0x21: {  	s9 =	simm.s32 $0x6;
	s8 =	sadd.s32 s10, s1;
	[dreg:$0x1d] =	wrdreg s30  }
0x22: {  	s10 =	sadd.s32 $0x438, s2;
	s29 =	sadd.s32 s28, s6;
	[dreg:$0x1a] =	wrdreg s8  }
0x23: {  	s31 =	sadd.s32 s28, s5;
	s2 =	sadd.s32 $0x2D0, s2;
	[dreg:$0xb] =	wrdreg s29  }
0x24: {  	s13 =	simm.s32 $0x3;
	s14 =	simm.s32 $0x8000;
	[dreg:$0x1e] =	wrdreg s2  }
0x25: {  	s15 =	sshrl.u32 s10, $0x3;
	[dreg:$0xc] =	wrdreg s31;
	s2 =	simm.s32 $0x10  }
0x26: {  	s8 =	simm.s32 $0x800;
	s16 =	sadd.s32 s15, s6;
	s18 =	sadd.s32 s15, s5  }
0x27: {  	s15 =	simm.s32 $0xD;
	s5 =	simm.s32 $0x0;
	[dreg:$0x5] =	wrdreg s16  }
0x28: {  	[dreg:$0x6] =	wrdreg s18;
	s16 =	simm.s32 $0x7;
	s18 =	simm.s32 $0xE  }
.LBB2_1:
0x29: {  	[dreg:$0x1f] =	wrdreg s5  }
0x2a: {  	s3 =	simm.s32 $0x0;
	s28 =	rddreg [dreg:$0x10]  }
0x2b: {  	[tilespmem:s3], [sflag:$0x1] =	stream.linear.gather [hbm4b:s28+s3], $0x78, $0x38;
	[tilespmem:$0x1F800] =	vst v63  }
0x2c: {  	s30 =	rddreg [dreg:$0x11];
	s6 =	simm.s32 $0x400  }
0x2d: {  	[tilespmem:s6], [sflag:$0x7] =	stream.linear.gather [hbm4b:s30+s3], $0x78, $0x38;
	[tilespmem:$0x1F800] =	vst v63  }
0x2e: {  	s31 =	rddreg [dreg:$0x12];
	s10 =	simm.s32 $0x80  }
0x2f: {  	[tilespmem:s10], [sflag:$0x2] =	stream.linear.gather [hbm4b:s31+s3], $0x78, $0x38;
	[tilespmem:$0x1F800] =	vst v63  }
0x30: {  	s23 =	rddreg [dreg:$0x13];
	s28 =	simm.s32 $0x480  }
0x31: {  	[tilespmem:s28], [sflag:$0x8] =	stream.linear.gather [hbm4b:s23+s3], $0x78, $0x38;
	[tilespmem:$0x1F800] =	vst v63  }
0x32: {  	s25 =	rddreg [dreg:$0x14];
	s26 =	simm.s32 $0x100  }
0x33: {  	[tilespmem:s26], [sflag:$0x3] =	stream.linear.gather [hbm4b:s25+s3], $0x78, $0x38;
	[tilespmem:$0x1F800] =	vst v63  }
0x34: {  	s30 =	rddreg [dreg:$0x15];
	s31 =	simm.s32 $0x500  }
0x35: {  	[tilespmem:s31], [sflag:$0x9] =	stream.linear.gather [hbm4b:s30+s3], $0x78, $0x38;
	[tilespmem:$0x1F800] =	vst v63  }
0x36: {  	s23 =	rddreg [dreg:$0x16];
	s30 =	simm.s32 $0x180  }
0x37: {  	[tilespmem:s30], [sflag:$0x4] =	stream.linear.gather [hbm4b:s23+s3], $0x78, $0x38;
	[tilespmem:$0x1F800] =	vst v63  }
0x38: {  	s25 =	rddreg [dreg:$0x17];
	s23 =	simm.s32 $0x580  }
0x39: {  	[tilespmem:s23], [sflag:$0xA] =	stream.linear.gather [hbm4b:s25+s3], $0x78, $0x38;
	[tilespmem:$0x1F800] =	vst v63  }
0x3a: {  	s29 =	simm.s32 $0x200;
	s25 =	rddreg [dreg:$0x18]  }
0x3b: {  	[tilespmem:s29], [sflag:$0x5] =	stream.linear.gather [hbm4b:s25+s3], $0x78, $0x38;
	[tilespmem:$0x1F800] =	vst v63  }
0x3c: {  	s23 =	rddreg [dreg:$0x19];
	s25 =	simm.s32 $0x600  }
0x3d: {  	[tilespmem:s25], [sflag:$0xB] =	stream.linear.gather [hbm4b:s23+s3], $0x78, $0x38;
	[tilespmem:$0x1F800] =	vst v63  }
0x3e: {  	s25 =	rddreg [dreg:$0x1a]  }
0x3f: {  	s5 =	sshrl.u32 s25, $0x3;
	s25 =	rddreg [dreg:$0xf]  }
0x40: {  	[smem:$0x7FD] =	sst s5  }
0x41: {  	[spmem:s5], [sflag:s11] =	dma.local [hbm:s25], $0x2780  }
0x42: {  	_ =	swait.ge [sflag:s2], $0x2780  }
0x43: {  	[sflag:s2] =	ssyncset.done $0x0  }
0x44: {  	[sflag:s2] =	ssyncadd.s32 $0xFFFFD880  }
0x45: {  	s23 =	simm.s32 $0x1;
	[bflag:$0x0] =	sbarrier.arrive $0xFFFF  }
0x46: {  	_ =	swait.ge [sflag:s23], $0x78  }
0x47: {  	[sflag:s23] =	ssyncset.done $0x0  }
0x48: {  	s25 =	simm.s32 $0x2;
	[sflag:s23] =	ssyncadd.s32 $0xFFFFFF88  }
0x49: {  	[tilespmem:s8], [sflag:$0xD] =	stream.indirect.gather [hbm4b:s4+s7], $0x80, s3, s7, $0xb8;
	[tilespmem:$0x1F800] =	vst v63  }
0x4a: {  	_ =	swait.ge [sflag:s25], $0x78  }
0x4b: {  	[sflag:s25] =	ssyncset.done $0x0  }
0x4c: {  	s11 =	simm.s32 $0x4400;
	s5 =	rddreg [dreg:$0xc];
	[sflag:s25] =	ssyncadd.s32 $0xFFFFFF88  }
0x4d: {  	[tilespmem:s11], [sflag:$0xE] =	stream.indirect.gather [hbm4b:s4+s7], $0x80, s10, s7, $0xb8;
	[tilespmem:$0x1F800] =	vst v63  }
0x4e: {  	s25 =	rddreg [dreg:$0xb];
	s23 =	sadd.s32 $0x0, s5;
	s10 =	simm.s32 $0x280  }
0x4f: {  	[tilespmem:s10], [sflag:$0x6] =	stream.linear.gather [hbm4b:s23+s3], $0x78, $0x38;
	[tilespmem:$0x1F800] =	vst v63  }
0x50: {  	s25 =	sadd.s32 $0x0, s25  }
0x51: {  	[tilespmem:s12], [sflag:$0xC] =	stream.linear.gather [hbm4b:s25+s3], $0x78, $0x38;
	[tilespmem:$0x1F800] =	vst v63  }
0x52: {  	_ =	swait.ge [sflag:s13], $0x78  }
0x53: {  	[sflag:s13] =	ssyncset.done $0x0  }
0x54: {  	[sflag:s13] =	ssyncadd.s32 $0xFFFFFF88  }
0x55: {  	[tilespmem:s14], [sflag:$0xF] =	stream.indirect.gather [hbm4b:s4+s7], $0x80, s26, s7, $0xb8;
	[tilespmem:$0x1F800] =	vst v63  }
0x56: {  	_ =	swait.ge [sflag:s15], $0x3C00  }
0x57: {  	[sflag:s15] =	ssyncset.done $0x0  }
0x58: {  	[sflag:s15] =	ssyncadd.s32 $0xFFFFC400  }
0x59: {  	_ =	swait.ge [sflag:s16], $0x78  }
0x5a: {  	[sflag:s16] =	ssyncset.done $0x0  }
0x5b: {  	[sflag:s16] =	ssyncadd.s32 $0xFFFFFF88  }
0x5c: {  	[spmem:s1] =	stream.indirect.scatter.add.f32 [tilespmem:s8], [sflag:$0x10], $0x80, s6, s7, $0xb8;
	[tilespmem:$0x1F800] =	vst v63  }
0x5d: {  	p0 =	por $0x0, $0x0;
	_ =	swait.ge [sflag:s2], $0x3C00  }
0x5e: {  	s6 =	simm.s32 @!p0 $0x0;
	s5 =	rddreg [dreg:$0x1e]  }
0x5f: {  	[sflag:s2] =	ssyncset.done $0x0;
	s3 =	rddreg [dreg:$0xd];
	s25 =	sshrl.u32 @!p0 s5, $0x3  }
0x60: {  	[sflag:s2] =	ssyncadd.s32 $0xFFFFC400;
	s26 =	sadd.s32 @!p0 s3, s25;
	s3 =	rddreg [dreg:$0xe]  }
0x61: {  	[tilespmem:s6], [sflag:$0x1] =	stream.linear.gather @!p0 [hbm4b:s26+s6], $0x78, $0x38;
	[tilespmem:$0x1F800] =	vst v63  }
0x62: {  	s25 =	sadd.s32 @!p0 s3, s25;
	s26 =	simm.s32 @!p0 $0x400  }
0x63: {  	[tilespmem:s26], [sflag:$0x7] =	stream.linear.gather @!p0 [hbm4b:s25+s6], $0x78, $0x38;
	[tilespmem:$0x1F800] =	vst v63  }
0x64: {  	_ =	swait.ge [sflag:s17], $0x78  }
0x65: {  	[sflag:s17] =	ssyncset.done $0x0  }
0x66: {  	[sflag:s17] =	ssyncadd.s32 $0xFFFFFF88  }
0x67: {  	[tilespmem:s8], [sflag:$0xD] =	stream.indirect.gather [hbm4b:s4+s7], $0x80, s30, s7, $0xb8;
	[tilespmem:$0x1F800] =	vst v63  }
0x68: {  	_ =	swait.ge [sflag:s18], $0x3C00  }
0x69: {  	[sflag:s18] =	ssyncset.done $0x0  }
0x6a: {  	[sflag:s18] =	ssyncadd.s32 $0xFFFFC400  }
0x6b: {  	_ =	swait.ge [sflag:s24], $0x78  }
0x6c: {  	[sflag:s24] =	ssyncset.done $0x0  }
0x6d: {  	[sflag:s24] =	ssyncadd.s32 $0xFFFFFF88  }
0x6e: {  	[spmem:s1] =	stream.indirect.scatter.add.f32 [tilespmem:s11], [sflag:$0x10], $0x80, s28, s7, $0xb8;
	[tilespmem:$0x1F800] =	vst v63  }
0x6f: {  	_ =	swait.ge [sflag:s2], $0x3C00  }
0x70: {  	s3 =	simm.s32 @!p0 $0x80;
	s25 =	rddreg [dreg:$0xa];
	[sflag:s2] =	ssyncset.done $0x0  }
0x71: {  	s26 =	rddreg [dreg:$0x9];
	[sflag:s2] =	ssyncadd.s32 $0xFFFFC400;
	s28 =	sadd.s32 @!p0 $0x0, s25  }
0x72: {  	[tilespmem:s3], [sflag:$0x2] =	stream.linear.gather @!p0 [hbm4b:s28+s6], $0x78, $0x38;
	[tilespmem:$0x1F800] =	vst v63  }
0x73: {  	s26 =	sadd.s32 @!p0 $0x0, s26;
	s28 =	simm.s32 @!p0 $0x480  }
0x74: {  	[tilespmem:s28], [sflag:$0x8] =	stream.linear.gather @!p0 [hbm4b:s26+s6], $0x78, $0x38;
	[tilespmem:$0x1F800] =	vst v63  }
0x75: {  	_ =	swait.ge [sflag:s20], $0x78  }
0x76: {  	[sflag:s20] =	ssyncset.done $0x0  }
0x77: {  	[sflag:s20] =	ssyncadd.s32 $0xFFFFFF88  }
0x78: {  	[tilespmem:s11], [sflag:$0xE] =	stream.indirect.gather [hbm4b:s4+s7], $0x80, s29, s7, $0xb8;
	[tilespmem:$0x1F800] =	vst v63  }
0x79: {  	_ =	swait.ge [sflag:s21], $0x3C00  }
0x7a: {  	[sflag:s21] =	ssyncset.done $0x0  }
0x7b: {  	[sflag:s21] =	ssyncadd.s32 $0xFFFFC400  }
0x7c: {  	_ =	swait.ge [sflag:s0], $0x78  }
0x7d: {  	[sflag:s0] =	ssyncset.done $0x0  }
0x7e: {  	[sflag:s0] =	ssyncadd.s32 $0xFFFFFF88  }
0x7f: {  	[spmem:s1] =	stream.indirect.scatter.add.f32 [tilespmem:s14], [sflag:$0x10], $0x80, s31, s7, $0xb8;
	[tilespmem:$0x1F800] =	vst v63  }
0x80: {  	_ =	swait.ge [sflag:s2], $0x3C00  }
0x81: {  	s29 =	simm.s32 @!p0 $0x100;
	s26 =	rddreg [dreg:$0x8];
	[sflag:s2] =	ssyncset.done $0x0  }
0x82: {  	s28 =	rddreg [dreg:$0x7];
	[sflag:s2] =	ssyncadd.s32 $0xFFFFC400;
	s26 =	sadd.s32 @!p0 $0x0, s26  }
0x83: {  	[tilespmem:s29], [sflag:$0x3] =	stream.linear.gather @!p0 [hbm4b:s26+s6], $0x78, $0x38;
	[tilespmem:$0x1F800] =	vst v63  }
0x84: {  	s26 =	sadd.s32 @!p0 $0x0, s28;
	s28 =	simm.s32 @!p0 $0x500  }
0x85: {  	[tilespmem:s28], [sflag:$0x9] =	stream.linear.gather @!p0 [hbm4b:s26+s6], $0x78, $0x38;
	[tilespmem:$0x1F800] =	vst v63  }
0x86: {  	_ =	swait.ge [sflag:s9], $0x78  }
0x87: {  	[sflag:s9] =	ssyncset.done $0x0  }
0x88: {  	[sflag:s9] =	ssyncadd.s32 $0xFFFFFF88  }
0x89: {  	[tilespmem:s14], [sflag:$0xF] =	stream.indirect.gather [hbm4b:s4+s7], $0x80, s10, s7, $0xb8;
	[tilespmem:$0x1F800] =	vst v63  }
0x8a: {  	_ =	swait.ge [sflag:s15], $0x3C00  }
0x8b: {  	[sflag:s15] =	ssyncset.done $0x0  }
0x8c: {  	[sflag:s15] =	ssyncadd.s32 $0xFFFFC400  }
0x8d: {  	_ =	swait.ge [sflag:s19], $0x78  }
0x8e: {  	[sflag:s19] =	ssyncset.done $0x0  }
0x8f: {  	s31 =	simm.s32 $0x580;
	[sflag:s19] =	ssyncadd.s32 $0xFFFFFF88  }
0x90: {  	[spmem:s1] =	stream.indirect.scatter.add.f32 [tilespmem:s8], [sflag:$0x10], $0x80, s31, s7, $0xb8;
	[tilespmem:$0x1F800] =	vst v63  }
0x91: {  	_ =	swait.ge [sflag:s2], $0x3C00  }
0x92: {  	[sflag:s2] =	ssyncset.done $0x0  }
0x93: {  	s26 =	simm.s32 @p0 $0xE;
	[sflag:s2] =	ssyncadd.s32 $0xFFFFC400  }
0x94: {  	_ =	swait.ge @p0 [sflag:s26], $0x3C00  }
0x95: {  	[sflag:s26] =	ssyncset.done @p0 $0x0  }
0x96: {  	[sflag:s26] =	ssyncadd.s32 @p0 $0xFFFFC400;
	s26 =	simm.s32 @p0 $0xB  }
0x97: {  	_ =	swait.ge @p0 [sflag:s26], $0x78  }
0x98: {  	s30 =	simm.s32 @p0 $0x600;
	s29 =	simm.s32 @p0 $0x10;
	[sflag:s26] =	ssyncset.done @p0 $0x0  }
0x99: {  	s28 =	simm.s32 @p0 $0x4400;
	[sflag:s26] =	ssyncadd.s32 @p0 $0xFFFFFF88;
	s26 =	simm.s32 @p0 $0x78  }
0x9a: {  	[spmem:s1] =	stream.indirect.scatter.add.f32 @p0 [tilespmem:s28], [sflag:$0x10], $0x80, s30, s26, $0xb8;
	[tilespmem:$0x1F800] =	vst v63  }
0x9b: {  	_ =	swait.ge @p0 [sflag:s29], $0x3C00  }
0x9c: {  	s26 =	rddreg [dreg:$0x6]  }
0x9d: {  	[sflag:s29] =	ssyncset.done @p0 $0x0;
	s28 =	rddreg [dreg:$0x5]  }
0x9e: {  	[sflag:s29] =	ssyncadd.s32 @p0 $0xFFFFC400;
	s26 =	sadd.s32 @!p0 $0x0, s26;
	s29 =	simm.s32 @!p0 $0x180  }
0x9f: {  	[tilespmem:s29], [sflag:$0x4] =	stream.linear.gather @!p0 [hbm4b:s26+s6], $0x78, $0x38;
	[tilespmem:$0x1F800] =	vst v63  }
0xa0: {  	s26 =	sadd.s32 @!p0 $0x0, s28;
	s28 =	simm.s32 @!p0 $0x580;
	s29 =	simm.s32 @!p0 $0x1  }
0xa1: {  	[tilespmem:s28], [sflag:$0xA] =	stream.linear.gather @!p0 [hbm4b:s26+s6], $0x78, $0x38;
	[tilespmem:$0x1F800] =	vst v63  }
0xa2: {  	_ =	swait.ge @!p0 [sflag:s29], $0x78  }
0xa3: {  	s26 =	simm.s32 @!p0 $0xE;
	[sflag:s29] =	ssyncset.done @!p0 $0x0  }
0xa4: {  	s28 =	simm.s32 @!p0 $0x78;
	[sflag:s29] =	ssyncadd.s32 @!p0 $0xFFFFFF88;
	s29 =	simm.s32 @!p0 $0x800  }
0xa5: {  	[tilespmem:s29], [sflag:$0xD] =	stream.indirect.gather @!p0 [hbm4b:s4+s28], $0x80, s6, s28, $0xb8;
	[tilespmem:$0x1F800] =	vst v63  }
0xa6: {  	_ =	swait.ge @!p0 [sflag:s26], $0x3C00  }
0xa7: {  	[sflag:s26] =	ssyncset.done @!p0 $0x0  }
0xa8: {  	[sflag:s26] =	ssyncadd.s32 @!p0 $0xFFFFC400;
	s26 =	simm.s32 @!p0 $0xB  }
0xa9: {  	_ =	swait.ge @!p0 [sflag:s26], $0x78  }
0xaa: {  	s30 =	simm.s32 @!p0 $0x4400;
	[sflag:s26] =	ssyncset.done @!p0 $0x0  }
0xab: {  	s29 =	simm.s32 @!p0 $0x10;
	[sflag:s26] =	ssyncadd.s32 @!p0 $0xFFFFFF88;
	s26 =	simm.s32 @!p0 $0x600  }
0xac: {  	[spmem:s1] =	stream.indirect.scatter.add.f32 @!p0 [tilespmem:s30], [sflag:$0x10], $0x80, s26, s28, $0xb8;
	[tilespmem:$0x1F800] =	vst v63  }
0xad: {  	_ =	swait.ge @!p0 [sflag:s29], $0x3C00  }
0xae: {  	s23 =	rddreg [dreg:$0x4]  }
0xaf: {  	[sflag:s29] =	ssyncset.done @!p0 $0x0;
	s25 =	rddreg [dreg:$0x3]  }
0xb0: {  	[sflag:s29] =	ssyncadd.s32 @!p0 $0xFFFFC400;
	s23 =	sadd.s32 @!p0 $0x0, s23;
	s29 =	simm.s32 @!p0 $0x200  }
0xb1: {  	[tilespmem:s29], [sflag:$0x5] =	stream.linear.gather @!p0 [hbm4b:s23+s6], $0x78, $0x38;
	[tilespmem:$0x1F800] =	vst v63  }
0xb2: {  	s23 =	sadd.s32 @!p0 $0x0, s25  }
0xb3: {  	[tilespmem:s26], [sflag:$0xB] =	stream.linear.gather @!p0 [hbm4b:s23+s6], $0x78, $0x38;
	[tilespmem:$0x1F800] =	vst v63  }
0xb4: {  	s23 =	simm.s32 @!p0 $0x2  }
0xb5: {  	_ =	swait.ge @!p0 [sflag:s23], $0x78  }
0xb6: {  	[sflag:s23] =	ssyncset.done @!p0 $0x0  }
0xb7: {  	[sflag:s23] =	ssyncadd.s32 @!p0 $0xFFFFFF88  }
0xb8: {  	[tilespmem:s30], [sflag:$0xE] =	stream.indirect.gather @!p0 [hbm4b:s4+s28], $0x80, s3, s28, $0xb8;
	[tilespmem:$0x1F800] =	vst v63  }
0xb9: {  	_ =	swait.ge [sflag:s21], $0x3C00  }
0xba: {  	[sflag:s21] =	ssyncset.done $0x0  }
0xbb: {  	[sflag:s21] =	ssyncadd.s32 $0xFFFFC400  }
0xbc: {  	_ =	swait.ge [sflag:s22], $0x78  }
0xbd: {  	[sflag:s22] =	ssyncset.done $0x0  }
0xbe: {  	[sflag:s22] =	ssyncadd.s32 $0xFFFFFF88  }
0xbf: {  	[spmem:s1] =	stream.indirect.scatter.add.f32 [tilespmem:s14], [sflag:$0x10], $0x80, s12, s7, $0xb8;
	[tilespmem:$0x1F800] =	vst v63  }
0xc0: {  	s25 =	smov.u32 s5;
	s26 =	simm.s32 $0xB4;
	_ =	swait.ge [sflag:s2], $0x3C00  }
0xc1: {  	s23 =	simm.s32 $0x5A;
	s29 =	rddreg [dreg:$0xc];
	[sflag:s2] =	ssyncset.done $0x0  }
.LBB2_2:
0xc2: {  	[sflag:s2] =	ssyncadd.s32 $0xFFFFC400;
	s30 =	rddreg [dreg:$0xb]  }
0xc3: {  	s29 =	sadd.s32 s23, s29;
	s3 =	simm.s32 $0x0;
	s6 =	simm.s32 $0x280  }
0xc4: {  	[tilespmem:s6], [sflag:$0x6] =	stream.linear.gather [hbm4b:s29+s3], $0x78, $0x38;
	[tilespmem:$0x1F800] =	vst v63  }
0xc5: {  	s29 =	sadd.s32 s23, s30  }
0xc6: {  	[tilespmem:s12], [sflag:$0xC] =	stream.linear.gather [hbm4b:s29+s3], $0x78, $0x38;
	[tilespmem:$0x1F800] =	vst v63  }
0xc7: {  	_ =	swait.ge [sflag:s13], $0x78  }
0xc8: {  	[sflag:s13] =	ssyncset.done $0x0  }
0xc9: {  	s10 =	simm.s32 $0x100;
	[sflag:s13] =	ssyncadd.s32 $0xFFFFFF88  }
0xca: {  	[tilespmem:s14], [sflag:$0xF] =	stream.indirect.gather [hbm4b:s4+s7], $0x80, s10, s7, $0xb8;
	[tilespmem:$0x1F800] =	vst v63  }
0xcb: {  	_ =	swait.ge [sflag:s15], $0x3C00  }
0xcc: {  	[sflag:s15] =	ssyncset.done $0x0  }
0xcd: {  	[sflag:s15] =	ssyncadd.s32 $0xFFFFC400  }
0xce: {  	_ =	swait.ge [sflag:s16], $0x78  }
0xcf: {  	s25 =	sadd.s32 $0x2D0, s25;
	[sflag:s16] =	ssyncset.done $0x0  }
0xd0: {  	s11 =	simm.s32 $0x400;
	p1 =	seq.s32 s23, $0x492;
	[sflag:s16] =	ssyncadd.s32 $0xFFFFFF88  }
0xd1: {  	[spmem:s1] =	stream.indirect.scatter.add.f32 [tilespmem:s8], [sflag:$0x10], $0x80, s11, s7, $0xb8;
	[tilespmem:$0x1F800] =	vst v63  }
0xd2: {  	s30 =	sshrl.u32 @!p1 s25, $0x3;
	_ =	swait.ge [sflag:s2], $0x3C00  }
0xd3: {  	s29 =	simm.s32 @!p1 $0x0;
	[sflag:s2] =	ssyncset.done $0x0;
	s3 =	rddreg [dreg:$0xd]  }
0xd4: {  	[sflag:s2] =	ssyncadd.s32 $0xFFFFC400;
	s31 =	sadd.s32 @!p1 s3, s30;
	s3 =	rddreg [dreg:$0xe]  }
0xd5: {  	[tilespmem:s29], [sflag:$0x1] =	stream.linear.gather @!p1 [hbm4b:s31+s29], $0x78, $0x38;
	[tilespmem:$0x1F800] =	vst v63  }
0xd6: {  	s30 =	sadd.s32 @!p1 s3, s30;
	s31 =	simm.s32 @!p1 $0x400  }
0xd7: {  	[tilespmem:s31], [sflag:$0x7] =	stream.linear.gather @!p1 [hbm4b:s30+s29], $0x78, $0x38;
	[tilespmem:$0x1F800] =	vst v63  }
0xd8: {  	_ =	swait.ge [sflag:s17], $0x78  }
0xd9: {  	[sflag:s17] =	ssyncset.done $0x0  }
0xda: {  	s30 =	simm.s32 $0x180;
	[sflag:s17] =	ssyncadd.s32 $0xFFFFFF88  }
0xdb: {  	[tilespmem:s8], [sflag:$0xD] =	stream.indirect.gather [hbm4b:s4+s7], $0x80, s30, s7, $0xb8;
	[tilespmem:$0x1F800] =	vst v63  }
0xdc: {  	_ =	swait.ge [sflag:s18], $0x3C00  }
0xdd: {  	[sflag:s18] =	ssyncset.done $0x0  }
0xde: {  	[sflag:s18] =	ssyncadd.s32 $0xFFFFC400  }
0xdf: {  	_ =	swait.ge [sflag:s24], $0x78  }
0xe0: {  	[sflag:s24] =	ssyncset.done $0x0  }
0xe1: {  	s5 =	simm.s32 $0x4400;
	s31 =	simm.s32 $0x480;
	[sflag:s24] =	ssyncadd.s32 $0xFFFFFF88  }
0xe2: {  	[spmem:s1] =	stream.indirect.scatter.add.f32 [tilespmem:s5], [sflag:$0x10], $0x80, s31, s7, $0xb8;
	[tilespmem:$0x1F800] =	vst v63  }
0xe3: {  	_ =	swait.ge [sflag:s2], $0x3C00  }
0xe4: {  	s30 =	rddreg [dreg:$0xa]  }
0xe5: {  	[sflag:s2] =	ssyncset.done $0x0;
	s31 =	rddreg [dreg:$0x9]  }
0xe6: {  	[sflag:s2] =	ssyncadd.s32 $0xFFFFC400;
	s3 =	sadd.s32 @!p1 s23, s30;
	s30 =	simm.s32 @!p1 $0x80  }
0xe7: {  	[tilespmem:s30], [sflag:$0x2] =	stream.linear.gather @!p1 [hbm4b:s3+s29], $0x78, $0x38;
	[tilespmem:$0x1F800] =	vst v63  }
0xe8: {  	s3 =	sadd.s32 @!p1 s23, s31;
	s31 =	simm.s32 @!p1 $0x480  }
0xe9: {  	[tilespmem:s31], [sflag:$0x8] =	stream.linear.gather @!p1 [hbm4b:s3+s29], $0x78, $0x38;
	[tilespmem:$0x1F800] =	vst v63  }
0xea: {  	_ =	swait.ge [sflag:s20], $0x78  }
0xeb: {  	[sflag:s20] =	ssyncset.done $0x0  }
0xec: {  	s10 =	simm.s32 $0x200;
	[sflag:s20] =	ssyncadd.s32 $0xFFFFFF88  }
0xed: {  	[tilespmem:s5], [sflag:$0xE] =	stream.indirect.gather [hbm4b:s4+s7], $0x80, s10, s7, $0xb8;
	[tilespmem:$0x1F800] =	vst v63  }
0xee: {  	_ =	swait.ge [sflag:s21], $0x3C00  }
0xef: {  	[sflag:s21] =	ssyncset.done $0x0  }
0xf0: {  	[sflag:s21] =	ssyncadd.s32 $0xFFFFC400  }
0xf1: {  	_ =	swait.ge [sflag:s0], $0x78  }
0xf2: {  	[sflag:s0] =	ssyncset.done $0x0  }
0xf3: {  	s11 =	simm.s32 $0x500;
	[sflag:s0] =	ssyncadd.s32 $0xFFFFFF88  }
0xf4: {  	[spmem:s1] =	stream.indirect.scatter.add.f32 [tilespmem:s14], [sflag:$0x10], $0x80, s11, s7, $0xb8;
	[tilespmem:$0x1F800] =	vst v63  }
0xf5: {  	_ =	swait.ge [sflag:s2], $0x3C00  }
0xf6: {  	s5 =	simm.s32 @!p1 $0x100;
	s3 =	rddreg [dreg:$0x8];
	[sflag:s2] =	ssyncset.done $0x0  }
0xf7: {  	s31 =	rddreg [dreg:$0x7];
	[sflag:s2] =	ssyncadd.s32 $0xFFFFC400;
	s3 =	sadd.s32 @!p1 s23, s3  }
0xf8: {  	[tilespmem:s5], [sflag:$0x3] =	stream.linear.gather @!p1 [hbm4b:s3+s29], $0x78, $0x38;
	[tilespmem:$0x1F800] =	vst v63  }
0xf9: {  	s3 =	sadd.s32 @!p1 s23, s31;
	s5 =	simm.s32 @!p1 $0x500  }
0xfa: {  	[tilespmem:s5], [sflag:$0x9] =	stream.linear.gather @!p1 [hbm4b:s3+s29], $0x78, $0x38;
	[tilespmem:$0x1F800] =	vst v63  }
0xfb: {  	_ =	swait.ge [sflag:s9], $0x78  }
0xfc: {  	[sflag:s9] =	ssyncset.done $0x0  }
0xfd: {  	[sflag:s9] =	ssyncadd.s32 $0xFFFFFF88  }
0xfe: {  	[tilespmem:s14], [sflag:$0xF] =	stream.indirect.gather [hbm4b:s4+s7], $0x80, s6, s7, $0xb8;
	[tilespmem:$0x1F800] =	vst v63  }
0xff: {  	_ =	swait.ge [sflag:s15], $0x3C00  }
0x100: {  	[sflag:s15] =	ssyncset.done $0x0  }
0x101: {  	[sflag:s15] =	ssyncadd.s32 $0xFFFFC400  }
0x102: {  	_ =	swait.ge [sflag:s19], $0x78  }
0x103: {  	[sflag:s19] =	ssyncset.done $0x0  }
0x104: {  	s31 =	simm.s32 $0x580;
	[sflag:s19] =	ssyncadd.s32 $0xFFFFFF88  }
0x105: {  	[spmem:s1] =	stream.indirect.scatter.add.f32 [tilespmem:s8], [sflag:$0x10], $0x80, s31, s7, $0xb8;
	[tilespmem:$0x1F800] =	vst v63  }
0x106: {  	_ =	swait.ge [sflag:s2], $0x3C00  }
0x107: {  	[sflag:s2] =	ssyncset.done $0x0  }
0x108: {  	s3 =	simm.s32 @p1 $0xE;
	[sflag:s2] =	ssyncadd.s32 $0xFFFFC400  }
0x109: {  	_ =	swait.ge @p1 [sflag:s3], $0x3C00  }
0x10a: {  	[sflag:s3] =	ssyncset.done @p1 $0x0  }
0x10b: {  	[sflag:s3] =	ssyncadd.s32 @p1 $0xFFFFC400;
	s3 =	simm.s32 @p1 $0xB  }
0x10c: {  	_ =	swait.ge @p1 [sflag:s3], $0x78  }
0x10d: {  	s5 =	simm.s32 @p1 $0x4400;
	s6 =	simm.s32 @p1 $0x600;
	[sflag:s3] =	ssyncset.done @p1 $0x0  }
0x10e: {  	s31 =	simm.s32 @p1 $0x10;
	[sflag:s3] =	ssyncadd.s32 @p1 $0xFFFFFF88;
	s3 =	simm.s32 @p1 $0x78  }
0x10f: {  	[spmem:s1] =	stream.indirect.scatter.add.f32 @p1 [tilespmem:s5], [sflag:$0x10], $0x80, s6, s3, $0xb8;
	[tilespmem:$0x1F800] =	vst v63  }
0x110: {  	_ =	swait.ge @p1 [sflag:s31], $0x3C00  }
0x111: {  	s6 =	simm.s32 @!p1 $0x180;
	s3 =	rddreg [dreg:$0x6];
	[sflag:s31] =	ssyncset.done @p1 $0x0  }
0x112: {  	s5 =	rddreg [dreg:$0x5];
	[sflag:s31] =	ssyncadd.s32 @p1 $0xFFFFC400;
	s3 =	sadd.s32 @!p1 s23, s3  }
0x113: {  	[tilespmem:s6], [sflag:$0x4] =	stream.linear.gather @!p1 [hbm4b:s3+s29], $0x78, $0x38;
	[tilespmem:$0x1F800] =	vst v63  }
0x114: {  	s3 =	sadd.s32 @!p1 s23, s5;
	s5 =	simm.s32 @!p1 $0x580;
	s6 =	simm.s32 @!p1 $0x1  }
0x115: {  	[tilespmem:s5], [sflag:$0xA] =	stream.linear.gather @!p1 [hbm4b:s3+s29], $0x78, $0x38;
	[tilespmem:$0x1F800] =	vst v63  }
0x116: {  	_ =	swait.ge @!p1 [sflag:s6], $0x78  }
0x117: {  	s3 =	simm.s32 @!p1 $0xE;
	[sflag:s6] =	ssyncset.done @!p1 $0x0  }
0x118: {  	s5 =	simm.s32 @!p1 $0x78;
	[sflag:s6] =	ssyncadd.s32 @!p1 $0xFFFFFF88;
	s6 =	simm.s32 @!p1 $0x800  }
0x119: {  	[tilespmem:s6], [sflag:$0xD] =	stream.indirect.gather @!p1 [hbm4b:s4+s5], $0x80, s29, s5, $0xb8;
	[tilespmem:$0x1F800] =	vst v63  }
0x11a: {  	_ =	swait.ge @!p1 [sflag:s3], $0x3C00  }
0x11b: {  	[sflag:s3] =	ssyncset.done @!p1 $0x0  }
0x11c: {  	[sflag:s3] =	ssyncadd.s32 @!p1 $0xFFFFC400;
	s3 =	simm.s32 @!p1 $0xB  }
0x11d: {  	_ =	swait.ge @!p1 [sflag:s3], $0x78  }
0x11e: {  	s31 =	simm.s32 @!p1 $0x4400;
	[sflag:s3] =	ssyncset.done @!p1 $0x0  }
0x11f: {  	s6 =	simm.s32 @!p1 $0x10;
	[sflag:s3] =	ssyncadd.s32 @!p1 $0xFFFFFF88;
	s3 =	simm.s32 @!p1 $0x600  }
0x120: {  	[spmem:s1] =	stream.indirect.scatter.add.f32 @!p1 [tilespmem:s31], [sflag:$0x10], $0x80, s3, s5, $0xb8;
	[tilespmem:$0x1F800] =	vst v63  }
0x121: {  	_ =	swait.ge @!p1 [sflag:s6], $0x3C00  }
0x122: {  	s10 =	rddreg [dreg:$0x4]  }
0x123: {  	[sflag:s6] =	ssyncset.done @!p1 $0x0;
	s11 =	rddreg [dreg:$0x3]  }
0x124: {  	[sflag:s6] =	ssyncadd.s32 @!p1 $0xFFFFC400;
	s6 =	sadd.s32 @!p1 s23, s10;
	s10 =	simm.s32 @!p1 $0x200  }
0x125: {  	[tilespmem:s10], [sflag:$0x5] =	stream.linear.gather @!p1 [hbm4b:s6+s29], $0x78, $0x38;
	[tilespmem:$0x1F800] =	vst v63  }
0x126: {  	s6 =	sadd.s32 @!p1 s23, s11;
	s10 =	simm.s32 @!p1 $0x2  }
0x127: {  	[tilespmem:s3], [sflag:$0xB] =	stream.linear.gather @!p1 [hbm4b:s6+s29], $0x78, $0x38;
	[tilespmem:$0x1F800] =	vst v63  }
0x128: {  	_ =	swait.ge @!p1 [sflag:s10], $0x78  }
0x129: {  	[sflag:s10] =	ssyncset.done @!p1 $0x0  }
0x12a: {  	[sflag:s10] =	ssyncadd.s32 @!p1 $0xFFFFFF88  }
0x12b: {  	[tilespmem:s31], [sflag:$0xE] =	stream.indirect.gather @!p1 [hbm4b:s4+s5], $0x80, s30, s5, $0xb8;
	[tilespmem:$0x1F800] =	vst v63  }
0x12c: {  	_ =	swait.ge [sflag:s21], $0x3C00  }
0x12d: {  	[sflag:s21] =	ssyncset.done $0x0  }
0x12e: {  	s28 =	smov.u32 s26;
	s26 =	sadd.s32 $0x5A, s26;
	[sflag:s21] =	ssyncadd.s32 $0xFFFFC400  }
0x12f: {  	p0 =	sne.s32 s26, $0x4EC;
	_ =	swait.ge [sflag:s22], $0x78  }
.Ltmp0:
0x130: {  	[sflag:s22] =	ssyncset.done $0x0;
	(pc) =	sbr.rel @p0 .LBB2_2-.Ltmp0, $4  }
0x131: {  	[sflag:s22] =	ssyncadd.s32 $0xFFFFFF88  }
0x132: {  	[spmem:s1] =	stream.indirect.scatter.add.f32 [tilespmem:s14], [sflag:$0x10], $0x80, s12, s7, $0xb8;
	[tilespmem:$0x1F800] =	vst v63  }
0x133: {  	_ =	swait.ge [sflag:s2], $0x3C00  }
0x134: {  	s23 =	smov.u32 s28;
	s29 =	rddreg [dreg:$0xc];
	[sflag:s2] =	ssyncset.done $0x0  }
0x135: {  	s3 =	rddreg [dreg:$0xb];
	[sflag:s2] =	ssyncadd.s32 $0xFFFFC400  }
0x136: {  	s5 =	sadd.s32 s23, s29;
	s6 =	simm.s32 $0x0;
	s10 =	simm.s32 $0x280  }
0x137: {  	[tilespmem:s10], [sflag:$0x6] =	stream.linear.gather [hbm4b:s5+s6], $0x78, $0x38;
	[tilespmem:$0x1F800] =	vst v63  }
0x138: {  	s3 =	sadd.s32 s23, s3  }
0x139: {  	[tilespmem:s12], [sflag:$0xC] =	stream.linear.gather [hbm4b:s3+s6], $0x78, $0x38;
	[tilespmem:$0x1F800] =	vst v63  }
0x13a: {  	_ =	swait.ge [sflag:s13], $0x78  }
0x13b: {  	[sflag:s13] =	ssyncset.done $0x0  }
0x13c: {  	s26 =	simm.s32 $0x100;
	[sflag:s13] =	ssyncadd.s32 $0xFFFFFF88  }
0x13d: {  	[tilespmem:s14], [sflag:$0xF] =	stream.indirect.gather [hbm4b:s4+s7], $0x80, s26, s7, $0xb8;
	[tilespmem:$0x1F800] =	vst v63  }
0x13e: {  	_ =	swait.ge [sflag:s15], $0x3C00  }
0x13f: {  	[sflag:s15] =	ssyncset.done $0x0  }
0x140: {  	[sflag:s15] =	ssyncadd.s32 $0xFFFFC400  }
0x141: {  	_ =	swait.ge [sflag:s16], $0x78  }
0x142: {  	[sflag:s16] =	ssyncset.done $0x0  }
0x143: {  	s28 =	simm.s32 $0x400;
	[sflag:s16] =	ssyncadd.s32 $0xFFFFFF88  }
0x144: {  	[spmem:s1] =	stream.indirect.scatter.add.f32 [tilespmem:s8], [sflag:$0x10], $0x80, s28, s7, $0xb8;
	[tilespmem:$0x1F800] =	vst v63  }
0x145: {  	p0 =	seq.s32 s23, $0x492;
	s3 =	sadd.s32 $0x2D0, s25;
	_ =	swait.ge [sflag:s2], $0x3C00  }
0x146: {  	s3 =	sshrl.u32 @!p0 s3, $0x3;
	[sflag:s2] =	ssyncset.done $0x0;
	s5 =	rddreg [dreg:$0xd]  }
0x147: {  	s25 =	simm.s32 @!p0 $0x0;
	[sflag:s2] =	ssyncadd.s32 $0xFFFFC400;
	s5 =	sadd.s32 @!p0 s5, s3  }
0x148: {  	[tilespmem:s25], [sflag:$0x1] =	stream.linear.gather @!p0 [hbm4b:s5+s25], $0x78, $0x38;
	[tilespmem:$0x1F800] =	vst v63  }
0x149: {  	s5 =	rddreg [dreg:$0xe]  }
0x14a: {  	s3 =	sadd.s32 @!p0 s5, s3;
	s5 =	simm.s32 @!p0 $0x400  }
0x14b: {  	[tilespmem:s5], [sflag:$0x7] =	stream.linear.gather @!p0 [hbm4b:s3+s25], $0x78, $0x38;
	[tilespmem:$0x1F800] =	vst v63  }
0x14c: {  	_ =	swait.ge [sflag:s17], $0x78  }
0x14d: {  	[sflag:s17] =	ssyncset.done $0x0  }
0x14e: {  	s29 =	simm.s32 $0x180;
	[sflag:s17] =	ssyncadd.s32 $0xFFFFFF88  }
0x14f: {  	[tilespmem:s8], [sflag:$0xD] =	stream.indirect.gather [hbm4b:s4+s7], $0x80, s29, s7, $0xb8;
	[tilespmem:$0x1F800] =	vst v63  }
0x150: {  	_ =	swait.ge [sflag:s18], $0x3C00  }
0x151: {  	[sflag:s18] =	ssyncset.done $0x0  }
0x152: {  	[sflag:s18] =	ssyncadd.s32 $0xFFFFC400  }
0x153: {  	_ =	swait.ge [sflag:s24], $0x78  }
0x154: {  	[sflag:s24] =	ssyncset.done $0x0  }
0x155: {  	s30 =	simm.s32 $0x480;
	s31 =	simm.s32 $0x4400;
	[sflag:s24] =	ssyncadd.s32 $0xFFFFFF88  }
0x156: {  	[spmem:s1] =	stream.indirect.scatter.add.f32 [tilespmem:s31], [sflag:$0x10], $0x80, s30, s7, $0xb8;
	[tilespmem:$0x1F800] =	vst v63  }
0x157: {  	_ =	swait.ge [sflag:s2], $0x3C00  }
0x158: {  	s26 =	simm.s32 @!p0 $0x80;
	s3 =	rddreg [dreg:$0xa];
	[sflag:s2] =	ssyncset.done $0x0  }
0x159: {  	s5 =	rddreg [dreg:$0x9];
	[sflag:s2] =	ssyncadd.s32 $0xFFFFC400;
	s3 =	sadd.s32 @!p0 s23, s3  }
0x15a: {  	[tilespmem:s26], [sflag:$0x2] =	stream.linear.gather @!p0 [hbm4b:s3+s25], $0x78, $0x38;
	[tilespmem:$0x1F800] =	vst v63  }
0x15b: {  	s3 =	sadd.s32 @!p0 s23, s5;
	s5 =	simm.s32 @!p0 $0x480  }
0x15c: {  	[tilespmem:s5], [sflag:$0x8] =	stream.linear.gather @!p0 [hbm4b:s3+s25], $0x78, $0x38;
	[tilespmem:$0x1F800] =	vst v63  }
0x15d: {  	_ =	swait.ge [sflag:s20], $0x78  }
0x15e: {  	[sflag:s20] =	ssyncset.done $0x0  }
0x15f: {  	s5 =	simm.s32 $0x200;
	[sflag:s20] =	ssyncadd.s32 $0xFFFFFF88  }
0x160: {  	[tilespmem:s31], [sflag:$0xE] =	stream.indirect.gather [hbm4b:s4+s7], $0x80, s5, s7, $0xb8;
	[tilespmem:$0x1F800] =	vst v63  }
0x161: {  	_ =	swait.ge [sflag:s21], $0x3C00  }
0x162: {  	[sflag:s21] =	ssyncset.done $0x0  }
0x163: {  	[sflag:s21] =	ssyncadd.s32 $0xFFFFC400  }
0x164: {  	_ =	swait.ge [sflag:s0], $0x78  }
0x165: {  	[sflag:s0] =	ssyncset.done $0x0  }
0x166: {  	s6 =	simm.s32 $0x500;
	[sflag:s0] =	ssyncadd.s32 $0xFFFFFF88  }
0x167: {  	[spmem:s1] =	stream.indirect.scatter.add.f32 [tilespmem:s14], [sflag:$0x10], $0x80, s6, s7, $0xb8;
	[tilespmem:$0x1F800] =	vst v63  }
0x168: {  	_ =	swait.ge [sflag:s2], $0x3C00  }
0x169: {  	s6 =	simm.s32 @!p0 $0x100;
	s3 =	rddreg [dreg:$0x8];
	[sflag:s2] =	ssyncset.done $0x0  }
0x16a: {  	s5 =	rddreg [dreg:$0x7];
	[sflag:s2] =	ssyncadd.s32 $0xFFFFC400;
	s3 =	sadd.s32 @!p0 s23, s3  }
0x16b: {  	[tilespmem:s6], [sflag:$0x3] =	stream.linear.gather @!p0 [hbm4b:s3+s25], $0x78, $0x38;
	[tilespmem:$0x1F800] =	vst v63  }
0x16c: {  	s3 =	sadd.s32 @!p0 s23, s5;
	s5 =	simm.s32 @!p0 $0x500  }
0x16d: {  	[tilespmem:s5], [sflag:$0x9] =	stream.linear.gather @!p0 [hbm4b:s3+s25], $0x78, $0x38;
	[tilespmem:$0x1F800] =	vst v63  }
0x16e: {  	_ =	swait.ge [sflag:s9], $0x78  }
0x16f: {  	[sflag:s9] =	ssyncset.done $0x0  }
0x170: {  	[sflag:s9] =	ssyncadd.s32 $0xFFFFFF88  }
0x171: {  	[tilespmem:s14], [sflag:$0xF] =	stream.indirect.gather [hbm4b:s4+s7], $0x80, s10, s7, $0xb8;
	[tilespmem:$0x1F800] =	vst v63  }
0x172: {  	_ =	swait.ge [sflag:s15], $0x3C00  }
0x173: {  	[sflag:s15] =	ssyncset.done $0x0  }
0x174: {  	[sflag:s15] =	ssyncadd.s32 $0xFFFFC400  }
0x175: {  	_ =	swait.ge [sflag:s19], $0x78  }
0x176: {  	[sflag:s19] =	ssyncset.done $0x0  }
0x177: {  	s11 =	simm.s32 $0x580;
	[sflag:s19] =	ssyncadd.s32 $0xFFFFFF88  }
0x178: {  	[spmem:s1] =	stream.indirect.scatter.add.f32 [tilespmem:s8], [sflag:$0x10], $0x80, s11, s7, $0xb8;
	[tilespmem:$0x1F800] =	vst v63  }
0x179: {  	_ =	swait.ge [sflag:s2], $0x3C00  }
0x17a: {  	[sflag:s2] =	ssyncset.done $0x0  }
0x17b: {  	s3 =	simm.s32 @p0 $0xE;
	[sflag:s2] =	ssyncadd.s32 $0xFFFFC400  }
0x17c: {  	_ =	swait.ge @p0 [sflag:s3], $0x3C00  }
0x17d: {  	[sflag:s3] =	ssyncset.done @p0 $0x0  }
0x17e: {  	[sflag:s3] =	ssyncadd.s32 @p0 $0xFFFFC400;
	s3 =	simm.s32 @p0 $0xB  }
0x17f: {  	_ =	swait.ge @p0 [sflag:s3], $0x78  }
0x180: {  	s6 =	simm.s32 @p0 $0x10;
	s5 =	simm.s32 @p0 $0x4400;
	[sflag:s3] =	ssyncset.done @p0 $0x0  }
0x181: {  	s10 =	simm.s32 @p0 $0x600;
	[sflag:s3] =	ssyncadd.s32 @p0 $0xFFFFFF88;
	s3 =	simm.s32 @p0 $0x78  }
0x182: {  	[spmem:s1] =	stream.indirect.scatter.add.f32 @p0 [tilespmem:s5], [sflag:$0x10], $0x80, s10, s3, $0xb8;
	[tilespmem:$0x1F800] =	vst v63  }
0x183: {  	_ =	swait.ge @p0 [sflag:s6], $0x3C00  }
0x184: {  	s3 =	rddreg [dreg:$0x6]  }
0x185: {  	[sflag:s6] =	ssyncset.done @p0 $0x0;
	s5 =	rddreg [dreg:$0x5]  }
0x186: {  	[sflag:s6] =	ssyncadd.s32 @p0 $0xFFFFC400;
	s3 =	sadd.s32 @!p0 s23, s3;
	s6 =	simm.s32 @!p0 $0x180  }
0x187: {  	[tilespmem:s6], [sflag:$0x4] =	stream.linear.gather @!p0 [hbm4b:s3+s25], $0x78, $0x38;
	[tilespmem:$0x1F800] =	vst v63  }
0x188: {  	s3 =	sadd.s32 @!p0 s23, s5;
	s5 =	simm.s32 @!p0 $0x580;
	s6 =	simm.s32 @!p0 $0x1  }
0x189: {  	[tilespmem:s5], [sflag:$0xA] =	stream.linear.gather @!p0 [hbm4b:s3+s25], $0x78, $0x38;
	[tilespmem:$0x1F800] =	vst v63  }
0x18a: {  	_ =	swait.ge @!p0 [sflag:s6], $0x78  }
0x18b: {  	s3 =	simm.s32 @!p0 $0xE;
	[sflag:s6] =	ssyncset.done @!p0 $0x0  }
0x18c: {  	s5 =	simm.s32 @!p0 $0x78;
	[sflag:s6] =	ssyncadd.s32 @!p0 $0xFFFFFF88;
	s6 =	simm.s32 @!p0 $0x800  }
0x18d: {  	[tilespmem:s6], [sflag:$0xD] =	stream.indirect.gather @!p0 [hbm4b:s4+s5], $0x80, s25, s5, $0xb8;
	[tilespmem:$0x1F800] =	vst v63  }
0x18e: {  	_ =	swait.ge @!p0 [sflag:s3], $0x3C00  }
0x18f: {  	[sflag:s3] =	ssyncset.done @!p0 $0x0  }
0x190: {  	[sflag:s3] =	ssyncadd.s32 @!p0 $0xFFFFC400;
	s3 =	simm.s32 @!p0 $0xB  }
0x191: {  	_ =	swait.ge @!p0 [sflag:s3], $0x78  }
0x192: {  	s10 =	simm.s32 @!p0 $0x4400;
	[sflag:s3] =	ssyncset.done @!p0 $0x0  }
0x193: {  	s6 =	simm.s32 @!p0 $0x10;
	[sflag:s3] =	ssyncadd.s32 @!p0 $0xFFFFFF88;
	s3 =	simm.s32 @!p0 $0x600  }
0x194: {  	[spmem:s1] =	stream.indirect.scatter.add.f32 @!p0 [tilespmem:s10], [sflag:$0x10], $0x80, s3, s5, $0xb8;
	[tilespmem:$0x1F800] =	vst v63  }
0x195: {  	_ =	swait.ge @!p0 [sflag:s6], $0x3C00  }
0x196: {  	s11 =	rddreg [dreg:$0x4]  }
0x197: {  	[sflag:s6] =	ssyncset.done @!p0 $0x0;
	s28 =	rddreg [dreg:$0x3]  }
0x198: {  	[sflag:s6] =	ssyncadd.s32 @!p0 $0xFFFFC400;
	s6 =	sadd.s32 @!p0 s23, s11;
	s11 =	simm.s32 @!p0 $0x200  }
0x199: {  	[tilespmem:s11], [sflag:$0x5] =	stream.linear.gather @!p0 [hbm4b:s6+s25], $0x78, $0x38;
	[tilespmem:$0x1F800] =	vst v63  }
0x19a: {  	s6 =	sadd.s32 @!p0 s23, s28  }
0x19b: {  	[tilespmem:s3], [sflag:$0xB] =	stream.linear.gather @!p0 [hbm4b:s6+s25], $0x78, $0x38;
	[tilespmem:$0x1F800] =	vst v63  }
0x19c: {  	s3 =	simm.s32 @!p0 $0x2  }
0x19d: {  	_ =	swait.ge @!p0 [sflag:s3], $0x78  }
0x19e: {  	[sflag:s3] =	ssyncset.done @!p0 $0x0  }
0x19f: {  	[sflag:s3] =	ssyncadd.s32 @!p0 $0xFFFFFF88  }
0x1a0: {  	[tilespmem:s10], [sflag:$0xE] =	stream.indirect.gather @!p0 [hbm4b:s4+s5], $0x80, s26, s5, $0xb8;
	[tilespmem:$0x1F800] =	vst v63  }
0x1a1: {  	_ =	swait.ge [sflag:s21], $0x3C00  }
0x1a2: {  	[sflag:s21] =	ssyncset.done $0x0  }
0x1a3: {  	[sflag:s21] =	ssyncadd.s32 $0xFFFFC400  }
0x1a4: {  	_ =	swait.ge [sflag:s22], $0x78  }
0x1a5: {  	[sflag:s22] =	ssyncset.done $0x0  }
0x1a6: {  	[sflag:s22] =	ssyncadd.s32 $0xFFFFFF88  }
0x1a7: {  	[spmem:s1] =	stream.indirect.scatter.add.f32 [tilespmem:s14], [sflag:$0x10], $0x80, s12, s7, $0xb8;
	[tilespmem:$0x1F800] =	vst v63  }
0x1a8: {  	_ =	swait.ge [sflag:s2], $0x3C00  }
0x1a9: {  	[sflag:s2] =	ssyncset.done $0x0  }
0x1aa: {  	[sflag:s2] =	ssyncadd.s32 $0xFFFFC400  }
0x1ab: {  	[bflag:$0x0] =	sbarrier.arrive $0xFFFF  }
0x1ac: {  	s29 =	sld [smem:$0x7FD]  }
0x1ad: {  	s11 =	rddreg [dreg:$0x1b]  }
0x1ae: {  	s28 =	rddreg [dreg:$0x1c]  }
0x1af: {  	[hbm:s28], [sflag:s11] =	dma.local [spmem:s29], $0x2780  }
0x1b0: {  	_ =	swait.ge [sflag:s2], $0x2780  }
0x1b1: {  	s30 =	rddreg [dreg:$0x1f]  }
0x1b2: {  	s31 =	rddreg [dreg:$0x1d];
	s5 =	sadd.s32 $0x1, s30  }
0x1b3: {  	p0 =	sne.s32 s5, s31  }
.Ltmp1:
0x1b4: {  	_ = 	snop;
	(pc) =	sbr.rel @p0 .LBB2_1-.Ltmp1, $3  }
0x1b5: {  	_ =	sdelay $0x1  }
0x1b6: {  	[sflag:s2] =	ssyncset.done $0x0  }
0x1b7: {  	[sflag:s2] =	ssyncadd.s32 $0xFFFFD880  }
0x1b8: {  	_ =	sfence.sel $0x180000  }
0x1b9: {  	[bflag:$0x0] =	sbarrier.arrive $0xFFFF  }
0x1ba: {  	_ =	strace $0x9000004D  }
0x1bb: {  	s0 =	stileid.u32;
	[bflag:$0x2] =	sbarrier.arrive $0xFFFF  }
0x1bc: {  	p0 =	sne.s32 s0, $0x0;
	s0 =	rddreg [dreg:$0x2]  }
0x1bd: {  	s0 =	sadd.s32 @!p0 $0x100000, s0  }
0x1be: {  	[sflag:s0] =	ssyncadd.tile.s32 @!p0 $0x1;
	_ =	shalt  }
.Lfunc_end2:
_tile_overlayer_lowered:
.L_overlay_start_2:
0x1bf: {  	(tag) =	ssettag $0x2  }
0x1c0: {  	s0 =	rddreg [dreg:$0x0];
	s2 =	stileid.u32  }
0x1c1: {  	s1 =	rddreg [dreg:$0x1];
	p0 =	sne.s32 s2, $0x0  }
0x1c2: {  	s3 =	rddreg [dreg:$0x2];
	[bflag:$0x3] =	sbarrier.arrive $0xFFFF;
	s2 =	simm.s32 @!p0 $0x1C10  }
0x1c3: {  	[timem:s3], [sflag:s2] =	dma.local @!p0 [hbm:s0], s1  }
0x1c4: {  	s0 =	simm.s32 @!p0 $0x10  }
0x1c5: {  	_ =	swait.ge @!p0 [sflag:s0], s1  }
0x1c6: {  	s1 =	ssub.s32 @!p0 $0x0, s1;
	[sflag:s0] =	ssyncset.done @!p0 $0x0  }
0x1c7: {  	[sflag:s0] =	ssyncadd.s32 @!p0 s1  }
0x1c8: {  	[bflag:$0x3] =	sbarrier.arrive $0xFFFF  }
0x1c9: {  	_ =	shalt  }

// kernel: kernel.8.cloned.1.call-start
scs
__scs_entry_jumppad:
0x0: {  	(pc) =	sbr.rel $0x88, $3  }
0x1: {  	(tag) =	ssettag $0x0;
	lr =	simm.s32 $0x1  }
0x2: {  	[smem:$0x3F99] =	sst lr;
	_ =	strace $0xD0000000  }
0x3: {  	_ = 	snop  }
0x4: {  	_ = 	snop  }
0x5: {  	_ = 	snop  }
0x6: {  	_ = 	snop  }
0x7: {  	_ = 	snop  }
__scs_overlays_trampoline_lowered:
0x8: {  	[smem:$0x3FA8] =	sst s0  }
0x9: {  	[smem:$0x3FA9] =	sst s1  }
0xa: {  	[smem:$0x3FAA] =	sst s2  }
0xb: {  	[smem:$0x3FAB] =	sst s3  }
0xc: {  	[smem:$0x3FAC] =	sst s4  }
0xd: {  	[smem:$0x3FAD] =	sst s5  }
0xe: {  	[smem:$0x3FAE] =	sst s6  }
0xf: {  	[smem:$0x3FAF] =	sst s7  }
0x10: {  	[smem:$0x3FB0] =	sst s8  }
0x11: {  	[smem:$0x3FB1] =	sst s9;
	s0 =	simm.s32 @!p0 $0x0  }
0x12: {  	s1 =	sld [smem:$0x3F97];
	s0 =	simm.s32 @p0 $0x1  }
0x13: {  	[smem:$0x3FB2] =	sst s0;
	s0 =	simm.s32 @!p1 $0x0  }
0x14: {  	s2 =	sld [smem:$0x3F96];
	s0 =	simm.s32 @p1 $0x1  }
0x15: {  	[smem:$0x3FB3] =	sst s0;
	s0 =	simm.s32 @!p2 $0x0  }
0x16: {  	s3 =	sld [smem:$0x3FDB];
	s0 =	simm.s32 @p2 $0x1  }
0x17: {  	s4 =	simm.s32 $0x1BF5;
	[smem:$0x3FB5] =	sst s0  }
0x18: {  	s0 =	sld [smem:$0x3F98];
	_ =	swait.ge [sflag:s4], $0x0  }
0x19: {  	s7 =	sld [smem:$0x3F99]  }
0x1a: {  	s8 =	sadd.s32 $0xFFFFE003, lr  }
0x1b: {  	s9 =	sadd.s32 $0xFFFFFEF7, lr;
	s5 =	simm.s32 $0xFFFFFFFF;
	p2 =	slt.u32 s8, $0xFFFFF086  }
0x1c: {  	p1 =	slt.u32 s9, $0xF7A;
	s5 =	simm.s32 @!p2 $0x0  }
0x1d: {  	s5 =	simm.s32 @p1 $0x1;
	p0 =	seq.s32 s7, s2  }
0x1e: {  	s7 =	smul.u32 @!p0 $0xF7A, s2;
	p2 =	seq.s32 @!p0 s5, $0x0  }
0x1f: {  	s9 =	smul.u32 $0xF7A, s1;
	s8 =	simm.s32 @!p0 $0x1BF5;
	p2 =	por !p2, p0  }
0x20: {  	[sflag:s8] =	ssyncset.s32 @!p0 $0xFFFFF086;
	s6 =	sadd.s32 @!p0 s3, s7;
	s7 =	simm.s32 @!p0 $0x108  }
0x21: {  	s3 =	sadd.s32 s3, s9;
	s6 =	sadd.s32 @!p0 $0x88, s6;
	s7 =	simm.s32 @p2 $0x1082  }
0x22: {  	[simem:s7], [sflag:s8] =	dma.local @!p0 [hbm:s6], $0xF7A  }
0x23: {  	s9 =	sor.u32 $0xD0000000, s2;
	s6 =	simm.s32 $0x108;
	_ =	swait.ge @!p0 [sflag:s8], $0x0  }
0x24: {  	s3 =	sadd.s32 $0x88, s3;
	s6 =	simm.s32 @!p1 $0x1082;
	[sflag:s4] =	ssyncset.s32 $0xFFFFF086  }
0x25: {  	[simem:s6], [sflag:s4] =	dma.local [hbm:s3], $0xF7A  }
0x26: {  	[smem:$0x3F99] =	sst s1;
	(tag) =	ssettag s2;
	_ =	strace s9  }
0x27: {  	s1 =	sld [smem:$0x3FA9]  }
0x28: {  	s2 =	sld [smem:$0x3FAA]  }
0x29: {  	s4 =	sld [smem:$0x3FAC]  }
0x2a: {  	p0 =	seq.s32 s5, $0x0;
	s5 =	sld [smem:$0x3FAD]  }
0x2b: {  	s6 =	sld [smem:$0x3FAE]  }
0x2c: {  	s7 =	sld [smem:$0x3FAF]  }
0x2d: {  	s3 =	simm.s32 $0x108;
	s8 =	sld [smem:$0x3FB0]  }
0x2e: {  	s3 =	simm.s32 @!p0 $0x1082;
	s9 =	sld [smem:$0x3FB1]  }
0x2f: {  	lr =	sadd.s32 s0, s3;
	s0 =	sld [smem:$0x3FA8]  }
0x30: {  	s3 =	sld [smem:$0x3FAB]  }
0x31: {  	[smem:$0x3FB4] =	sst s10  }
0x32: {  	s10 =	sld [smem:$0x3FB2];
	_ =	sdelay $0x3  }
0x33: {  	p0 =	seq.s32 s10, $0x1;
	s10 =	sld [smem:$0x3FB4];
	_ =	sdelay $0x3  }
0x34: {  	[smem:$0x3FB4] =	sst s10  }
0x35: {  	s10 =	sld [smem:$0x3FB3];
	_ =	sdelay $0x3  }
0x36: {  	p1 =	seq.s32 s10, $0x1;
	s10 =	sld [smem:$0x3FB4];
	_ =	sdelay $0x3  }
0x37: {  	[smem:$0x3FB4] =	sst s10  }
0x38: {  	s10 =	sld [smem:$0x3FB5]  }
0x39: {  	_ = 	snop;
	(pc) =	sbr.ind lr, $3  }
0x3a: {  	_ = 	snop  }
0x3b: {  	_ = 	snop  }
0x3c: {  	p2 =	seq.s32 s10, $0x1;
	s10 =	sld [smem:$0x3FB4]  }
0x3d: {  	_ =	shalt  }
0x3e: {  	_ =	shalt  }
0x3f: {  	_ =	shalt  }
0x40: {  	_ =	shalt  }
0x41: {  	_ =	shalt  }
0x42: {  	_ =	shalt  }
0x43: {  	_ =	shalt  }
0x44: {  	_ =	shalt  }
0x45: {  	_ =	shalt  }
0x46: {  	_ =	shalt  }
0x47: {  	_ =	shalt  }
0x48: {  	_ =	shalt  }
0x49: {  	_ =	shalt  }
0x4a: {  	_ =	shalt  }
0x4b: {  	_ =	shalt  }
0x4c: {  	_ =	shalt  }
0x4d: {  	_ =	shalt  }
0x4e: {  	_ =	shalt  }
0x4f: {  	_ =	shalt  }
0x50: {  	_ =	shalt  }
0x51: {  	_ =	shalt  }
0x52: {  	_ =	shalt  }
0x53: {  	_ =	shalt  }
0x54: {  	_ =	shalt  }
0x55: {  	_ =	shalt  }
0x56: {  	_ =	shalt  }
0x57: {  	_ =	shalt  }
0x58: {  	_ =	shalt  }
0x59: {  	_ =	shalt  }
0x5a: {  	_ =	shalt  }
0x5b: {  	_ =	shalt  }
0x5c: {  	_ =	shalt  }
0x5d: {  	_ =	shalt  }
0x5e: {  	_ =	shalt  }
0x5f: {  	_ =	shalt  }
0x60: {  	_ =	shalt  }
0x61: {  	_ =	shalt  }
0x62: {  	_ =	shalt  }
0x63: {  	_ =	shalt  }
0x64: {  	_ =	shalt  }
0x65: {  	_ =	shalt  }
0x66: {  	_ =	shalt  }
0x67: {  	_ =	shalt  }
0x68: {  	_ =	shalt  }
0x69: {  	_ =	shalt  }
0x6a: {  	_ =	shalt  }
0x6b: {  	_ =	shalt  }
0x6c: {  	_ =	shalt  }
0x6d: {  	_ =	shalt  }
0x6e: {  	_ =	shalt  }
0x6f: {  	_ =	shalt  }
0x70: {  	_ =	shalt  }
0x71: {  	_ =	shalt  }
0x72: {  	_ =	shalt  }
0x73: {  	_ =	shalt  }
0x74: {  	_ =	shalt  }
0x75: {  	_ =	shalt  }
0x76: {  	_ =	shalt  }
0x77: {  	_ =	shalt  }
0x78: {  	_ =	shalt  }
0x79: {  	_ =	shalt  }
0x7a: {  	_ =	shalt  }
0x7b: {  	_ =	shalt  }
0x7c: {  	_ =	shalt  }
0x7d: {  	_ =	shalt  }
0x7e: {  	_ =	shalt  }
0x7f: {  	_ =	shalt  }
0x80: {  	_ =	shalt  }
0x81: {  	_ =	shalt  }
0x82: {  	_ =	shalt  }
0x83: {  	_ =	shalt  }
0x84: {  	_ =	shalt  }
0x85: {  	_ =	shalt  }
0x86: {  	_ =	shalt  }
0x87: {  	_ =	shalt  }
.Lfunc_end0:
.L_simem_size_0:
called_computation_lowered:
.L_overlay_start_0:
0x88: {  	s2 =	sld [smem:$0x3FD9]  }
0x89: {  	s3 =	sld [smem:$0x3FFE];
	_ =	sdelay $0x1  }
0x8a: {  	s1 =	srdreg.scid  }
0x8b: {  	s0 =	sand.u32 $0x1, s1  }
0x8c: {  	s16 =	sshll.u32 s0, $0xA;
	s2 =	sadd.s32 s3, s2  }
0x8d: {  	s2 =	sadd.s32 s2, s16  }
0x8e: {  	[smem:$0x3FC0] =	sst s2  }
0x8f: {  	_ = 	snop  }
0x90: {  	(tm) =	ssettm $0x1  }
0x91: {  	s17 =	sld [smem:$0x3FFB];
	_ =	sdelay $0x3  }
0x92: {  	_ =	strace s17  }
0x93: {  	s2 =	sld [smem:$0x3FFC];
	_ =	sdelay $0x3  }
0x94: {  	_ =	strace s2  }
0x95: {  	s2 =	sld [smem:$0x3FFD];
	_ =	sdelay $0x3  }
0x96: {  	_ =	strace s2  }
0x97: {  	_ =	strace $0x8FFFFFFF  }
0x98: {  	s18 =	sld [smem:$0x3FDB];
	_ =	sdelay $0x1  }
0x99: {  	s19 =	simm.s32 $_scs_section_size  }
0x9a: {  	s4 =	simm.s32 $_size__tile_overlayer_lowered;
	s5 =	simm.s32 $_tile_overlayer_lowered  }
0x9b: {  	s22 =	simm.s32 $0x1BFF;
	s21 =	sshll.u32 s5, $0x1;
	s2 =	sadd.s32 s19, s18  }
0x9c: {  	s6 =	simm.s32 $0x0;
	s20 =	sshll.u32 s4, $0x1;
	s4 =	sadd.s32 s21, s2  }
0x9d: {  	[timem:s6], [sflag:s22] =	dma.local [hbm:s4], s20  }
0x9e: {  	_ =	swait.ge [sflag:s22], s20  }
0x9f: {  	s3 =	ssub.s32 $0x0, s20;
	[sflag:s22] =	ssyncset.done $0x0  }
0xa0: {  	[sflag:s22] =	ssyncadd.s32 s3;
	_ =	sdelay $0x1  }
0xa1: {  	s23 =	simm.s32 $0x1B8B  }
0xa2: {  	_ =	swait.ge [sflag:s23], $0x1  }
0xa3: {  	[sflag:s23] =	ssyncset.done $0x0  }
0xa4: {  	s25 =	simm.s32 $0x1B8E;
	s24 =	sld [smem:$0x3FFE];
	[sflag:s23] =	ssyncadd.s32 $0xFFFFFFFF  }
0xa5: {  	s26 =	simm.s32 $execute0_lowered;
	[smem:$0x3FD2] =	sst s25  }
0xa6: {  	s4 =	sshll.u32 s26, $0x1;
	_ =	strace $0x80000046;
	[dreg:$0x1] =	wrdreg $0xFFFFFFFF  }
0xa7: {  	s28 =	simm.s32 $_size_execute0_lowered;
	s2 =	sadd.s32 s2, s4;
	[dreg:$0x0] =	wrdreg $0x0  }
0xa8: {  	s4 =	sshll.u32 s28, $0x1;
	[dreg:$0x2] =	wrdreg s2  }
0xa9: {  	[dreg:$0x3] =	wrdreg s4  }
0xaa: {  	[dreg:$0x4] =	wrdreg $0xC0  }
0xab: {  	_ =	task [dreg:s6], $0x5FFFF  }
0xac: {  	[dreg:$0x1] =	wrdreg $0xFFFFFFFF  }
0xad: {  	[dreg:$0x0] =	wrdreg $0x60  }
0xae: {  	[dreg:$0x2] =	wrdreg s24  }
0xaf: {  	[dreg:$0x3] =	wrdreg $0x9  }
0xb0: {  	_ =	task.clear_ibuf [dreg:s6], $0x4FFFF;
	_ =	strace $0x90000046  }
0xb1: {  	s29 =	simm.s32 $0x9;
	_ =	strace $0x80000048  }
0xb2: {  	_ =	swait.ge [sflag:s29], $0x1  }
0xb3: {  	[sflag:s29] =	ssyncadd.s32 $0xFFFFFFFF  }
0xb4: {  	_ =	strace $0x90000048  }
0xb5: {  	_ =	sfence  }
0xb6: {  	s30 =	sld [smem:$0x0];
	_ =	sdelay $0x2  }
0xb7: {  	s31 =	sshll.u32 s1, $0xD;
	s1 =	sshrl.u32 s1, $0x2  }
0xb8: {  	s3 =	sand.u32 $0x4000, s31;
	s1 =	sadd.s32 s1, s30  }
0xb9: {  	s0 =	sor.u32 s3, s0;
	s1 =	sshll.u32 s1, $0x11  }
0xba: {  	s0 =	sor.u32 s1, s0  }
0xbb: {  	s0 =	sadd.s32 $0x8F2B, s0  }
0xbc: {  	[sflag:s0] =	ssyncadd.remote.s32 $0x1  }
0xbd: {  	_ =	sfence.sel $0xFFFF  }
0xbe: {  	[dreg:$0x0] =	wrdreg $0xFFFFFFFF;
	(pc) =	sbr.abs _section_cstart, $3  }
0xbf: {  	[dreg:$0x1] =	wrdreg $0xFFFFFFFF  }
0xc0: {  	_ =	task.clear_ibuf [dreg:s6], $0x2FFFF;
	_ =	strace $0x9FFFFFFF  }
0xc1: {  	(tm) =	ssettm $0x7FFFFFFF  }
tec
execute0_lowered:
.L_overlay_start_1:
0x0: {  	(tag) =	ssettag $0x1  }
0x1: {  	s0 =	srdreg.scid  }
0x2: {  	s4 =	rddreg [dreg:$0x0];
	s3 =	sand.u32 $0x1, s0  }
0x3: {  	s2 =	simm.s32 $0x0;
	s0 =	stileid.u32;
	s1 =	sshll.u32 s3, $0x4  }
0x4: {  	s8 =	simm.s32 $0x2;
	s9 =	simm.s32 $0x0;
	s5 =	sor.u32 s0, s1  }
0x5: {  	[smem:$0x7FF] =	sst s2;
	s3 =	ssub.s32 $0x2, s3;
	s6 =	smul.u32 $0x4EC, s5  }
0x6: {  	s1 =	rddreg [dreg:$0x1];
	s7 =	sshrl.u32 s3, $0x1;
	s5 =	smul.u32 $0x4F0, s5  }
0x7: {  	_ =	strace $0x80000047;
	s31 =	ssub.s32 s3, s7;
	s7 =	simm.s32 $0x2780  }
0x8: {  	s6 =	sadd.s32 s6, s4;
	s4 =	sadd.s32 s5, s4;
	s5 =	smax.u32 s31, $0x1  }
0x9: {  	v0 =	vimm.f32 $0.0e+00;
	s3 =	sadd.s32 $0xC000, s6;
	s4 =	sadd.s32 $0x15E00, s4;
	s6 =	simm.s32 $0x1  }
.LBB2_1:
0xa: {  	[tilespmem:s2], [sflag:$0x1] =	stream.linear.gather [hbm4b:s3+s2], $0x2760, $0x38;
	[tilespmem:$0x4F00] =	vst v63  }
0xb: {  	_ =	swait.ge [sflag:s6], $0x2760  }
0xc: {  	[sflag:s6] =	ssyncset.done $0x0  }
0xd: {  	s10 =	simm.s32 $0x0;
	[sflag:s6] =	ssyncadd.s32 $0xFFFFD8A0  }
.LBB2_2:
0xe: {  	p0 =	sne.s32 s10, $0x9DC0  }
.Ltmp0:
0xf: {  	_ = 	snop;
	(pc) =	sbr.rel @p0 .LBB2_2-.Ltmp0, $3  }
0x10: {  	_ =	sdelay $0x1  }
0x11: {  	s11 =	sshra.s32 s10, $0x2  }
0x12: {  	s10 =	sadd.s32 $0x40, s10;
	[tilespmem:s11+$0x2780] =	vst v0  }
0x13: {  	s11 =	simm.s32 $0x0;
	s10 =	simm.s32 $0x40  }
.LBB2_4:
0x14: {  	p0 =	sne.s32 s10, $0x9D40;
	v1 =	vld [tilespmem:s11+$0x0];
	_ =	sdelay $0x4  }
0x15: {  	(xrf1) =	vunique.msk.u32 $0xffff, v1;
	_ =	sdelay $0xd  }
0x16: {  	_, v2, vm0 =	vpop (xrf1);
	_ =	sdelay $0x1  }
.Ltmp1:
0x17: {  	(pc) =	sbr.rel @p0 .LBB2_4-.Ltmp1, $3  }
0x18: {  	_ = 	snop  }
0x19: {  	v2 =	vcvt.s32.f32 v2;
	_ =	sdelay $0x1  }
0x1a: {  	s11 =	sshra.s32 s10, $0x2;
	s10 =	sadd.s32 $0x40, s10;
	[tilespmem:v1+s7+$0x0] =	vst.idx.add.f32.msk vm0, v2  }
0x1b: {  	v1 =	vld [tilespmem:s11+$0x0];
	_ =	sdelay $0x4  }
0x1c: {  	(xrf1) =	vunique.msk.u32 $0xffff, v1;
	_ =	sdelay $0xd  }
0x1d: {  	_, v2, vm0 =	vpop (xrf1);
	_ =	sdelay $0x3  }
0x1e: {  	s9 =	sadd.s32 $0x1, s9;
	v2 =	vcvt.s32.f32 v2  }
0x1f: {  	p0 =	sne.s32 s9, s5  }
.Ltmp2:
0x20: {  	[tilespmem:v1+s7+$0x0] =	vst.idx.add.f32.msk vm0, v2;
	(pc) =	sbr.rel @p0 .LBB2_1-.Ltmp2, $4  }
0x21: {  	[hbm4b:s4+s2] =	stream.linear.scatter [tilespmem:s7], [sflag:$0x2], $0x2780, $0x38;
	[tilespmem:$0x4F00] =	vst v63  }
0x22: {  	_ =	swait.ge [sflag:s8], $0x2780  }
0x23: {  	[sflag:s8] =	ssyncset.done $0x0  }
0x24: {  	[sflag:s8] =	ssyncadd.s32 $0xFFFFD880  }
0x25: {  	_ =	sfence.sel $0x180000  }
0x26: {  	[bflag:$0x0] =	sbarrier.arrive $0xFFFF  }
0x27: {  	p0 =	sne.s32 s0, $0x0;
	_ =	strace $0x90000047  }
0x28: {  	s0 =	sadd.s32 @!p0 $0x100000, s1;
	[bflag:$0x2] =	sbarrier.arrive $0xFFFF  }
0x29: {  	[sflag:s0] =	ssyncadd.tile.s32 @!p0 $0x1;
	_ =	shalt  }
.Lfunc_end2:
_tile_overlayer_lowered:
.L_overlay_start_2:
0x2a: {  	(tag) =	ssettag $0x2  }
0x2b: {  	s0 =	rddreg [dreg:$0x0];
	s2 =	stileid.u32  }
0x2c: {  	s1 =	rddreg [dreg:$0x1];
	p0 =	sne.s32 s2, $0x0  }
0x2d: {  	s3 =	rddreg [dreg:$0x2];
	[bflag:$0x3] =	sbarrier.arrive $0xFFFF;
	s2 =	simm.s32 @!p0 $0x1C02  }
0x2e: {  	[timem:s3], [sflag:s2] =	dma.local @!p0 [hbm:s0], s1  }
0x2f: {  	s0 =	simm.s32 @!p0 $0x2  }
0x30: {  	_ =	swait.ge @!p0 [sflag:s0], s1  }
0x31: {  	s1 =	ssub.s32 @!p0 $0x0, s1;
	[sflag:s0] =	ssyncset.done @!p0 $0x0  }
0x32: {  	[sflag:s0] =	ssyncadd.s32 @!p0 s1  }
0x33: {  	[bflag:$0x3] =	sbarrier.arrive $0xFFFF  }
0x34: {  	_ =	shalt  }

</sc_bundles>
